<compile_context>
chip_gen: v7x
topology: tpu7x:2x2x1
jax: 0.10.2.dev20260603
libtpu: 0.0.44.dev20260713+nightly
codegen_flags: <defaults>
</compile_context>

<pallas_src>
import functools

import jax
import jax.numpy as jnp
from jax import lax
from jax.experimental import pallas as pl
from jax.experimental.pallas import tpu as pltpu
from jax.experimental.pallas import tpu_sc as plsc

NC = 2
NS = 16
NW = NC * NS
CH = 128
NBUF = 2
ISLOT = 8
DEG_W = 16
BN = 1024
GP = 128
G = 64

def _sc_mesh():
  return plsc.VectorSubcoreMesh(
      core_axis_name="c", subcore_axis_name="s", num_cores=NC, num_subcores=NS)


def _sc_degree(dst2d, npad, cpt):
  rpt = npad // NS

  @functools.partial(
      pl.kernel,
      mesh=_sc_mesh(),
      out_type=jax.ShapeDtypeStruct((NC, npad, DEG_W), jnp.float32),
      scratch_types=[
          pltpu.VMEM_SHARED((npad, DEG_W), jnp.float32),
          pltpu.VMEM((cpt, CH), jnp.int32),
          pltpu.VMEM((CH, DEG_W), jnp.float32),
          pltpu.VMEM((rpt, DEG_W), jnp.float32),
          pltpu.SemaphoreType.DMA,
      ],
  )
  def degk(dst_hbm, out_hbm, acc_sh, dst_v, ones_v, zbuf, sem):
    c = lax.axis_index("c")
    s = lax.axis_index("s")
    wid = c * NS + s

    def fill_zero(i, _):
      zbuf[i, :] = jnp.zeros((16,), jnp.float32)
      return 0

    lax.fori_loop(0, rpt, fill_zero, 0)
    pltpu.sync_copy(zbuf, acc_sh.at[pl.ds(s * rpt, rpt)])

    def fill_ones(i, _):
      ones_v[i, :] = jnp.ones((16,), jnp.float32)
      return 0

    lax.fori_loop(0, CH, fill_ones, 0)
    pltpu.sync_copy(dst_hbm.at[pl.ds(wid * cpt, cpt)], dst_v)
    plsc.subcore_barrier()

    gsz = 8
    def group(gi, _):
      for b in range(gsz):
        pltpu.async_copy(ones_v, acc_sh.at[dst_v.at[gi * gsz + b]], sem,
                         add=True)
      for b in range(gsz):
        pltpu.make_async_copy(ones_v, acc_sh.at[dst_v.at[0]], sem).wait()
      return 0

    lax.fori_loop(0, cpt // gsz, group, 0)
    plsc.subcore_barrier()
    pltpu.sync_copy(acc_sh.at[pl.ds(s * rpt, rpt)],
                    out_hbm.at[c, pl.ds(s * rpt, rpt)])

  return degk(dst2d)


def _sc_aggregate(hs, src2d, dst2d, npad, h, cpt):
  rpt = npad // NS

  @functools.partial(
      pl.kernel,
      mesh=_sc_mesh(),
      out_type=jax.ShapeDtypeStruct((NC, npad, h), jnp.float32),
      scratch_types=[
          pltpu.VMEM_SHARED((npad, h), jnp.float32),
          pltpu.VMEM((ISLOT, CH), jnp.int32),
          pltpu.VMEM((ISLOT, CH), jnp.int32),
          [pltpu.VMEM((CH, h), jnp.float32)] * NBUF,
          [pltpu.SemaphoreType.DMA] * NBUF,
          [pltpu.SemaphoreType.DMA] * NBUF,
          [pltpu.SemaphoreType.DMA] * ISLOT,
          [pltpu.SemaphoreType.DMA] * ISLOT,
      ],
  )
  def aggk(hs_hbm, src_hbm, dst_hbm, out_hbm, acc_sh, src_v, dst_v, rows,
           gsem, ssem, sisem, disem):
    c = lax.axis_index("c")
    s = lax.axis_index("s")
    wid = c * NS + s

    def fill_zero(i, _):
      for k in range(h // 16):
        rows[0][i, pl.ds(k * 16, 16)] = jnp.zeros((16,), jnp.float32)
      return 0

    lax.fori_loop(0, CH, fill_zero, 0)
    for k in range(rpt // CH):
      pltpu.sync_copy(rows[0], acc_sh.at[pl.ds(s * rpt + k * CH, CH)])
    if rpt % CH:
      pltpu.sync_copy(rows[0].at[pl.ds(0, rpt % CH)],
                      acc_sh.at[pl.ds(s * rpt + (rpt // CH) * CH, rpt % CH)])

    def idx_start(j, sl):
      pltpu.async_copy(src_hbm.at[wid * cpt + j], src_v.at[sl], sisem[sl])
      pltpu.async_copy(dst_hbm.at[wid * cpt + j], dst_v.at[sl], disem[sl])

    def idx_wait(sl):
      pltpu.make_async_copy(src_hbm.at[0], src_v.at[0], sisem[sl]).wait()
      pltpu.make_async_copy(dst_hbm.at[0], dst_v.at[0], disem[sl]).wait()

    def gather_start(sl, b):
      pltpu.async_copy(hs_hbm.at[src_v.at[sl]], rows[b], gsem[b])

    def gather_wait(b):
      pltpu.make_async_copy(hs_hbm.at[src_v.at[0]], rows[b], gsem[b]).wait()

    def scatter_start(sl, b):
      pltpu.async_copy(rows[b], acc_sh.at[dst_v.at[sl]], ssem[b], add=True)

    def scatter_wait(b):
      pltpu.make_async_copy(rows[b], acc_sh.at[dst_v.at[0]], ssem[b]).wait()

    for k in range(ISLOT):
      idx_start(k, k)
    plsc.subcore_barrier()
    for b in range(NBUF):
      idx_wait(b)
      gather_start(b, b)

    ngroups = cpt // ISLOT

    def group(gi, _):
      for k in range(ISLOT):
        j = gi * ISLOT + k
        b = k % NBUF
        gather_wait(b)
        scatter_start(k, b)

        @pl.when(j + NBUF < cpt)
        def _():
          scatter_wait(b)

          @pl.when(j + ISLOT < cpt)
          def _():
            idx_start(j + ISLOT, k)

          idx_wait((k + NBUF) % ISLOT)
          gather_start((k + NBUF) % ISLOT, b)

      return 0

    lax.fori_loop(0, ngroups, group, 0)
    for b in range(NBUF):
      scatter_wait(b)
    plsc.subcore_barrier()
    pltpu.sync_copy(acc_sh.at[pl.ds(s * rpt, rpt)],
                    out_hbm.at[c, pl.ds(s * rpt, rpt)])

  return aggk(hs, src2d, dst2d)


def _dinv_block(deg_ref):
  deg = deg_ref[0, :, 0] + deg_ref[1, :, 0] + 1.0
  return lax.rsqrt(deg)


def _tc_scale_matmul(xp, w, deg3, npad, f, h):

  def body(x_ref, w_ref, deg_ref, o_ref):
    dinv = _dinv_block(deg_ref)
    o_ref[...] = dinv[:, None] * jnp.dot(
        x_ref[...], w_ref[...], preferred_element_type=jnp.float32)

  return pl.pallas_call(
      body,
      grid=(npad // BN,),
      in_specs=[
          pl.BlockSpec((BN, f), lambda i: (i, 0)),
          pl.BlockSpec((f, h), lambda i: (0, 0)),
          pl.BlockSpec((NC, BN, DEG_W), lambda i: (0, i, 0)),
      ],
      out_specs=pl.BlockSpec((BN, h), lambda i: (i, 0)),
      out_shape=jax.ShapeDtypeStruct((npad, h), jnp.float32),
  )(xp, w, deg3)


def _tc_layer_next(acc, hs, deg3, w_next, b, npad, h):

  def body(a_ref, hs_ref, deg_ref, w_ref, b_ref, o_ref):
    dinv = _dinv_block(deg_ref)
    y = jnp.maximum(
        dinv[:, None] * (a_ref[0] + a_ref[1] + hs_ref[...]) + b_ref[...], 0.0)
    o_ref[...] = dinv[:, None] * jnp.dot(
        y, w_ref[...], preferred_element_type=jnp.float32)

  return pl.pallas_call(
      body,
      grid=(npad // BN,),
      in_specs=[
          pl.BlockSpec((NC, BN, h), lambda i: (0, i, 0)),
          pl.BlockSpec((BN, h), lambda i: (i, 0)),
          pl.BlockSpec((NC, BN, DEG_W), lambda i: (0, i, 0)),
          pl.BlockSpec((h, h), lambda i: (0, 0)),
          pl.BlockSpec((1, h), lambda i: (0, 0)),
      ],
      out_specs=pl.BlockSpec((BN, h), lambda i: (i, 0)),
      out_shape=jax.ShapeDtypeStruct((npad, h), jnp.float32),
  )(acc, hs, deg3, w_next, b)


def _tc_final_scores(acc, hs, deg3, b, gate_wp, gate_b2, batch2, npad, h):

  def body(a_ref, hs_ref, deg_ref, b_ref, gw_ref, gb_ref, bt_ref,
           y_ref, smax_ref):
    i = pl.program_id(0)
    dinv = _dinv_block(deg_ref)
    y = jnp.maximum(
        dinv[:, None] * (a_ref[0] + a_ref[1] + hs_ref[...]) + b_ref[...], 0.0)
    y_ref[...] = y
    s = jnp.dot(y, gw_ref[...], preferred_element_type=jnp.float32)[:, 0]
    s = s + gb_ref[0, 0]
    slots = lax.broadcasted_iota(jnp.int32, (BN, GP), 1)
    onehot = bt_ref[...] == slots
    masked = jnp.where(onehot, s[:, None], -jnp.inf)
    bmax = jnp.max(masked, axis=0)

    @pl.when(i == 0)
    def _():
      smax_ref[...] = jnp.full((8, GP), -jnp.inf, jnp.float32)

    smax_ref[...] = jnp.maximum(smax_ref[...], bmax[None, :])

  return pl.pallas_call(
      body,
      grid=(npad // BN,),
      in_specs=[
          pl.BlockSpec((NC, BN, h), lambda i: (0, i, 0)),
          pl.BlockSpec((BN, h), lambda i: (i, 0)),
          pl.BlockSpec((NC, BN, DEG_W), lambda i: (0, i, 0)),
          pl.BlockSpec((1, h), lambda i: (0, 0)),
          pl.BlockSpec((h, GP), lambda i: (0, 0)),
          pl.BlockSpec((1, GP), lambda i: (0, 0)),
          pl.BlockSpec((BN, 1), lambda i: (i, 0)),
      ],
      out_specs=[
          pl.BlockSpec((BN, h), lambda i: (i, 0)),
          pl.BlockSpec((8, GP), lambda i: (0, 0)),
      ],
      out_shape=[
          jax.ShapeDtypeStruct((npad, h), jnp.float32),
          jax.ShapeDtypeStruct((8, GP), jnp.float32),
      ],
  )(acc, hs, deg3, b, gate_wp, gate_b2, batch2)


def _tc_pool(y2, smax, batch2, gate_wp, gate_b2, attn_w, attn_b2, npad, h):

  def body(y_ref, sm_ref, bt_ref, gw_ref, gb_ref, aw_ref, ab_ref,
           num_ref, den_ref):
    i = pl.program_id(0)
    y = y_ref[...]
    s = jnp.dot(y, gw_ref[...], preferred_element_type=jnp.float32)[:, 0]
    s = s + gb_ref[0, 0]
    smax = sm_ref[0, :]
    smax = jnp.where(jnp.isfinite(smax), smax, 0.0)
    slots = lax.broadcasted_iota(jnp.int32, (BN, GP), 1)
    onehot = (bt_ref[...] == slots).astype(jnp.float32)
    srow = jnp.dot(onehot, smax, preferred_element_type=jnp.float32)
    alpha = jnp.exp(s - srow)
    ha = jnp.dot(y, aw_ref[...], preferred_element_type=jnp.float32)
    ha = ha + ab_ref[...]
    num = lax.dot_general(onehot, alpha[:, None] * ha,
                          (((0,), (0,)), ((), ())),
                          preferred_element_type=jnp.float32)
    den = jnp.sum(onehot * alpha[:, None], axis=0)

    @pl.when(i == 0)
    def _():
      num_ref[...] = jnp.zeros((GP, h), jnp.float32)
      den_ref[...] = jnp.zeros((8, GP), jnp.float32)

    num_ref[...] += num
    den_ref[...] += den[None, :]

  return pl.pallas_call(
      body,
      grid=(npad // BN,),
      in_specs=[
          pl.BlockSpec((BN, h), lambda i: (i, 0)),
          pl.BlockSpec((8, GP), lambda i: (0, 0)),
          pl.BlockSpec((BN, 1), lambda i: (i, 0)),
          pl.BlockSpec((h, GP), lambda i: (0, 0)),
          pl.BlockSpec((1, GP), lambda i: (0, 0)),
          pl.BlockSpec((h, h), lambda i: (0, 0)),
          pl.BlockSpec((1, h), lambda i: (0, 0)),
      ],
      out_specs=[
          pl.BlockSpec((GP, h), lambda i: (0, 0)),
          pl.BlockSpec((8, GP), lambda i: (0, 0)),
      ],
      out_shape=[
          jax.ShapeDtypeStruct((GP, h), jnp.float32),
          jax.ShapeDtypeStruct((8, GP), jnp.float32),
      ],
  )(y2, smax, batch2, gate_wp, gate_b2, attn_w, attn_b2)


def _tc_head(num, den, h1_wp, h1_b2, h2_wp, h2_b2, h):

  def body(num_ref, den_ref, w1_ref, b1_ref, w2_ref, b2_ref, o_ref):
    den = jnp.maximum(den_ref[0, :], 1e-12)
    pooled = num_ref[...] / den[:, None]
    z = jnp.maximum(
        jnp.dot(pooled, w1_ref[...], preferred_element_type=jnp.float32)
        + b1_ref[...], 0.0)
    o_ref[...] = jnp.dot(
        z, w2_ref[...], preferred_element_type=jnp.float32) + b2_ref[...]

  return pl.pallas_call(
      body,
      in_specs=[
          pl.BlockSpec((GP, h), lambda: (0, 0)),
          pl.BlockSpec((8, GP), lambda: (0, 0)),
          pl.BlockSpec((h, h), lambda: (0, 0)),
          pl.BlockSpec((1, h), lambda: (0, 0)),
          pl.BlockSpec((h, GP), lambda: (0, 0)),
          pl.BlockSpec((1, GP), lambda: (0, 0)),
      ],
      out_specs=pl.BlockSpec((GP, GP), lambda: (0, 0)),
      out_shape=jax.ShapeDtypeStruct((GP, GP), jnp.float32),
  )(num, den, h1_wp, h1_b2, h2_wp, h2_b2)


def kernel(x, edge_index, batch, W1, b1, W2, b2, gate_w, gate_b, attn_w,
           attn_b, h1_w, h1_b, h2_w, h2_b):
  n, f = x.shape
  h = W1.shape[1]
  h2 = h1_w.shape[1]
  e = edge_index.shape[1]

  npad = ((n + 1 + BN - 1) // BN) * BN
  cpt = ((-(-e // (NW * CH)) + 7) // 8) * 8
  epad = NW * cpt * CH

  src = edge_index[0]
  dst = edge_index[1]
  pad = jnp.full((epad - e,), n, jnp.int32)
  src2d = jnp.concatenate([src, pad]).reshape(NW * cpt, CH)
  dst2d = jnp.concatenate([dst, pad]).reshape(NW * cpt, CH)

  xp = jnp.zeros((npad, f), jnp.float32).at[:n].set(x.astype(jnp.float32))
  batch2 = jnp.concatenate(
      [batch.astype(jnp.int32),
       jnp.full((npad - n,), G, jnp.int32)]).reshape(npad, 1)

  gate_wp = jnp.zeros((h, GP), jnp.float32).at[:, :1].set(gate_w)
  gate_b2 = jnp.zeros((1, GP), jnp.float32) + gate_b[0]
  attn_b2 = attn_b.reshape(1, h)
  b1_2 = b1.reshape(1, h)
  b2_2 = b2.reshape(1, h)
  h1_wp = jnp.zeros((h, h), jnp.float32).at[:, :h2].set(h1_w)
  h1_b2 = jnp.zeros((1, h), jnp.float32).at[0, :h2].set(h1_b)
  h2_wp = jnp.zeros((h, GP), jnp.float32).at[:h2, :1].set(h2_w)
  h2_b2 = jnp.zeros((1, GP), jnp.float32) + h2_b[0]

  deg3 = _sc_degree(dst2d, npad, cpt)
  hs1 = _tc_scale_matmul(xp, W1, deg3, npad, f, h)
  acc1 = _sc_aggregate(hs1, src2d, dst2d, npad, h, cpt)
  hs2 = _tc_layer_next(acc1, hs1, deg3, W2, b1_2, npad, h)
  acc2 = _sc_aggregate(hs2, src2d, dst2d, npad, h, cpt)
  y2, smax = _tc_final_scores(acc2, hs2, deg3, b2_2, gate_wp, gate_b2, batch2,
                              npad, h)
  num, den = _tc_pool(y2, smax, batch2, gate_wp, gate_b2, attn_w, attn_b2,
                      npad, h)
  out = _tc_head(num, den, h1_wp, h1_b2, h2_wp, h2_b2, h)
  return out[:G, :1]

# --- scband reference (transcript-rebuilt; emitter-appended) ---
"""Pipeline reference for scband-attn-gcn-81363860455712 (READ-ONLY COPY).

The authoritative reference and input builder live on the scoring server;
editing this copy changes nothing except your own understanding.
"""

import jax, jax.numpy as jnp
import numpy as np

N, F, E, G, H, H2 = 10000, 128, 320000, 64, 128, 64

def setup_inputs(seed: int = 0):
    key = jax.random.key(seed)
    ks = jax.random.split(key, 16)
    x = jax.random.normal(ks[0], (N, F), dtype=jnp.float32)
    edge_index = jax.random.randint(ks[1], (2, E), 0, N, dtype=jnp.int32)
    batch = jnp.sort(jax.random.randint(ks[2], (N,), 0, G, dtype=jnp.int32))
    W1 = jax.random.normal(ks[3], (F, H), dtype=jnp.float32) / np.sqrt(F)
    b1 = jnp.zeros((H,), dtype=jnp.float32)
    W2 = jax.random.normal(ks[4], (H, H), dtype=jnp.float32) / np.sqrt(H)
    b2 = jnp.zeros((H,), dtype=jnp.float32)
    gate_w = jax.random.normal(ks[5], (H, 1), dtype=jnp.float32) / np.sqrt(H)
    gate_b = jnp.zeros((1,), dtype=jnp.float32)
    attn_w = jax.random.normal(ks[6], (H, H), dtype=jnp.float32) / np.sqrt(H)
    attn_b = jnp.zeros((H,), dtype=jnp.float32)
    h1_w = jax.random.normal(ks[7], (H, H2), dtype=jnp.float32) / np.sqrt(H)
    h1_b = jnp.zeros((H2,), dtype=jnp.float32)
    h2_w = jax.random.normal(ks[8], (H2, 1), dtype=jnp.float32) / np.sqrt(H2)
    h2_b = jnp.zeros((1,), dtype=jnp.float32)
    return {"x": x, "edge_index": edge_index, "batch": batch, "W1": W1, "b1": b1, "W2": W2, "b2": b2, "gate_w": gate_w, "gate_b": gate_b, "attn_w": attn_w, "attn_b": attn_b, "h1_w": h1_w, "h1_b": h1_b, "h2_w": h2_w, "h2_b": h2_b}

def _gcn_conv(x, edge_index, W, b):
    n = x.shape[0]
    loops = jnp.arange(n, dtype=edge_index.dtype)
    src = jnp.concatenate([edge_index[0], loops])
    dst = jnp.concatenate([edge_index[1], loops])
    deg = jax.ops.segment_sum(jnp.ones_like(dst, dtype=x.dtype), dst, num_segments=n)
    dinv = jnp.where(deg > 0, 1.0 / jnp.sqrt(deg), 0.0)
    norm = dinv[src] * dinv[dst]
    h = x @ W
    msg = norm[:, None] * h[src]
    out = jax.ops.segment_sum(msg, dst, num_segments=n)
    return out + b

def _global_attn_pool(x, batch, gate_w, gate_b, attn_w, attn_b):
    scores = (x @ gate_w + gate_b)[:, 0]
    smax = jax.ops.segment_max(scores, batch, num_segments=G)
    smax = jnp.where(jnp.isfinite(smax), smax, 0.0)
    alpha = jnp.exp(scores - smax[batch])
    denom = jax.ops.segment_sum(alpha, batch, num_segments=G)
    h = x @ attn_w + attn_b
    pooled = jax.ops.segment_sum(alpha[:, None] * h, batch, num_segments=G)
    return pooled / jnp.maximum(denom, 1e-12)[:, None]

def reference(x, edge_index, batch, W1, b1, W2, b2, gate_w, gate_b, attn_w, attn_b, h1_w, h1_b, h2_w, h2_b):
    x = x.astype(jnp.float32)
    x = _gcn_conv(x, edge_index, W1, b1)
    x = jax.nn.relu(x)
    # dropout is identity in eval mode
    x = _gcn_conv(x, edge_index, W2, b2)
    x = jax.nn.relu(x)
    x = _global_attn_pool(x, batch, gate_w, gate_b, attn_w, attn_b)
    x = x @ h1_w + h1_b
    x = jax.nn.relu(x)
    x = x @ h2_w + h2_b
    return x

if __name__ == "__main__":
    import jax
    _d = setup_inputs()
    print(jax.jit(kernel)(*tuple(_d.values())))

</pallas_src>

<mosaic_0001>
#map = affine_map<(d0, d1) -> (0, 0)>
#map1 = affine_map<(d0, d1) -> (0, 0, 0)>
module attributes {stable_mosaic.version = 14 : i64} {
  func.func @aggk(%arg0: i32, %arg1: i32, %arg2: memref<10240x128xf32, #tpu.memory_space<hbm>>, %arg3: memref<2560x128xi32, #tpu.memory_space<hbm>>, %arg4: memref<2560x128xi32, #tpu.memory_space<hbm>>, %arg5: memref<2x10240x128xf32, #tpu.memory_space<hbm>>, %arg6: memref<10240x128xf32, #tpu.memory_space<vmem_shared>>, %arg7: memref<8x128xi32, #tpu.memory_space<vmem>>, %arg8: memref<8x128xi32, #tpu.memory_space<vmem>>, %arg9: memref<128x128xf32, #tpu.memory_space<vmem>>, %arg10: memref<128x128xf32, #tpu.memory_space<vmem>>, %arg11: memref<!tpu.dma_semaphore, #tpu.memory_space<semaphore_mem>>, %arg12: memref<!tpu.dma_semaphore, #tpu.memory_space<semaphore_mem>>, %arg13: memref<!tpu.dma_semaphore, #tpu.memory_space<semaphore_mem>>, %arg14: memref<!tpu.dma_semaphore, #tpu.memory_space<semaphore_mem>>, %arg15: memref<!tpu.dma_semaphore, #tpu.memory_space<semaphore_mem>>, %arg16: memref<!tpu.dma_semaphore, #tpu.memory_space<semaphore_mem>>, %arg17: memref<!tpu.dma_semaphore, #tpu.memory_space<semaphore_mem>>, %arg18: memref<!tpu.dma_semaphore, #tpu.memory_space<semaphore_mem>>, %arg19: memref<!tpu.dma_semaphore, #tpu.memory_space<semaphore_mem>>, %arg20: memref<!tpu.dma_semaphore, #tpu.memory_space<semaphore_mem>>, %arg21: memref<!tpu.dma_semaphore, #tpu.memory_space<semaphore_mem>>, %arg22: memref<!tpu.dma_semaphore, #tpu.memory_space<semaphore_mem>>, %arg23: memref<!tpu.dma_semaphore, #tpu.memory_space<semaphore_mem>>, %arg24: memref<!tpu.dma_semaphore, #tpu.memory_space<semaphore_mem>>, %arg25: memref<!tpu.dma_semaphore, #tpu.memory_space<semaphore_mem>>, %arg26: memref<!tpu.dma_semaphore, #tpu.memory_space<semaphore_mem>>, %arg27: memref<!tpu.dma_semaphore, #tpu.memory_space<semaphore_mem>>, %arg28: memref<!tpu.dma_semaphore, #tpu.memory_space<semaphore_mem>>, %arg29: memref<!tpu.dma_semaphore, #tpu.memory_space<semaphore_mem>>, %arg30: memref<!tpu.dma_semaphore, #tpu.memory_space<semaphore_mem>>) attributes {dimension_semantics = [#tpu.dimension_semantics<core_parallel>, #tpu.dimension_semantics<subcore_parallel>], iteration_bounds = array<i64: 2, 16>, scalar_prefetch = 0 : i64, scratch_operands = 25 : i64, tpu.core_type = #tpu.core_type<sc_vector_subcore>, window_params = [{transform_indices = #map}, {transform_indices = #map}, {transform_indices = #map}, {transform_indices = #map1}]} {
    %mul3A = arith.constant 16 : i32
    %mul3A_0 = arith.muli %arg0, %mul3A : i32
    %add3A = arith.addi %mul3A_0, %arg1 : i32
    %scan3A = arith.constant 0 : i32
    %scan3A_1 = arith.constant 0 : i32
    %scan3A_2 = arith.constant 128 : i32
    %scan3A_3 = arith.addi %scan3A_1, %scan3A_2 : i32
    %scan3A_4 = arith.constant 1 : i32
    %scan3A_5 = scf.for %scan3A_393 = %scan3A_1 to %scan3A_3 step %scan3A_4 iter_args(%scan3A_394 = %scan3A) -> (i32)  : i32 {
      %broadcast_in_dim3A = arith.constant 0.000000e+00 : f32
      %broadcast_in_dim3A_395 = vector.broadcast %broadcast_in_dim3A : f32 to vector<16xf32>
      %swap3A = arith.index_cast %scan3A_393 : i32 to index
      %swap3A_396 = arith.constant 0 : index
      %swap3A_397 = tpu.vector_load %arg9[%swap3A, %swap3A_396] {strides = array<i32>} : memref<128x128xf32, #tpu.memory_space<vmem>>, vector<1x16xf32>,
      %swap3A_398 = vector.shape_cast %swap3A_397 : vector<1x16xf32> to vector<16xf32>
      %swap3A_399 = vector.shape_cast %broadcast_in_dim3A_395 : vector<16xf32> to vector<1x16xf32>
      tpu.vector_store %arg9[%swap3A, %swap3A_396], %swap3A_399 {strides = array<i32>} : memref<128x128xf32, #tpu.memory_space<vmem>>, vector<1x16xf32>,
      %broadcast_in_dim3A_400 = arith.constant 0.000000e+00 : f32
      %broadcast_in_dim3A_401 = vector.broadcast %broadcast_in_dim3A_400 : f32 to vector<16xf32>
      %swap3A_402 = arith.index_cast %scan3A_393 : i32 to index
      %swap3A_403 = arith.constant 16 : index
      %swap3A_404 = tpu.vector_load %arg9[%swap3A_402, %swap3A_403] {strides = array<i32>} : memref<128x128xf32, #tpu.memory_space<vmem>>, vector<1x16xf32>,
      %swap3A_405 = vector.shape_cast %swap3A_404 : vector<1x16xf32> to vector<16xf32>
      %swap3A_406 = vector.shape_cast %broadcast_in_dim3A_401 : vector<16xf32> to vector<1x16xf32>
      tpu.vector_store %arg9[%swap3A_402, %swap3A_403], %swap3A_406 {strides = array<i32>} : memref<128x128xf32, #tpu.memory_space<vmem>>, vector<1x16xf32>,
      %broadcast_in_dim3A_407 = arith.constant 0.000000e+00 : f32
      %broadcast_in_dim3A_408 = vector.broadcast %broadcast_in_dim3A_407 : f32 to vector<16xf32>
      %swap3A_409 = arith.index_cast %scan3A_393 : i32 to index
      %swap3A_410 = arith.constant 32 : index
      %swap3A_411 = tpu.vector_load %arg9[%swap3A_409, %swap3A_410] {strides = array<i32>} : memref<128x128xf32, #tpu.memory_space<vmem>>, vector<1x16xf32>,
      %swap3A_412 = vector.shape_cast %swap3A_411 : vector<1x16xf32> to vector<16xf32>
      %swap3A_413 = vector.shape_cast %broadcast_in_dim3A_408 : vector<16xf32> to vector<1x16xf32>
      tpu.vector_store %arg9[%swap3A_409, %swap3A_410], %swap3A_413 {strides = array<i32>} : memref<128x128xf32, #tpu.memory_space<vmem>>, vector<1x16xf32>,
      %broadcast_in_dim3A_414 = arith.constant 0.000000e+00 : f32
      %broadcast_in_dim3A_415 = vector.broadcast %broadcast_in_dim3A_414 : f32 to vector<16xf32>
      %swap3A_416 = arith.index_cast %scan3A_393 : i32 to index
      %swap3A_417 = arith.constant 48 : index
      %swap3A_418 = tpu.vector_load %arg9[%swap3A_416, %swap3A_417] {strides = array<i32>} : memref<128x128xf32, #tpu.memory_space<vmem>>, vector<1x16xf32>,
      %swap3A_419 = vector.shape_cast %swap3A_418 : vector<1x16xf32> to vector<16xf32>
      %swap3A_420 = vector.shape_cast %broadcast_in_dim3A_415 : vector<16xf32> to vector<1x16xf32>
      tpu.vector_store %arg9[%swap3A_416, %swap3A_417], %swap3A_420 {strides = array<i32>} : memref<128x128xf32, #tpu.memory_space<vmem>>, vector<1x16xf32>,
      %broadcast_in_dim3A_421 = arith.constant 0.000000e+00 : f32
      %broadcast_in_dim3A_422 = vector.broadcast %broadcast_in_dim3A_421 : f32 to vector<16xf32>
      %swap3A_423 = arith.index_cast %scan3A_393 : i32 to index
      %swap3A_424 = arith.constant 64 : index
      %swap3A_425 = tpu.vector_load %arg9[%swap3A_423, %swap3A_424] {strides = array<i32>} : memref<128x128xf32, #tpu.memory_space<vmem>>, vector<1x16xf32>,
      %swap3A_426 = vector.shape_cast %swap3A_425 : vector<1x16xf32> to vector<16xf32>
      %swap3A_427 = vector.shape_cast %broadcast_in_dim3A_422 : vector<16xf32> to vector<1x16xf32>
      tpu.vector_store %arg9[%swap3A_423, %swap3A_424], %swap3A_427 {strides = array<i32>} : memref<128x128xf32, #tpu.memory_space<vmem>>, vector<1x16xf32>,
      %broadcast_in_dim3A_428 = arith.constant 0.000000e+00 : f32
      %broadcast_in_dim3A_429 = vector.broadcast %broadcast_in_dim3A_428 : f32 to vector<16xf32>
      %swap3A_430 = arith.index_cast %scan3A_393 : i32 to index
      %swap3A_431 = arith.constant 80 : index
      %swap3A_432 = tpu.vector_load %arg9[%swap3A_430, %swap3A_431] {strides = array<i32>} : memref<128x128xf32, #tpu.memory_space<vmem>>, vector<1x16xf32>,
      %swap3A_433 = vector.shape_cast %swap3A_432 : vector<1x16xf32> to vector<16xf32>
      %swap3A_434 = vector.shape_cast %broadcast_in_dim3A_429 : vector<16xf32> to vector<1x16xf32>
      tpu.vector_store %arg9[%swap3A_430, %swap3A_431], %swap3A_434 {strides = array<i32>} : memref<128x128xf32, #tpu.memory_space<vmem>>, vector<1x16xf32>,
      %broadcast_in_dim3A_435 = arith.constant 0.000000e+00 : f32
      %broadcast_in_dim3A_436 = vector.broadcast %broadcast_in_dim3A_435 : f32 to vector<16xf32>
      %swap3A_437 = arith.index_cast %scan3A_393 : i32 to index
      %swap3A_438 = arith.constant 96 : index
      %swap3A_439 = tpu.vector_load %arg9[%swap3A_437, %swap3A_438] {strides = array<i32>} : memref<128x128xf32, #tpu.memory_space<vmem>>, vector<1x16xf32>,
      %swap3A_440 = vector.shape_cast %swap3A_439 : vector<1x16xf32> to vector<16xf32>
      %swap3A_441 = vector.shape_cast %broadcast_in_dim3A_436 : vector<16xf32> to vector<1x16xf32>
      tpu.vector_store %arg9[%swap3A_437, %swap3A_438], %swap3A_441 {strides = array<i32>} : memref<128x128xf32, #tpu.memory_space<vmem>>, vector<1x16xf32>,
      %broadcast_in_dim3A_442 = arith.constant 0.000000e+00 : f32
      %broadcast_in_dim3A_443 = vector.broadcast %broadcast_in_dim3A_442 : f32 to vector<16xf32>
      %swap3A_444 = arith.index_cast %scan3A_393 : i32 to index
      %swap3A_445 = arith.constant 112 : index
      %swap3A_446 = tpu.vector_load %arg9[%swap3A_444, %swap3A_445] {strides = array<i32>} : memref<128x128xf32, #tpu.memory_space<vmem>>, vector<1x16xf32>,
      %swap3A_447 = vector.shape_cast %swap3A_446 : vector<1x16xf32> to vector<16xf32>
      %swap3A_448 = vector.shape_cast %broadcast_in_dim3A_443 : vector<16xf32> to vector<1x16xf32>
      tpu.vector_store %arg9[%swap3A_444, %swap3A_445], %swap3A_448 {strides = array<i32>} : memref<128x128xf32, #tpu.memory_space<vmem>>, vector<1x16xf32>,
      %scan3A_449 = arith.constant 0 : i32
      scf.yield %scan3A_449 : i32
    }
    %scan3A_6 = arith.constant 128 : i32
    %mul3A_7 = arith.constant 640 : i32
    %mul3A_8 = arith.muli %arg1, %mul3A_7 : i32
    %add3A_9 = arith.constant 0 : i32
    %add3A_10 = arith.addi %mul3A_8, %add3A_9 : i32
    "tpu.region"() ({
      %run_scoped3A = tpu.sem_alloc : memref<!tpu.dma_semaphore, #tpu.memory_space<semaphore_mem>>
      %dma_start3A_393 = arith.constant 0 : i32
      %dma_start3A_394 = tpu.memref_slice %arg6[%add3A_10, %dma_start3A_393] : memref<10240x128xf32, #tpu.memory_space<vmem_shared>> -> memref<128x128xf32, #tpu.memory_space<vmem_shared>>
      %dma_start3A_395 = arith.constant 0 : i32
      %dma_start3A_396 = tpu.memref_slice %arg6[%add3A_10, %dma_start3A_395] : memref<10240x128xf32, #tpu.memory_space<vmem_shared>> -> memref<128x128xf32, #tpu.memory_space<vmem_shared>>
      tpu.enqueue_dma source(%arg9 : memref<128x128xf32, #tpu.memory_space<vmem>>) target(%dma_start3A_396 : memref<128x128xf32, #tpu.memory_space<vmem_shared>>) target_semaphore(%run_scoped3A : memref<!tpu.dma_semaphore, #tpu.memory_space<semaphore_mem>>)
      %dma_wait3A_397 = arith.constant 0 : i32
      %dma_wait3A_398 = tpu.memref_slice %arg6[%add3A_10, %dma_wait3A_397] : memref<10240x128xf32, #tpu.memory_space<vmem_shared>> -> memref<128x128xf32, #tpu.memory_space<vmem_shared>>
      %dma_wait3A_399 = arith.constant 0 : i32
      %dma_wait3A_400 = tpu.memref_slice %arg6[%add3A_10, %dma_wait3A_399] : memref<10240x128xf32, #tpu.memory_space<vmem_shared>> -> memref<128x128xf32, #tpu.memory_space<vmem_shared>>
      tpu.wait_dma2 semaphore(%run_scoped3A : memref<!tpu.dma_semaphore, #tpu.memory_space<semaphore_mem>>) src(%arg9 : memref<128x128xf32, #tpu.memory_space<vmem>>) dst(%dma_wait3A_400 : memref<128x128xf32, #tpu.memory_space<vmem_shared>>)
      tpu.yield
    }) : () -> ()
    %mul3A_11 = arith.constant 640 : i32
    %mul3A_12 = arith.muli %arg1, %mul3A_11 : i32
    %add3A_13 = arith.constant 128 : i32
    %add3A_14 = arith.addi %mul3A_12, %add3A_13 : i32
    "tpu.region"() ({
      %run_scoped3A = tpu.sem_alloc : memref<!tpu.dma_semaphore, #tpu.memory_space<semaphore_mem>>
      %dma_start3A_393 = arith.constant 0 : i32
      %dma_start3A_394 = tpu.memref_slice %arg6[%add3A_14, %dma_start3A_393] : memref<10240x128xf32, #tpu.memory_space<vmem_shared>> -> memref<128x128xf32, #tpu.memory_space<vmem_shared>>
      %dma_start3A_395 = arith.constant 0 : i32
      %dma_start3A_396 = tpu.memref_slice %arg6[%add3A_14, %dma_start3A_395] : memref<10240x128xf32, #tpu.memory_space<vmem_shared>> -> memref<128x128xf32, #tpu.memory_space<vmem_shared>>
      tpu.enqueue_dma source(%arg9 : memref<128x128xf32, #tpu.memory_space<vmem>>) target(%dma_start3A_396 : memref<128x128xf32, #tpu.memory_space<vmem_shared>>) target_semaphore(%run_scoped3A : memref<!tpu.dma_semaphore, #tpu.memory_space<semaphore_mem>>)
      %dma_wait3A_397 = arith.constant 0 : i32
      %dma_wait3A_398 = tpu.memref_slice %arg6[%add3A_14, %dma_wait3A_397] : memref<10240x128xf32, #tpu.memory_space<vmem_shared>> -> memref<128x128xf32, #tpu.memory_space<vmem_shared>>
      %dma_wait3A_399 = arith.constant 0 : i32
      %dma_wait3A_400 = tpu.memref_slice %arg6[%add3A_14, %dma_wait3A_399] : memref<10240x128xf32, #tpu.memory_space<vmem_shared>> -> memref<128x128xf32, #tpu.memory_space<vmem_shared>>
      tpu.wait_dma2 semaphore(%run_scoped3A : memref<!tpu.dma_semaphore, #tpu.memory_space<semaphore_mem>>) src(%arg9 : memref<128x128xf32, #tpu.memory_space<vmem>>) dst(%dma_wait3A_400 : memref<128x128xf32, #tpu.memory_space<vmem_shared>>)
      tpu.yield
    }) : () -> ()
    %mul3A_15 = arith.constant 640 : i32
    %mul3A_16 = arith.muli %arg1, %mul3A_15 : i32
    %add3A_17 = arith.constant 256 : i32
    %add3A_18 = arith.addi %mul3A_16, %add3A_17 : i32
    "tpu.region"() ({
      %run_scoped3A = tpu.sem_alloc : memref<!tpu.dma_semaphore, #tpu.memory_space<semaphore_mem>>
      %dma_start3A_393 = arith.constant 0 : i32
      %dma_start3A_394 = tpu.memref_slice %arg6[%add3A_18, %dma_start3A_393] : memref<10240x128xf32, #tpu.memory_space<vmem_shared>> -> memref<128x128xf32, #tpu.memory_space<vmem_shared>>
      %dma_start3A_395 = arith.constant 0 : i32
      %dma_start3A_396 = tpu.memref_slice %arg6[%add3A_18, %dma_start3A_395] : memref<10240x128xf32, #tpu.memory_space<vmem_shared>> -> memref<128x128xf32, #tpu.memory_space<vmem_shared>>
      tpu.enqueue_dma source(%arg9 : memref<128x128xf32, #tpu.memory_space<vmem>>) target(%dma_start3A_396 : memref<128x128xf32, #tpu.memory_space<vmem_shared>>) target_semaphore(%run_scoped3A : memref<!tpu.dma_semaphore, #tpu.memory_space<semaphore_mem>>)
      %dma_wait3A_397 = arith.constant 0 : i32
      %dma_wait3A_398 = tpu.memref_slice %arg6[%add3A_18, %dma_wait3A_397] : memref<10240x128xf32, #tpu.memory_space<vmem_shared>> -> memref<128x128xf32, #tpu.memory_space<vmem_shared>>
      %dma_wait3A_399 = arith.constant 0 : i32
      %dma_wait3A_400 = tpu.memref_slice %arg6[%add3A_18, %dma_wait3A_399] : memref<10240x128xf32, #tpu.memory_space<vmem_shared>> -> memref<128x128xf32, #tpu.memory_space<vmem_shared>>
      tpu.wait_dma2 semaphore(%run_scoped3A : memref<!tpu.dma_semaphore, #tpu.memory_space<semaphore_mem>>) src(%arg9 : memref<128x128xf32, #tpu.memory_space<vmem>>) dst(%dma_wait3A_400 : memref<128x128xf32, #tpu.memory_space<vmem_shared>>)
      tpu.yield
    }) : () -> ()
    %mul3A_19 = arith.constant 640 : i32
    %mul3A_20 = arith.muli %arg1, %mul3A_19 : i32
    %add3A_21 = arith.constant 384 : i32
    %add3A_22 = arith.addi %mul3A_20, %add3A_21 : i32
    "tpu.region"() ({
      %run_scoped3A = tpu.sem_alloc : memref<!tpu.dma_semaphore, #tpu.memory_space<semaphore_mem>>
      %dma_start3A_393 = arith.constant 0 : i32
      %dma_start3A_394 = tpu.memref_slice %arg6[%add3A_22, %dma_start3A_393] : memref<10240x128xf32, #tpu.memory_space<vmem_shared>> -> memref<128x128xf32, #tpu.memory_space<vmem_shared>>
      %dma_start3A_395 = arith.constant 0 : i32
      %dma_start3A_396 = tpu.memref_slice %arg6[%add3A_22, %dma_start3A_395] : memref<10240x128xf32, #tpu.memory_space<vmem_shared>> -> memref<128x128xf32, #tpu.memory_space<vmem_shared>>
      tpu.enqueue_dma source(%arg9 : memref<128x128xf32, #tpu.memory_space<vmem>>) target(%dma_start3A_396 : memref<128x128xf32, #tpu.memory_space<vmem_shared>>) target_semaphore(%run_scoped3A : memref<!tpu.dma_semaphore, #tpu.memory_space<semaphore_mem>>)
      %dma_wait3A_397 = arith.constant 0 : i32
      %dma_wait3A_398 = tpu.memref_slice %arg6[%add3A_22, %dma_wait3A_397] : memref<10240x128xf32, #tpu.memory_space<vmem_shared>> -> memref<128x128xf32, #tpu.memory_space<vmem_shared>>
      %dma_wait3A_399 = arith.constant 0 : i32
      %dma_wait3A_400 = tpu.memref_slice %arg6[%add3A_22, %dma_wait3A_399] : memref<10240x128xf32, #tpu.memory_space<vmem_shared>> -> memref<128x128xf32, #tpu.memory_space<vmem_shared>>
      tpu.wait_dma2 semaphore(%run_scoped3A : memref<!tpu.dma_semaphore, #tpu.memory_space<semaphore_mem>>) src(%arg9 : memref<128x128xf32, #tpu.memory_space<vmem>>) dst(%dma_wait3A_400 : memref<128x128xf32, #tpu.memory_space<vmem_shared>>)
      tpu.yield
    }) : () -> ()
    %mul3A_23 = arith.constant 640 : i32
    %mul3A_24 = arith.muli %arg1, %mul3A_23 : i32
    %add3A_25 = arith.constant 512 : i32
    %add3A_26 = arith.addi %mul3A_24, %add3A_25 : i32
    "tpu.region"() ({
      %run_scoped3A = tpu.sem_alloc : memref<!tpu.dma_semaphore, #tpu.memory_space<semaphore_mem>>
      %dma_start3A_393 = arith.constant 0 : i32
      %dma_start3A_394 = tpu.memref_slice %arg6[%add3A_26, %dma_start3A_393] : memref<10240x128xf32, #tpu.memory_space<vmem_shared>> -> memref<128x128xf32, #tpu.memory_space<vmem_shared>>
      %dma_start3A_395 = arith.constant 0 : i32
      %dma_start3A_396 = tpu.memref_slice %arg6[%add3A_26, %dma_start3A_395] : memref<10240x128xf32, #tpu.memory_space<vmem_shared>> -> memref<128x128xf32, #tpu.memory_space<vmem_shared>>
      tpu.enqueue_dma source(%arg9 : memref<128x128xf32, #tpu.memory_space<vmem>>) target(%dma_start3A_396 : memref<128x128xf32, #tpu.memory_space<vmem_shared>>) target_semaphore(%run_scoped3A : memref<!tpu.dma_semaphore, #tpu.memory_space<semaphore_mem>>)
      %dma_wait3A_397 = arith.constant 0 : i32
      %dma_wait3A_398 = tpu.memref_slice %arg6[%add3A_26, %dma_wait3A_397] : memref<10240x128xf32, #tpu.memory_space<vmem_shared>> -> memref<128x128xf32, #tpu.memory_space<vmem_shared>>
      %dma_wait3A_399 = arith.constant 0 : i32
      %dma_wait3A_400 = tpu.memref_slice %arg6[%add3A_26, %dma_wait3A_399] : memref<10240x128xf32, #tpu.memory_space<vmem_shared>> -> memref<128x128xf32, #tpu.memory_space<vmem_shared>>
      tpu.wait_dma2 semaphore(%run_scoped3A : memref<!tpu.dma_semaphore, #tpu.memory_space<semaphore_mem>>) src(%arg9 : memref<128x128xf32, #tpu.memory_space<vmem>>) dst(%dma_wait3A_400 : memref<128x128xf32, #tpu.memory_space<vmem_shared>>)
      tpu.yield
    }) : () -> ()
    %mul3A_27 = arith.constant 80 : i32
    %mul3A_28 = arith.muli %add3A, %mul3A_27 : i32
    %add3A_29 = arith.constant 0 : i32
    %add3A_30 = arith.addi %mul3A_28, %add3A_29 : i32
    %dma_start3A = arith.constant 0 : i32
    %dma_start3A_31 = arith.constant 0 : i32
    %dma_start3A_32 = tpu.memref_slice %arg7[%dma_start3A, %dma_start3A_31] : memref<8x128xi32, #tpu.memory_space<vmem>> -> memref<1x128xi32, #tpu.memory_space<vmem>>
    %dma_start3A_33 = tpu.memref_squeeze %dma_start3A_32 : memref<1x128xi32, #tpu.memory_space<vmem>> -> memref<128xi32, #tpu.memory_space<vmem>>
    %dma_start3A_34 = arith.constant 0 : i32
    %dma_start3A_35 = tpu.memref_slice %arg3[%add3A_30, %dma_start3A_34] : memref<2560x128xi32, #tpu.memory_space<hbm>> -> memref<1x128xi32, #tpu.memory_space<hbm>>
    %dma_start3A_36 = tpu.memref_squeeze %dma_start3A_35 : memref<1x128xi32, #tpu.memory_space<hbm>> -> memref<128xi32, #tpu.memory_space<hbm>>
    %dma_start3A_37 = arith.constant 0 : i32
    %dma_start3A_38 = tpu.memref_slice %arg7[%dma_start3A, %dma_start3A_37] : memref<8x128xi32, #tpu.memory_space<vmem>> -> memref<1x128xi32, #tpu.memory_space<vmem>>
    %dma_start3A_39 = tpu.memref_squeeze %dma_start3A_38 : memref<1x128xi32, #tpu.memory_space<vmem>> -> memref<128xi32, #tpu.memory_space<vmem>>
    %dma_start3A_40 = arith.constant 0 : i32
    %dma_start3A_41 = tpu.memref_slice %arg3[%add3A_30, %dma_start3A_40] : memref<2560x128xi32, #tpu.memory_space<hbm>> -> memref<1x128xi32, #tpu.memory_space<hbm>>
    %dma_start3A_42 = tpu.memref_squeeze %dma_start3A_41 : memref<1x128xi32, #tpu.memory_space<hbm>> -> memref<128xi32, #tpu.memory_space<hbm>>
    tpu.enqueue_dma source(%dma_start3A_42 : memref<128xi32, #tpu.memory_space<hbm>>) target(%dma_start3A_39 : memref<128xi32, #tpu.memory_space<vmem>>) target_semaphore(%arg15 : memref<!tpu.dma_semaphore, #tpu.memory_space<semaphore_mem>>)
    %mul3A_43 = arith.constant 80 : i32
    %mul3A_44 = arith.muli %add3A, %mul3A_43 : i32
    %add3A_45 = arith.constant 0 : i32
    %add3A_46 = arith.addi %mul3A_44, %add3A_45 : i32
    %dma_start3A_47 = arith.constant 0 : i32
    %dma_start3A_48 = arith.constant 0 : i32
    %dma_start3A_49 = tpu.memref_slice %arg8[%dma_start3A_47, %dma_start3A_48] : memref<8x128xi32, #tpu.memory_space<vmem>> -> memref<1x128xi32, #tpu.memory_space<vmem>>
    %dma_start3A_50 = tpu.memref_squeeze %dma_start3A_49 : memref<1x128xi32, #tpu.memory_space<vmem>> -> memref<128xi32, #tpu.memory_space<vmem>>
    %dma_start3A_51 = arith.constant 0 : i32
    %dma_start3A_52 = tpu.memref_slice %arg4[%add3A_46, %dma_start3A_51] : memref<2560x128xi32, #tpu.memory_space<hbm>> -> memref<1x128xi32, #tpu.memory_space<hbm>>
    %dma_start3A_53 = tpu.memref_squeeze %dma_start3A_52 : memref<1x128xi32, #tpu.memory_space<hbm>> -> memref<128xi32, #tpu.memory_space<hbm>>
    %dma_start3A_54 = arith.constant 0 : i32
    %dma_start3A_55 = tpu.memref_slice %arg8[%dma_start3A_47, %dma_start3A_54] : memref<8x128xi32, #tpu.memory_space<vmem>> -> memref<1x128xi32, #tpu.memory_space<vmem>>
    %dma_start3A_56 = tpu.memref_squeeze %dma_start3A_55 : memref<1x128xi32, #tpu.memory_space<vmem>> -> memref<128xi32, #tpu.memory_space<vmem>>
    %dma_start3A_57 = arith.constant 0 : i32
    %dma_start3A_58 = tpu.memref_slice %arg4[%add3A_46, %dma_start3A_57] : memref<2560x128xi32, #tpu.memory_space<hbm>> -> memref<1x128xi32, #tpu.memory_space<hbm>>
    %dma_start3A_59 = tpu.memref_squeeze %dma_start3A_58 : memref<1x128xi32, #tpu.memory_space<hbm>> -> memref<128xi32, #tpu.memory_space<hbm>>
    tpu.enqueue_dma source(%dma_start3A_59 : memref<128xi32, #tpu.memory_space<hbm>>) target(%dma_start3A_56 : memref<128xi32, #tpu.memory_space<vmem>>) target_semaphore(%arg23 : memref<!tpu.dma_semaphore, #tpu.memory_space<semaphore_mem>>)
    %mul3A_60 = arith.constant 80 : i32
    %mul3A_61 = arith.muli %add3A, %mul3A_60 : i32
    %add3A_62 = arith.constant 1 : i32
    %add3A_63 = arith.addi %mul3A_61, %add3A_62 : i32
    %dma_start3A_64 = arith.constant 1 : i32
    %dma_start3A_65 = arith.constant 0 : i32
    %dma_start3A_66 = tpu.memref_slice %arg7[%dma_start3A_64, %dma_start3A_65] : memref<8x128xi32, #tpu.memory_space<vmem>> -> memref<1x128xi32, #tpu.memory_space<vmem>>
    %dma_start3A_67 = tpu.memref_squeeze %dma_start3A_66 : memref<1x128xi32, #tpu.memory_space<vmem>> -> memref<128xi32, #tpu.memory_space<vmem>>
    %dma_start3A_68 = arith.constant 0 : i32
    %dma_start3A_69 = tpu.memref_slice %arg3[%add3A_63, %dma_start3A_68] : memref<2560x128xi32, #tpu.memory_space<hbm>> -> memref<1x128xi32, #tpu.memory_space<hbm>>
    %dma_start3A_70 = tpu.memref_squeeze %dma_start3A_69 : memref<1x128xi32, #tpu.memory_space<hbm>> -> memref<128xi32, #tpu.memory_space<hbm>>
    %dma_start3A_71 = arith.constant 0 : i32
    %dma_start3A_72 = tpu.memref_slice %arg7[%dma_start3A_64, %dma_start3A_71] : memref<8x128xi32, #tpu.memory_space<vmem>> -> memref<1x128xi32, #tpu.memory_space<vmem>>
    %dma_start3A_73 = tpu.memref_squeeze %dma_start3A_72 : memref<1x128xi32, #tpu.memory_space<vmem>> -> memref<128xi32, #tpu.memory_space<vmem>>
    %dma_start3A_74 = arith.constant 0 : i32
    %dma_start3A_75 = tpu.memref_slice %arg3[%add3A_63, %dma_start3A_74] : memref<2560x128xi32, #tpu.memory_space<hbm>> -> memref<1x128xi32, #tpu.memory_space<hbm>>
    %dma_start3A_76 = tpu.memref_squeeze %dma_start3A_75 : memref<1x128xi32, #tpu.memory_space<hbm>> -> memref<128xi32, #tpu.memory_space<hbm>>
    tpu.enqueue_dma source(%dma_start3A_76 : memref<128xi32, #tpu.memory_space<hbm>>) target(%dma_start3A_73 : memref<128xi32, #tpu.memory_space<vmem>>) target_semaphore(%arg16 : memref<!tpu.dma_semaphore, #tpu.memory_space<semaphore_mem>>)
    %mul3A_77 = arith.constant 80 : i32
    %mul3A_78 = arith.muli %add3A, %mul3A_77 : i32
    %add3A_79 = arith.constant 1 : i32
    %add3A_80 = arith.addi %mul3A_78, %add3A_79 : i32
    %dma_start3A_81 = arith.constant 1 : i32
    %dma_start3A_82 = arith.constant 0 : i32
    %dma_start3A_83 = tpu.memref_slice %arg8[%dma_start3A_81, %dma_start3A_82] : memref<8x128xi32, #tpu.memory_space<vmem>> -> memref<1x128xi32, #tpu.memory_space<vmem>>
    %dma_start3A_84 = tpu.memref_squeeze %dma_start3A_83 : memref<1x128xi32, #tpu.memory_space<vmem>> -> memref<128xi32, #tpu.memory_space<vmem>>
    %dma_start3A_85 = arith.constant 0 : i32
    %dma_start3A_86 = tpu.memref_slice %arg4[%add3A_80, %dma_start3A_85] : memref<2560x128xi32, #tpu.memory_space<hbm>> -> memref<1x128xi32, #tpu.memory_space<hbm>>
    %dma_start3A_87 = tpu.memref_squeeze %dma_start3A_86 : memref<1x128xi32, #tpu.memory_space<hbm>> -> memref<128xi32, #tpu.memory_space<hbm>>
    %dma_start3A_88 = arith.constant 0 : i32
    %dma_start3A_89 = tpu.memref_slice %arg8[%dma_start3A_81, %dma_start3A_88] : memref<8x128xi32, #tpu.memory_space<vmem>> -> memref<1x128xi32, #tpu.memory_space<vmem>>
    %dma_start3A_90 = tpu.memref_squeeze %dma_start3A_89 : memref<1x128xi32, #tpu.memory_space<vmem>> -> memref<128xi32, #tpu.memory_space<vmem>>
    %dma_start3A_91 = arith.constant 0 : i32
    %dma_start3A_92 = tpu.memref_slice %arg4[%add3A_80, %dma_start3A_91] : memref<2560x128xi32, #tpu.memory_space<hbm>> -> memref<1x128xi32, #tpu.memory_space<hbm>>
    %dma_start3A_93 = tpu.memref_squeeze %dma_start3A_92 : memref<1x128xi32, #tpu.memory_space<hbm>> -> memref<128xi32, #tpu.memory_space<hbm>>
    tpu.enqueue_dma source(%dma_start3A_93 : memref<128xi32, #tpu.memory_space<hbm>>) target(%dma_start3A_90 : memref<128xi32, #tpu.memory_space<vmem>>) target_semaphore(%arg24 : memref<!tpu.dma_semaphore, #tpu.memory_space<semaphore_mem>>)
    %mul3A_94 = arith.constant 80 : i32
    %mul3A_95 = arith.muli %add3A, %mul3A_94 : i32
    %add3A_96 = arith.constant 2 : i32
    %add3A_97 = arith.addi %mul3A_95, %add3A_96 : i32
    %dma_start3A_98 = arith.constant 2 : i32
    %dma_start3A_99 = arith.constant 0 : i32
    %dma_start3A_100 = tpu.memref_slice %arg7[%dma_start3A_98, %dma_start3A_99] : memref<8x128xi32, #tpu.memory_space<vmem>> -> memref<1x128xi32, #tpu.memory_space<vmem>>
    %dma_start3A_101 = tpu.memref_squeeze %dma_start3A_100 : memref<1x128xi32, #tpu.memory_space<vmem>> -> memref<128xi32, #tpu.memory_space<vmem>>
    %dma_start3A_102 = arith.constant 0 : i32
    %dma_start3A_103 = tpu.memref_slice %arg3[%add3A_97, %dma_start3A_102] : memref<2560x128xi32, #tpu.memory_space<hbm>> -> memref<1x128xi32, #tpu.memory_space<hbm>>
    %dma_start3A_104 = tpu.memref_squeeze %dma_start3A_103 : memref<1x128xi32, #tpu.memory_space<hbm>> -> memref<128xi32, #tpu.memory_space<hbm>>
    %dma_start3A_105 = arith.constant 0 : i32
    %dma_start3A_106 = tpu.memref_slice %arg7[%dma_start3A_98, %dma_start3A_105] : memref<8x128xi32, #tpu.memory_space<vmem>> -> memref<1x128xi32, #tpu.memory_space<vmem>>
    %dma_start3A_107 = tpu.memref_squeeze %dma_start3A_106 : memref<1x128xi32, #tpu.memory_space<vmem>> -> memref<128xi32, #tpu.memory_space<vmem>>
    %dma_start3A_108 = arith.constant 0 : i32
    %dma_start3A_109 = tpu.memref_slice %arg3[%add3A_97, %dma_start3A_108] : memref<2560x128xi32, #tpu.memory_space<hbm>> -> memref<1x128xi32, #tpu.memory_space<hbm>>
    %dma_start3A_110 = tpu.memref_squeeze %dma_start3A_109 : memref<1x128xi32, #tpu.memory_space<hbm>> -> memref<128xi32, #tpu.memory_space<hbm>>
    tpu.enqueue_dma source(%dma_start3A_110 : memref<128xi32, #tpu.memory_space<hbm>>) target(%dma_start3A_107 : memref<128xi32, #tpu.memory_space<vmem>>) target_semaphore(%arg17 : memref<!tpu.dma_semaphore, #tpu.memory_space<semaphore_mem>>)
    %mul3A_111 = arith.constant 80 : i32
    %mul3A_112 = arith.muli %add3A, %mul3A_111 : i32
    %add3A_113 = arith.constant 2 : i32
    %add3A_114 = arith.addi %mul3A_112, %add3A_113 : i32
    %dma_start3A_115 = arith.constant 2 : i32
    %dma_start3A_116 = arith.constant 0 : i32
    %dma_start3A_117 = tpu.memref_slice %arg8[%dma_start3A_115, %dma_start3A_116] : memref<8x128xi32, #tpu.memory_space<vmem>> -> memref<1x128xi32, #tpu.memory_space<vmem>>
    %dma_start3A_118 = tpu.memref_squeeze %dma_start3A_117 : memref<1x128xi32, #tpu.memory_space<vmem>> -> memref<128xi32, #tpu.memory_space<vmem>>
    %dma_start3A_119 = arith.constant 0 : i32
    %dma_start3A_120 = tpu.memref_slice %arg4[%add3A_114, %dma_start3A_119] : memref<2560x128xi32, #tpu.memory_space<hbm>> -> memref<1x128xi32, #tpu.memory_space<hbm>>
    %dma_start3A_121 = tpu.memref_squeeze %dma_start3A_120 : memref<1x128xi32, #tpu.memory_space<hbm>> -> memref<128xi32, #tpu.memory_space<hbm>>
    %dma_start3A_122 = arith.constant 0 : i32
    %dma_start3A_123 = tpu.memref_slice %arg8[%dma_start3A_115, %dma_start3A_122] : memref<8x128xi32, #tpu.memory_space<vmem>> -> memref<1x128xi32, #tpu.memory_space<vmem>>
    %dma_start3A_124 = tpu.memref_squeeze %dma_start3A_123 : memref<1x128xi32, #tpu.memory_space<vmem>> -> memref<128xi32, #tpu.memory_space<vmem>>
    %dma_start3A_125 = arith.constant 0 : i32
    %dma_start3A_126 = tpu.memref_slice %arg4[%add3A_114, %dma_start3A_125] : memref<2560x128xi32, #tpu.memory_space<hbm>> -> memref<1x128xi32, #tpu.memory_space<hbm>>
    %dma_start3A_127 = tpu.memref_squeeze %dma_start3A_126 : memref<1x128xi32, #tpu.memory_space<hbm>> -> memref<128xi32, #tpu.memory_space<hbm>>
    tpu.enqueue_dma source(%dma_start3A_127 : memref<128xi32, #tpu.memory_space<hbm>>) target(%dma_start3A_124 : memref<128xi32, #tpu.memory_space<vmem>>) target_semaphore(%arg25 : memref<!tpu.dma_semaphore, #tpu.memory_space<semaphore_mem>>)
    %mul3A_128 = arith.constant 80 : i32
    %mul3A_129 = arith.muli %add3A, %mul3A_128 : i32
    %add3A_130 = arith.constant 3 : i32
    %add3A_131 = arith.addi %mul3A_129, %add3A_130 : i32
    %dma_start3A_132 = arith.constant 3 : i32
    %dma_start3A_133 = arith.constant 0 : i32
    %dma_start3A_134 = tpu.memref_slice %arg7[%dma_start3A_132, %dma_start3A_133] : memref<8x128xi32, #tpu.memory_space<vmem>> -> memref<1x128xi32, #tpu.memory_space<vmem>>
    %dma_start3A_135 = tpu.memref_squeeze %dma_start3A_134 : memref<1x128xi32, #tpu.memory_space<vmem>> -> memref<128xi32, #tpu.memory_space<vmem>>
    %dma_start3A_136 = arith.constant 0 : i32
    %dma_start3A_137 = tpu.memref_slice %arg3[%add3A_131, %dma_start3A_136] : memref<2560x128xi32, #tpu.memory_space<hbm>> -> memref<1x128xi32, #tpu.memory_space<hbm>>
    %dma_start3A_138 = tpu.memref_squeeze %dma_start3A_137 : memref<1x128xi32, #tpu.memory_space<hbm>> -> memref<128xi32, #tpu.memory_space<hbm>>
    %dma_start3A_139 = arith.constant 0 : i32
    %dma_start3A_140 = tpu.memref_slice %arg7[%dma_start3A_132, %dma_start3A_139] : memref<8x128xi32, #tpu.memory_space<vmem>> -> memref<1x128xi32, #tpu.memory_space<vmem>>
    %dma_start3A_141 = tpu.memref_squeeze %dma_start3A_140 : memref<1x128xi32, #tpu.memory_space<vmem>> -> memref<128xi32, #tpu.memory_space<vmem>>
    %dma_start3A_142 = arith.constant 0 : i32
    %dma_start3A_143 = tpu.memref_slice %arg3[%add3A_131, %dma_start3A_142] : memref<2560x128xi32, #tpu.memory_space<hbm>> -> memref<1x128xi32, #tpu.memory_space<hbm>>
    %dma_start3A_144 = tpu.memref_squeeze %dma_start3A_143 : memref<1x128xi32, #tpu.memory_space<hbm>> -> memref<128xi32, #tpu.memory_space<hbm>>
    tpu.enqueue_dma source(%dma_start3A_144 : memref<128xi32, #tpu.memory_space<hbm>>) target(%dma_start3A_141 : memref<128xi32, #tpu.memory_space<vmem>>) target_semaphore(%arg18 : memref<!tpu.dma_semaphore, #tpu.memory_space<semaphore_mem>>)
    %mul3A_145 = arith.constant 80 : i32
    %mul3A_146 = arith.muli %add3A, %mul3A_145 : i32
    %add3A_147 = arith.constant 3 : i32
    %add3A_148 = arith.addi %mul3A_146, %add3A_147 : i32
    %dma_start3A_149 = arith.constant 3 : i32
    %dma_start3A_150 = arith.constant 0 : i32
    %dma_start3A_151 = tpu.memref_slice %arg8[%dma_start3A_149, %dma_start3A_150] : memref<8x128xi32, #tpu.memory_space<vmem>> -> memref<1x128xi32, #tpu.memory_space<vmem>>
    %dma_start3A_152 = tpu.memref_squeeze %dma_start3A_151 : memref<1x128xi32, #tpu.memory_space<vmem>> -> memref<128xi32, #tpu.memory_space<vmem>>
    %dma_start3A_153 = arith.constant 0 : i32
    %dma_start3A_154 = tpu.memref_slice %arg4[%add3A_148, %dma_start3A_153] : memref<2560x128xi32, #tpu.memory_space<hbm>> -> memref<1x128xi32, #tpu.memory_space<hbm>>
    %dma_start3A_155 = tpu.memref_squeeze %dma_start3A_154 : memref<1x128xi32, #tpu.memory_space<hbm>> -> memref<128xi32, #tpu.memory_space<hbm>>
    %dma_start3A_156 = arith.constant 0 : i32
    %dma_start3A_157 = tpu.memref_slice %arg8[%dma_start3A_149, %dma_start3A_156] : memref<8x128xi32, #tpu.memory_space<vmem>> -> memref<1x128xi32, #tpu.memory_space<vmem>>
    %dma_start3A_158 = tpu.memref_squeeze %dma_start3A_157 : memref<1x128xi32, #tpu.memory_space<vmem>> -> memref<128xi32, #tpu.memory_space<vmem>>
    %dma_start3A_159 = arith.constant 0 : i32
    %dma_start3A_160 = tpu.memref_slice %arg4[%add3A_148, %dma_start3A_159] : memref<2560x128xi32, #tpu.memory_space<hbm>> -> memref<1x128xi32, #tpu.memory_space<hbm>>
    %dma_start3A_161 = tpu.memref_squeeze %dma_start3A_160 : memref<1x128xi32, #tpu.memory_space<hbm>> -> memref<128xi32, #tpu.memory_space<hbm>>
    tpu.enqueue_dma source(%dma_start3A_161 : memref<128xi32, #tpu.memory_space<hbm>>) target(%dma_start3A_158 : memref<128xi32, #tpu.memory_space<vmem>>) target_semaphore(%arg26 : memref<!tpu.dma_semaphore, #tpu.memory_space<semaphore_mem>>)
    %mul3A_162 = arith.constant 80 : i32
    %mul3A_163 = arith.muli %add3A, %mul3A_162 : i32
    %add3A_164 = arith.constant 4 : i32
    %add3A_165 = arith.addi %mul3A_163, %add3A_164 : i32
    %dma_start3A_166 = arith.constant 4 : i32
    %dma_start3A_167 = arith.constant 0 : i32
    %dma_start3A_168 = tpu.memref_slice %arg7[%dma_start3A_166, %dma_start3A_167] : memref<8x128xi32, #tpu.memory_space<vmem>> -> memref<1x128xi32, #tpu.memory_space<vmem>>
    %dma_start3A_169 = tpu.memref_squeeze %dma_start3A_168 : memref<1x128xi32, #tpu.memory_space<vmem>> -> memref<128xi32, #tpu.memory_space<vmem>>
    %dma_start3A_170 = arith.constant 0 : i32
    %dma_start3A_171 = tpu.memref_slice %arg3[%add3A_165, %dma_start3A_170] : memref<2560x128xi32, #tpu.memory_space<hbm>> -> memref<1x128xi32, #tpu.memory_space<hbm>>
    %dma_start3A_172 = tpu.memref_squeeze %dma_start3A_171 : memref<1x128xi32, #tpu.memory_space<hbm>> -> memref<128xi32, #tpu.memory_space<hbm>>
    %dma_start3A_173 = arith.constant 0 : i32
    %dma_start3A_174 = tpu.memref_slice %arg7[%dma_start3A_166, %dma_start3A_173] : memref<8x128xi32, #tpu.memory_space<vmem>> -> memref<1x128xi32, #tpu.memory_space<vmem>>
    %dma_start3A_175 = tpu.memref_squeeze %dma_start3A_174 : memref<1x128xi32, #tpu.memory_space<vmem>> -> memref<128xi32, #tpu.memory_space<vmem>>
    %dma_start3A_176 = arith.constant 0 : i32
    %dma_start3A_177 = tpu.memref_slice %arg3[%add3A_165, %dma_start3A_176] : memref<2560x128xi32, #tpu.memory_space<hbm>> -> memref<1x128xi32, #tpu.memory_space<hbm>>
    %dma_start3A_178 = tpu.memref_squeeze %dma_start3A_177 : memref<1x128xi32, #tpu.memory_space<hbm>> -> memref<128xi32, #tpu.memory_space<hbm>>
    tpu.enqueue_dma source(%dma_start3A_178 : memref<128xi32, #tpu.memory_space<hbm>>) target(%dma_start3A_175 : memref<128xi32, #tpu.memory_space<vmem>>) target_semaphore(%arg19 : memref<!tpu.dma_semaphore, #tpu.memory_space<semaphore_mem>>)
    %mul3A_179 = arith.constant 80 : i32
    %mul3A_180 = arith.muli %add3A, %mul3A_179 : i32
    %add3A_181 = arith.constant 4 : i32
    %add3A_182 = arith.addi %mul3A_180, %add3A_181 : i32
    %dma_start3A_183 = arith.constant 4 : i32
    %dma_start3A_184 = arith.constant 0 : i32
    %dma_start3A_185 = tpu.memref_slice %arg8[%dma_start3A_183, %dma_start3A_184] : memref<8x128xi32, #tpu.memory_space<vmem>> -> memref<1x128xi32, #tpu.memory_space<vmem>>
    %dma_start3A_186 = tpu.memref_squeeze %dma_start3A_185 : memref<1x128xi32, #tpu.memory_space<vmem>> -> memref<128xi32, #tpu.memory_space<vmem>>
    %dma_start3A_187 = arith.constant 0 : i32
    %dma_start3A_188 = tpu.memref_slice %arg4[%add3A_182, %dma_start3A_187] : memref<2560x128xi32, #tpu.memory_space<hbm>> -> memref<1x128xi32, #tpu.memory_space<hbm>>
    %dma_start3A_189 = tpu.memref_squeeze %dma_start3A_188 : memref<1x128xi32, #tpu.memory_space<hbm>> -> memref<128xi32, #tpu.memory_space<hbm>>
    %dma_start3A_190 = arith.constant 0 : i32
    %dma_start3A_191 = tpu.memref_slice %arg8[%dma_start3A_183, %dma_start3A_190] : memref<8x128xi32, #tpu.memory_space<vmem>> -> memref<1x128xi32, #tpu.memory_space<vmem>>
    %dma_start3A_192 = tpu.memref_squeeze %dma_start3A_191 : memref<1x128xi32, #tpu.memory_space<vmem>> -> memref<128xi32, #tpu.memory_space<vmem>>
    %dma_start3A_193 = arith.constant 0 : i32
    %dma_start3A_194 = tpu.memref_slice %arg4[%add3A_182, %dma_start3A_193] : memref<2560x128xi32, #tpu.memory_space<hbm>> -> memref<1x128xi32, #tpu.memory_space<hbm>>
    %dma_start3A_195 = tpu.memref_squeeze %dma_start3A_194 : memref<1x128xi32, #tpu.memory_space<hbm>> -> memref<128xi32, #tpu.memory_space<hbm>>
    tpu.enqueue_dma source(%dma_start3A_195 : memref<128xi32, #tpu.memory_space<hbm>>) target(%dma_start3A_192 : memref<128xi32, #tpu.memory_space<vmem>>) target_semaphore(%arg27 : memref<!tpu.dma_semaphore, #tpu.memory_space<semaphore_mem>>)
    %mul3A_196 = arith.constant 80 : i32
    %mul3A_197 = arith.muli %add3A, %mul3A_196 : i32
    %add3A_198 = arith.constant 5 : i32
    %add3A_199 = arith.addi %mul3A_197, %add3A_198 : i32
    %dma_start3A_200 = arith.constant 5 : i32
    %dma_start3A_201 = arith.constant 0 : i32
    %dma_start3A_202 = tpu.memref_slice %arg7[%dma_start3A_200, %dma_start3A_201] : memref<8x128xi32, #tpu.memory_space<vmem>> -> memref<1x128xi32, #tpu.memory_space<vmem>>
    %dma_start3A_203 = tpu.memref_squeeze %dma_start3A_202 : memref<1x128xi32, #tpu.memory_space<vmem>> -> memref<128xi32, #tpu.memory_space<vmem>>
    %dma_start3A_204 = arith.constant 0 : i32
    %dma_start3A_205 = tpu.memref_slice %arg3[%add3A_199, %dma_start3A_204] : memref<2560x128xi32, #tpu.memory_space<hbm>> -> memref<1x128xi32, #tpu.memory_space<hbm>>
    %dma_start3A_206 = tpu.memref_squeeze %dma_start3A_205 : memref<1x128xi32, #tpu.memory_space<hbm>> -> memref<128xi32, #tpu.memory_space<hbm>>
    %dma_start3A_207 = arith.constant 0 : i32
    %dma_start3A_208 = tpu.memref_slice %arg7[%dma_start3A_200, %dma_start3A_207] : memref<8x128xi32, #tpu.memory_space<vmem>> -> memref<1x128xi32, #tpu.memory_space<vmem>>
    %dma_start3A_209 = tpu.memref_squeeze %dma_start3A_208 : memref<1x128xi32, #tpu.memory_space<vmem>> -> memref<128xi32, #tpu.memory_space<vmem>>
    %dma_start3A_210 = arith.constant 0 : i32
    %dma_start3A_211 = tpu.memref_slice %arg3[%add3A_199, %dma_start3A_210] : memref<2560x128xi32, #tpu.memory_space<hbm>> -> memref<1x128xi32, #tpu.memory_space<hbm>>
    %dma_start3A_212 = tpu.memref_squeeze %dma_start3A_211 : memref<1x128xi32, #tpu.memory_space<hbm>> -> memref<128xi32, #tpu.memory_space<hbm>>
    tpu.enqueue_dma source(%dma_start3A_212 : memref<128xi32, #tpu.memory_space<hbm>>) target(%dma_start3A_209 : memref<128xi32, #tpu.memory_space<vmem>>) target_semaphore(%arg20 : memref<!tpu.dma_semaphore, #tpu.memory_space<semaphore_mem>>)
    %mul3A_213 = arith.constant 80 : i32
    %mul3A_214 = arith.muli %add3A, %mul3A_213 : i32
    %add3A_215 = arith.constant 5 : i32
    %add3A_216 = arith.addi %mul3A_214, %add3A_215 : i32
    %dma_start3A_217 = arith.constant 5 : i32
    %dma_start3A_218 = arith.constant 0 : i32
    %dma_start3A_219 = tpu.memref_slice %arg8[%dma_start3A_217, %dma_start3A_218] : memref<8x128xi32, #tpu.memory_space<vmem>> -> memref<1x128xi32, #tpu.memory_space<vmem>>
    %dma_start3A_220 = tpu.memref_squeeze %dma_start3A_219 : memref<1x128xi32, #tpu.memory_space<vmem>> -> memref<128xi32, #tpu.memory_space<vmem>>
    %dma_start3A_221 = arith.constant 0 : i32
    %dma_start3A_222 = tpu.memref_slice %arg4[%add3A_216, %dma_start3A_221] : memref<2560x128xi32, #tpu.memory_space<hbm>> -> memref<1x128xi32, #tpu.memory_space<hbm>>
    %dma_start3A_223 = tpu.memref_squeeze %dma_start3A_222 : memref<1x128xi32, #tpu.memory_space<hbm>> -> memref<128xi32, #tpu.memory_space<hbm>>
    %dma_start3A_224 = arith.constant 0 : i32
    %dma_start3A_225 = tpu.memref_slice %arg8[%dma_start3A_217, %dma_start3A_224] : memref<8x128xi32, #tpu.memory_space<vmem>> -> memref<1x128xi32, #tpu.memory_space<vmem>>
    %dma_start3A_226 = tpu.memref_squeeze %dma_start3A_225 : memref<1x128xi32, #tpu.memory_space<vmem>> -> memref<128xi32, #tpu.memory_space<vmem>>
    %dma_start3A_227 = arith.constant 0 : i32
    %dma_start3A_228 = tpu.memref_slice %arg4[%add3A_216, %dma_start3A_227] : memref<2560x128xi32, #tpu.memory_space<hbm>> -> memref<1x128xi32, #tpu.memory_space<hbm>>
    %dma_start3A_229 = tpu.memref_squeeze %dma_start3A_228 : memref<1x128xi32, #tpu.memory_space<hbm>> -> memref<128xi32, #tpu.memory_space<hbm>>
    tpu.enqueue_dma source(%dma_start3A_229 : memref<128xi32, #tpu.memory_space<hbm>>) target(%dma_start3A_226 : memref<128xi32, #tpu.memory_space<vmem>>) target_semaphore(%arg28 : memref<!tpu.dma_semaphore, #tpu.memory_space<semaphore_mem>>)
    %mul3A_230 = arith.constant 80 : i32
    %mul3A_231 = arith.muli %add3A, %mul3A_230 : i32
    %add3A_232 = arith.constant 6 : i32
    %add3A_233 = arith.addi %mul3A_231, %add3A_232 : i32
    %dma_start3A_234 = arith.constant 6 : i32
    %dma_start3A_235 = arith.constant 0 : i32
    %dma_start3A_236 = tpu.memref_slice %arg7[%dma_start3A_234, %dma_start3A_235] : memref<8x128xi32, #tpu.memory_space<vmem>> -> memref<1x128xi32, #tpu.memory_space<vmem>>
    %dma_start3A_237 = tpu.memref_squeeze %dma_start3A_236 : memref<1x128xi32, #tpu.memory_space<vmem>> -> memref<128xi32, #tpu.memory_space<vmem>>
    %dma_start3A_238 = arith.constant 0 : i32
    %dma_start3A_239 = tpu.memref_slice %arg3[%add3A_233, %dma_start3A_238] : memref<2560x128xi32, #tpu.memory_space<hbm>> -> memref<1x128xi32, #tpu.memory_space<hbm>>
    %dma_start3A_240 = tpu.memref_squeeze %dma_start3A_239 : memref<1x128xi32, #tpu.memory_space<hbm>> -> memref<128xi32, #tpu.memory_space<hbm>>
    %dma_start3A_241 = arith.constant 0 : i32
    %dma_start3A_242 = tpu.memref_slice %arg7[%dma_start3A_234, %dma_start3A_241] : memref<8x128xi32, #tpu.memory_space<vmem>> -> memref<1x128xi32, #tpu.memory_space<vmem>>
    %dma_start3A_243 = tpu.memref_squeeze %dma_start3A_242 : memref<1x128xi32, #tpu.memory_space<vmem>> -> memref<128xi32, #tpu.memory_space<vmem>>
    %dma_start3A_244 = arith.constant 0 : i32
    %dma_start3A_245 = tpu.memref_slice %arg3[%add3A_233, %dma_start3A_244] : memref<2560x128xi32, #tpu.memory_space<hbm>> -> memref<1x128xi32, #tpu.memory_space<hbm>>
    %dma_start3A_246 = tpu.memref_squeeze %dma_start3A_245 : memref<1x128xi32, #tpu.memory_space<hbm>> -> memref<128xi32, #tpu.memory_space<hbm>>
    tpu.enqueue_dma source(%dma_start3A_246 : memref<128xi32, #tpu.memory_space<hbm>>) target(%dma_start3A_243 : memref<128xi32, #tpu.memory_space<vmem>>) target_semaphore(%arg21 : memref<!tpu.dma_semaphore, #tpu.memory_space<semaphore_mem>>)
    %mul3A_247 = arith.constant 80 : i32
    %mul3A_248 = arith.muli %add3A, %mul3A_247 : i32
    %add3A_249 = arith.constant 6 : i32
    %add3A_250 = arith.addi %mul3A_248, %add3A_249 : i32
    %dma_start3A_251 = arith.constant 6 : i32
    %dma_start3A_252 = arith.constant 0 : i32
    %dma_start3A_253 = tpu.memref_slice %arg8[%dma_start3A_251, %dma_start3A_252] : memref<8x128xi32, #tpu.memory_space<vmem>> -> memref<1x128xi32, #tpu.memory_space<vmem>>
    %dma_start3A_254 = tpu.memref_squeeze %dma_start3A_253 : memref<1x128xi32, #tpu.memory_space<vmem>> -> memref<128xi32, #tpu.memory_space<vmem>>
    %dma_start3A_255 = arith.constant 0 : i32
    %dma_start3A_256 = tpu.memref_slice %arg4[%add3A_250, %dma_start3A_255] : memref<2560x128xi32, #tpu.memory_space<hbm>> -> memref<1x128xi32, #tpu.memory_space<hbm>>
    %dma_start3A_257 = tpu.memref_squeeze %dma_start3A_256 : memref<1x128xi32, #tpu.memory_space<hbm>> -> memref<128xi32, #tpu.memory_space<hbm>>
    %dma_start3A_258 = arith.constant 0 : i32
    %dma_start3A_259 = tpu.memref_slice %arg8[%dma_start3A_251, %dma_start3A_258] : memref<8x128xi32, #tpu.memory_space<vmem>> -> memref<1x128xi32, #tpu.memory_space<vmem>>
    %dma_start3A_260 = tpu.memref_squeeze %dma_start3A_259 : memref<1x128xi32, #tpu.memory_space<vmem>> -> memref<128xi32, #tpu.memory_space<vmem>>
    %dma_start3A_261 = arith.constant 0 : i32
    %dma_start3A_262 = tpu.memref_slice %arg4[%add3A_250, %dma_start3A_261] : memref<2560x128xi32, #tpu.memory_space<hbm>> -> memref<1x128xi32, #tpu.memory_space<hbm>>
    %dma_start3A_263 = tpu.memref_squeeze %dma_start3A_262 : memref<1x128xi32, #tpu.memory_space<hbm>> -> memref<128xi32, #tpu.memory_space<hbm>>
    tpu.enqueue_dma source(%dma_start3A_263 : memref<128xi32, #tpu.memory_space<hbm>>) target(%dma_start3A_260 : memref<128xi32, #tpu.memory_space<vmem>>) target_semaphore(%arg29 : memref<!tpu.dma_semaphore, #tpu.memory_space<semaphore_mem>>)
    %mul3A_264 = arith.constant 80 : i32
    %mul3A_265 = arith.muli %add3A, %mul3A_264 : i32
    %add3A_266 = arith.constant 7 : i32
    %add3A_267 = arith.addi %mul3A_265, %add3A_266 : i32
    %dma_start3A_268 = arith.constant 7 : i32
    %dma_start3A_269 = arith.constant 0 : i32
    %dma_start3A_270 = tpu.memref_slice %arg7[%dma_start3A_268, %dma_start3A_269] : memref<8x128xi32, #tpu.memory_space<vmem>> -> memref<1x128xi32, #tpu.memory_space<vmem>>
    %dma_start3A_271 = tpu.memref_squeeze %dma_start3A_270 : memref<1x128xi32, #tpu.memory_space<vmem>> -> memref<128xi32, #tpu.memory_space<vmem>>
    %dma_start3A_272 = arith.constant 0 : i32
    %dma_start3A_273 = tpu.memref_slice %arg3[%add3A_267, %dma_start3A_272] : memref<2560x128xi32, #tpu.memory_space<hbm>> -> memref<1x128xi32, #tpu.memory_space<hbm>>
    %dma_start3A_274 = tpu.memref_squeeze %dma_start3A_273 : memref<1x128xi32, #tpu.memory_space<hbm>> -> memref<128xi32, #tpu.memory_space<hbm>>
    %dma_start3A_275 = arith.constant 0 : i32
    %dma_start3A_276 = tpu.memref_slice %arg7[%dma_start3A_268, %dma_start3A_275] : memref<8x128xi32, #tpu.memory_space<vmem>> -> memref<1x128xi32, #tpu.memory_space<vmem>>
    %dma_start3A_277 = tpu.memref_squeeze %dma_start3A_276 : memref<1x128xi32, #tpu.memory_space<vmem>> -> memref<128xi32, #tpu.memory_space<vmem>>
    %dma_start3A_278 = arith.constant 0 : i32
    %dma_start3A_279 = tpu.memref_slice %arg3[%add3A_267, %dma_start3A_278] : memref<2560x128xi32, #tpu.memory_space<hbm>> -> memref<1x128xi32, #tpu.memory_space<hbm>>
    %dma_start3A_280 = tpu.memref_squeeze %dma_start3A_279 : memref<1x128xi32, #tpu.memory_space<hbm>> -> memref<128xi32, #tpu.memory_space<hbm>>
    tpu.enqueue_dma source(%dma_start3A_280 : memref<128xi32, #tpu.memory_space<hbm>>) target(%dma_start3A_277 : memref<128xi32, #tpu.memory_space<vmem>>) target_semaphore(%arg22 : memref<!tpu.dma_semaphore, #tpu.memory_space<semaphore_mem>>)
    %mul3A_281 = arith.constant 80 : i32
    %mul3A_282 = arith.muli %add3A, %mul3A_281 : i32
    %add3A_283 = arith.constant 7 : i32
    %add3A_284 = arith.addi %mul3A_282, %add3A_283 : i32
    %dma_start3A_285 = arith.constant 7 : i32
    %dma_start3A_286 = arith.constant 0 : i32
    %dma_start3A_287 = tpu.memref_slice %arg8[%dma_start3A_285, %dma_start3A_286] : memref<8x128xi32, #tpu.memory_space<vmem>> -> memref<1x128xi32, #tpu.memory_space<vmem>>
    %dma_start3A_288 = tpu.memref_squeeze %dma_start3A_287 : memref<1x128xi32, #tpu.memory_space<vmem>> -> memref<128xi32, #tpu.memory_space<vmem>>
    %dma_start3A_289 = arith.constant 0 : i32
    %dma_start3A_290 = tpu.memref_slice %arg4[%add3A_284, %dma_start3A_289] : memref<2560x128xi32, #tpu.memory_space<hbm>> -> memref<1x128xi32, #tpu.memory_space<hbm>>
    %dma_start3A_291 = tpu.memref_squeeze %dma_start3A_290 : memref<1x128xi32, #tpu.memory_space<hbm>> -> memref<128xi32, #tpu.memory_space<hbm>>
    %dma_start3A_292 = arith.constant 0 : i32
    %dma_start3A_293 = tpu.memref_slice %arg8[%dma_start3A_285, %dma_start3A_292] : memref<8x128xi32, #tpu.memory_space<vmem>> -> memref<1x128xi32, #tpu.memory_space<vmem>>
    %dma_start3A_294 = tpu.memref_squeeze %dma_start3A_293 : memref<1x128xi32, #tpu.memory_space<vmem>> -> memref<128xi32, #tpu.memory_space<vmem>>
    %dma_start3A_295 = arith.constant 0 : i32
    %dma_start3A_296 = tpu.memref_slice %arg4[%add3A_284, %dma_start3A_295] : memref<2560x128xi32, #tpu.memory_space<hbm>> -> memref<1x128xi32, #tpu.memory_space<hbm>>
    %dma_start3A_297 = tpu.memref_squeeze %dma_start3A_296 : memref<1x128xi32, #tpu.memory_space<hbm>> -> memref<128xi32, #tpu.memory_space<hbm>>
    tpu.enqueue_dma source(%dma_start3A_297 : memref<128xi32, #tpu.memory_space<hbm>>) target(%dma_start3A_294 : memref<128xi32, #tpu.memory_space<vmem>>) target_semaphore(%arg30 : memref<!tpu.dma_semaphore, #tpu.memory_space<semaphore_mem>>)
    %barrier3A = arith.constant 0 : index
    tpu.barrier barrier_id(%barrier3A)
    %dma_wait3A = arith.constant 0 : i32
    %dma_wait3A_298 = arith.constant 0 : i32
    %dma_wait3A_299 = arith.constant 0 : i32
    %dma_wait3A_300 = tpu.memref_slice %arg7[%dma_wait3A_298, %dma_wait3A_299] : memref<8x128xi32, #tpu.memory_space<vmem>> -> memref<1x128xi32, #tpu.memory_space<vmem>>
    %dma_wait3A_301 = tpu.memref_squeeze %dma_wait3A_300 : memref<1x128xi32, #tpu.memory_space<vmem>> -> memref<128xi32, #tpu.memory_space<vmem>>
    %dma_wait3A_302 = arith.constant 0 : i32
    %dma_wait3A_303 = tpu.memref_slice %arg3[%dma_wait3A, %dma_wait3A_302] : memref<2560x128xi32, #tpu.memory_space<hbm>> -> memref<1x128xi32, #tpu.memory_space<hbm>>
    %dma_wait3A_304 = tpu.memref_squeeze %dma_wait3A_303 : memref<1x128xi32, #tpu.memory_space<hbm>> -> memref<128xi32, #tpu.memory_space<hbm>>
    %dma_wait3A_305 = arith.constant 0 : i32
    %dma_wait3A_306 = tpu.memref_slice %arg7[%dma_wait3A_298, %dma_wait3A_305] : memref<8x128xi32, #tpu.memory_space<vmem>> -> memref<1x128xi32, #tpu.memory_space<vmem>>
    %dma_wait3A_307 = tpu.memref_squeeze %dma_wait3A_306 : memref<1x128xi32, #tpu.memory_space<vmem>> -> memref<128xi32, #tpu.memory_space<vmem>>
    %dma_wait3A_308 = arith.constant 0 : i32
    %dma_wait3A_309 = tpu.memref_slice %arg3[%dma_wait3A, %dma_wait3A_308] : memref<2560x128xi32, #tpu.memory_space<hbm>> -> memref<1x128xi32, #tpu.memory_space<hbm>>
    %dma_wait3A_310 = tpu.memref_squeeze %dma_wait3A_309 : memref<1x128xi32, #tpu.memory_space<hbm>> -> memref<128xi32, #tpu.memory_space<hbm>>
    tpu.wait_dma2 semaphore(%arg15 : memref<!tpu.dma_semaphore, #tpu.memory_space<semaphore_mem>>) src(%dma_wait3A_310 : memref<128xi32, #tpu.memory_space<hbm>>) dst(%dma_wait3A_307 : memref<128xi32, #tpu.memory_space<vmem>>)
    %dma_wait3A_311 = arith.constant 0 : i32
    %dma_wait3A_312 = arith.constant 0 : i32
    %dma_wait3A_313 = arith.constant 0 : i32
    %dma_wait3A_314 = tpu.memref_slice %arg8[%dma_wait3A_312, %dma_wait3A_313] : memref<8x128xi32, #tpu.memory_space<vmem>> -> memref<1x128xi32, #tpu.memory_space<vmem>>
    %dma_wait3A_315 = tpu.memref_squeeze %dma_wait3A_314 : memref<1x128xi32, #tpu.memory_space<vmem>> -> memref<128xi32, #tpu.memory_space<vmem>>
    %dma_wait3A_316 = arith.constant 0 : i32
    %dma_wait3A_317 = tpu.memref_slice %arg4[%dma_wait3A_311, %dma_wait3A_316] : memref<2560x128xi32, #tpu.memory_space<hbm>> -> memref<1x128xi32, #tpu.memory_space<hbm>>
    %dma_wait3A_318 = tpu.memref_squeeze %dma_wait3A_317 : memref<1x128xi32, #tpu.memory_space<hbm>> -> memref<128xi32, #tpu.memory_space<hbm>>
    %dma_wait3A_319 = arith.constant 0 : i32
    %dma_wait3A_320 = tpu.memref_slice %arg8[%dma_wait3A_312, %dma_wait3A_319] : memref<8x128xi32, #tpu.memory_space<vmem>> -> memref<1x128xi32, #tpu.memory_space<vmem>>
    %dma_wait3A_321 = tpu.memref_squeeze %dma_wait3A_320 : memref<1x128xi32, #tpu.memory_space<vmem>> -> memref<128xi32, #tpu.memory_space<vmem>>
    %dma_wait3A_322 = arith.constant 0 : i32
    %dma_wait3A_323 = tpu.memref_slice %arg4[%dma_wait3A_311, %dma_wait3A_322] : memref<2560x128xi32, #tpu.memory_space<hbm>> -> memref<1x128xi32, #tpu.memory_space<hbm>>
    %dma_wait3A_324 = tpu.memref_squeeze %dma_wait3A_323 : memref<1x128xi32, #tpu.memory_space<hbm>> -> memref<128xi32, #tpu.memory_space<hbm>>
    tpu.wait_dma2 semaphore(%arg23 : memref<!tpu.dma_semaphore, #tpu.memory_space<semaphore_mem>>) src(%dma_wait3A_324 : memref<128xi32, #tpu.memory_space<hbm>>) dst(%dma_wait3A_321 : memref<128xi32, #tpu.memory_space<vmem>>)
    %dma_start3A_325 = arith.constant 0 : i32
    %dma_start3A_326 = arith.constant 0 : i32
    %dma_start3A_327 = tpu.memref_slice %arg7[%dma_start3A_325, %dma_start3A_326] : memref<8x128xi32, #tpu.memory_space<vmem>> -> memref<1x128xi32, #tpu.memory_space<vmem>>
    %dma_start3A_328 = tpu.memref_squeeze %dma_start3A_327 : memref<1x128xi32, #tpu.memory_space<vmem>> -> memref<128xi32, #tpu.memory_space<vmem>>
    %dma_start3A_329 = arith.constant 0 : i32
    %dma_start3A_330 = arith.constant 0 : i32
    %dma_start3A_331 = tpu.memref_slice %arg2[%dma_start3A_329, %dma_start3A_330] : memref<10240x128xf32, #tpu.memory_space<hbm>> -> memref<10240x128xf32, #tpu.memory_space<hbm>>
    tpu.enqueue_indirect_dma source(%dma_start3A_331 : memref<10240x128xf32, #tpu.memory_space<hbm>>) target(%arg9 : memref<128x128xf32, #tpu.memory_space<vmem>>) offsets(%dma_start3A_328 : memref<128xi32, #tpu.memory_space<vmem>>) semaphore(%arg11 : memref<!tpu.dma_semaphore, #tpu.memory_space<semaphore_mem>>)
    %dma_wait3A_332 = arith.constant 0 : i32
    %dma_wait3A_333 = arith.constant 0 : i32
    %dma_wait3A_334 = arith.constant 0 : i32
    %dma_wait3A_335 = tpu.memref_slice %arg7[%dma_wait3A_333, %dma_wait3A_334] : memref<8x128xi32, #tpu.memory_space<vmem>> -> memref<1x128xi32, #tpu.memory_space<vmem>>
    %dma_wait3A_336 = tpu.memref_squeeze %dma_wait3A_335 : memref<1x128xi32, #tpu.memory_space<vmem>> -> memref<128xi32, #tpu.memory_space<vmem>>
    %dma_wait3A_337 = arith.constant 0 : i32
    %dma_wait3A_338 = tpu.memref_slice %arg3[%dma_wait3A_332, %dma_wait3A_337] : memref<2560x128xi32, #tpu.memory_space<hbm>> -> memref<1x128xi32, #tpu.memory_space<hbm>>
    %dma_wait3A_339 = tpu.memref_squeeze %dma_wait3A_338 : memref<1x128xi32, #tpu.memory_space<hbm>> -> memref<128xi32, #tpu.memory_space<hbm>>
    %dma_wait3A_340 = arith.constant 0 : i32
    %dma_wait3A_341 = tpu.memref_slice %arg7[%dma_wait3A_333, %dma_wait3A_340] : memref<8x128xi32, #tpu.memory_space<vmem>> -> memref<1x128xi32, #tpu.memory_space<vmem>>
    %dma_wait3A_342 = tpu.memref_squeeze %dma_wait3A_341 : memref<1x128xi32, #tpu.memory_space<vmem>> -> memref<128xi32, #tpu.memory_space<vmem>>
    %dma_wait3A_343 = arith.constant 0 : i32
    %dma_wait3A_344 = tpu.memref_slice %arg3[%dma_wait3A_332, %dma_wait3A_343] : memref<2560x128xi32, #tpu.memory_space<hbm>> -> memref<1x128xi32, #tpu.memory_space<hbm>>
    %dma_wait3A_345 = tpu.memref_squeeze %dma_wait3A_344 : memref<1x128xi32, #tpu.memory_space<hbm>> -> memref<128xi32, #tpu.memory_space<hbm>>
    tpu.wait_dma2 semaphore(%arg16 : memref<!tpu.dma_semaphore, #tpu.memory_space<semaphore_mem>>) src(%dma_wait3A_345 : memref<128xi32, #tpu.memory_space<hbm>>) dst(%dma_wait3A_342 : memref<128xi32, #tpu.memory_space<vmem>>)
    %dma_wait3A_346 = arith.constant 0 : i32
    %dma_wait3A_347 = arith.constant 0 : i32
    %dma_wait3A_348 = arith.constant 0 : i32
    %dma_wait3A_349 = tpu.memref_slice %arg8[%dma_wait3A_347, %dma_wait3A_348] : memref<8x128xi32, #tpu.memory_space<vmem>> -> memref<1x128xi32, #tpu.memory_space<vmem>>
    %dma_wait3A_350 = tpu.memref_squeeze %dma_wait3A_349 : memref<1x128xi32, #tpu.memory_space<vmem>> -> memref<128xi32, #tpu.memory_space<vmem>>
    %dma_wait3A_351 = arith.constant 0 : i32
    %dma_wait3A_352 = tpu.memref_slice %arg4[%dma_wait3A_346, %dma_wait3A_351] : memref<2560x128xi32, #tpu.memory_space<hbm>> -> memref<1x128xi32, #tpu.memory_space<hbm>>
    %dma_wait3A_353 = tpu.memref_squeeze %dma_wait3A_352 : memref<1x128xi32, #tpu.memory_space<hbm>> -> memref<128xi32, #tpu.memory_space<hbm>>
    %dma_wait3A_354 = arith.constant 0 : i32
    %dma_wait3A_355 = tpu.memref_slice %arg8[%dma_wait3A_347, %dma_wait3A_354] : memref<8x128xi32, #tpu.memory_space<vmem>> -> memref<1x128xi32, #tpu.memory_space<vmem>>
    %dma_wait3A_356 = tpu.memref_squeeze %dma_wait3A_355 : memref<1x128xi32, #tpu.memory_space<vmem>> -> memref<128xi32, #tpu.memory_space<vmem>>
    %dma_wait3A_357 = arith.constant 0 : i32
    %dma_wait3A_358 = tpu.memref_slice %arg4[%dma_wait3A_346, %dma_wait3A_357] : memref<2560x128xi32, #tpu.memory_space<hbm>> -> memref<1x128xi32, #tpu.memory_space<hbm>>
    %dma_wait3A_359 = tpu.memref_squeeze %dma_wait3A_358 : memref<1x128xi32, #tpu.memory_space<hbm>> -> memref<128xi32, #tpu.memory_space<hbm>>
    tpu.wait_dma2 semaphore(%arg24 : memref<!tpu.dma_semaphore, #tpu.memory_space<semaphore_mem>>) src(%dma_wait3A_359 : memref<128xi32, #tpu.memory_space<hbm>>) dst(%dma_wait3A_356 : memref<128xi32, #tpu.memory_space<vmem>>)
    %dma_start3A_360 = arith.constant 1 : i32
    %dma_start3A_361 = arith.constant 0 : i32
    %dma_start3A_362 = tpu.memref_slice %arg7[%dma_start3A_360, %dma_start3A_361] : memref<8x128xi32, #tpu.memory_space<vmem>> -> memref<1x128xi32, #tpu.memory_space<vmem>>
    %dma_start3A_363 = tpu.memref_squeeze %dma_start3A_362 : memref<1x128xi32, #tpu.memory_space<vmem>> -> memref<128xi32, #tpu.memory_space<vmem>>
    %dma_start3A_364 = arith.constant 0 : i32
    %dma_start3A_365 = arith.constant 0 : i32
    %dma_start3A_366 = tpu.memref_slice %arg2[%dma_start3A_364, %dma_start3A_365] : memref<10240x128xf32, #tpu.memory_space<hbm>> -> memref<10240x128xf32, #tpu.memory_space<hbm>>
    tpu.enqueue_indirect_dma source(%dma_start3A_366 : memref<10240x128xf32, #tpu.memory_space<hbm>>) target(%arg10 : memref<128x128xf32, #tpu.memory_space<vmem>>) offsets(%dma_start3A_363 : memref<128xi32, #tpu.memory_space<vmem>>) semaphore(%arg12 : memref<!tpu.dma_semaphore, #tpu.memory_space<semaphore_mem>>)
    %scan3A_367 = arith.constant 0 : i32
    %scan3A_368 = arith.constant 0 : i32
    %scan3A_369 = arith.constant 10 : i32
    %scan3A_370 = arith.addi %scan3A_368, %scan3A_369 : i32
    %scan3A_371 = arith.constant 1 : i32
    %scan3A_372 = scf.for %scan3A_393 = %scan3A_368 to %scan3A_370 step %scan3A_371 iter_args(%scan3A_394 = %scan3A_367) -> (i32)  : i32 {
      %mul3A_395 = arith.constant 8 : i32
      %mul3A_396 = arith.muli %scan3A_393, %mul3A_395 : i32
      %add3A_397 = arith.constant 0 : i32
      %add3A_398 = arith.addi %mul3A_396, %add3A_397 : i32
      %dma_wait3A_399 = arith.constant 0 : i32
      %dma_wait3A_400 = arith.constant 0 : i32
      %dma_wait3A_401 = tpu.memref_slice %arg7[%dma_wait3A_399, %dma_wait3A_400] : memref<8x128xi32, #tpu.memory_space<vmem>> -> memref<1x128xi32, #tpu.memory_space<vmem>>
      %dma_wait3A_402 = tpu.memref_squeeze %dma_wait3A_401 : memref<1x128xi32, #tpu.memory_space<vmem>> -> memref<128xi32, #tpu.memory_space<vmem>>
      %dma_wait3A_403 = arith.constant 0 : i32
      %dma_wait3A_404 = arith.constant 0 : i32
      %dma_wait3A_405 = tpu.memref_slice %arg2[%dma_wait3A_403, %dma_wait3A_404] : memref<10240x128xf32, #tpu.memory_space<hbm>> -> memref<10240x128xf32, #tpu.memory_space<hbm>>
      tpu.wait_indirect_dma semaphore(%arg11 : memref<!tpu.dma_semaphore, #tpu.memory_space<semaphore_mem>>) src(%dma_wait3A_405 : memref<10240x128xf32, #tpu.memory_space<hbm>>) dst(%arg9 : memref<128x128xf32, #tpu.memory_space<vmem>>)
      %dma_start3A_406 = arith.constant 0 : i32
      %dma_start3A_407 = arith.constant 0 : i32
      %dma_start3A_408 = tpu.memref_slice %arg8[%dma_start3A_406, %dma_start3A_407] : memref<8x128xi32, #tpu.memory_space<vmem>> -> memref<1x128xi32, #tpu.memory_space<vmem>>
      %dma_start3A_409 = tpu.memref_squeeze %dma_start3A_408 : memref<1x128xi32, #tpu.memory_space<vmem>> -> memref<128xi32, #tpu.memory_space<vmem>>
      %dma_start3A_410 = arith.constant 0 : i32
      %dma_start3A_411 = arith.constant 0 : i32
      %dma_start3A_412 = tpu.memref_slice %arg6[%dma_start3A_410, %dma_start3A_411] : memref<10240x128xf32, #tpu.memory_space<vmem_shared>> -> memref<10240x128xf32, #tpu.memory_space<vmem_shared>>
      tpu.enqueue_indirect_dma source(%arg9 : memref<128x128xf32, #tpu.memory_space<vmem>>) target(%dma_start3A_412 : memref<10240x128xf32, #tpu.memory_space<vmem_shared>>) offsets(%dma_start3A_409 : memref<128xi32, #tpu.memory_space<vmem>>) semaphore(%arg13 : memref<!tpu.dma_semaphore, #tpu.memory_space<semaphore_mem>>) {add = true}
      %add3A_413 = arith.constant 2 : i32
      %add3A_414 = arith.addi %add3A_398, %add3A_413 : i32
      %lt3A = arith.constant 80 : i32
      %lt3A_415 = arith.cmpi slt, %add3A_414, %lt3A : i32
      %convert_element_type3A = arith.extui %lt3A_415 : i1 to i32
      %cond3A = arith.constant 0 : i32
      %cond3A_416 = arith.cmpi ne, %convert_element_type3A, %cond3A : i32
      scf.if %cond3A_416 {
        %dma_wait3A_593 = arith.constant 0 : i32
        %dma_wait3A_594 = arith.constant 0 : i32
        %dma_wait3A_595 = tpu.memref_slice %arg8[%dma_wait3A_593, %dma_wait3A_594] : memref<8x128xi32, #tpu.memory_space<vmem>> -> memref<1x128xi32, #tpu.memory_space<vmem>>
        %dma_wait3A_596 = tpu.memref_squeeze %dma_wait3A_595 : memref<1x128xi32, #tpu.memory_space<vmem>> -> memref<128xi32, #tpu.memory_space<vmem>>
        %dma_wait3A_597 = arith.constant 0 : i32
        %dma_wait3A_598 = arith.constant 0 : i32
        %dma_wait3A_599 = tpu.memref_slice %arg6[%dma_wait3A_597, %dma_wait3A_598] : memref<10240x128xf32, #tpu.memory_space<vmem_shared>> -> memref<10240x128xf32, #tpu.memory_space<vmem_shared>>
        tpu.wait_indirect_dma semaphore(%arg13 : memref<!tpu.dma_semaphore, #tpu.memory_space<semaphore_mem>>) src(%arg9 : memref<128x128xf32, #tpu.memory_space<vmem>>) dst(%dma_wait3A_599 : memref<10240x128xf32, #tpu.memory_space<vmem_shared>>)
        %add3A_600 = arith.constant 8 : i32
        %add3A_601 = arith.addi %add3A_398, %add3A_600 : i32
        %lt3A_602 = arith.constant 80 : i32
        %lt3A_603 = arith.cmpi slt, %add3A_601, %lt3A_602 : i32
        %convert_element_type3A_604 = arith.extui %lt3A_603 : i1 to i32
        %cond3A_605 = arith.constant 0 : i32
        %cond3A_606 = arith.cmpi ne, %convert_element_type3A_604, %cond3A_605 : i32
        scf.if %cond3A_606 {
          %add3A_642 = arith.constant 8 : i32
          %add3A_643 = arith.addi %add3A_398, %add3A_642 : i32
          %mul3A_644 = arith.constant 80 : i32
          %mul3A_645 = arith.muli %add3A, %mul3A_644 : i32
          %add3A_646 = arith.addi %mul3A_645, %add3A_643 : i32
          %dma_start3A_647 = arith.constant 0 : i32
          %dma_start3A_648 = arith.constant 0 : i32
          %dma_start3A_649 = tpu.memref_slice %arg7[%dma_start3A_647, %dma_start3A_648] : memref<8x128xi32, #tpu.memory_space<vmem>> -> memref<1x128xi32, #tpu.memory_space<vmem>>
          %dma_start3A_650 = tpu.memref_squeeze %dma_start3A_649 : memref<1x128xi32, #tpu.memory_space<vmem>> -> memref<128xi32, #tpu.memory_space<vmem>>
          %dma_start3A_651 = arith.constant 0 : i32
          %dma_start3A_652 = tpu.memref_slice %arg3[%add3A_646, %dma_start3A_651] : memref<2560x128xi32, #tpu.memory_space<hbm>> -> memref<1x128xi32, #tpu.memory_space<hbm>>
          %dma_start3A_653 = tpu.memref_squeeze %dma_start3A_652 : memref<1x128xi32, #tpu.memory_space<hbm>> -> memref<128xi32, #tpu.memory_space<hbm>>
          %dma_start3A_654 = arith.constant 0 : i32
          %dma_start3A_655 = tpu.memref_slice %arg7[%dma_start3A_647, %dma_start3A_654] : memref<8x128xi32, #tpu.memory_space<vmem>> -> memref<1x128xi32, #tpu.memory_space<vmem>>
          %dma_start3A_656 = tpu.memref_squeeze %dma_start3A_655 : memref<1x128xi32, #tpu.memory_space<vmem>> -> memref<128xi32, #tpu.memory_space<vmem>>
          %dma_start3A_657 = arith.constant 0 : i32
          %dma_start3A_658 = tpu.memref_slice %arg3[%add3A_646, %dma_start3A_657] : memref<2560x128xi32, #tpu.memory_space<hbm>> -> memref<1x128xi32, #tpu.memory_space<hbm>>
          %dma_start3A_659 = tpu.memref_squeeze %dma_start3A_658 : memref<1x128xi32, #tpu.memory_space<hbm>> -> memref<128xi32, #tpu.memory_space<hbm>>
          tpu.enqueue_dma source(%dma_start3A_659 : memref<128xi32, #tpu.memory_space<hbm>>) target(%dma_start3A_656 : memref<128xi32, #tpu.memory_space<vmem>>) target_semaphore(%arg15 : memref<!tpu.dma_semaphore, #tpu.memory_space<semaphore_mem>>)
          %mul3A_660 = arith.constant 80 : i32
          %mul3A_661 = arith.muli %add3A, %mul3A_660 : i32
          %add3A_662 = arith.addi %mul3A_661, %add3A_643 : i32
          %dma_start3A_663 = arith.constant 0 : i32
          %dma_start3A_664 = arith.constant 0 : i32
          %dma_start3A_665 = tpu.memref_slice %arg8[%dma_start3A_663, %dma_start3A_664] : memref<8x128xi32, #tpu.memory_space<vmem>> -> memref<1x128xi32, #tpu.memory_space<vmem>>
          %dma_start3A_666 = tpu.memref_squeeze %dma_start3A_665 : memref<1x128xi32, #tpu.memory_space<vmem>> -> memref<128xi32, #tpu.memory_space<vmem>>
          %dma_start3A_667 = arith.constant 0 : i32
          %dma_start3A_668 = tpu.memref_slice %arg4[%add3A_662, %dma_start3A_667] : memref<2560x128xi32, #tpu.memory_space<hbm>> -> memref<1x128xi32, #tpu.memory_space<hbm>>
          %dma_start3A_669 = tpu.memref_squeeze %dma_start3A_668 : memref<1x128xi32, #tpu.memory_space<hbm>> -> memref<128xi32, #tpu.memory_space<hbm>>
          %dma_start3A_670 = arith.constant 0 : i32
          %dma_start3A_671 = tpu.memref_slice %arg8[%dma_start3A_663, %dma_start3A_670] : memref<8x128xi32, #tpu.memory_space<vmem>> -> memref<1x128xi32, #tpu.memory_space<vmem>>
          %dma_start3A_672 = tpu.memref_squeeze %dma_start3A_671 : memref<1x128xi32, #tpu.memory_space<vmem>> -> memref<128xi32, #tpu.memory_space<vmem>>
          %dma_start3A_673 = arith.constant 0 : i32
          %dma_start3A_674 = tpu.memref_slice %arg4[%add3A_662, %dma_start3A_673] : memref<2560x128xi32, #tpu.memory_space<hbm>> -> memref<1x128xi32, #tpu.memory_space<hbm>>
          %dma_start3A_675 = tpu.memref_squeeze %dma_start3A_674 : memref<1x128xi32, #tpu.memory_space<hbm>> -> memref<128xi32, #tpu.memory_space<hbm>>
          tpu.enqueue_dma source(%dma_start3A_675 : memref<128xi32, #tpu.memory_space<hbm>>) target(%dma_start3A_672 : memref<128xi32, #tpu.memory_space<vmem>>) target_semaphore(%arg23 : memref<!tpu.dma_semaphore, #tpu.memory_space<semaphore_mem>>)
        } else {
        }
        %dma_wait3A_607 = arith.constant 0 : i32
        %dma_wait3A_608 = arith.constant 0 : i32
        %dma_wait3A_609 = arith.constant 0 : i32
        %dma_wait3A_610 = tpu.memref_slice %arg7[%dma_wait3A_608, %dma_wait3A_609] : memref<8x128xi32, #tpu.memory_space<vmem>> -> memref<1x128xi32, #tpu.memory_space<vmem>>
        %dma_wait3A_611 = tpu.memref_squeeze %dma_wait3A_610 : memref<1x128xi32, #tpu.memory_space<vmem>> -> memref<128xi32, #tpu.memory_space<vmem>>
        %dma_wait3A_612 = arith.constant 0 : i32
        %dma_wait3A_613 = tpu.memref_slice %arg3[%dma_wait3A_607, %dma_wait3A_612] : memref<2560x128xi32, #tpu.memory_space<hbm>> -> memref<1x128xi32, #tpu.memory_space<hbm>>
        %dma_wait3A_614 = tpu.memref_squeeze %dma_wait3A_613 : memref<1x128xi32, #tpu.memory_space<hbm>> -> memref<128xi32, #tpu.memory_space<hbm>>
        %dma_wait3A_615 = arith.constant 0 : i32
        %dma_wait3A_616 = tpu.memref_slice %arg7[%dma_wait3A_608, %dma_wait3A_615] : memref<8x128xi32, #tpu.memory_space<vmem>> -> memref<1x128xi32, #tpu.memory_space<vmem>>
        %dma_wait3A_617 = tpu.memref_squeeze %dma_wait3A_616 : memref<1x128xi32, #tpu.memory_space<vmem>> -> memref<128xi32, #tpu.memory_space<vmem>>
        %dma_wait3A_618 = arith.constant 0 : i32
        %dma_wait3A_619 = tpu.memref_slice %arg3[%dma_wait3A_607, %dma_wait3A_618] : memref<2560x128xi32, #tpu.memory_space<hbm>> -> memref<1x128xi32, #tpu.memory_space<hbm>>
        %dma_wait3A_620 = tpu.memref_squeeze %dma_wait3A_619 : memref<1x128xi32, #tpu.memory_space<hbm>> -> memref<128xi32, #tpu.memory_space<hbm>>
        tpu.wait_dma2 semaphore(%arg17 : memref<!tpu.dma_semaphore, #tpu.memory_space<semaphore_mem>>) src(%dma_wait3A_620 : memref<128xi32, #tpu.memory_space<hbm>>) dst(%dma_wait3A_617 : memref<128xi32, #tpu.memory_space<vmem>>)
        %dma_wait3A_621 = arith.constant 0 : i32
        %dma_wait3A_622 = arith.constant 0 : i32
        %dma_wait3A_623 = arith.constant 0 : i32
        %dma_wait3A_624 = tpu.memref_slice %arg8[%dma_wait3A_622, %dma_wait3A_623] : memref<8x128xi32, #tpu.memory_space<vmem>> -> memref<1x128xi32, #tpu.memory_space<vmem>>
        %dma_wait3A_625 = tpu.memref_squeeze %dma_wait3A_624 : memref<1x128xi32, #tpu.memory_space<vmem>> -> memref<128xi32, #tpu.memory_space<vmem>>
        %dma_wait3A_626 = arith.constant 0 : i32
        %dma_wait3A_627 = tpu.memref_slice %arg4[%dma_wait3A_621, %dma_wait3A_626] : memref<2560x128xi32, #tpu.memory_space<hbm>> -> memref<1x128xi32, #tpu.memory_space<hbm>>
        %dma_wait3A_628 = tpu.memref_squeeze %dma_wait3A_627 : memref<1x128xi32, #tpu.memory_space<hbm>> -> memref<128xi32, #tpu.memory_space<hbm>>
        %dma_wait3A_629 = arith.constant 0 : i32
        %dma_wait3A_630 = tpu.memref_slice %arg8[%dma_wait3A_622, %dma_wait3A_629] : memref<8x128xi32, #tpu.memory_space<vmem>> -> memref<1x128xi32, #tpu.memory_space<vmem>>
        %dma_wait3A_631 = tpu.memref_squeeze %dma_wait3A_630 : memref<1x128xi32, #tpu.memory_space<vmem>> -> memref<128xi32, #tpu.memory_space<vmem>>
        %dma_wait3A_632 = arith.constant 0 : i32
        %dma_wait3A_633 = tpu.memref_slice %arg4[%dma_wait3A_621, %dma_wait3A_632] : memref<2560x128xi32, #tpu.memory_space<hbm>> -> memref<1x128xi32, #tpu.memory_space<hbm>>
        %dma_wait3A_634 = tpu.memref_squeeze %dma_wait3A_633 : memref<1x128xi32, #tpu.memory_space<hbm>> -> memref<128xi32, #tpu.memory_space<hbm>>
        tpu.wait_dma2 semaphore(%arg25 : memref<!tpu.dma_semaphore, #tpu.memory_space<semaphore_mem>>) src(%dma_wait3A_634 : memref<128xi32, #tpu.memory_space<hbm>>) dst(%dma_wait3A_631 : memref<128xi32, #tpu.memory_space<vmem>>)
        %dma_start3A_635 = arith.constant 2 : i32
        %dma_start3A_636 = arith.constant 0 : i32
        %dma_start3A_637 = tpu.memref_slice %arg7[%dma_start3A_635, %dma_start3A_636] : memref<8x128xi32, #tpu.memory_space<vmem>> -> memref<1x128xi32, #tpu.memory_space<vmem>>
        %dma_start3A_638 = tpu.memref_squeeze %dma_start3A_637 : memref<1x128xi32, #tpu.memory_space<vmem>> -> memref<128xi32, #tpu.memory_space<vmem>>
        %dma_start3A_639 = arith.constant 0 : i32
        %dma_start3A_640 = arith.constant 0 : i32
        %dma_start3A_641 = tpu.memref_slice %arg2[%dma_start3A_639, %dma_start3A_640] : memref<10240x128xf32, #tpu.memory_space<hbm>> -> memref<10240x128xf32, #tpu.memory_space<hbm>>
        tpu.enqueue_indirect_dma source(%dma_start3A_641 : memref<10240x128xf32, #tpu.memory_space<hbm>>) target(%arg9 : memref<128x128xf32, #tpu.memory_space<vmem>>) offsets(%dma_start3A_638 : memref<128xi32, #tpu.memory_space<vmem>>) semaphore(%arg11 : memref<!tpu.dma_semaphore, #tpu.memory_space<semaphore_mem>>)
      } else {
      }
      %mul3A_417 = arith.constant 8 : i32
      %mul3A_418 = arith.muli %scan3A_393, %mul3A_417 : i32
      %add3A_419 = arith.constant 1 : i32
      %add3A_420 = arith.addi %mul3A_418, %add3A_419 : i32
      %dma_wait3A_421 = arith.constant 0 : i32
      %dma_wait3A_422 = arith.constant 0 : i32
      %dma_wait3A_423 = tpu.memref_slice %arg7[%dma_wait3A_421, %dma_wait3A_422] : memref<8x128xi32, #tpu.memory_space<vmem>> -> memref<1x128xi32, #tpu.memory_space<vmem>>
      %dma_wait3A_424 = tpu.memref_squeeze %dma_wait3A_423 : memref<1x128xi32, #tpu.memory_space<vmem>> -> memref<128xi32, #tpu.memory_space<vmem>>
      %dma_wait3A_425 = arith.constant 0 : i32
      %dma_wait3A_426 = arith.constant 0 : i32
      %dma_wait3A_427 = tpu.memref_slice %arg2[%dma_wait3A_425, %dma_wait3A_426] : memref<10240x128xf32, #tpu.memory_space<hbm>> -> memref<10240x128xf32, #tpu.memory_space<hbm>>
      tpu.wait_indirect_dma semaphore(%arg12 : memref<!tpu.dma_semaphore, #tpu.memory_space<semaphore_mem>>) src(%dma_wait3A_427 : memref<10240x128xf32, #tpu.memory_space<hbm>>) dst(%arg10 : memref<128x128xf32, #tpu.memory_space<vmem>>)
      %dma_start3A_428 = arith.constant 1 : i32
      %dma_start3A_429 = arith.constant 0 : i32
      %dma_start3A_430 = tpu.memref_slice %arg8[%dma_start3A_428, %dma_start3A_429] : memref<8x128xi32, #tpu.memory_space<vmem>> -> memref<1x128xi32, #tpu.memory_space<vmem>>
      %dma_start3A_431 = tpu.memref_squeeze %dma_start3A_430 : memref<1x128xi32, #tpu.memory_space<vmem>> -> memref<128xi32, #tpu.memory_space<vmem>>
      %dma_start3A_432 = arith.constant 0 : i32
      %dma_start3A_433 = arith.constant 0 : i32
      %dma_start3A_434 = tpu.memref_slice %arg6[%dma_start3A_432, %dma_start3A_433] : memref<10240x128xf32, #tpu.memory_space<vmem_shared>> -> memref<10240x128xf32, #tpu.memory_space<vmem_shared>>
      tpu.enqueue_indirect_dma source(%arg10 : memref<128x128xf32, #tpu.memory_space<vmem>>) target(%dma_start3A_434 : memref<10240x128xf32, #tpu.memory_space<vmem_shared>>) offsets(%dma_start3A_431 : memref<128xi32, #tpu.memory_space<vmem>>) semaphore(%arg14 : memref<!tpu.dma_semaphore, #tpu.memory_space<semaphore_mem>>) {add = true}
      %add3A_435 = arith.constant 2 : i32
      %add3A_436 = arith.addi %add3A_420, %add3A_435 : i32
      %lt3A_437 = arith.constant 80 : i32
      %lt3A_438 = arith.cmpi slt, %add3A_436, %lt3A_437 : i32
      %convert_element_type3A_439 = arith.extui %lt3A_438 : i1 to i32
      %cond3A_440 = arith.constant 0 : i32
      %cond3A_441 = arith.cmpi ne, %convert_element_type3A_439, %cond3A_440 : i32
      scf.if %cond3A_441 {
        %dma_wait3A_593 = arith.constant 0 : i32
        %dma_wait3A_594 = arith.constant 0 : i32
        %dma_wait3A_595 = tpu.memref_slice %arg8[%dma_wait3A_593, %dma_wait3A_594] : memref<8x128xi32, #tpu.memory_space<vmem>> -> memref<1x128xi32, #tpu.memory_space<vmem>>
        %dma_wait3A_596 = tpu.memref_squeeze %dma_wait3A_595 : memref<1x128xi32, #tpu.memory_space<vmem>> -> memref<128xi32, #tpu.memory_space<vmem>>
        %dma_wait3A_597 = arith.constant 0 : i32
        %dma_wait3A_598 = arith.constant 0 : i32
        %dma_wait3A_599 = tpu.memref_slice %arg6[%dma_wait3A_597, %dma_wait3A_598] : memref<10240x128xf32, #tpu.memory_space<vmem_shared>> -> memref<10240x128xf32, #tpu.memory_space<vmem_shared>>
        tpu.wait_indirect_dma semaphore(%arg14 : memref<!tpu.dma_semaphore, #tpu.memory_space<semaphore_mem>>) src(%arg10 : memref<128x128xf32, #tpu.memory_space<vmem>>) dst(%dma_wait3A_599 : memref<10240x128xf32, #tpu.memory_space<vmem_shared>>)
        %add3A_600 = arith.constant 8 : i32
        %add3A_601 = arith.addi %add3A_420, %add3A_600 : i32
        %lt3A_602 = arith.constant 80 : i32
        %lt3A_603 = arith.cmpi slt, %add3A_601, %lt3A_602 : i32
        %convert_element_type3A_604 = arith.extui %lt3A_603 : i1 to i32
        %cond3A_605 = arith.constant 0 : i32
        %cond3A_606 = arith.cmpi ne, %convert_element_type3A_604, %cond3A_605 : i32
        scf.if %cond3A_606 {
          %add3A_642 = arith.constant 8 : i32
          %add3A_643 = arith.addi %add3A_420, %add3A_642 : i32
          %mul3A_644 = arith.constant 80 : i32
          %mul3A_645 = arith.muli %add3A, %mul3A_644 : i32
          %add3A_646 = arith.addi %mul3A_645, %add3A_643 : i32
          %dma_start3A_647 = arith.constant 1 : i32
          %dma_start3A_648 = arith.constant 0 : i32
          %dma_start3A_649 = tpu.memref_slice %arg7[%dma_start3A_647, %dma_start3A_648] : memref<8x128xi32, #tpu.memory_space<vmem>> -> memref<1x128xi32, #tpu.memory_space<vmem>>
          %dma_start3A_650 = tpu.memref_squeeze %dma_start3A_649 : memref<1x128xi32, #tpu.memory_space<vmem>> -> memref<128xi32, #tpu.memory_space<vmem>>
          %dma_start3A_651 = arith.constant 0 : i32
          %dma_start3A_652 = tpu.memref_slice %arg3[%add3A_646, %dma_start3A_651] : memref<2560x128xi32, #tpu.memory_space<hbm>> -> memref<1x128xi32, #tpu.memory_space<hbm>>
          %dma_start3A_653 = tpu.memref_squeeze %dma_start3A_652 : memref<1x128xi32, #tpu.memory_space<hbm>> -> memref<128xi32, #tpu.memory_space<hbm>>
          %dma_start3A_654 = arith.constant 0 : i32
          %dma_start3A_655 = tpu.memref_slice %arg7[%dma_start3A_647, %dma_start3A_654] : memref<8x128xi32, #tpu.memory_space<vmem>> -> memref<1x128xi32, #tpu.memory_space<vmem>>
          %dma_start3A_656 = tpu.memref_squeeze %dma_start3A_655 : memref<1x128xi32, #tpu.memory_space<vmem>> -> memref<128xi32, #tpu.memory_space<vmem>>
          %dma_start3A_657 = arith.constant 0 : i32
          %dma_start3A_658 = tpu.memref_slice %arg3[%add3A_646, %dma_start3A_657] : memref<2560x128xi32, #tpu.memory_space<hbm>> -> memref<1x128xi32, #tpu.memory_space<hbm>>
          %dma_start3A_659 = tpu.memref_squeeze %dma_start3A_658 : memref<1x128xi32, #tpu.memory_space<hbm>> -> memref<128xi32, #tpu.memory_space<hbm>>
          tpu.enqueue_dma source(%dma_start3A_659 : memref<128xi32, #tpu.memory_space<hbm>>) target(%dma_start3A_656 : memref<128xi32, #tpu.memory_space<vmem>>) target_semaphore(%arg16 : memref<!tpu.dma_semaphore, #tpu.memory_space<semaphore_mem>>)
          %mul3A_660 = arith.constant 80 : i32
          %mul3A_661 = arith.muli %add3A, %mul3A_660 : i32
          %add3A_662 = arith.addi %mul3A_661, %add3A_643 : i32
          %dma_start3A_663 = arith.constant 1 : i32
          %dma_start3A_664 = arith.constant 0 : i32
          %dma_start3A_665 = tpu.memref_slice %arg8[%dma_start3A_663, %dma_start3A_664] : memref<8x128xi32, #tpu.memory_space<vmem>> -> memref<1x128xi32, #tpu.memory_space<vmem>>
          %dma_start3A_666 = tpu.memref_squeeze %dma_start3A_665 : memref<1x128xi32, #tpu.memory_space<vmem>> -> memref<128xi32, #tpu.memory_space<vmem>>
          %dma_start3A_667 = arith.constant 0 : i32
          %dma_start3A_668 = tpu.memref_slice %arg4[%add3A_662, %dma_start3A_667] : memref<2560x128xi32, #tpu.memory_space<hbm>> -> memref<1x128xi32, #tpu.memory_space<hbm>>
          %dma_start3A_669 = tpu.memref_squeeze %dma_start3A_668 : memref<1x128xi32, #tpu.memory_space<hbm>> -> memref<128xi32, #tpu.memory_space<hbm>>
          %dma_start3A_670 = arith.constant 0 : i32
          %dma_start3A_671 = tpu.memref_slice %arg8[%dma_start3A_663, %dma_start3A_670] : memref<8x128xi32, #tpu.memory_space<vmem>> -> memref<1x128xi32, #tpu.memory_space<vmem>>
          %dma_start3A_672 = tpu.memref_squeeze %dma_start3A_671 : memref<1x128xi32, #tpu.memory_space<vmem>> -> memref<128xi32, #tpu.memory_space<vmem>>
          %dma_start3A_673 = arith.constant 0 : i32
          %dma_start3A_674 = tpu.memref_slice %arg4[%add3A_662, %dma_start3A_673] : memref<2560x128xi32, #tpu.memory_space<hbm>> -> memref<1x128xi32, #tpu.memory_space<hbm>>
          %dma_start3A_675 = tpu.memref_squeeze %dma_start3A_674 : memref<1x128xi32, #tpu.memory_space<hbm>> -> memref<128xi32, #tpu.memory_space<hbm>>
          tpu.enqueue_dma source(%dma_start3A_675 : memref<128xi32, #tpu.memory_space<hbm>>) target(%dma_start3A_672 : memref<128xi32, #tpu.memory_space<vmem>>) target_semaphore(%arg24 : memref<!tpu.dma_semaphore, #tpu.memory_space<semaphore_mem>>)
        } else {
        }
        %dma_wait3A_607 = arith.constant 0 : i32
        %dma_wait3A_608 = arith.constant 0 : i32
        %dma_wait3A_609 = arith.constant 0 : i32
        %dma_wait3A_610 = tpu.memref_slice %arg7[%dma_wait3A_608, %dma_wait3A_609] : memref<8x128xi32, #tpu.memory_space<vmem>> -> memref<1x128xi32, #tpu.memory_space<vmem>>
        %dma_wait3A_611 = tpu.memref_squeeze %dma_wait3A_610 : memref<1x128xi32, #tpu.memory_space<vmem>> -> memref<128xi32, #tpu.memory_space<vmem>>
        %dma_wait3A_612 = arith.constant 0 : i32
        %dma_wait3A_613 = tpu.memref_slice %arg3[%dma_wait3A_607, %dma_wait3A_612] : memref<2560x128xi32, #tpu.memory_space<hbm>> -> memref<1x128xi32, #tpu.memory_space<hbm>>
        %dma_wait3A_614 = tpu.memref_squeeze %dma_wait3A_613 : memref<1x128xi32, #tpu.memory_space<hbm>> -> memref<128xi32, #tpu.memory_space<hbm>>
        %dma_wait3A_615 = arith.constant 0 : i32
        %dma_wait3A_616 = tpu.memref_slice %arg7[%dma_wait3A_608, %dma_wait3A_615] : memref<8x128xi32, #tpu.memory_space<vmem>> -> memref<1x128xi32, #tpu.memory_space<vmem>>
        %dma_wait3A_617 = tpu.memref_squeeze %dma_wait3A_616 : memref<1x128xi32, #tpu.memory_space<vmem>> -> memref<128xi32, #tpu.memory_space<vmem>>
        %dma_wait3A_618 = arith.constant 0 : i32
        %dma_wait3A_619 = tpu.memref_slice %arg3[%dma_wait3A_607, %dma_wait3A_618] : memref<2560x128xi32, #tpu.memory_space<hbm>> -> memref<1x128xi32, #tpu.memory_space<hbm>>
        %dma_wait3A_620 = tpu.memref_squeeze %dma_wait3A_619 : memref<1x128xi32, #tpu.memory_space<hbm>> -> memref<128xi32, #tpu.memory_space<hbm>>
        tpu.wait_dma2 semaphore(%arg18 : memref<!tpu.dma_semaphore, #tpu.memory_space<semaphore_mem>>) src(%dma_wait3A_620 : memref<128xi32, #tpu.memory_space<hbm>>) dst(%dma_wait3A_617 : memref<128xi32, #tpu.memory_space<vmem>>)
        %dma_wait3A_621 = arith.constant 0 : i32
        %dma_wait3A_622 = arith.constant 0 : i32
        %dma_wait3A_623 = arith.constant 0 : i32
        %dma_wait3A_624 = tpu.memref_slice %arg8[%dma_wait3A_622, %dma_wait3A_623] : memref<8x128xi32, #tpu.memory_space<vmem>> -> memref<1x128xi32, #tpu.memory_space<vmem>>
        %dma_wait3A_625 = tpu.memref_squeeze %dma_wait3A_624 : memref<1x128xi32, #tpu.memory_space<vmem>> -> memref<128xi32, #tpu.memory_space<vmem>>
        %dma_wait3A_626 = arith.constant 0 : i32
        %dma_wait3A_627 = tpu.memref_slice %arg4[%dma_wait3A_621, %dma_wait3A_626] : memref<2560x128xi32, #tpu.memory_space<hbm>> -> memref<1x128xi32, #tpu.memory_space<hbm>>
        %dma_wait3A_628 = tpu.memref_squeeze %dma_wait3A_627 : memref<1x128xi32, #tpu.memory_space<hbm>> -> memref<128xi32, #tpu.memory_space<hbm>>
        %dma_wait3A_629 = arith.constant 0 : i32
        %dma_wait3A_630 = tpu.memref_slice %arg8[%dma_wait3A_622, %dma_wait3A_629] : memref<8x128xi32, #tpu.memory_space<vmem>> -> memref<1x128xi32, #tpu.memory_space<vmem>>
        %dma_wait3A_631 = tpu.memref_squeeze %dma_wait3A_630 : memref<1x128xi32, #tpu.memory_space<vmem>> -> memref<128xi32, #tpu.memory_space<vmem>>
        %dma_wait3A_632 = arith.constant 0 : i32
        %dma_wait3A_633 = tpu.memref_slice %arg4[%dma_wait3A_621, %dma_wait3A_632] : memref<2560x128xi32, #tpu.memory_space<hbm>> -> memref<1x128xi32, #tpu.memory_space<hbm>>
        %dma_wait3A_634 = tpu.memref_squeeze %dma_wait3A_633 : memref<1x128xi32, #tpu.memory_space<hbm>> -> memref<128xi32, #tpu.memory_space<hbm>>
        tpu.wait_dma2 semaphore(%arg26 : memref<!tpu.dma_semaphore, #tpu.memory_space<semaphore_mem>>) src(%dma_wait3A_634 : memref<128xi32, #tpu.memory_space<hbm>>) dst(%dma_wait3A_631 : memref<128xi32, #tpu.memory_space<vmem>>)
        %dma_start3A_635 = arith.constant 3 : i32
        %dma_start3A_636 = arith.constant 0 : i32
        %dma_start3A_637 = tpu.memref_slice %arg7[%dma_start3A_635, %dma_start3A_636] : memref<8x128xi32, #tpu.memory_space<vmem>> -> memref<1x128xi32, #tpu.memory_space<vmem>>
        %dma_start3A_638 = tpu.memref_squeeze %dma_start3A_637 : memref<1x128xi32, #tpu.memory_space<vmem>> -> memref<128xi32, #tpu.memory_space<vmem>>
        %dma_start3A_639 = arith.constant 0 : i32
        %dma_start3A_640 = arith.constant 0 : i32
        %dma_start3A_641 = tpu.memref_slice %arg2[%dma_start3A_639, %dma_start3A_640] : memref<10240x128xf32, #tpu.memory_space<hbm>> -> memref<10240x128xf32, #tpu.memory_space<hbm>>
        tpu.enqueue_indirect_dma source(%dma_start3A_641 : memref<10240x128xf32, #tpu.memory_space<hbm>>) target(%arg10 : memref<128x128xf32, #tpu.memory_space<vmem>>) offsets(%dma_start3A_638 : memref<128xi32, #tpu.memory_space<vmem>>) semaphore(%arg12 : memref<!tpu.dma_semaphore, #tpu.memory_space<semaphore_mem>>)
      } else {
      }
      %mul3A_442 = arith.constant 8 : i32
      %mul3A_443 = arith.muli %scan3A_393, %mul3A_442 : i32
      %add3A_444 = arith.constant 2 : i32
      %add3A_445 = arith.addi %mul3A_443, %add3A_444 : i32
      %dma_wait3A_446 = arith.constant 0 : i32
      %dma_wait3A_447 = arith.constant 0 : i32
      %dma_wait3A_448 = tpu.memref_slice %arg7[%dma_wait3A_446, %dma_wait3A_447] : memref<8x128xi32, #tpu.memory_space<vmem>> -> memref<1x128xi32, #tpu.memory_space<vmem>>
      %dma_wait3A_449 = tpu.memref_squeeze %dma_wait3A_448 : memref<1x128xi32, #tpu.memory_space<vmem>> -> memref<128xi32, #tpu.memory_space<vmem>>
      %dma_wait3A_450 = arith.constant 0 : i32
      %dma_wait3A_451 = arith.constant 0 : i32
      %dma_wait3A_452 = tpu.memref_slice %arg2[%dma_wait3A_450, %dma_wait3A_451] : memref<10240x128xf32, #tpu.memory_space<hbm>> -> memref<10240x128xf32, #tpu.memory_space<hbm>>
      tpu.wait_indirect_dma semaphore(%arg11 : memref<!tpu.dma_semaphore, #tpu.memory_space<semaphore_mem>>) src(%dma_wait3A_452 : memref<10240x128xf32, #tpu.memory_space<hbm>>) dst(%arg9 : memref<128x128xf32, #tpu.memory_space<vmem>>)
      %dma_start3A_453 = arith.constant 2 : i32
      %dma_start3A_454 = arith.constant 0 : i32
      %dma_start3A_455 = tpu.memref_slice %arg8[%dma_start3A_453, %dma_start3A_454] : memref<8x128xi32, #tpu.memory_space<vmem>> -> memref<1x128xi32, #tpu.memory_space<vmem>>
      %dma_start3A_456 = tpu.memref_squeeze %dma_start3A_455 : memref<1x128xi32, #tpu.memory_space<vmem>> -> memref<128xi32, #tpu.memory_space<vmem>>
      %dma_start3A_457 = arith.constant 0 : i32
      %dma_start3A_458 = arith.constant 0 : i32
      %dma_start3A_459 = tpu.memref_slice %arg6[%dma_start3A_457, %dma_start3A_458] : memref<10240x128xf32, #tpu.memory_space<vmem_shared>> -> memref<10240x128xf32, #tpu.memory_space<vmem_shared>>
      tpu.enqueue_indirect_dma source(%arg9 : memref<128x128xf32, #tpu.memory_space<vmem>>) target(%dma_start3A_459 : memref<10240x128xf32, #tpu.memory_space<vmem_shared>>) offsets(%dma_start3A_456 : memref<128xi32, #tpu.memory_space<vmem>>) semaphore(%arg13 : memref<!tpu.dma_semaphore, #tpu.memory_space<semaphore_mem>>) {add = true}
      %add3A_460 = arith.constant 2 : i32
      %add3A_461 = arith.addi %add3A_445, %add3A_460 : i32
      %lt3A_462 = arith.constant 80 : i32
      %lt3A_463 = arith.cmpi slt, %add3A_461, %lt3A_462 : i32
      %convert_element_type3A_464 = arith.extui %lt3A_463 : i1 to i32
      %cond3A_465 = arith.constant 0 : i32
      %cond3A_466 = arith.cmpi ne, %convert_element_type3A_464, %cond3A_465 : i32
      scf.if %cond3A_466 {
        %dma_wait3A_593 = arith.constant 0 : i32
        %dma_wait3A_594 = arith.constant 0 : i32
        %dma_wait3A_595 = tpu.memref_slice %arg8[%dma_wait3A_593, %dma_wait3A_594] : memref<8x128xi32, #tpu.memory_space<vmem>> -> memref<1x128xi32, #tpu.memory_space<vmem>>
        %dma_wait3A_596 = tpu.memref_squeeze %dma_wait3A_595 : memref<1x128xi32, #tpu.memory_space<vmem>> -> memref<128xi32, #tpu.memory_space<vmem>>
        %dma_wait3A_597 = arith.constant 0 : i32
        %dma_wait3A_598 = arith.constant 0 : i32
        %dma_wait3A_599 = tpu.memref_slice %arg6[%dma_wait3A_597, %dma_wait3A_598] : memref<10240x128xf32, #tpu.memory_space<vmem_shared>> -> memref<10240x128xf32, #tpu.memory_space<vmem_shared>>
        tpu.wait_indirect_dma semaphore(%arg13 : memref<!tpu.dma_semaphore, #tpu.memory_space<semaphore_mem>>) src(%arg9 : memref<128x128xf32, #tpu.memory_space<vmem>>) dst(%dma_wait3A_599 : memref<10240x128xf32, #tpu.memory_space<vmem_shared>>)
        %add3A_600 = arith.constant 8 : i32
        %add3A_601 = arith.addi %add3A_445, %add3A_600 : i32
        %lt3A_602 = arith.constant 80 : i32
        %lt3A_603 = arith.cmpi slt, %add3A_601, %lt3A_602 : i32
        %convert_element_type3A_604 = arith.extui %lt3A_603 : i1 to i32
        %cond3A_605 = arith.constant 0 : i32
        %cond3A_606 = arith.cmpi ne, %convert_element_type3A_604, %cond3A_605 : i32
        scf.if %cond3A_606 {
          %add3A_642 = arith.constant 8 : i32
          %add3A_643 = arith.addi %add3A_445, %add3A_642 : i32
          %mul3A_644 = arith.constant 80 : i32
          %mul3A_645 = arith.muli %add3A, %mul3A_644 : i32
          %add3A_646 = arith.addi %mul3A_645, %add3A_643 : i32
          %dma_start3A_647 = arith.constant 2 : i32
          %dma_start3A_648 = arith.constant 0 : i32
          %dma_start3A_649 = tpu.memref_slice %arg7[%dma_start3A_647, %dma_start3A_648] : memref<8x128xi32, #tpu.memory_space<vmem>> -> memref<1x128xi32, #tpu.memory_space<vmem>>
          %dma_start3A_650 = tpu.memref_squeeze %dma_start3A_649 : memref<1x128xi32, #tpu.memory_space<vmem>> -> memref<128xi32, #tpu.memory_space<vmem>>
          %dma_start3A_651 = arith.constant 0 : i32
          %dma_start3A_652 = tpu.memref_slice %arg3[%add3A_646, %dma_start3A_651] : memref<2560x128xi32, #tpu.memory_space<hbm>> -> memref<1x128xi32, #tpu.memory_space<hbm>>
          %dma_start3A_653 = tpu.memref_squeeze %dma_start3A_652 : memref<1x128xi32, #tpu.memory_space<hbm>> -> memref<128xi32, #tpu.memory_space<hbm>>
          %dma_start3A_654 = arith.constant 0 : i32
          %dma_start3A_655 = tpu.memref_slice %arg7[%dma_start3A_647, %dma_start3A_654] : memref<8x128xi32, #tpu.memory_space<vmem>> -> memref<1x128xi32, #tpu.memory_space<vmem>>
          %dma_start3A_656 = tpu.memref_squeeze %dma_start3A_655 : memref<1x128xi32, #tpu.memory_space<vmem>> -> memref<128xi32, #tpu.memory_space<vmem>>
          %dma_start3A_657 = arith.constant 0 : i32
          %dma_start3A_658 = tpu.memref_slice %arg3[%add3A_646, %dma_start3A_657] : memref<2560x128xi32, #tpu.memory_space<hbm>> -> memref<1x128xi32, #tpu.memory_space<hbm>>
          %dma_start3A_659 = tpu.memref_squeeze %dma_start3A_658 : memref<1x128xi32, #tpu.memory_space<hbm>> -> memref<128xi32, #tpu.memory_space<hbm>>
          tpu.enqueue_dma source(%dma_start3A_659 : memref<128xi32, #tpu.memory_space<hbm>>) target(%dma_start3A_656 : memref<128xi32, #tpu.memory_space<vmem>>) target_semaphore(%arg17 : memref<!tpu.dma_semaphore, #tpu.memory_space<semaphore_mem>>)
          %mul3A_660 = arith.constant 80 : i32
          %mul3A_661 = arith.muli %add3A, %mul3A_660 : i32
          %add3A_662 = arith.addi %mul3A_661, %add3A_643 : i32
          %dma_start3A_663 = arith.constant 2 : i32
          %dma_start3A_664 = arith.constant 0 : i32
          %dma_start3A_665 = tpu.memref_slice %arg8[%dma_start3A_663, %dma_start3A_664] : memref<8x128xi32, #tpu.memory_space<vmem>> -> memref<1x128xi32, #tpu.memory_space<vmem>>
          %dma_start3A_666 = tpu.memref_squeeze %dma_start3A_665 : memref<1x128xi32, #tpu.memory_space<vmem>> -> memref<128xi32, #tpu.memory_space<vmem>>
          %dma_start3A_667 = arith.constant 0 : i32
          %dma_start3A_668 = tpu.memref_slice %arg4[%add3A_662, %dma_start3A_667] : memref<2560x128xi32, #tpu.memory_space<hbm>> -> memref<1x128xi32, #tpu.memory_space<hbm>>
          %dma_start3A_669 = tpu.memref_squeeze %dma_start3A_668 : memref<1x128xi32, #tpu.memory_space<hbm>> -> memref<128xi32, #tpu.memory_space<hbm>>
          %dma_start3A_670 = arith.constant 0 : i32
          %dma_start3A_671 = tpu.memref_slice %arg8[%dma_start3A_663, %dma_start3A_670] : memref<8x128xi32, #tpu.memory_space<vmem>> -> memref<1x128xi32, #tpu.memory_space<vmem>>
          %dma_start3A_672 = tpu.memref_squeeze %dma_start3A_671 : memref<1x128xi32, #tpu.memory_space<vmem>> -> memref<128xi32, #tpu.memory_space<vmem>>
          %dma_start3A_673 = arith.constant 0 : i32
          %dma_start3A_674 = tpu.memref_slice %arg4[%add3A_662, %dma_start3A_673] : memref<2560x128xi32, #tpu.memory_space<hbm>> -> memref<1x128xi32, #tpu.memory_space<hbm>>
          %dma_start3A_675 = tpu.memref_squeeze %dma_start3A_674 : memref<1x128xi32, #tpu.memory_space<hbm>> -> memref<128xi32, #tpu.memory_space<hbm>>
          tpu.enqueue_dma source(%dma_start3A_675 : memref<128xi32, #tpu.memory_space<hbm>>) target(%dma_start3A_672 : memref<128xi32, #tpu.memory_space<vmem>>) target_semaphore(%arg25 : memref<!tpu.dma_semaphore, #tpu.memory_space<semaphore_mem>>)
        } else {
        }
        %dma_wait3A_607 = arith.constant 0 : i32
        %dma_wait3A_608 = arith.constant 0 : i32
        %dma_wait3A_609 = arith.constant 0 : i32
        %dma_wait3A_610 = tpu.memref_slice %arg7[%dma_wait3A_608, %dma_wait3A_609] : memref<8x128xi32, #tpu.memory_space<vmem>> -> memref<1x128xi32, #tpu.memory_space<vmem>>
        %dma_wait3A_611 = tpu.memref_squeeze %dma_wait3A_610 : memref<1x128xi32, #tpu.memory_space<vmem>> -> memref<128xi32, #tpu.memory_space<vmem>>
        %dma_wait3A_612 = arith.constant 0 : i32
        %dma_wait3A_613 = tpu.memref_slice %arg3[%dma_wait3A_607, %dma_wait3A_612] : memref<2560x128xi32, #tpu.memory_space<hbm>> -> memref<1x128xi32, #tpu.memory_space<hbm>>
        %dma_wait3A_614 = tpu.memref_squeeze %dma_wait3A_613 : memref<1x128xi32, #tpu.memory_space<hbm>> -> memref<128xi32, #tpu.memory_space<hbm>>
        %dma_wait3A_615 = arith.constant 0 : i32
        %dma_wait3A_616 = tpu.memref_slice %arg7[%dma_wait3A_608, %dma_wait3A_615] : memref<8x128xi32, #tpu.memory_space<vmem>> -> memref<1x128xi32, #tpu.memory_space<vmem>>
        %dma_wait3A_617 = tpu.memref_squeeze %dma_wait3A_616 : memref<1x128xi32, #tpu.memory_space<vmem>> -> memref<128xi32, #tpu.memory_space<vmem>>
        %dma_wait3A_618 = arith.constant 0 : i32
        %dma_wait3A_619 = tpu.memref_slice %arg3[%dma_wait3A_607, %dma_wait3A_618] : memref<2560x128xi32, #tpu.memory_space<hbm>> -> memref<1x128xi32, #tpu.memory_space<hbm>>
        %dma_wait3A_620 = tpu.memref_squeeze %dma_wait3A_619 : memref<1x128xi32, #tpu.memory_space<hbm>> -> memref<128xi32, #tpu.memory_space<hbm>>
        tpu.wait_dma2 semaphore(%arg19 : memref<!tpu.dma_semaphore, #tpu.memory_space<semaphore_mem>>) src(%dma_wait3A_620 : memref<128xi32, #tpu.memory_space<hbm>>) dst(%dma_wait3A_617 : memref<128xi32, #tpu.memory_space<vmem>>)
        %dma_wait3A_621 = arith.constant 0 : i32
        %dma_wait3A_622 = arith.constant 0 : i32
        %dma_wait3A_623 = arith.constant 0 : i32
        %dma_wait3A_624 = tpu.memref_slice %arg8[%dma_wait3A_622, %dma_wait3A_623] : memref<8x128xi32, #tpu.memory_space<vmem>> -> memref<1x128xi32, #tpu.memory_space<vmem>>
        %dma_wait3A_625 = tpu.memref_squeeze %dma_wait3A_624 : memref<1x128xi32, #tpu.memory_space<vmem>> -> memref<128xi32, #tpu.memory_space<vmem>>
        %dma_wait3A_626 = arith.constant 0 : i32
        %dma_wait3A_627 = tpu.memref_slice %arg4[%dma_wait3A_621, %dma_wait3A_626] : memref<2560x128xi32, #tpu.memory_space<hbm>> -> memref<1x128xi32, #tpu.memory_space<hbm>>
        %dma_wait3A_628 = tpu.memref_squeeze %dma_wait3A_627 : memref<1x128xi32, #tpu.memory_space<hbm>> -> memref<128xi32, #tpu.memory_space<hbm>>
        %dma_wait3A_629 = arith.constant 0 : i32
        %dma_wait3A_630 = tpu.memref_slice %arg8[%dma_wait3A_622, %dma_wait3A_629] : memref<8x128xi32, #tpu.memory_space<vmem>> -> memref<1x128xi32, #tpu.memory_space<vmem>>
        %dma_wait3A_631 = tpu.memref_squeeze %dma_wait3A_630 : memref<1x128xi32, #tpu.memory_space<vmem>> -> memref<128xi32, #tpu.memory_space<vmem>>
        %dma_wait3A_632 = arith.constant 0 : i32
        %dma_wait3A_633 = tpu.memref_slice %arg4[%dma_wait3A_621, %dma_wait3A_632] : memref<2560x128xi32, #tpu.memory_space<hbm>> -> memref<1x128xi32, #tpu.memory_space<hbm>>
        %dma_wait3A_634 = tpu.memref_squeeze %dma_wait3A_633 : memref<1x128xi32, #tpu.memory_space<hbm>> -> memref<128xi32, #tpu.memory_space<hbm>>
        tpu.wait_dma2 semaphore(%arg27 : memref<!tpu.dma_semaphore, #tpu.memory_space<semaphore_mem>>) src(%dma_wait3A_634 : memref<128xi32, #tpu.memory_space<hbm>>) dst(%dma_wait3A_631 : memref<128xi32, #tpu.memory_space<vmem>>)
        %dma_start3A_635 = arith.constant 4 : i32
        %dma_start3A_636 = arith.constant 0 : i32
        %dma_start3A_637 = tpu.memref_slice %arg7[%dma_start3A_635, %dma_start3A_636] : memref<8x128xi32, #tpu.memory_space<vmem>> -> memref<1x128xi32, #tpu.memory_space<vmem>>
        %dma_start3A_638 = tpu.memref_squeeze %dma_start3A_637 : memref<1x128xi32, #tpu.memory_space<vmem>> -> memref<128xi32, #tpu.memory_space<vmem>>
        %dma_start3A_639 = arith.constant 0 : i32
        %dma_start3A_640 = arith.constant 0 : i32
        %dma_start3A_641 = tpu.memref_slice %arg2[%dma_start3A_639, %dma_start3A_640] : memref<10240x128xf32, #tpu.memory_space<hbm>> -> memref<10240x128xf32, #tpu.memory_space<hbm>>
        tpu.enqueue_indirect_dma source(%dma_start3A_641 : memref<10240x128xf32, #tpu.memory_space<hbm>>) target(%arg9 : memref<128x128xf32, #tpu.memory_space<vmem>>) offsets(%dma_start3A_638 : memref<128xi32, #tpu.memory_space<vmem>>) semaphore(%arg11 : memref<!tpu.dma_semaphore, #tpu.memory_space<semaphore_mem>>)
      } else {
      }
      %mul3A_467 = arith.constant 8 : i32
      %mul3A_468 = arith.muli %scan3A_393, %mul3A_467 : i32
      %add3A_469 = arith.constant 3 : i32
      %add3A_470 = arith.addi %mul3A_468, %add3A_469 : i32
      %dma_wait3A_471 = arith.constant 0 : i32
      %dma_wait3A_472 = arith.constant 0 : i32
      %dma_wait3A_473 = tpu.memref_slice %arg7[%dma_wait3A_471, %dma_wait3A_472] : memref<8x128xi32, #tpu.memory_space<vmem>> -> memref<1x128xi32, #tpu.memory_space<vmem>>
      %dma_wait3A_474 = tpu.memref_squeeze %dma_wait3A_473 : memref<1x128xi32, #tpu.memory_space<vmem>> -> memref<128xi32, #tpu.memory_space<vmem>>
      %dma_wait3A_475 = arith.constant 0 : i32
      %dma_wait3A_476 = arith.constant 0 : i32
      %dma_wait3A_477 = tpu.memref_slice %arg2[%dma_wait3A_475, %dma_wait3A_476] : memref<10240x128xf32, #tpu.memory_space<hbm>> -> memref<10240x128xf32, #tpu.memory_space<hbm>>
      tpu.wait_indirect_dma semaphore(%arg12 : memref<!tpu.dma_semaphore, #tpu.memory_space<semaphore_mem>>) src(%dma_wait3A_477 : memref<10240x128xf32, #tpu.memory_space<hbm>>) dst(%arg10 : memref<128x128xf32, #tpu.memory_space<vmem>>)
      %dma_start3A_478 = arith.constant 3 : i32
      %dma_start3A_479 = arith.constant 0 : i32
      %dma_start3A_480 = tpu.memref_slice %arg8[%dma_start3A_478, %dma_start3A_479] : memref<8x128xi32, #tpu.memory_space<vmem>> -> memref<1x128xi32, #tpu.memory_space<vmem>>
      %dma_start3A_481 = tpu.memref_squeeze %dma_start3A_480 : memref<1x128xi32, #tpu.memory_space<vmem>> -> memref<128xi32, #tpu.memory_space<vmem>>
      %dma_start3A_482 = arith.constant 0 : i32
      %dma_start3A_483 = arith.constant 0 : i32
      %dma_start3A_484 = tpu.memref_slice %arg6[%dma_start3A_482, %dma_start3A_483] : memref<10240x128xf32, #tpu.memory_space<vmem_shared>> -> memref<10240x128xf32, #tpu.memory_space<vmem_shared>>
      tpu.enqueue_indirect_dma source(%arg10 : memref<128x128xf32, #tpu.memory_space<vmem>>) target(%dma_start3A_484 : memref<10240x128xf32, #tpu.memory_space<vmem_shared>>) offsets(%dma_start3A_481 : memref<128xi32, #tpu.memory_space<vmem>>) semaphore(%arg14 : memref<!tpu.dma_semaphore, #tpu.memory_space<semaphore_mem>>) {add = true}
      %add3A_485 = arith.constant 2 : i32
      %add3A_486 = arith.addi %add3A_470, %add3A_485 : i32
      %lt3A_487 = arith.constant 80 : i32
      %lt3A_488 = arith.cmpi slt, %add3A_486, %lt3A_487 : i32
      %convert_element_type3A_489 = arith.extui %lt3A_488 : i1 to i32
      %cond3A_490 = arith.constant 0 : i32
      %cond3A_491 = arith.cmpi ne, %convert_element_type3A_489, %cond3A_490 : i32
      scf.if %cond3A_491 {
        %dma_wait3A_593 = arith.constant 0 : i32
        %dma_wait3A_594 = arith.constant 0 : i32
        %dma_wait3A_595 = tpu.memref_slice %arg8[%dma_wait3A_593, %dma_wait3A_594] : memref<8x128xi32, #tpu.memory_space<vmem>> -> memref<1x128xi32, #tpu.memory_space<vmem>>
        %dma_wait3A_596 = tpu.memref_squeeze %dma_wait3A_595 : memref<1x128xi32, #tpu.memory_space<vmem>> -> memref<128xi32, #tpu.memory_space<vmem>>
        %dma_wait3A_597 = arith.constant 0 : i32
        %dma_wait3A_598 = arith.constant 0 : i32
        %dma_wait3A_599 = tpu.memref_slice %arg6[%dma_wait3A_597, %dma_wait3A_598] : memref<10240x128xf32, #tpu.memory_space<vmem_shared>> -> memref<10240x128xf32, #tpu.memory_space<vmem_shared>>
        tpu.wait_indirect_dma semaphore(%arg14 : memref<!tpu.dma_semaphore, #tpu.memory_space<semaphore_mem>>) src(%arg10 : memref<128x128xf32, #tpu.memory_space<vmem>>) dst(%dma_wait3A_599 : memref<10240x128xf32, #tpu.memory_space<vmem_shared>>)
        %add3A_600 = arith.constant 8 : i32
        %add3A_601 = arith.addi %add3A_470, %add3A_600 : i32
        %lt3A_602 = arith.constant 80 : i32
        %lt3A_603 = arith.cmpi slt, %add3A_601, %lt3A_602 : i32
        %convert_element_type3A_604 = arith.extui %lt3A_603 : i1 to i32
        %cond3A_605 = arith.constant 0 : i32
        %cond3A_606 = arith.cmpi ne, %convert_element_type3A_604, %cond3A_605 : i32
        scf.if %cond3A_606 {
          %add3A_642 = arith.constant 8 : i32
          %add3A_643 = arith.addi %add3A_470, %add3A_642 : i32
          %mul3A_644 = arith.constant 80 : i32
          %mul3A_645 = arith.muli %add3A, %mul3A_644 : i32
          %add3A_646 = arith.addi %mul3A_645, %add3A_643 : i32
          %dma_start3A_647 = arith.constant 3 : i32
          %dma_start3A_648 = arith.constant 0 : i32
          %dma_start3A_649 = tpu.memref_slice %arg7[%dma_start3A_647, %dma_start3A_648] : memref<8x128xi32, #tpu.memory_space<vmem>> -> memref<1x128xi32, #tpu.memory_space<vmem>>
          %dma_start3A_650 = tpu.memref_squeeze %dma_start3A_649 : memref<1x128xi32, #tpu.memory_space<vmem>> -> memref<128xi32, #tpu.memory_space<vmem>>
          %dma_start3A_651 = arith.constant 0 : i32
          %dma_start3A_652 = tpu.memref_slice %arg3[%add3A_646, %dma_start3A_651] : memref<2560x128xi32, #tpu.memory_space<hbm>> -> memref<1x128xi32, #tpu.memory_space<hbm>>
          %dma_start3A_653 = tpu.memref_squeeze %dma_start3A_652 : memref<1x128xi32, #tpu.memory_space<hbm>> -> memref<128xi32, #tpu.memory_space<hbm>>
          %dma_start3A_654 = arith.constant 0 : i32
          %dma_start3A_655 = tpu.memref_slice %arg7[%dma_start3A_647, %dma_start3A_654] : memref<8x128xi32, #tpu.memory_space<vmem>> -> memref<1x128xi32, #tpu.memory_space<vmem>>
          %dma_start3A_656 = tpu.memref_squeeze %dma_start3A_655 : memref<1x128xi32, #tpu.memory_space<vmem>> -> memref<128xi32, #tpu.memory_space<vmem>>
          %dma_start3A_657 = arith.constant 0 : i32
          %dma_start3A_658 = tpu.memref_slice %arg3[%add3A_646, %dma_start3A_657] : memref<2560x128xi32, #tpu.memory_space<hbm>> -> memref<1x128xi32, #tpu.memory_space<hbm>>
          %dma_start3A_659 = tpu.memref_squeeze %dma_start3A_658 : memref<1x128xi32, #tpu.memory_space<hbm>> -> memref<128xi32, #tpu.memory_space<hbm>>
          tpu.enqueue_dma source(%dma_start3A_659 : memref<128xi32, #tpu.memory_space<hbm>>) target(%dma_start3A_656 : memref<128xi32, #tpu.memory_space<vmem>>) target_semaphore(%arg18 : memref<!tpu.dma_semaphore, #tpu.memory_space<semaphore_mem>>)
          %mul3A_660 = arith.constant 80 : i32
          %mul3A_661 = arith.muli %add3A, %mul3A_660 : i32
          %add3A_662 = arith.addi %mul3A_661, %add3A_643 : i32
          %dma_start3A_663 = arith.constant 3 : i32
          %dma_start3A_664 = arith.constant 0 : i32
          %dma_start3A_665 = tpu.memref_slice %arg8[%dma_start3A_663, %dma_start3A_664] : memref<8x128xi32, #tpu.memory_space<vmem>> -> memref<1x128xi32, #tpu.memory_space<vmem>>
          %dma_start3A_666 = tpu.memref_squeeze %dma_start3A_665 : memref<1x128xi32, #tpu.memory_space<vmem>> -> memref<128xi32, #tpu.memory_space<vmem>>
          %dma_start3A_667 = arith.constant 0 : i32
          %dma_start3A_668 = tpu.memref_slice %arg4[%add3A_662, %dma_start3A_667] : memref<2560x128xi32, #tpu.memory_space<hbm>> -> memref<1x128xi32, #tpu.memory_space<hbm>>
          %dma_start3A_669 = tpu.memref_squeeze %dma_start3A_668 : memref<1x128xi32, #tpu.memory_space<hbm>> -> memref<128xi32, #tpu.memory_space<hbm>>
          %dma_start3A_670 = arith.constant 0 : i32
          %dma_start3A_671 = tpu.memref_slice %arg8[%dma_start3A_663, %dma_start3A_670] : memref<8x128xi32, #tpu.memory_space<vmem>> -> memref<1x128xi32, #tpu.memory_space<vmem>>
          %dma_start3A_672 = tpu.memref_squeeze %dma_start3A_671 : memref<1x128xi32, #tpu.memory_space<vmem>> -> memref<128xi32, #tpu.memory_space<vmem>>
          %dma_start3A_673 = arith.constant 0 : i32
          %dma_start3A_674 = tpu.memref_slice %arg4[%add3A_662, %dma_start3A_673] : memref<2560x128xi32, #tpu.memory_space<hbm>> -> memref<1x128xi32, #tpu.memory_space<hbm>>
          %dma_start3A_675 = tpu.memref_squeeze %dma_start3A_674 : memref<1x128xi32, #tpu.memory_space<hbm>> -> memref<128xi32, #tpu.memory_space<hbm>>
          tpu.enqueue_dma source(%dma_start3A_675 : memref<128xi32, #tpu.memory_space<hbm>>) target(%dma_start3A_672 : memref<128xi32, #tpu.memory_space<vmem>>) target_semaphore(%arg26 : memref<!tpu.dma_semaphore, #tpu.memory_space<semaphore_mem>>)
        } else {
        }
        %dma_wait3A_607 = arith.constant 0 : i32
        %dma_wait3A_608 = arith.constant 0 : i32
        %dma_wait3A_609 = arith.constant 0 : i32
        %dma_wait3A_610 = tpu.memref_slice %arg7[%dma_wait3A_608, %dma_wait3A_609] : memref<8x128xi32, #tpu.memory_space<vmem>> -> memref<1x128xi32, #tpu.memory_space<vmem>>
        %dma_wait3A_611 = tpu.memref_squeeze %dma_wait3A_610 : memref<1x128xi32, #tpu.memory_space<vmem>> -> memref<128xi32, #tpu.memory_space<vmem>>
        %dma_wait3A_612 = arith.constant 0 : i32
        %dma_wait3A_613 = tpu.memref_slice %arg3[%dma_wait3A_607, %dma_wait3A_612] : memref<2560x128xi32, #tpu.memory_space<hbm>> -> memref<1x128xi32, #tpu.memory_space<hbm>>
        %dma_wait3A_614 = tpu.memref_squeeze %dma_wait3A_613 : memref<1x128xi32, #tpu.memory_space<hbm>> -> memref<128xi32, #tpu.memory_space<hbm>>
        %dma_wait3A_615 = arith.constant 0 : i32
        %dma_wait3A_616 = tpu.memref_slice %arg7[%dma_wait3A_608, %dma_wait3A_615] : memref<8x128xi32, #tpu.memory_space<vmem>> -> memref<1x128xi32, #tpu.memory_space<vmem>>
        %dma_wait3A_617 = tpu.memref_squeeze %dma_wait3A_616 : memref<1x128xi32, #tpu.memory_space<vmem>> -> memref<128xi32, #tpu.memory_space<vmem>>
        %dma_wait3A_618 = arith.constant 0 : i32
        %dma_wait3A_619 = tpu.memref_slice %arg3[%dma_wait3A_607, %dma_wait3A_618] : memref<2560x128xi32, #tpu.memory_space<hbm>> -> memref<1x128xi32, #tpu.memory_space<hbm>>
        %dma_wait3A_620 = tpu.memref_squeeze %dma_wait3A_619 : memref<1x128xi32, #tpu.memory_space<hbm>> -> memref<128xi32, #tpu.memory_space<hbm>>
        tpu.wait_dma2 semaphore(%arg20 : memref<!tpu.dma_semaphore, #tpu.memory_space<semaphore_mem>>) src(%dma_wait3A_620 : memref<128xi32, #tpu.memory_space<hbm>>) dst(%dma_wait3A_617 : memref<128xi32, #tpu.memory_space<vmem>>)
        %dma_wait3A_621 = arith.constant 0 : i32
        %dma_wait3A_622 = arith.constant 0 : i32
        %dma_wait3A_623 = arith.constant 0 : i32
        %dma_wait3A_624 = tpu.memref_slice %arg8[%dma_wait3A_622, %dma_wait3A_623] : memref<8x128xi32, #tpu.memory_space<vmem>> -> memref<1x128xi32, #tpu.memory_space<vmem>>
        %dma_wait3A_625 = tpu.memref_squeeze %dma_wait3A_624 : memref<1x128xi32, #tpu.memory_space<vmem>> -> memref<128xi32, #tpu.memory_space<vmem>>
        %dma_wait3A_626 = arith.constant 0 : i32
        %dma_wait3A_627 = tpu.memref_slice %arg4[%dma_wait3A_621, %dma_wait3A_626] : memref<2560x128xi32, #tpu.memory_space<hbm>> -> memref<1x128xi32, #tpu.memory_space<hbm>>
        %dma_wait3A_628 = tpu.memref_squeeze %dma_wait3A_627 : memref<1x128xi32, #tpu.memory_space<hbm>> -> memref<128xi32, #tpu.memory_space<hbm>>
        %dma_wait3A_629 = arith.constant 0 : i32
        %dma_wait3A_630 = tpu.memref_slice %arg8[%dma_wait3A_622, %dma_wait3A_629] : memref<8x128xi32, #tpu.memory_space<vmem>> -> memref<1x128xi32, #tpu.memory_space<vmem>>
        %dma_wait3A_631 = tpu.memref_squeeze %dma_wait3A_630 : memref<1x128xi32, #tpu.memory_space<vmem>> -> memref<128xi32, #tpu.memory_space<vmem>>
        %dma_wait3A_632 = arith.constant 0 : i32
        %dma_wait3A_633 = tpu.memref_slice %arg4[%dma_wait3A_621, %dma_wait3A_632] : memref<2560x128xi32, #tpu.memory_space<hbm>> -> memref<1x128xi32, #tpu.memory_space<hbm>>
        %dma_wait3A_634 = tpu.memref_squeeze %dma_wait3A_633 : memref<1x128xi32, #tpu.memory_space<hbm>> -> memref<128xi32, #tpu.memory_space<hbm>>
        tpu.wait_dma2 semaphore(%arg28 : memref<!tpu.dma_semaphore, #tpu.memory_space<semaphore_mem>>) src(%dma_wait3A_634 : memref<128xi32, #tpu.memory_space<hbm>>) dst(%dma_wait3A_631 : memref<128xi32, #tpu.memory_space<vmem>>)
        %dma_start3A_635 = arith.constant 5 : i32
        %dma_start3A_636 = arith.constant 0 : i32
        %dma_start3A_637 = tpu.memref_slice %arg7[%dma_start3A_635, %dma_start3A_636] : memref<8x128xi32, #tpu.memory_space<vmem>> -> memref<1x128xi32, #tpu.memory_space<vmem>>
        %dma_start3A_638 = tpu.memref_squeeze %dma_start3A_637 : memref<1x128xi32, #tpu.memory_space<vmem>> -> memref<128xi32, #tpu.memory_space<vmem>>
        %dma_start3A_639 = arith.constant 0 : i32
        %dma_start3A_640 = arith.constant 0 : i32
        %dma_start3A_641 = tpu.memref_slice %arg2[%dma_start3A_639, %dma_start3A_640] : memref<10240x128xf32, #tpu.memory_space<hbm>> -> memref<10240x128xf32, #tpu.memory_space<hbm>>
        tpu.enqueue_indirect_dma source(%dma_start3A_641 : memref<10240x128xf32, #tpu.memory_space<hbm>>) target(%arg10 : memref<128x128xf32, #tpu.memory_space<vmem>>) offsets(%dma_start3A_638 : memref<128xi32, #tpu.memory_space<vmem>>) semaphore(%arg12 : memref<!tpu.dma_semaphore, #tpu.memory_space<semaphore_mem>>)
      } else {
      }
      %mul3A_492 = arith.constant 8 : i32
      %mul3A_493 = arith.muli %scan3A_393, %mul3A_492 : i32
      %add3A_494 = arith.constant 4 : i32
      %add3A_495 = arith.addi %mul3A_493, %add3A_494 : i32
      %dma_wait3A_496 = arith.constant 0 : i32
      %dma_wait3A_497 = arith.constant 0 : i32
      %dma_wait3A_498 = tpu.memref_slice %arg7[%dma_wait3A_496, %dma_wait3A_497] : memref<8x128xi32, #tpu.memory_space<vmem>> -> memref<1x128xi32, #tpu.memory_space<vmem>>
      %dma_wait3A_499 = tpu.memref_squeeze %dma_wait3A_498 : memref<1x128xi32, #tpu.memory_space<vmem>> -> memref<128xi32, #tpu.memory_space<vmem>>
      %dma_wait3A_500 = arith.constant 0 : i32
      %dma_wait3A_501 = arith.constant 0 : i32
      %dma_wait3A_502 = tpu.memref_slice %arg2[%dma_wait3A_500, %dma_wait3A_501] : memref<10240x128xf32, #tpu.memory_space<hbm>> -> memref<10240x128xf32, #tpu.memory_space<hbm>>
      tpu.wait_indirect_dma semaphore(%arg11 : memref<!tpu.dma_semaphore, #tpu.memory_space<semaphore_mem>>) src(%dma_wait3A_502 : memref<10240x128xf32, #tpu.memory_space<hbm>>) dst(%arg9 : memref<128x128xf32, #tpu.memory_space<vmem>>)
      %dma_start3A_503 = arith.constant 4 : i32
      %dma_start3A_504 = arith.constant 0 : i32
      %dma_start3A_505 = tpu.memref_slice %arg8[%dma_start3A_503, %dma_start3A_504] : memref<8x128xi32, #tpu.memory_space<vmem>> -> memref<1x128xi32, #tpu.memory_space<vmem>>
      %dma_start3A_506 = tpu.memref_squeeze %dma_start3A_505 : memref<1x128xi32, #tpu.memory_space<vmem>> -> memref<128xi32, #tpu.memory_space<vmem>>
      %dma_start3A_507 = arith.constant 0 : i32
      %dma_start3A_508 = arith.constant 0 : i32
      %dma_start3A_509 = tpu.memref_slice %arg6[%dma_start3A_507, %dma_start3A_508] : memref<10240x128xf32, #tpu.memory_space<vmem_shared>> -> memref<10240x128xf32, #tpu.memory_space<vmem_shared>>
      tpu.enqueue_indirect_dma source(%arg9 : memref<128x128xf32, #tpu.memory_space<vmem>>) target(%dma_start3A_509 : memref<10240x128xf32, #tpu.memory_space<vmem_shared>>) offsets(%dma_start3A_506 : memref<128xi32, #tpu.memory_space<vmem>>) semaphore(%arg13 : memref<!tpu.dma_semaphore, #tpu.memory_space<semaphore_mem>>) {add = true}
      %add3A_510 = arith.constant 2 : i32
      %add3A_511 = arith.addi %add3A_495, %add3A_510 : i32
      %lt3A_512 = arith.constant 80 : i32
      %lt3A_513 = arith.cmpi slt, %add3A_511, %lt3A_512 : i32
      %convert_element_type3A_514 = arith.extui %lt3A_513 : i1 to i32
      %cond3A_515 = arith.constant 0 : i32
      %cond3A_516 = arith.cmpi ne, %convert_element_type3A_514, %cond3A_515 : i32
      scf.if %cond3A_516 {
        %dma_wait3A_593 = arith.constant 0 : i32
        %dma_wait3A_594 = arith.constant 0 : i32
        %dma_wait3A_595 = tpu.memref_slice %arg8[%dma_wait3A_593, %dma_wait3A_594] : memref<8x128xi32, #tpu.memory_space<vmem>> -> memref<1x128xi32, #tpu.memory_space<vmem>>
        %dma_wait3A_596 = tpu.memref_squeeze %dma_wait3A_595 : memref<1x128xi32, #tpu.memory_space<vmem>> -> memref<128xi32, #tpu.memory_space<vmem>>
        %dma_wait3A_597 = arith.constant 0 : i32
        %dma_wait3A_598 = arith.constant 0 : i32
        %dma_wait3A_599 = tpu.memref_slice %arg6[%dma_wait3A_597, %dma_wait3A_598] : memref<10240x128xf32, #tpu.memory_space<vmem_shared>> -> memref<10240x128xf32, #tpu.memory_space<vmem_shared>>
        tpu.wait_indirect_dma semaphore(%arg13 : memref<!tpu.dma_semaphore, #tpu.memory_space<semaphore_mem>>) src(%arg9 : memref<128x128xf32, #tpu.memory_space<vmem>>) dst(%dma_wait3A_599 : memref<10240x128xf32, #tpu.memory_space<vmem_shared>>)
        %add3A_600 = arith.constant 8 : i32
        %add3A_601 = arith.addi %add3A_495, %add3A_600 : i32
        %lt3A_602 = arith.constant 80 : i32
        %lt3A_603 = arith.cmpi slt, %add3A_601, %lt3A_602 : i32
        %convert_element_type3A_604 = arith.extui %lt3A_603 : i1 to i32
        %cond3A_605 = arith.constant 0 : i32
        %cond3A_606 = arith.cmpi ne, %convert_element_type3A_604, %cond3A_605 : i32
        scf.if %cond3A_606 {
          %add3A_642 = arith.constant 8 : i32
          %add3A_643 = arith.addi %add3A_495, %add3A_642 : i32
          %mul3A_644 = arith.constant 80 : i32
          %mul3A_645 = arith.muli %add3A, %mul3A_644 : i32
          %add3A_646 = arith.addi %mul3A_645, %add3A_643 : i32
          %dma_start3A_647 = arith.constant 4 : i32
          %dma_start3A_648 = arith.constant 0 : i32
          %dma_start3A_649 = tpu.memref_slice %arg7[%dma_start3A_647, %dma_start3A_648] : memref<8x128xi32, #tpu.memory_space<vmem>> -> memref<1x128xi32, #tpu.memory_space<vmem>>
          %dma_start3A_650 = tpu.memref_squeeze %dma_start3A_649 : memref<1x128xi32, #tpu.memory_space<vmem>> -> memref<128xi32, #tpu.memory_space<vmem>>
          %dma_start3A_651 = arith.constant 0 : i32
          %dma_start3A_652 = tpu.memref_slice %arg3[%add3A_646, %dma_start3A_651] : memref<2560x128xi32, #tpu.memory_space<hbm>> -> memref<1x128xi32, #tpu.memory_space<hbm>>
          %dma_start3A_653 = tpu.memref_squeeze %dma_start3A_652 : memref<1x128xi32, #tpu.memory_space<hbm>> -> memref<128xi32, #tpu.memory_space<hbm>>
          %dma_start3A_654 = arith.constant 0 : i32
          %dma_start3A_655 = tpu.memref_slice %arg7[%dma_start3A_647, %dma_start3A_654] : memref<8x128xi32, #tpu.memory_space<vmem>> -> memref<1x128xi32, #tpu.memory_space<vmem>>
          %dma_start3A_656 = tpu.memref_squeeze %dma_start3A_655 : memref<1x128xi32, #tpu.memory_space<vmem>> -> memref<128xi32, #tpu.memory_space<vmem>>
          %dma_start3A_657 = arith.constant 0 : i32
          %dma_start3A_658 = tpu.memref_slice %arg3[%add3A_646, %dma_start3A_657] : memref<2560x128xi32, #tpu.memory_space<hbm>> -> memref<1x128xi32, #tpu.memory_space<hbm>>
          %dma_start3A_659 = tpu.memref_squeeze %dma_start3A_658 : memref<1x128xi32, #tpu.memory_space<hbm>> -> memref<128xi32, #tpu.memory_space<hbm>>
          tpu.enqueue_dma source(%dma_start3A_659 : memref<128xi32, #tpu.memory_space<hbm>>) target(%dma_start3A_656 : memref<128xi32, #tpu.memory_space<vmem>>) target_semaphore(%arg19 : memref<!tpu.dma_semaphore, #tpu.memory_space<semaphore_mem>>)
          %mul3A_660 = arith.constant 80 : i32
          %mul3A_661 = arith.muli %add3A, %mul3A_660 : i32
          %add3A_662 = arith.addi %mul3A_661, %add3A_643 : i32
          %dma_start3A_663 = arith.constant 4 : i32
          %dma_start3A_664 = arith.constant 0 : i32
          %dma_start3A_665 = tpu.memref_slice %arg8[%dma_start3A_663, %dma_start3A_664] : memref<8x128xi32, #tpu.memory_space<vmem>> -> memref<1x128xi32, #tpu.memory_space<vmem>>
          %dma_start3A_666 = tpu.memref_squeeze %dma_start3A_665 : memref<1x128xi32, #tpu.memory_space<vmem>> -> memref<128xi32, #tpu.memory_space<vmem>>
          %dma_start3A_667 = arith.constant 0 : i32
          %dma_start3A_668 = tpu.memref_slice %arg4[%add3A_662, %dma_start3A_667] : memref<2560x128xi32, #tpu.memory_space<hbm>> -> memref<1x128xi32, #tpu.memory_space<hbm>>
          %dma_start3A_669 = tpu.memref_squeeze %dma_start3A_668 : memref<1x128xi32, #tpu.memory_space<hbm>> -> memref<128xi32, #tpu.memory_space<hbm>>
          %dma_start3A_670 = arith.constant 0 : i32
          %dma_start3A_671 = tpu.memref_slice %arg8[%dma_start3A_663, %dma_start3A_670] : memref<8x128xi32, #tpu.memory_space<vmem>> -> memref<1x128xi32, #tpu.memory_space<vmem>>
          %dma_start3A_672 = tpu.memref_squeeze %dma_start3A_671 : memref<1x128xi32, #tpu.memory_space<vmem>> -> memref<128xi32, #tpu.memory_space<vmem>>
          %dma_start3A_673 = arith.constant 0 : i32
          %dma_start3A_674 = tpu.memref_slice %arg4[%add3A_662, %dma_start3A_673] : memref<2560x128xi32, #tpu.memory_space<hbm>> -> memref<1x128xi32, #tpu.memory_space<hbm>>
          %dma_start3A_675 = tpu.memref_squeeze %dma_start3A_674 : memref<1x128xi32, #tpu.memory_space<hbm>> -> memref<128xi32, #tpu.memory_space<hbm>>
          tpu.enqueue_dma source(%dma_start3A_675 : memref<128xi32, #tpu.memory_space<hbm>>) target(%dma_start3A_672 : memref<128xi32, #tpu.memory_space<vmem>>) target_semaphore(%arg27 : memref<!tpu.dma_semaphore, #tpu.memory_space<semaphore_mem>>)
        } else {
        }
        %dma_wait3A_607 = arith.constant 0 : i32
        %dma_wait3A_608 = arith.constant 0 : i32
        %dma_wait3A_609 = arith.constant 0 : i32
        %dma_wait3A_610 = tpu.memref_slice %arg7[%dma_wait3A_608, %dma_wait3A_609] : memref<8x128xi32, #tpu.memory_space<vmem>> -> memref<1x128xi32, #tpu.memory_space<vmem>>
        %dma_wait3A_611 = tpu.memref_squeeze %dma_wait3A_610 : memref<1x128xi32, #tpu.memory_space<vmem>> -> memref<128xi32, #tpu.memory_space<vmem>>
        %dma_wait3A_612 = arith.constant 0 : i32
        %dma_wait3A_613 = tpu.memref_slice %arg3[%dma_wait3A_607, %dma_wait3A_612] : memref<2560x128xi32, #tpu.memory_space<hbm>> -> memref<1x128xi32, #tpu.memory_space<hbm>>
        %dma_wait3A_614 = tpu.memref_squeeze %dma_wait3A_613 : memref<1x128xi32, #tpu.memory_space<hbm>> -> memref<128xi32, #tpu.memory_space<hbm>>
        %dma_wait3A_615 = arith.constant 0 : i32
        %dma_wait3A_616 = tpu.memref_slice %arg7[%dma_wait3A_608, %dma_wait3A_615] : memref<8x128xi32, #tpu.memory_space<vmem>> -> memref<1x128xi32, #tpu.memory_space<vmem>>
        %dma_wait3A_617 = tpu.memref_squeeze %dma_wait3A_616 : memref<1x128xi32, #tpu.memory_space<vmem>> -> memref<128xi32, #tpu.memory_space<vmem>>
        %dma_wait3A_618 = arith.constant 0 : i32
        %dma_wait3A_619 = tpu.memref_slice %arg3[%dma_wait3A_607, %dma_wait3A_618] : memref<2560x128xi32, #tpu.memory_space<hbm>> -> memref<1x128xi32, #tpu.memory_space<hbm>>
        %dma_wait3A_620 = tpu.memref_squeeze %dma_wait3A_619 : memref<1x128xi32, #tpu.memory_space<hbm>> -> memref<128xi32, #tpu.memory_space<hbm>>
        tpu.wait_dma2 semaphore(%arg21 : memref<!tpu.dma_semaphore, #tpu.memory_space<semaphore_mem>>) src(%dma_wait3A_620 : memref<128xi32, #tpu.memory_space<hbm>>) dst(%dma_wait3A_617 : memref<128xi32, #tpu.memory_space<vmem>>)
        %dma_wait3A_621 = arith.constant 0 : i32
        %dma_wait3A_622 = arith.constant 0 : i32
        %dma_wait3A_623 = arith.constant 0 : i32
        %dma_wait3A_624 = tpu.memref_slice %arg8[%dma_wait3A_622, %dma_wait3A_623] : memref<8x128xi32, #tpu.memory_space<vmem>> -> memref<1x128xi32, #tpu.memory_space<vmem>>
        %dma_wait3A_625 = tpu.memref_squeeze %dma_wait3A_624 : memref<1x128xi32, #tpu.memory_space<vmem>> -> memref<128xi32, #tpu.memory_space<vmem>>
        %dma_wait3A_626 = arith.constant 0 : i32
        %dma_wait3A_627 = tpu.memref_slice %arg4[%dma_wait3A_621, %dma_wait3A_626] : memref<2560x128xi32, #tpu.memory_space<hbm>> -> memref<1x128xi32, #tpu.memory_space<hbm>>
        %dma_wait3A_628 = tpu.memref_squeeze %dma_wait3A_627 : memref<1x128xi32, #tpu.memory_space<hbm>> -> memref<128xi32, #tpu.memory_space<hbm>>
        %dma_wait3A_629 = arith.constant 0 : i32
        %dma_wait3A_630 = tpu.memref_slice %arg8[%dma_wait3A_622, %dma_wait3A_629] : memref<8x128xi32, #tpu.memory_space<vmem>> -> memref<1x128xi32, #tpu.memory_space<vmem>>
        %dma_wait3A_631 = tpu.memref_squeeze %dma_wait3A_630 : memref<1x128xi32, #tpu.memory_space<vmem>> -> memref<128xi32, #tpu.memory_space<vmem>>
        %dma_wait3A_632 = arith.constant 0 : i32
        %dma_wait3A_633 = tpu.memref_slice %arg4[%dma_wait3A_621, %dma_wait3A_632] : memref<2560x128xi32, #tpu.memory_space<hbm>> -> memref<1x128xi32, #tpu.memory_space<hbm>>
        %dma_wait3A_634 = tpu.memref_squeeze %dma_wait3A_633 : memref<1x128xi32, #tpu.memory_space<hbm>> -> memref<128xi32, #tpu.memory_space<hbm>>
        tpu.wait_dma2 semaphore(%arg29 : memref<!tpu.dma_semaphore, #tpu.memory_space<semaphore_mem>>) src(%dma_wait3A_634 : memref<128xi32, #tpu.memory_space<hbm>>) dst(%dma_wait3A_631 : memref<128xi32, #tpu.memory_space<vmem>>)
        %dma_start3A_635 = arith.constant 6 : i32
        %dma_start3A_636 = arith.constant 0 : i32
        %dma_start3A_637 = tpu.memref_slice %arg7[%dma_start3A_635, %dma_start3A_636] : memref<8x128xi32, #tpu.memory_space<vmem>> -> memref<1x128xi32, #tpu.memory_space<vmem>>
        %dma_start3A_638 = tpu.memref_squeeze %dma_start3A_637 : memref<1x128xi32, #tpu.memory_space<vmem>> -> memref<128xi32, #tpu.memory_space<vmem>>
        %dma_start3A_639 = arith.constant 0 : i32
        %dma_start3A_640 = arith.constant 0 : i32
        %dma_start3A_641 = tpu.memref_slice %arg2[%dma_start3A_639, %dma_start3A_640] : memref<10240x128xf32, #tpu.memory_space<hbm>> -> memref<10240x128xf32, #tpu.memory_space<hbm>>
        tpu.enqueue_indirect_dma source(%dma_start3A_641 : memref<10240x128xf32, #tpu.memory_space<hbm>>) target(%arg9 : memref<128x128xf32, #tpu.memory_space<vmem>>) offsets(%dma_start3A_638 : memref<128xi32, #tpu.memory_space<vmem>>) semaphore(%arg11 : memref<!tpu.dma_semaphore, #tpu.memory_space<semaphore_mem>>)
      } else {
      }
      %mul3A_517 = arith.constant 8 : i32
      %mul3A_518 = arith.muli %scan3A_393, %mul3A_517 : i32
      %add3A_519 = arith.constant 5 : i32
      %add3A_520 = arith.addi %mul3A_518, %add3A_519 : i32
      %dma_wait3A_521 = arith.constant 0 : i32
      %dma_wait3A_522 = arith.constant 0 : i32
      %dma_wait3A_523 = tpu.memref_slice %arg7[%dma_wait3A_521, %dma_wait3A_522] : memref<8x128xi32, #tpu.memory_space<vmem>> -> memref<1x128xi32, #tpu.memory_space<vmem>>
      %dma_wait3A_524 = tpu.memref_squeeze %dma_wait3A_523 : memref<1x128xi32, #tpu.memory_space<vmem>> -> memref<128xi32, #tpu.memory_space<vmem>>
      %dma_wait3A_525 = arith.constant 0 : i32
      %dma_wait3A_526 = arith.constant 0 : i32
      %dma_wait3A_527 = tpu.memref_slice %arg2[%dma_wait3A_525, %dma_wait3A_526] : memref<10240x128xf32, #tpu.memory_space<hbm>> -> memref<10240x128xf32, #tpu.memory_space<hbm>>
      tpu.wait_indirect_dma semaphore(%arg12 : memref<!tpu.dma_semaphore, #tpu.memory_space<semaphore_mem>>) src(%dma_wait3A_527 : memref<10240x128xf32, #tpu.memory_space<hbm>>) dst(%arg10 : memref<128x128xf32, #tpu.memory_space<vmem>>)
      %dma_start3A_528 = arith.constant 5 : i32
      %dma_start3A_529 = arith.constant 0 : i32
      %dma_start3A_530 = tpu.memref_slice %arg8[%dma_start3A_528, %dma_start3A_529] : memref<8x128xi32, #tpu.memory_space<vmem>> -> memref<1x128xi32, #tpu.memory_space<vmem>>
      %dma_start3A_531 = tpu.memref_squeeze %dma_start3A_530 : memref<1x128xi32, #tpu.memory_space<vmem>> -> memref<128xi32, #tpu.memory_space<vmem>>
      %dma_start3A_532 = arith.constant 0 : i32
      %dma_start3A_533 = arith.constant 0 : i32
      %dma_start3A_534 = tpu.memref_slice %arg6[%dma_start3A_532, %dma_start3A_533] : memref<10240x128xf32, #tpu.memory_space<vmem_shared>> -> memref<10240x128xf32, #tpu.memory_space<vmem_shared>>
      tpu.enqueue_indirect_dma source(%arg10 : memref<128x128xf32, #tpu.memory_space<vmem>>) target(%dma_start3A_534 : memref<10240x128xf32, #tpu.memory_space<vmem_shared>>) offsets(%dma_start3A_531 : memref<128xi32, #tpu.memory_space<vmem>>) semaphore(%arg14 : memref<!tpu.dma_semaphore, #tpu.memory_space<semaphore_mem>>) {add = true}
      %add3A_535 = arith.constant 2 : i32
      %add3A_536 = arith.addi %add3A_520, %add3A_535 : i32
      %lt3A_537 = arith.constant 80 : i32
      %lt3A_538 = arith.cmpi slt, %add3A_536, %lt3A_537 : i32
      %convert_element_type3A_539 = arith.extui %lt3A_538 : i1 to i32
      %cond3A_540 = arith.constant 0 : i32
      %cond3A_541 = arith.cmpi ne, %convert_element_type3A_539, %cond3A_540 : i32
      scf.if %cond3A_541 {
        %dma_wait3A_593 = arith.constant 0 : i32
        %dma_wait3A_594 = arith.constant 0 : i32
        %dma_wait3A_595 = tpu.memref_slice %arg8[%dma_wait3A_593, %dma_wait3A_594] : memref<8x128xi32, #tpu.memory_space<vmem>> -> memref<1x128xi32, #tpu.memory_space<vmem>>
        %dma_wait3A_596 = tpu.memref_squeeze %dma_wait3A_595 : memref<1x128xi32, #tpu.memory_space<vmem>> -> memref<128xi32, #tpu.memory_space<vmem>>
        %dma_wait3A_597 = arith.constant 0 : i32
        %dma_wait3A_598 = arith.constant 0 : i32
        %dma_wait3A_599 = tpu.memref_slice %arg6[%dma_wait3A_597, %dma_wait3A_598] : memref<10240x128xf32, #tpu.memory_space<vmem_shared>> -> memref<10240x128xf32, #tpu.memory_space<vmem_shared>>
        tpu.wait_indirect_dma semaphore(%arg14 : memref<!tpu.dma_semaphore, #tpu.memory_space<semaphore_mem>>) src(%arg10 : memref<128x128xf32, #tpu.memory_space<vmem>>) dst(%dma_wait3A_599 : memref<10240x128xf32, #tpu.memory_space<vmem_shared>>)
        %add3A_600 = arith.constant 8 : i32
        %add3A_601 = arith.addi %add3A_520, %add3A_600 : i32
        %lt3A_602 = arith.constant 80 : i32
        %lt3A_603 = arith.cmpi slt, %add3A_601, %lt3A_602 : i32
        %convert_element_type3A_604 = arith.extui %lt3A_603 : i1 to i32
        %cond3A_605 = arith.constant 0 : i32
        %cond3A_606 = arith.cmpi ne, %convert_element_type3A_604, %cond3A_605 : i32
        scf.if %cond3A_606 {
          %add3A_642 = arith.constant 8 : i32
          %add3A_643 = arith.addi %add3A_520, %add3A_642 : i32
          %mul3A_644 = arith.constant 80 : i32
          %mul3A_645 = arith.muli %add3A, %mul3A_644 : i32
          %add3A_646 = arith.addi %mul3A_645, %add3A_643 : i32
          %dma_start3A_647 = arith.constant 5 : i32
          %dma_start3A_648 = arith.constant 0 : i32
          %dma_start3A_649 = tpu.memref_slice %arg7[%dma_start3A_647, %dma_start3A_648] : memref<8x128xi32, #tpu.memory_space<vmem>> -> memref<1x128xi32, #tpu.memory_space<vmem>>
          %dma_start3A_650 = tpu.memref_squeeze %dma_start3A_649 : memref<1x128xi32, #tpu.memory_space<vmem>> -> memref<128xi32, #tpu.memory_space<vmem>>
          %dma_start3A_651 = arith.constant 0 : i32
          %dma_start3A_652 = tpu.memref_slice %arg3[%add3A_646, %dma_start3A_651] : memref<2560x128xi32, #tpu.memory_space<hbm>> -> memref<1x128xi32, #tpu.memory_space<hbm>>
          %dma_start3A_653 = tpu.memref_squeeze %dma_start3A_652 : memref<1x128xi32, #tpu.memory_space<hbm>> -> memref<128xi32, #tpu.memory_space<hbm>>
          %dma_start3A_654 = arith.constant 0 : i32
          %dma_start3A_655 = tpu.memref_slice %arg7[%dma_start3A_647, %dma_start3A_654] : memref<8x128xi32, #tpu.memory_space<vmem>> -> memref<1x128xi32, #tpu.memory_space<vmem>>
          %dma_start3A_656 = tpu.memref_squeeze %dma_start3A_655 : memref<1x128xi32, #tpu.memory_space<vmem>> -> memref<128xi32, #tpu.memory_space<vmem>>
          %dma_start3A_657 = arith.constant 0 : i32
          %dma_start3A_658 = tpu.memref_slice %arg3[%add3A_646, %dma_start3A_657] : memref<2560x128xi32, #tpu.memory_space<hbm>> -> memref<1x128xi32, #tpu.memory_space<hbm>>
          %dma_start3A_659 = tpu.memref_squeeze %dma_start3A_658 : memref<1x128xi32, #tpu.memory_space<hbm>> -> memref<128xi32, #tpu.memory_space<hbm>>
          tpu.enqueue_dma source(%dma_start3A_659 : memref<128xi32, #tpu.memory_space<hbm>>) target(%dma_start3A_656 : memref<128xi32, #tpu.memory_space<vmem>>) target_semaphore(%arg20 : memref<!tpu.dma_semaphore, #tpu.memory_space<semaphore_mem>>)
          %mul3A_660 = arith.constant 80 : i32
          %mul3A_661 = arith.muli %add3A, %mul3A_660 : i32
          %add3A_662 = arith.addi %mul3A_661, %add3A_643 : i32
          %dma_start3A_663 = arith.constant 5 : i32
          %dma_start3A_664 = arith.constant 0 : i32
          %dma_start3A_665 = tpu.memref_slice %arg8[%dma_start3A_663, %dma_start3A_664] : memref<8x128xi32, #tpu.memory_space<vmem>> -> memref<1x128xi32, #tpu.memory_space<vmem>>
          %dma_start3A_666 = tpu.memref_squeeze %dma_start3A_665 : memref<1x128xi32, #tpu.memory_space<vmem>> -> memref<128xi32, #tpu.memory_space<vmem>>
          %dma_start3A_667 = arith.constant 0 : i32
          %dma_start3A_668 = tpu.memref_slice %arg4[%add3A_662, %dma_start3A_667] : memref<2560x128xi32, #tpu.memory_space<hbm>> -> memref<1x128xi32, #tpu.memory_space<hbm>>
          %dma_start3A_669 = tpu.memref_squeeze %dma_start3A_668 : memref<1x128xi32, #tpu.memory_space<hbm>> -> memref<128xi32, #tpu.memory_space<hbm>>
          %dma_start3A_670 = arith.constant 0 : i32
          %dma_start3A_671 = tpu.memref_slice %arg8[%dma_start3A_663, %dma_start3A_670] : memref<8x128xi32, #tpu.memory_space<vmem>> -> memref<1x128xi32, #tpu.memory_space<vmem>>
          %dma_start3A_672 = tpu.memref_squeeze %dma_start3A_671 : memref<1x128xi32, #tpu.memory_space<vmem>> -> memref<128xi32, #tpu.memory_space<vmem>>
          %dma_start3A_673 = arith.constant 0 : i32
          %dma_start3A_674 = tpu.memref_slice %arg4[%add3A_662, %dma_start3A_673] : memref<2560x128xi32, #tpu.memory_space<hbm>> -> memref<1x128xi32, #tpu.memory_space<hbm>>
          %dma_start3A_675 = tpu.memref_squeeze %dma_start3A_674 : memref<1x128xi32, #tpu.memory_space<hbm>> -> memref<128xi32, #tpu.memory_space<hbm>>
          tpu.enqueue_dma source(%dma_start3A_675 : memref<128xi32, #tpu.memory_space<hbm>>) target(%dma_start3A_672 : memref<128xi32, #tpu.memory_space<vmem>>) target_semaphore(%arg28 : memref<!tpu.dma_semaphore, #tpu.memory_space<semaphore_mem>>)
        } else {
        }
        %dma_wait3A_607 = arith.constant 0 : i32
        %dma_wait3A_608 = arith.constant 0 : i32
        %dma_wait3A_609 = arith.constant 0 : i32
        %dma_wait3A_610 = tpu.memref_slice %arg7[%dma_wait3A_608, %dma_wait3A_609] : memref<8x128xi32, #tpu.memory_space<vmem>> -> memref<1x128xi32, #tpu.memory_space<vmem>>
        %dma_wait3A_611 = tpu.memref_squeeze %dma_wait3A_610 : memref<1x128xi32, #tpu.memory_space<vmem>> -> memref<128xi32, #tpu.memory_space<vmem>>
        %dma_wait3A_612 = arith.constant 0 : i32
        %dma_wait3A_613 = tpu.memref_slice %arg3[%dma_wait3A_607, %dma_wait3A_612] : memref<2560x128xi32, #tpu.memory_space<hbm>> -> memref<1x128xi32, #tpu.memory_space<hbm>>
        %dma_wait3A_614 = tpu.memref_squeeze %dma_wait3A_613 : memref<1x128xi32, #tpu.memory_space<hbm>> -> memref<128xi32, #tpu.memory_space<hbm>>
        %dma_wait3A_615 = arith.constant 0 : i32
        %dma_wait3A_616 = tpu.memref_slice %arg7[%dma_wait3A_608, %dma_wait3A_615] : memref<8x128xi32, #tpu.memory_space<vmem>> -> memref<1x128xi32, #tpu.memory_space<vmem>>
        %dma_wait3A_617 = tpu.memref_squeeze %dma_wait3A_616 : memref<1x128xi32, #tpu.memory_space<vmem>> -> memref<128xi32, #tpu.memory_space<vmem>>
        %dma_wait3A_618 = arith.constant 0 : i32
        %dma_wait3A_619 = tpu.memref_slice %arg3[%dma_wait3A_607, %dma_wait3A_618] : memref<2560x128xi32, #tpu.memory_space<hbm>> -> memref<1x128xi32, #tpu.memory_space<hbm>>
        %dma_wait3A_620 = tpu.memref_squeeze %dma_wait3A_619 : memref<1x128xi32, #tpu.memory_space<hbm>> -> memref<128xi32, #tpu.memory_space<hbm>>
        tpu.wait_dma2 semaphore(%arg22 : memref<!tpu.dma_semaphore, #tpu.memory_space<semaphore_mem>>) src(%dma_wait3A_620 : memref<128xi32, #tpu.memory_space<hbm>>) dst(%dma_wait3A_617 : memref<128xi32, #tpu.memory_space<vmem>>)
        %dma_wait3A_621 = arith.constant 0 : i32
        %dma_wait3A_622 = arith.constant 0 : i32
        %dma_wait3A_623 = arith.constant 0 : i32
        %dma_wait3A_624 = tpu.memref_slice %arg8[%dma_wait3A_622, %dma_wait3A_623] : memref<8x128xi32, #tpu.memory_space<vmem>> -> memref<1x128xi32, #tpu.memory_space<vmem>>
        %dma_wait3A_625 = tpu.memref_squeeze %dma_wait3A_624 : memref<1x128xi32, #tpu.memory_space<vmem>> -> memref<128xi32, #tpu.memory_space<vmem>>
        %dma_wait3A_626 = arith.constant 0 : i32
        %dma_wait3A_627 = tpu.memref_slice %arg4[%dma_wait3A_621, %dma_wait3A_626] : memref<2560x128xi32, #tpu.memory_space<hbm>> -> memref<1x128xi32, #tpu.memory_space<hbm>>
        %dma_wait3A_628 = tpu.memref_squeeze %dma_wait3A_627 : memref<1x128xi32, #tpu.memory_space<hbm>> -> memref<128xi32, #tpu.memory_space<hbm>>
        %dma_wait3A_629 = arith.constant 0 : i32
        %dma_wait3A_630 = tpu.memref_slice %arg8[%dma_wait3A_622, %dma_wait3A_629] : memref<8x128xi32, #tpu.memory_space<vmem>> -> memref<1x128xi32, #tpu.memory_space<vmem>>
        %dma_wait3A_631 = tpu.memref_squeeze %dma_wait3A_630 : memref<1x128xi32, #tpu.memory_space<vmem>> -> memref<128xi32, #tpu.memory_space<vmem>>
        %dma_wait3A_632 = arith.constant 0 : i32
        %dma_wait3A_633 = tpu.memref_slice %arg4[%dma_wait3A_621, %dma_wait3A_632] : memref<2560x128xi32, #tpu.memory_space<hbm>> -> memref<1x128xi32, #tpu.memory_space<hbm>>
        %dma_wait3A_634 = tpu.memref_squeeze %dma_wait3A_633 : memref<1x128xi32, #tpu.memory_space<hbm>> -> memref<128xi32, #tpu.memory_space<hbm>>
        tpu.wait_dma2 semaphore(%arg30 : memref<!tpu.dma_semaphore, #tpu.memory_space<semaphore_mem>>) src(%dma_wait3A_634 : memref<128xi32, #tpu.memory_space<hbm>>) dst(%dma_wait3A_631 : memref<128xi32, #tpu.memory_space<vmem>>)
        %dma_start3A_635 = arith.constant 7 : i32
        %dma_start3A_636 = arith.constant 0 : i32
        %dma_start3A_637 = tpu.memref_slice %arg7[%dma_start3A_635, %dma_start3A_636] : memref<8x128xi32, #tpu.memory_space<vmem>> -> memref<1x128xi32, #tpu.memory_space<vmem>>
        %dma_start3A_638 = tpu.memref_squeeze %dma_start3A_637 : memref<1x128xi32, #tpu.memory_space<vmem>> -> memref<128xi32, #tpu.memory_space<vmem>>
        %dma_start3A_639 = arith.constant 0 : i32
        %dma_start3A_640 = arith.constant 0 : i32
        %dma_start3A_641 = tpu.memref_slice %arg2[%dma_start3A_639, %dma_start3A_640] : memref<10240x128xf32, #tpu.memory_space<hbm>> -> memref<10240x128xf32, #tpu.memory_space<hbm>>
        tpu.enqueue_indirect_dma source(%dma_start3A_641 : memref<10240x128xf32, #tpu.memory_space<hbm>>) target(%arg10 : memref<128x128xf32, #tpu.memory_space<vmem>>) offsets(%dma_start3A_638 : memref<128xi32, #tpu.memory_space<vmem>>) semaphore(%arg12 : memref<!tpu.dma_semaphore, #tpu.memory_space<semaphore_mem>>)
      } else {
      }
      %mul3A_542 = arith.constant 8 : i32
      %mul3A_543 = arith.muli %scan3A_393, %mul3A_542 : i32
      %add3A_544 = arith.constant 6 : i32
      %add3A_545 = arith.addi %mul3A_543, %add3A_544 : i32
      %dma_wait3A_546 = arith.constant 0 : i32
      %dma_wait3A_547 = arith.constant 0 : i32
      %dma_wait3A_548 = tpu.memref_slice %arg7[%dma_wait3A_546, %dma_wait3A_547] : memref<8x128xi32, #tpu.memory_space<vmem>> -> memref<1x128xi32, #tpu.memory_space<vmem>>
      %dma_wait3A_549 = tpu.memref_squeeze %dma_wait3A_548 : memref<1x128xi32, #tpu.memory_space<vmem>> -> memref<128xi32, #tpu.memory_space<vmem>>
      %dma_wait3A_550 = arith.constant 0 : i32
      %dma_wait3A_551 = arith.constant 0 : i32
      %dma_wait3A_552 = tpu.memref_slice %arg2[%dma_wait3A_550, %dma_wait3A_551] : memref<10240x128xf32, #tpu.memory_space<hbm>> -> memref<10240x128xf32, #tpu.memory_space<hbm>>
      tpu.wait_indirect_dma semaphore(%arg11 : memref<!tpu.dma_semaphore, #tpu.memory_space<semaphore_mem>>) src(%dma_wait3A_552 : memref<10240x128xf32, #tpu.memory_space<hbm>>) dst(%arg9 : memref<128x128xf32, #tpu.memory_space<vmem>>)
      %dma_start3A_553 = arith.constant 6 : i32
      %dma_start3A_554 = arith.constant 0 : i32
      %dma_start3A_555 = tpu.memref_slice %arg8[%dma_start3A_553, %dma_start3A_554] : memref<8x128xi32, #tpu.memory_space<vmem>> -> memref<1x128xi32, #tpu.memory_space<vmem>>
      %dma_start3A_556 = tpu.memref_squeeze %dma_start3A_555 : memref<1x128xi32, #tpu.memory_space<vmem>> -> memref<128xi32, #tpu.memory_space<vmem>>
      %dma_start3A_557 = arith.constant 0 : i32
      %dma_start3A_558 = arith.constant 0 : i32
      %dma_start3A_559 = tpu.memref_slice %arg6[%dma_start3A_557, %dma_start3A_558] : memref<10240x128xf32, #tpu.memory_space<vmem_shared>> -> memref<10240x128xf32, #tpu.memory_space<vmem_shared>>
      tpu.enqueue_indirect_dma source(%arg9 : memref<128x128xf32, #tpu.memory_space<vmem>>) target(%dma_start3A_559 : memref<10240x128xf32, #tpu.memory_space<vmem_shared>>) offsets(%dma_start3A_556 : memref<128xi32, #tpu.memory_space<vmem>>) semaphore(%arg13 : memref<!tpu.dma_semaphore, #tpu.memory_space<semaphore_mem>>) {add = true}
      %add3A_560 = arith.constant 2 : i32
      %add3A_561 = arith.addi %add3A_545, %add3A_560 : i32
      %lt3A_562 = arith.constant 80 : i32
      %lt3A_563 = arith.cmpi slt, %add3A_561, %lt3A_562 : i32
      %convert_element_type3A_564 = arith.extui %lt3A_563 : i1 to i32
      %cond3A_565 = arith.constant 0 : i32
      %cond3A_566 = arith.cmpi ne, %convert_element_type3A_564, %cond3A_565 : i32
      scf.if %cond3A_566 {
        %dma_wait3A_593 = arith.constant 0 : i32
        %dma_wait3A_594 = arith.constant 0 : i32
        %dma_wait3A_595 = tpu.memref_slice %arg8[%dma_wait3A_593, %dma_wait3A_594] : memref<8x128xi32, #tpu.memory_space<vmem>> -> memref<1x128xi32, #tpu.memory_space<vmem>>
        %dma_wait3A_596 = tpu.memref_squeeze %dma_wait3A_595 : memref<1x128xi32, #tpu.memory_space<vmem>> -> memref<128xi32, #tpu.memory_space<vmem>>
        %dma_wait3A_597 = arith.constant 0 : i32
        %dma_wait3A_598 = arith.constant 0 : i32
        %dma_wait3A_599 = tpu.memref_slice %arg6[%dma_wait3A_597, %dma_wait3A_598] : memref<10240x128xf32, #tpu.memory_space<vmem_shared>> -> memref<10240x128xf32, #tpu.memory_space<vmem_shared>>
        tpu.wait_indirect_dma semaphore(%arg13 : memref<!tpu.dma_semaphore, #tpu.memory_space<semaphore_mem>>) src(%arg9 : memref<128x128xf32, #tpu.memory_space<vmem>>) dst(%dma_wait3A_599 : memref<10240x128xf32, #tpu.memory_space<vmem_shared>>)
        %add3A_600 = arith.constant 8 : i32
        %add3A_601 = arith.addi %add3A_545, %add3A_600 : i32
        %lt3A_602 = arith.constant 80 : i32
        %lt3A_603 = arith.cmpi slt, %add3A_601, %lt3A_602 : i32
        %convert_element_type3A_604 = arith.extui %lt3A_603 : i1 to i32
        %cond3A_605 = arith.constant 0 : i32
        %cond3A_606 = arith.cmpi ne, %convert_element_type3A_604, %cond3A_605 : i32
        scf.if %cond3A_606 {
          %add3A_642 = arith.constant 8 : i32
          %add3A_643 = arith.addi %add3A_545, %add3A_642 : i32
          %mul3A_644 = arith.constant 80 : i32
          %mul3A_645 = arith.muli %add3A, %mul3A_644 : i32
          %add3A_646 = arith.addi %mul3A_645, %add3A_643 : i32
          %dma_start3A_647 = arith.constant 6 : i32
          %dma_start3A_648 = arith.constant 0 : i32
          %dma_start3A_649 = tpu.memref_slice %arg7[%dma_start3A_647, %dma_start3A_648] : memref<8x128xi32, #tpu.memory_space<vmem>> -> memref<1x128xi32, #tpu.memory_space<vmem>>
          %dma_start3A_650 = tpu.memref_squeeze %dma_start3A_649 : memref<1x128xi32, #tpu.memory_space<vmem>> -> memref<128xi32, #tpu.memory_space<vmem>>
          %dma_start3A_651 = arith.constant 0 : i32
          %dma_start3A_652 = tpu.memref_slice %arg3[%add3A_646, %dma_start3A_651] : memref<2560x128xi32, #tpu.memory_space<hbm>> -> memref<1x128xi32, #tpu.memory_space<hbm>>
          %dma_start3A_653 = tpu.memref_squeeze %dma_start3A_652 : memref<1x128xi32, #tpu.memory_space<hbm>> -> memref<128xi32, #tpu.memory_space<hbm>>
          %dma_start3A_654 = arith.constant 0 : i32
          %dma_start3A_655 = tpu.memref_slice %arg7[%dma_start3A_647, %dma_start3A_654] : memref<8x128xi32, #tpu.memory_space<vmem>> -> memref<1x128xi32, #tpu.memory_space<vmem>>
          %dma_start3A_656 = tpu.memref_squeeze %dma_start3A_655 : memref<1x128xi32, #tpu.memory_space<vmem>> -> memref<128xi32, #tpu.memory_space<vmem>>
          %dma_start3A_657 = arith.constant 0 : i32
          %dma_start3A_658 = tpu.memref_slice %arg3[%add3A_646, %dma_start3A_657] : memref<2560x128xi32, #tpu.memory_space<hbm>> -> memref<1x128xi32, #tpu.memory_space<hbm>>
          %dma_start3A_659 = tpu.memref_squeeze %dma_start3A_658 : memref<1x128xi32, #tpu.memory_space<hbm>> -> memref<128xi32, #tpu.memory_space<hbm>>
          tpu.enqueue_dma source(%dma_start3A_659 : memref<128xi32, #tpu.memory_space<hbm>>) target(%dma_start3A_656 : memref<128xi32, #tpu.memory_space<vmem>>) target_semaphore(%arg21 : memref<!tpu.dma_semaphore, #tpu.memory_space<semaphore_mem>>)
          %mul3A_660 = arith.constant 80 : i32
          %mul3A_661 = arith.muli %add3A, %mul3A_660 : i32
          %add3A_662 = arith.addi %mul3A_661, %add3A_643 : i32
          %dma_start3A_663 = arith.constant 6 : i32
          %dma_start3A_664 = arith.constant 0 : i32
          %dma_start3A_665 = tpu.memref_slice %arg8[%dma_start3A_663, %dma_start3A_664] : memref<8x128xi32, #tpu.memory_space<vmem>> -> memref<1x128xi32, #tpu.memory_space<vmem>>
          %dma_start3A_666 = tpu.memref_squeeze %dma_start3A_665 : memref<1x128xi32, #tpu.memory_space<vmem>> -> memref<128xi32, #tpu.memory_space<vmem>>
          %dma_start3A_667 = arith.constant 0 : i32
          %dma_start3A_668 = tpu.memref_slice %arg4[%add3A_662, %dma_start3A_667] : memref<2560x128xi32, #tpu.memory_space<hbm>> -> memref<1x128xi32, #tpu.memory_space<hbm>>
          %dma_start3A_669 = tpu.memref_squeeze %dma_start3A_668 : memref<1x128xi32, #tpu.memory_space<hbm>> -> memref<128xi32, #tpu.memory_space<hbm>>
          %dma_start3A_670 = arith.constant 0 : i32
          %dma_start3A_671 = tpu.memref_slice %arg8[%dma_start3A_663, %dma_start3A_670] : memref<8x128xi32, #tpu.memory_space<vmem>> -> memref<1x128xi32, #tpu.memory_space<vmem>>
          %dma_start3A_672 = tpu.memref_squeeze %dma_start3A_671 : memref<1x128xi32, #tpu.memory_space<vmem>> -> memref<128xi32, #tpu.memory_space<vmem>>
          %dma_start3A_673 = arith.constant 0 : i32
          %dma_start3A_674 = tpu.memref_slice %arg4[%add3A_662, %dma_start3A_673] : memref<2560x128xi32, #tpu.memory_space<hbm>> -> memref<1x128xi32, #tpu.memory_space<hbm>>
          %dma_start3A_675 = tpu.memref_squeeze %dma_start3A_674 : memref<1x128xi32, #tpu.memory_space<hbm>> -> memref<128xi32, #tpu.memory_space<hbm>>
          tpu.enqueue_dma source(%dma_start3A_675 : memref<128xi32, #tpu.memory_space<hbm>>) target(%dma_start3A_672 : memref<128xi32, #tpu.memory_space<vmem>>) target_semaphore(%arg29 : memref<!tpu.dma_semaphore, #tpu.memory_space<semaphore_mem>>)
        } else {
        }
        %dma_wait3A_607 = arith.constant 0 : i32
        %dma_wait3A_608 = arith.constant 0 : i32
        %dma_wait3A_609 = arith.constant 0 : i32
        %dma_wait3A_610 = tpu.memref_slice %arg7[%dma_wait3A_608, %dma_wait3A_609] : memref<8x128xi32, #tpu.memory_space<vmem>> -> memref<1x128xi32, #tpu.memory_space<vmem>>
        %dma_wait3A_611 = tpu.memref_squeeze %dma_wait3A_610 : memref<1x128xi32, #tpu.memory_space<vmem>> -> memref<128xi32, #tpu.memory_space<vmem>>
        %dma_wait3A_612 = arith.constant 0 : i32
        %dma_wait3A_613 = tpu.memref_slice %arg3[%dma_wait3A_607, %dma_wait3A_612] : memref<2560x128xi32, #tpu.memory_space<hbm>> -> memref<1x128xi32, #tpu.memory_space<hbm>>
        %dma_wait3A_614 = tpu.memref_squeeze %dma_wait3A_613 : memref<1x128xi32, #tpu.memory_space<hbm>> -> memref<128xi32, #tpu.memory_space<hbm>>
        %dma_wait3A_615 = arith.constant 0 : i32
        %dma_wait3A_616 = tpu.memref_slice %arg7[%dma_wait3A_608, %dma_wait3A_615] : memref<8x128xi32, #tpu.memory_space<vmem>> -> memref<1x128xi32, #tpu.memory_space<vmem>>
        %dma_wait3A_617 = tpu.memref_squeeze %dma_wait3A_616 : memref<1x128xi32, #tpu.memory_space<vmem>> -> memref<128xi32, #tpu.memory_space<vmem>>
        %dma_wait3A_618 = arith.constant 0 : i32
        %dma_wait3A_619 = tpu.memref_slice %arg3[%dma_wait3A_607, %dma_wait3A_618] : memref<2560x128xi32, #tpu.memory_space<hbm>> -> memref<1x128xi32, #tpu.memory_space<hbm>>
        %dma_wait3A_620 = tpu.memref_squeeze %dma_wait3A_619 : memref<1x128xi32, #tpu.memory_space<hbm>> -> memref<128xi32, #tpu.memory_space<hbm>>
        tpu.wait_dma2 semaphore(%arg15 : memref<!tpu.dma_semaphore, #tpu.memory_space<semaphore_mem>>) src(%dma_wait3A_620 : memref<128xi32, #tpu.memory_space<hbm>>) dst(%dma_wait3A_617 : memref<128xi32, #tpu.memory_space<vmem>>)
        %dma_wait3A_621 = arith.constant 0 : i32
        %dma_wait3A_622 = arith.constant 0 : i32
        %dma_wait3A_623 = arith.constant 0 : i32
        %dma_wait3A_624 = tpu.memref_slice %arg8[%dma_wait3A_622, %dma_wait3A_623] : memref<8x128xi32, #tpu.memory_space<vmem>> -> memref<1x128xi32, #tpu.memory_space<vmem>>
        %dma_wait3A_625 = tpu.memref_squeeze %dma_wait3A_624 : memref<1x128xi32, #tpu.memory_space<vmem>> -> memref<128xi32, #tpu.memory_space<vmem>>
        %dma_wait3A_626 = arith.constant 0 : i32
        %dma_wait3A_627 = tpu.memref_slice %arg4[%dma_wait3A_621, %dma_wait3A_626] : memref<2560x128xi32, #tpu.memory_space<hbm>> -> memref<1x128xi32, #tpu.memory_space<hbm>>
        %dma_wait3A_628 = tpu.memref_squeeze %dma_wait3A_627 : memref<1x128xi32, #tpu.memory_space<hbm>> -> memref<128xi32, #tpu.memory_space<hbm>>
        %dma_wait3A_629 = arith.constant 0 : i32
        %dma_wait3A_630 = tpu.memref_slice %arg8[%dma_wait3A_622, %dma_wait3A_629] : memref<8x128xi32, #tpu.memory_space<vmem>> -> memref<1x128xi32, #tpu.memory_space<vmem>>
        %dma_wait3A_631 = tpu.memref_squeeze %dma_wait3A_630 : memref<1x128xi32, #tpu.memory_space<vmem>> -> memref<128xi32, #tpu.memory_space<vmem>>
        %dma_wait3A_632 = arith.constant 0 : i32
        %dma_wait3A_633 = tpu.memref_slice %arg4[%dma_wait3A_621, %dma_wait3A_632] : memref<2560x128xi32, #tpu.memory_space<hbm>> -> memref<1x128xi32, #tpu.memory_space<hbm>>
        %dma_wait3A_634 = tpu.memref_squeeze %dma_wait3A_633 : memref<1x128xi32, #tpu.memory_space<hbm>> -> memref<128xi32, #tpu.memory_space<hbm>>
        tpu.wait_dma2 semaphore(%arg23 : memref<!tpu.dma_semaphore, #tpu.memory_space<semaphore_mem>>) src(%dma_wait3A_634 : memref<128xi32, #tpu.memory_space<hbm>>) dst(%dma_wait3A_631 : memref<128xi32, #tpu.memory_space<vmem>>)
        %dma_start3A_635 = arith.constant 0 : i32
        %dma_start3A_636 = arith.constant 0 : i32
        %dma_start3A_637 = tpu.memref_slice %arg7[%dma_start3A_635, %dma_start3A_636] : memref<8x128xi32, #tpu.memory_space<vmem>> -> memref<1x128xi32, #tpu.memory_space<vmem>>
        %dma_start3A_638 = tpu.memref_squeeze %dma_start3A_637 : memref<1x128xi32, #tpu.memory_space<vmem>> -> memref<128xi32, #tpu.memory_space<vmem>>
        %dma_start3A_639 = arith.constant 0 : i32
        %dma_start3A_640 = arith.constant 0 : i32
        %dma_start3A_641 = tpu.memref_slice %arg2[%dma_start3A_639, %dma_start3A_640] : memref<10240x128xf32, #tpu.memory_space<hbm>> -> memref<10240x128xf32, #tpu.memory_space<hbm>>
        tpu.enqueue_indirect_dma source(%dma_start3A_641 : memref<10240x128xf32, #tpu.memory_space<hbm>>) target(%arg9 : memref<128x128xf32, #tpu.memory_space<vmem>>) offsets(%dma_start3A_638 : memref<128xi32, #tpu.memory_space<vmem>>) semaphore(%arg11 : memref<!tpu.dma_semaphore, #tpu.memory_space<semaphore_mem>>)
      } else {
      }
      %mul3A_567 = arith.constant 8 : i32
      %mul3A_568 = arith.muli %scan3A_393, %mul3A_567 : i32
      %add3A_569 = arith.constant 7 : i32
      %add3A_570 = arith.addi %mul3A_568, %add3A_569 : i32
      %dma_wait3A_571 = arith.constant 0 : i32
      %dma_wait3A_572 = arith.constant 0 : i32
      %dma_wait3A_573 = tpu.memref_slice %arg7[%dma_wait3A_571, %dma_wait3A_572] : memref<8x128xi32, #tpu.memory_space<vmem>> -> memref<1x128xi32, #tpu.memory_space<vmem>>
      %dma_wait3A_574 = tpu.memref_squeeze %dma_wait3A_573 : memref<1x128xi32, #tpu.memory_space<vmem>> -> memref<128xi32, #tpu.memory_space<vmem>>
      %dma_wait3A_575 = arith.constant 0 : i32
      %dma_wait3A_576 = arith.constant 0 : i32
      %dma_wait3A_577 = tpu.memref_slice %arg2[%dma_wait3A_575, %dma_wait3A_576] : memref<10240x128xf32, #tpu.memory_space<hbm>> -> memref<10240x128xf32, #tpu.memory_space<hbm>>
      tpu.wait_indirect_dma semaphore(%arg12 : memref<!tpu.dma_semaphore, #tpu.memory_space<semaphore_mem>>) src(%dma_wait3A_577 : memref<10240x128xf32, #tpu.memory_space<hbm>>) dst(%arg10 : memref<128x128xf32, #tpu.memory_space<vmem>>)
      %dma_start3A_578 = arith.constant 7 : i32
      %dma_start3A_579 = arith.constant 0 : i32
      %dma_start3A_580 = tpu.memref_slice %arg8[%dma_start3A_578, %dma_start3A_579] : memref<8x128xi32, #tpu.memory_space<vmem>> -> memref<1x128xi32, #tpu.memory_space<vmem>>
      %dma_start3A_581 = tpu.memref_squeeze %dma_start3A_580 : memref<1x128xi32, #tpu.memory_space<vmem>> -> memref<128xi32, #tpu.memory_space<vmem>>
      %dma_start3A_582 = arith.constant 0 : i32
      %dma_start3A_583 = arith.constant 0 : i32
      %dma_start3A_584 = tpu.memref_slice %arg6[%dma_start3A_582, %dma_start3A_583] : memref<10240x128xf32, #tpu.memory_space<vmem_shared>> -> memref<10240x128xf32, #tpu.memory_space<vmem_shared>>
      tpu.enqueue_indirect_dma source(%arg10 : memref<128x128xf32, #tpu.memory_space<vmem>>) target(%dma_start3A_584 : memref<10240x128xf32, #tpu.memory_space<vmem_shared>>) offsets(%dma_start3A_581 : memref<128xi32, #tpu.memory_space<vmem>>) semaphore(%arg14 : memref<!tpu.dma_semaphore, #tpu.memory_space<semaphore_mem>>) {add = true}
      %add3A_585 = arith.constant 2 : i32
      %add3A_586 = arith.addi %add3A_570, %add3A_585 : i32
      %lt3A_587 = arith.constant 80 : i32
      %lt3A_588 = arith.cmpi slt, %add3A_586, %lt3A_587 : i32
      %convert_element_type3A_589 = arith.extui %lt3A_588 : i1 to i32
      %cond3A_590 = arith.constant 0 : i32
      %cond3A_591 = arith.cmpi ne, %convert_element_type3A_589, %cond3A_590 : i32
      scf.if %cond3A_591 {
        %dma_wait3A_593 = arith.constant 0 : i32
        %dma_wait3A_594 = arith.constant 0 : i32
        %dma_wait3A_595 = tpu.memref_slice %arg8[%dma_wait3A_593, %dma_wait3A_594] : memref<8x128xi32, #tpu.memory_space<vmem>> -> memref<1x128xi32, #tpu.memory_space<vmem>>
        %dma_wait3A_596 = tpu.memref_squeeze %dma_wait3A_595 : memref<1x128xi32, #tpu.memory_space<vmem>> -> memref<128xi32, #tpu.memory_space<vmem>>
        %dma_wait3A_597 = arith.constant 0 : i32
        %dma_wait3A_598 = arith.constant 0 : i32
        %dma_wait3A_599 = tpu.memref_slice %arg6[%dma_wait3A_597, %dma_wait3A_598] : memref<10240x128xf32, #tpu.memory_space<vmem_shared>> -> memref<10240x128xf32, #tpu.memory_space<vmem_shared>>
        tpu.wait_indirect_dma semaphore(%arg14 : memref<!tpu.dma_semaphore, #tpu.memory_space<semaphore_mem>>) src(%arg10 : memref<128x128xf32, #tpu.memory_space<vmem>>) dst(%dma_wait3A_599 : memref<10240x128xf32, #tpu.memory_space<vmem_shared>>)
        %add3A_600 = arith.constant 8 : i32
        %add3A_601 = arith.addi %add3A_570, %add3A_600 : i32
        %lt3A_602 = arith.constant 80 : i32
        %lt3A_603 = arith.cmpi slt, %add3A_601, %lt3A_602 : i32
        %convert_element_type3A_604 = arith.extui %lt3A_603 : i1 to i32
        %cond3A_605 = arith.constant 0 : i32
        %cond3A_606 = arith.cmpi ne, %convert_element_type3A_604, %cond3A_605 : i32
        scf.if %cond3A_606 {
          %add3A_642 = arith.constant 8 : i32
          %add3A_643 = arith.addi %add3A_570, %add3A_642 : i32
          %mul3A_644 = arith.constant 80 : i32
          %mul3A_645 = arith.muli %add3A, %mul3A_644 : i32
          %add3A_646 = arith.addi %mul3A_645, %add3A_643 : i32
          %dma_start3A_647 = arith.constant 7 : i32
          %dma_start3A_648 = arith.constant 0 : i32
          %dma_start3A_649 = tpu.memref_slice %arg7[%dma_start3A_647, %dma_start3A_648] : memref<8x128xi32, #tpu.memory_space<vmem>> -> memref<1x128xi32, #tpu.memory_space<vmem>>
          %dma_start3A_650 = tpu.memref_squeeze %dma_start3A_649 : memref<1x128xi32, #tpu.memory_space<vmem>> -> memref<128xi32, #tpu.memory_space<vmem>>
          %dma_start3A_651 = arith.constant 0 : i32
          %dma_start3A_652 = tpu.memref_slice %arg3[%add3A_646, %dma_start3A_651] : memref<2560x128xi32, #tpu.memory_space<hbm>> -> memref<1x128xi32, #tpu.memory_space<hbm>>
          %dma_start3A_653 = tpu.memref_squeeze %dma_start3A_652 : memref<1x128xi32, #tpu.memory_space<hbm>> -> memref<128xi32, #tpu.memory_space<hbm>>
          %dma_start3A_654 = arith.constant 0 : i32
          %dma_start3A_655 = tpu.memref_slice %arg7[%dma_start3A_647, %dma_start3A_654] : memref<8x128xi32, #tpu.memory_space<vmem>> -> memref<1x128xi32, #tpu.memory_space<vmem>>
          %dma_start3A_656 = tpu.memref_squeeze %dma_start3A_655 : memref<1x128xi32, #tpu.memory_space<vmem>> -> memref<128xi32, #tpu.memory_space<vmem>>
          %dma_start3A_657 = arith.constant 0 : i32
          %dma_start3A_658 = tpu.memref_slice %arg3[%add3A_646, %dma_start3A_657] : memref<2560x128xi32, #tpu.memory_space<hbm>> -> memref<1x128xi32, #tpu.memory_space<hbm>>
          %dma_start3A_659 = tpu.memref_squeeze %dma_start3A_658 : memref<1x128xi32, #tpu.memory_space<hbm>> -> memref<128xi32, #tpu.memory_space<hbm>>
          tpu.enqueue_dma source(%dma_start3A_659 : memref<128xi32, #tpu.memory_space<hbm>>) target(%dma_start3A_656 : memref<128xi32, #tpu.memory_space<vmem>>) target_semaphore(%arg22 : memref<!tpu.dma_semaphore, #tpu.memory_space<semaphore_mem>>)
          %mul3A_660 = arith.constant 80 : i32
          %mul3A_661 = arith.muli %add3A, %mul3A_660 : i32
          %add3A_662 = arith.addi %mul3A_661, %add3A_643 : i32
          %dma_start3A_663 = arith.constant 7 : i32
          %dma_start3A_664 = arith.constant 0 : i32
          %dma_start3A_665 = tpu.memref_slice %arg8[%dma_start3A_663, %dma_start3A_664] : memref<8x128xi32, #tpu.memory_space<vmem>> -> memref<1x128xi32, #tpu.memory_space<vmem>>
          %dma_start3A_666 = tpu.memref_squeeze %dma_start3A_665 : memref<1x128xi32, #tpu.memory_space<vmem>> -> memref<128xi32, #tpu.memory_space<vmem>>
          %dma_start3A_667 = arith.constant 0 : i32
          %dma_start3A_668 = tpu.memref_slice %arg4[%add3A_662, %dma_start3A_667] : memref<2560x128xi32, #tpu.memory_space<hbm>> -> memref<1x128xi32, #tpu.memory_space<hbm>>
          %dma_start3A_669 = tpu.memref_squeeze %dma_start3A_668 : memref<1x128xi32, #tpu.memory_space<hbm>> -> memref<128xi32, #tpu.memory_space<hbm>>
          %dma_start3A_670 = arith.constant 0 : i32
          %dma_start3A_671 = tpu.memref_slice %arg8[%dma_start3A_663, %dma_start3A_670] : memref<8x128xi32, #tpu.memory_space<vmem>> -> memref<1x128xi32, #tpu.memory_space<vmem>>
          %dma_start3A_672 = tpu.memref_squeeze %dma_start3A_671 : memref<1x128xi32, #tpu.memory_space<vmem>> -> memref<128xi32, #tpu.memory_space<vmem>>
          %dma_start3A_673 = arith.constant 0 : i32
          %dma_start3A_674 = tpu.memref_slice %arg4[%add3A_662, %dma_start3A_673] : memref<2560x128xi32, #tpu.memory_space<hbm>> -> memref<1x128xi32, #tpu.memory_space<hbm>>
          %dma_start3A_675 = tpu.memref_squeeze %dma_start3A_674 : memref<1x128xi32, #tpu.memory_space<hbm>> -> memref<128xi32, #tpu.memory_space<hbm>>
          tpu.enqueue_dma source(%dma_start3A_675 : memref<128xi32, #tpu.memory_space<hbm>>) target(%dma_start3A_672 : memref<128xi32, #tpu.memory_space<vmem>>) target_semaphore(%arg30 : memref<!tpu.dma_semaphore, #tpu.memory_space<semaphore_mem>>)
        } else {
        }
        %dma_wait3A_607 = arith.constant 0 : i32
        %dma_wait3A_608 = arith.constant 0 : i32
        %dma_wait3A_609 = arith.constant 0 : i32
        %dma_wait3A_610 = tpu.memref_slice %arg7[%dma_wait3A_608, %dma_wait3A_609] : memref<8x128xi32, #tpu.memory_space<vmem>> -> memref<1x128xi32, #tpu.memory_space<vmem>>
        %dma_wait3A_611 = tpu.memref_squeeze %dma_wait3A_610 : memref<1x128xi32, #tpu.memory_space<vmem>> -> memref<128xi32, #tpu.memory_space<vmem>>
        %dma_wait3A_612 = arith.constant 0 : i32
        %dma_wait3A_613 = tpu.memref_slice %arg3[%dma_wait3A_607, %dma_wait3A_612] : memref<2560x128xi32, #tpu.memory_space<hbm>> -> memref<1x128xi32, #tpu.memory_space<hbm>>
        %dma_wait3A_614 = tpu.memref_squeeze %dma_wait3A_613 : memref<1x128xi32, #tpu.memory_space<hbm>> -> memref<128xi32, #tpu.memory_space<hbm>>
        %dma_wait3A_615 = arith.constant 0 : i32
        %dma_wait3A_616 = tpu.memref_slice %arg7[%dma_wait3A_608, %dma_wait3A_615] : memref<8x128xi32, #tpu.memory_space<vmem>> -> memref<1x128xi32, #tpu.memory_space<vmem>>
        %dma_wait3A_617 = tpu.memref_squeeze %dma_wait3A_616 : memref<1x128xi32, #tpu.memory_space<vmem>> -> memref<128xi32, #tpu.memory_space<vmem>>
        %dma_wait3A_618 = arith.constant 0 : i32
        %dma_wait3A_619 = tpu.memref_slice %arg3[%dma_wait3A_607, %dma_wait3A_618] : memref<2560x128xi32, #tpu.memory_space<hbm>> -> memref<1x128xi32, #tpu.memory_space<hbm>>
        %dma_wait3A_620 = tpu.memref_squeeze %dma_wait3A_619 : memref<1x128xi32, #tpu.memory_space<hbm>> -> memref<128xi32, #tpu.memory_space<hbm>>
        tpu.wait_dma2 semaphore(%arg16 : memref<!tpu.dma_semaphore, #tpu.memory_space<semaphore_mem>>) src(%dma_wait3A_620 : memref<128xi32, #tpu.memory_space<hbm>>) dst(%dma_wait3A_617 : memref<128xi32, #tpu.memory_space<vmem>>)
        %dma_wait3A_621 = arith.constant 0 : i32
        %dma_wait3A_622 = arith.constant 0 : i32
        %dma_wait3A_623 = arith.constant 0 : i32
        %dma_wait3A_624 = tpu.memref_slice %arg8[%dma_wait3A_622, %dma_wait3A_623] : memref<8x128xi32, #tpu.memory_space<vmem>> -> memref<1x128xi32, #tpu.memory_space<vmem>>
        %dma_wait3A_625 = tpu.memref_squeeze %dma_wait3A_624 : memref<1x128xi32, #tpu.memory_space<vmem>> -> memref<128xi32, #tpu.memory_space<vmem>>
        %dma_wait3A_626 = arith.constant 0 : i32
        %dma_wait3A_627 = tpu.memref_slice %arg4[%dma_wait3A_621, %dma_wait3A_626] : memref<2560x128xi32, #tpu.memory_space<hbm>> -> memref<1x128xi32, #tpu.memory_space<hbm>>
        %dma_wait3A_628 = tpu.memref_squeeze %dma_wait3A_627 : memref<1x128xi32, #tpu.memory_space<hbm>> -> memref<128xi32, #tpu.memory_space<hbm>>
        %dma_wait3A_629 = arith.constant 0 : i32
        %dma_wait3A_630 = tpu.memref_slice %arg8[%dma_wait3A_622, %dma_wait3A_629] : memref<8x128xi32, #tpu.memory_space<vmem>> -> memref<1x128xi32, #tpu.memory_space<vmem>>
        %dma_wait3A_631 = tpu.memref_squeeze %dma_wait3A_630 : memref<1x128xi32, #tpu.memory_space<vmem>> -> memref<128xi32, #tpu.memory_space<vmem>>
        %dma_wait3A_632 = arith.constant 0 : i32
        %dma_wait3A_633 = tpu.memref_slice %arg4[%dma_wait3A_621, %dma_wait3A_632] : memref<2560x128xi32, #tpu.memory_space<hbm>> -> memref<1x128xi32, #tpu.memory_space<hbm>>
        %dma_wait3A_634 = tpu.memref_squeeze %dma_wait3A_633 : memref<1x128xi32, #tpu.memory_space<hbm>> -> memref<128xi32, #tpu.memory_space<hbm>>
        tpu.wait_dma2 semaphore(%arg24 : memref<!tpu.dma_semaphore, #tpu.memory_space<semaphore_mem>>) src(%dma_wait3A_634 : memref<128xi32, #tpu.memory_space<hbm>>) dst(%dma_wait3A_631 : memref<128xi32, #tpu.memory_space<vmem>>)
        %dma_start3A_635 = arith.constant 1 : i32
        %dma_start3A_636 = arith.constant 0 : i32
        %dma_start3A_637 = tpu.memref_slice %arg7[%dma_start3A_635, %dma_start3A_636] : memref<8x128xi32, #tpu.memory_space<vmem>> -> memref<1x128xi32, #tpu.memory_space<vmem>>
        %dma_start3A_638 = tpu.memref_squeeze %dma_start3A_637 : memref<1x128xi32, #tpu.memory_space<vmem>> -> memref<128xi32, #tpu.memory_space<vmem>>
        %dma_start3A_639 = arith.constant 0 : i32
        %dma_start3A_640 = arith.constant 0 : i32
        %dma_start3A_641 = tpu.memref_slice %arg2[%dma_start3A_639, %dma_start3A_640] : memref<10240x128xf32, #tpu.memory_space<hbm>> -> memref<10240x128xf32, #tpu.memory_space<hbm>>
        tpu.enqueue_indirect_dma source(%dma_start3A_641 : memref<10240x128xf32, #tpu.memory_space<hbm>>) target(%arg10 : memref<128x128xf32, #tpu.memory_space<vmem>>) offsets(%dma_start3A_638 : memref<128xi32, #tpu.memory_space<vmem>>) semaphore(%arg12 : memref<!tpu.dma_semaphore, #tpu.memory_space<semaphore_mem>>)
      } else {
      }
      %scan3A_592 = arith.constant 0 : i32
      scf.yield %scan3A_592 : i32
    }
    %scan3A_373 = arith.constant 10 : i32
    %dma_wait3A_374 = arith.constant 0 : i32
    %dma_wait3A_375 = arith.constant 0 : i32
    %dma_wait3A_376 = tpu.memref_slice %arg8[%dma_wait3A_374, %dma_wait3A_375] : memref<8x128xi32, #tpu.memory_space<vmem>> -> memref<1x128xi32, #tpu.memory_space<vmem>>
    %dma_wait3A_377 = tpu.memref_squeeze %dma_wait3A_376 : memref<1x128xi32, #tpu.memory_space<vmem>> -> memref<128xi32, #tpu.memory_space<vmem>>
    %dma_wait3A_378 = arith.constant 0 : i32
    %dma_wait3A_379 = arith.constant 0 : i32
    %dma_wait3A_380 = tpu.memref_slice %arg6[%dma_wait3A_378, %dma_wait3A_379] : memref<10240x128xf32, #tpu.memory_space<vmem_shared>> -> memref<10240x128xf32, #tpu.memory_space<vmem_shared>>
    tpu.wait_indirect_dma semaphore(%arg13 : memref<!tpu.dma_semaphore, #tpu.memory_space<semaphore_mem>>) src(%arg9 : memref<128x128xf32, #tpu.memory_space<vmem>>) dst(%dma_wait3A_380 : memref<10240x128xf32, #tpu.memory_space<vmem_shared>>)
    %dma_wait3A_381 = arith.constant 0 : i32
    %dma_wait3A_382 = arith.constant 0 : i32
    %dma_wait3A_383 = tpu.memref_slice %arg8[%dma_wait3A_381, %dma_wait3A_382] : memref<8x128xi32, #tpu.memory_space<vmem>> -> memref<1x128xi32, #tpu.memory_space<vmem>>
    %dma_wait3A_384 = tpu.memref_squeeze %dma_wait3A_383 : memref<1x128xi32, #tpu.memory_space<vmem>> -> memref<128xi32, #tpu.memory_space<vmem>>
    %dma_wait3A_385 = arith.constant 0 : i32
    %dma_wait3A_386 = arith.constant 0 : i32
    %dma_wait3A_387 = tpu.memref_slice %arg6[%dma_wait3A_385, %dma_wait3A_386] : memref<10240x128xf32, #tpu.memory_space<vmem_shared>> -> memref<10240x128xf32, #tpu.memory_space<vmem_shared>>
    tpu.wait_indirect_dma semaphore(%arg14 : memref<!tpu.dma_semaphore, #tpu.memory_space<semaphore_mem>>) src(%arg10 : memref<128x128xf32, #tpu.memory_space<vmem>>) dst(%dma_wait3A_387 : memref<10240x128xf32, #tpu.memory_space<vmem_shared>>)
    %barrier3A_388 = arith.constant 0 : index
    tpu.barrier barrier_id(%barrier3A_388)
    %mul3A_389 = arith.constant 640 : i32
    %mul3A_390 = arith.muli %arg1, %mul3A_389 : i32
    %mul3A_391 = arith.constant 640 : i32
    %mul3A_392 = arith.muli %arg1, %mul3A_391 : i32
    "tpu.region"() ({
      %run_scoped3A = tpu.sem_alloc : memref<!tpu.dma_semaphore, #tpu.memory_space<semaphore_mem>>
      %dma_start3A_393 = arith.constant 0 : i32
      %dma_start3A_394 = tpu.memref_slice %arg5[%arg0, %mul3A_392, %dma_start3A_393] : memref<2x10240x128xf32, #tpu.memory_space<hbm>> -> memref<1x640x128xf32, #tpu.memory_space<hbm>>
      %dma_start3A_395 = tpu.memref_squeeze %dma_start3A_394 : memref<1x640x128xf32, #tpu.memory_space<hbm>> -> memref<640x128xf32, #tpu.memory_space<hbm>>
      %dma_start3A_396 = arith.constant 0 : i32
      %dma_start3A_397 = tpu.memref_slice %arg6[%mul3A_390, %dma_start3A_396] : memref<10240x128xf32, #tpu.memory_space<vmem_shared>> -> memref<640x128xf32, #tpu.memory_space<vmem_shared>>
      tpu.enqueue_dma source(%dma_start3A_397 : memref<640x128xf32, #tpu.memory_space<vmem_shared>>) target(%dma_start3A_395 : memref<640x128xf32, #tpu.memory_space<hbm>>) target_semaphore(%run_scoped3A : memref<!tpu.dma_semaphore, #tpu.memory_space<semaphore_mem>>)
      %dma_wait3A_398 = arith.constant 0 : i32
      %dma_wait3A_399 = tpu.memref_slice %arg5[%arg0, %mul3A_392, %dma_wait3A_398] : memref<2x10240x128xf32, #tpu.memory_space<hbm>> -> memref<1x640x128xf32, #tpu.memory_space<hbm>>
      %dma_wait3A_400 = tpu.memref_squeeze %dma_wait3A_399 : memref<1x640x128xf32, #tpu.memory_space<hbm>> -> memref<640x128xf32, #tpu.memory_space<hbm>>
      %dma_wait3A_401 = arith.constant 0 : i32
      %dma_wait3A_402 = tpu.memref_slice %arg6[%mul3A_390, %dma_wait3A_401] : memref<10240x128xf32, #tpu.memory_space<vmem_shared>> -> memref<640x128xf32, #tpu.memory_space<vmem_shared>>
      tpu.wait_dma2 semaphore(%run_scoped3A : memref<!tpu.dma_semaphore, #tpu.memory_space<semaphore_mem>>) src(%dma_wait3A_402 : memref<640x128xf32, #tpu.memory_space<vmem_shared>>) dst(%dma_wait3A_400 : memref<640x128xf32, #tpu.memory_space<hbm>>)
      tpu.yield
    }) : () -> ()
    return
  }
}

#map = affine_map<(d0, d1) -> (0, 0)>
#map1 = affine_map<(d0, d1) -> (0, 0, 0)>
module attributes {stable_mosaic.version = 14 : i64} {
  func.func @degk(%arg0: i32, %arg1: i32, %arg2: memref<2560x128xi32, #tpu.memory_space<hbm>>, %arg3: memref<2x10240x16xf32, #tpu.memory_space<hbm>>, %arg4: memref<10240x16xf32, #tpu.memory_space<vmem_shared>>, %arg5: memref<80x128xi32, #tpu.memory_space<vmem>>, %arg6: memref<128x16xf32, #tpu.memory_space<vmem>>, %arg7: memref<640x16xf32, #tpu.memory_space<vmem>>, %arg8: memref<!tpu.dma_semaphore, #tpu.memory_space<semaphore_mem>>) attributes {dimension_semantics = [#tpu.dimension_semantics<core_parallel>, #tpu.dimension_semantics<subcore_parallel>], iteration_bounds = array<i64: 2, 16>, scalar_prefetch = 0 : i64, scratch_operands = 5 : i64, tpu.core_type = #tpu.core_type<sc_vector_subcore>, window_params = [{transform_indices = #map}, {transform_indices = #map1}]} {
    %mul3A = arith.constant 16 : i32
    %mul3A_0 = arith.muli %arg0, %mul3A : i32
    %add3A = arith.addi %mul3A_0, %arg1 : i32
    %scan3A = arith.constant 0 : i32
    %scan3A_1 = arith.constant 0 : i32
    %scan3A_2 = arith.constant 640 : i32
    %scan3A_3 = arith.addi %scan3A_1, %scan3A_2 : i32
    %scan3A_4 = arith.constant 1 : i32
    %scan3A_5 = scf.for %scan3A_30 = %scan3A_1 to %scan3A_3 step %scan3A_4 iter_args(%scan3A_31 = %scan3A) -> (i32)  : i32 {
      %broadcast_in_dim3A = arith.constant 0.000000e+00 : f32
      %broadcast_in_dim3A_32 = vector.broadcast %broadcast_in_dim3A : f32 to vector<16xf32>
      %swap3A = arith.index_cast %scan3A_30 : i32 to index
      %swap3A_33 = arith.constant 0 : index
      %swap3A_34 = tpu.vector_load %arg7[%swap3A, %swap3A_33] {strides = array<i32>} : memref<640x16xf32, #tpu.memory_space<vmem>>, vector<1x16xf32>,
      %swap3A_35 = vector.shape_cast %swap3A_34 : vector<1x16xf32> to vector<16xf32>
      %swap3A_36 = vector.shape_cast %broadcast_in_dim3A_32 : vector<16xf32> to vector<1x16xf32>
      tpu.vector_store %arg7[%swap3A, %swap3A_33], %swap3A_36 {strides = array<i32>} : memref<640x16xf32, #tpu.memory_space<vmem>>, vector<1x16xf32>,
      %scan3A_37 = arith.constant 0 : i32
      scf.yield %scan3A_37 : i32
    }
    %scan3A_6 = arith.constant 640 : i32
    %mul3A_7 = arith.constant 640 : i32
    %mul3A_8 = arith.muli %arg1, %mul3A_7 : i32
    "tpu.region"() ({
      %run_scoped3A = tpu.sem_alloc : memref<!tpu.dma_semaphore, #tpu.memory_space<semaphore_mem>>
      %dma_start3A = arith.constant 0 : i32
      %dma_start3A_30 = tpu.memref_slice %arg4[%mul3A_8, %dma_start3A] : memref<10240x16xf32, #tpu.memory_space<vmem_shared>> -> memref<640x16xf32, #tpu.memory_space<vmem_shared>>
      %dma_start3A_31 = arith.constant 0 : i32
      %dma_start3A_32 = tpu.memref_slice %arg4[%mul3A_8, %dma_start3A_31] : memref<10240x16xf32, #tpu.memory_space<vmem_shared>> -> memref<640x16xf32, #tpu.memory_space<vmem_shared>>
      tpu.enqueue_dma source(%arg7 : memref<640x16xf32, #tpu.memory_space<vmem>>) target(%dma_start3A_32 : memref<640x16xf32, #tpu.memory_space<vmem_shared>>) target_semaphore(%run_scoped3A : memref<!tpu.dma_semaphore, #tpu.memory_space<semaphore_mem>>)
      %dma_wait3A = arith.constant 0 : i32
      %dma_wait3A_33 = tpu.memref_slice %arg4[%mul3A_8, %dma_wait3A] : memref<10240x16xf32, #tpu.memory_space<vmem_shared>> -> memref<640x16xf32, #tpu.memory_space<vmem_shared>>
      %dma_wait3A_34 = arith.constant 0 : i32
      %dma_wait3A_35 = tpu.memref_slice %arg4[%mul3A_8, %dma_wait3A_34] : memref<10240x16xf32, #tpu.memory_space<vmem_shared>> -> memref<640x16xf32, #tpu.memory_space<vmem_shared>>
      tpu.wait_dma2 semaphore(%run_scoped3A : memref<!tpu.dma_semaphore, #tpu.memory_space<semaphore_mem>>) src(%arg7 : memref<640x16xf32, #tpu.memory_space<vmem>>) dst(%dma_wait3A_35 : memref<640x16xf32, #tpu.memory_space<vmem_shared>>)
      tpu.yield
    }) : () -> ()
    %scan3A_9 = arith.constant 0 : i32
    %scan3A_10 = arith.constant 0 : i32
    %scan3A_11 = arith.constant 128 : i32
    %scan3A_12 = arith.addi %scan3A_10, %scan3A_11 : i32
    %scan3A_13 = arith.constant 1 : i32
    %scan3A_14 = scf.for %scan3A_30 = %scan3A_10 to %scan3A_12 step %scan3A_13 iter_args(%scan3A_31 = %scan3A_9) -> (i32)  : i32 {
      %broadcast_in_dim3A = arith.constant 1.000000e+00 : f32
      %broadcast_in_dim3A_32 = vector.broadcast %broadcast_in_dim3A : f32 to vector<16xf32>
      %swap3A = arith.index_cast %scan3A_30 : i32 to index
      %swap3A_33 = arith.constant 0 : index
      %swap3A_34 = tpu.vector_load %arg6[%swap3A, %swap3A_33] {strides = array<i32>} : memref<128x16xf32, #tpu.memory_space<vmem>>, vector<1x16xf32>,
      %swap3A_35 = vector.shape_cast %swap3A_34 : vector<1x16xf32> to vector<16xf32>
      %swap3A_36 = vector.shape_cast %broadcast_in_dim3A_32 : vector<16xf32> to vector<1x16xf32>
      tpu.vector_store %arg6[%swap3A, %swap3A_33], %swap3A_36 {strides = array<i32>} : memref<128x16xf32, #tpu.memory_space<vmem>>, vector<1x16xf32>,
      %scan3A_37 = arith.constant 0 : i32
      scf.yield %scan3A_37 : i32
    }
    %scan3A_15 = arith.constant 128 : i32
    %mul3A_16 = arith.constant 80 : i32
    %mul3A_17 = arith.muli %add3A, %mul3A_16 : i32
    "tpu.region"() ({
      %run_scoped3A = tpu.sem_alloc : memref<!tpu.dma_semaphore, #tpu.memory_space<semaphore_mem>>
      %dma_start3A = arith.constant 0 : i32
      %dma_start3A_30 = tpu.memref_slice %arg2[%mul3A_17, %dma_start3A] : memref<2560x128xi32, #tpu.memory_space<hbm>> -> memref<80x128xi32, #tpu.memory_space<hbm>>
      %dma_start3A_31 = arith.constant 0 : i32
      %dma_start3A_32 = tpu.memref_slice %arg2[%mul3A_17, %dma_start3A_31] : memref<2560x128xi32, #tpu.memory_space<hbm>> -> memref<80x128xi32, #tpu.memory_space<hbm>>
      tpu.enqueue_dma source(%dma_start3A_32 : memref<80x128xi32, #tpu.memory_space<hbm>>) target(%arg5 : memref<80x128xi32, #tpu.memory_space<vmem>>) target_semaphore(%run_scoped3A : memref<!tpu.dma_semaphore, #tpu.memory_space<semaphore_mem>>)
      %dma_wait3A = arith.constant 0 : i32
      %dma_wait3A_33 = tpu.memref_slice %arg2[%mul3A_17, %dma_wait3A] : memref<2560x128xi32, #tpu.memory_space<hbm>> -> memref<80x128xi32, #tpu.memory_space<hbm>>
      %dma_wait3A_34 = arith.constant 0 : i32
      %dma_wait3A_35 = tpu.memref_slice %arg2[%mul3A_17, %dma_wait3A_34] : memref<2560x128xi32, #tpu.memory_space<hbm>> -> memref<80x128xi32, #tpu.memory_space<hbm>>
      tpu.wait_dma2 semaphore(%run_scoped3A : memref<!tpu.dma_semaphore, #tpu.memory_space<semaphore_mem>>) src(%dma_wait3A_35 : memref<80x128xi32, #tpu.memory_space<hbm>>) dst(%arg5 : memref<80x128xi32, #tpu.memory_space<vmem>>)
      tpu.yield
    }) : () -> ()
    %barrier3A = arith.constant 0 : index
    tpu.barrier barrier_id(%barrier3A)
    %scan3A_18 = arith.constant 0 : i32
    %scan3A_19 = arith.constant 0 : i32
    %scan3A_20 = arith.constant 10 : i32
    %scan3A_21 = arith.addi %scan3A_19, %scan3A_20 : i32
    %scan3A_22 = arith.constant 1 : i32
    %scan3A_23 = scf.for %scan3A_30 = %scan3A_19 to %scan3A_21 step %scan3A_22 iter_args(%scan3A_31 = %scan3A_18) -> (i32)  : i32 {
      %mul3A_32 = arith.constant 8 : i32
      %mul3A_33 = arith.muli %scan3A_30, %mul3A_32 : i32
      %add3A_34 = arith.constant 0 : i32
      %add3A_35 = arith.addi %mul3A_33, %add3A_34 : i32
      %dma_start3A = arith.constant 0 : i32
      %dma_start3A_36 = tpu.memref_slice %arg5[%add3A_35, %dma_start3A] : memref<80x128xi32, #tpu.memory_space<vmem>> -> memref<1x128xi32, #tpu.memory_space<vmem>>
      %dma_start3A_37 = tpu.memref_squeeze %dma_start3A_36 : memref<1x128xi32, #tpu.memory_space<vmem>> -> memref<128xi32, #tpu.memory_space<vmem>>
      %dma_start3A_38 = arith.constant 0 : i32
      %dma_start3A_39 = arith.constant 0 : i32
      %dma_start3A_40 = tpu.memref_slice %arg4[%dma_start3A_38, %dma_start3A_39] : memref<10240x16xf32, #tpu.memory_space<vmem_shared>> -> memref<10240x16xf32, #tpu.memory_space<vmem_shared>>
      tpu.enqueue_indirect_dma source(%arg6 : memref<128x16xf32, #tpu.memory_space<vmem>>) target(%dma_start3A_40 : memref<10240x16xf32, #tpu.memory_space<vmem_shared>>) offsets(%dma_start3A_37 : memref<128xi32, #tpu.memory_space<vmem>>) semaphore(%arg8 : memref<!tpu.dma_semaphore, #tpu.memory_space<semaphore_mem>>) {add = true}
      %mul3A_41 = arith.constant 8 : i32
      %mul3A_42 = arith.muli %scan3A_30, %mul3A_41 : i32
      %add3A_43 = arith.constant 1 : i32
      %add3A_44 = arith.addi %mul3A_42, %add3A_43 : i32
      %dma_start3A_45 = arith.constant 0 : i32
      %dma_start3A_46 = tpu.memref_slice %arg5[%add3A_44, %dma_start3A_45] : memref<80x128xi32, #tpu.memory_space<vmem>> -> memref<1x128xi32, #tpu.memory_space<vmem>>
      %dma_start3A_47 = tpu.memref_squeeze %dma_start3A_46 : memref<1x128xi32, #tpu.memory_space<vmem>> -> memref<128xi32, #tpu.memory_space<vmem>>
      %dma_start3A_48 = arith.constant 0 : i32
      %dma_start3A_49 = arith.constant 0 : i32
      %dma_start3A_50 = tpu.memref_slice %arg4[%dma_start3A_48, %dma_start3A_49] : memref<10240x16xf32, #tpu.memory_space<vmem_shared>> -> memref<10240x16xf32, #tpu.memory_space<vmem_shared>>
      tpu.enqueue_indirect_dma source(%arg6 : memref<128x16xf32, #tpu.memory_space<vmem>>) target(%dma_start3A_50 : memref<10240x16xf32, #tpu.memory_space<vmem_shared>>) offsets(%dma_start3A_47 : memref<128xi32, #tpu.memory_space<vmem>>) semaphore(%arg8 : memref<!tpu.dma_semaphore, #tpu.memory_space<semaphore_mem>>) {add = true}
      %mul3A_51 = arith.constant 8 : i32
      %mul3A_52 = arith.muli %scan3A_30, %mul3A_51 : i32
      %add3A_53 = arith.constant 2 : i32
      %add3A_54 = arith.addi %mul3A_52, %add3A_53 : i32
      %dma_start3A_55 = arith.constant 0 : i32
      %dma_start3A_56 = tpu.memref_slice %arg5[%add3A_54, %dma_start3A_55] : memref<80x128xi32, #tpu.memory_space<vmem>> -> memref<1x128xi32, #tpu.memory_space<vmem>>
      %dma_start3A_57 = tpu.memref_squeeze %dma_start3A_56 : memref<1x128xi32, #tpu.memory_space<vmem>> -> memref<128xi32, #tpu.memory_space<vmem>>
      %dma_start3A_58 = arith.constant 0 : i32
      %dma_start3A_59 = arith.constant 0 : i32
      %dma_start3A_60 = tpu.memref_slice %arg4[%dma_start3A_58, %dma_start3A_59] : memref<10240x16xf32, #tpu.memory_space<vmem_shared>> -> memref<10240x16xf32, #tpu.memory_space<vmem_shared>>
      tpu.enqueue_indirect_dma source(%arg6 : memref<128x16xf32, #tpu.memory_space<vmem>>) target(%dma_start3A_60 : memref<10240x16xf32, #tpu.memory_space<vmem_shared>>) offsets(%dma_start3A_57 : memref<128xi32, #tpu.memory_space<vmem>>) semaphore(%arg8 : memref<!tpu.dma_semaphore, #tpu.memory_space<semaphore_mem>>) {add = true}
      %mul3A_61 = arith.constant 8 : i32
      %mul3A_62 = arith.muli %scan3A_30, %mul3A_61 : i32
      %add3A_63 = arith.constant 3 : i32
      %add3A_64 = arith.addi %mul3A_62, %add3A_63 : i32
      %dma_start3A_65 = arith.constant 0 : i32
      %dma_start3A_66 = tpu.memref_slice %arg5[%add3A_64, %dma_start3A_65] : memref<80x128xi32, #tpu.memory_space<vmem>> -> memref<1x128xi32, #tpu.memory_space<vmem>>
      %dma_start3A_67 = tpu.memref_squeeze %dma_start3A_66 : memref<1x128xi32, #tpu.memory_space<vmem>> -> memref<128xi32, #tpu.memory_space<vmem>>
      %dma_start3A_68 = arith.constant 0 : i32
      %dma_start3A_69 = arith.constant 0 : i32
      %dma_start3A_70 = tpu.memref_slice %arg4[%dma_start3A_68, %dma_start3A_69] : memref<10240x16xf32, #tpu.memory_space<vmem_shared>> -> memref<10240x16xf32, #tpu.memory_space<vmem_shared>>
      tpu.enqueue_indirect_dma source(%arg6 : memref<128x16xf32, #tpu.memory_space<vmem>>) target(%dma_start3A_70 : memref<10240x16xf32, #tpu.memory_space<vmem_shared>>) offsets(%dma_start3A_67 : memref<128xi32, #tpu.memory_space<vmem>>) semaphore(%arg8 : memref<!tpu.dma_semaphore, #tpu.memory_space<semaphore_mem>>) {add = true}
      %mul3A_71 = arith.constant 8 : i32
      %mul3A_72 = arith.muli %scan3A_30, %mul3A_71 : i32
      %add3A_73 = arith.constant 4 : i32
      %add3A_74 = arith.addi %mul3A_72, %add3A_73 : i32
      %dma_start3A_75 = arith.constant 0 : i32
      %dma_start3A_76 = tpu.memref_slice %arg5[%add3A_74, %dma_start3A_75] : memref<80x128xi32, #tpu.memory_space<vmem>> -> memref<1x128xi32, #tpu.memory_space<vmem>>
      %dma_start3A_77 = tpu.memref_squeeze %dma_start3A_76 : memref<1x128xi32, #tpu.memory_space<vmem>> -> memref<128xi32, #tpu.memory_space<vmem>>
      %dma_start3A_78 = arith.constant 0 : i32
      %dma_start3A_79 = arith.constant 0 : i32
      %dma_start3A_80 = tpu.memref_slice %arg4[%dma_start3A_78, %dma_start3A_79] : memref<10240x16xf32, #tpu.memory_space<vmem_shared>> -> memref<10240x16xf32, #tpu.memory_space<vmem_shared>>
      tpu.enqueue_indirect_dma source(%arg6 : memref<128x16xf32, #tpu.memory_space<vmem>>) target(%dma_start3A_80 : memref<10240x16xf32, #tpu.memory_space<vmem_shared>>) offsets(%dma_start3A_77 : memref<128xi32, #tpu.memory_space<vmem>>) semaphore(%arg8 : memref<!tpu.dma_semaphore, #tpu.memory_space<semaphore_mem>>) {add = true}
      %mul3A_81 = arith.constant 8 : i32
      %mul3A_82 = arith.muli %scan3A_30, %mul3A_81 : i32
      %add3A_83 = arith.constant 5 : i32
      %add3A_84 = arith.addi %mul3A_82, %add3A_83 : i32
      %dma_start3A_85 = arith.constant 0 : i32
      %dma_start3A_86 = tpu.memref_slice %arg5[%add3A_84, %dma_start3A_85] : memref<80x128xi32, #tpu.memory_space<vmem>> -> memref<1x128xi32, #tpu.memory_space<vmem>>
      %dma_start3A_87 = tpu.memref_squeeze %dma_start3A_86 : memref<1x128xi32, #tpu.memory_space<vmem>> -> memref<128xi32, #tpu.memory_space<vmem>>
      %dma_start3A_88 = arith.constant 0 : i32
      %dma_start3A_89 = arith.constant 0 : i32
      %dma_start3A_90 = tpu.memref_slice %arg4[%dma_start3A_88, %dma_start3A_89] : memref<10240x16xf32, #tpu.memory_space<vmem_shared>> -> memref<10240x16xf32, #tpu.memory_space<vmem_shared>>
      tpu.enqueue_indirect_dma source(%arg6 : memref<128x16xf32, #tpu.memory_space<vmem>>) target(%dma_start3A_90 : memref<10240x16xf32, #tpu.memory_space<vmem_shared>>) offsets(%dma_start3A_87 : memref<128xi32, #tpu.memory_space<vmem>>) semaphore(%arg8 : memref<!tpu.dma_semaphore, #tpu.memory_space<semaphore_mem>>) {add = true}
      %mul3A_91 = arith.constant 8 : i32
      %mul3A_92 = arith.muli %scan3A_30, %mul3A_91 : i32
      %add3A_93 = arith.constant 6 : i32
      %add3A_94 = arith.addi %mul3A_92, %add3A_93 : i32
      %dma_start3A_95 = arith.constant 0 : i32
      %dma_start3A_96 = tpu.memref_slice %arg5[%add3A_94, %dma_start3A_95] : memref<80x128xi32, #tpu.memory_space<vmem>> -> memref<1x128xi32, #tpu.memory_space<vmem>>
      %dma_start3A_97 = tpu.memref_squeeze %dma_start3A_96 : memref<1x128xi32, #tpu.memory_space<vmem>> -> memref<128xi32, #tpu.memory_space<vmem>>
      %dma_start3A_98 = arith.constant 0 : i32
      %dma_start3A_99 = arith.constant 0 : i32
      %dma_start3A_100 = tpu.memref_slice %arg4[%dma_start3A_98, %dma_start3A_99] : memref<10240x16xf32, #tpu.memory_space<vmem_shared>> -> memref<10240x16xf32, #tpu.memory_space<vmem_shared>>
      tpu.enqueue_indirect_dma source(%arg6 : memref<128x16xf32, #tpu.memory_space<vmem>>) target(%dma_start3A_100 : memref<10240x16xf32, #tpu.memory_space<vmem_shared>>) offsets(%dma_start3A_97 : memref<128xi32, #tpu.memory_space<vmem>>) semaphore(%arg8 : memref<!tpu.dma_semaphore, #tpu.memory_space<semaphore_mem>>) {add = true}
      %mul3A_101 = arith.constant 8 : i32
      %mul3A_102 = arith.muli %scan3A_30, %mul3A_101 : i32
      %add3A_103 = arith.constant 7 : i32
      %add3A_104 = arith.addi %mul3A_102, %add3A_103 : i32
      %dma_start3A_105 = arith.constant 0 : i32
      %dma_start3A_106 = tpu.memref_slice %arg5[%add3A_104, %dma_start3A_105] : memref<80x128xi32, #tpu.memory_space<vmem>> -> memref<1x128xi32, #tpu.memory_space<vmem>>
      %dma_start3A_107 = tpu.memref_squeeze %dma_start3A_106 : memref<1x128xi32, #tpu.memory_space<vmem>> -> memref<128xi32, #tpu.memory_space<vmem>>
      %dma_start3A_108 = arith.constant 0 : i32
      %dma_start3A_109 = arith.constant 0 : i32
      %dma_start3A_110 = tpu.memref_slice %arg4[%dma_start3A_108, %dma_start3A_109] : memref<10240x16xf32, #tpu.memory_space<vmem_shared>> -> memref<10240x16xf32, #tpu.memory_space<vmem_shared>>
      tpu.enqueue_indirect_dma source(%arg6 : memref<128x16xf32, #tpu.memory_space<vmem>>) target(%dma_start3A_110 : memref<10240x16xf32, #tpu.memory_space<vmem_shared>>) offsets(%dma_start3A_107 : memref<128xi32, #tpu.memory_space<vmem>>) semaphore(%arg8 : memref<!tpu.dma_semaphore, #tpu.memory_space<semaphore_mem>>) {add = true}
      %dma_wait3A = arith.constant 0 : i32
      %dma_wait3A_111 = arith.constant 0 : i32
      %dma_wait3A_112 = tpu.memref_slice %arg5[%dma_wait3A, %dma_wait3A_111] : memref<80x128xi32, #tpu.memory_space<vmem>> -> memref<1x128xi32, #tpu.memory_space<vmem>>
      %dma_wait3A_113 = tpu.memref_squeeze %dma_wait3A_112 : memref<1x128xi32, #tpu.memory_space<vmem>> -> memref<128xi32, #tpu.memory_space<vmem>>
      %dma_wait3A_114 = arith.constant 0 : i32
      %dma_wait3A_115 = arith.constant 0 : i32
      %dma_wait3A_116 = tpu.memref_slice %arg4[%dma_wait3A_114, %dma_wait3A_115] : memref<10240x16xf32, #tpu.memory_space<vmem_shared>> -> memref<10240x16xf32, #tpu.memory_space<vmem_shared>>
      tpu.wait_indirect_dma semaphore(%arg8 : memref<!tpu.dma_semaphore, #tpu.memory_space<semaphore_mem>>) src(%arg6 : memref<128x16xf32, #tpu.memory_space<vmem>>) dst(%dma_wait3A_116 : memref<10240x16xf32, #tpu.memory_space<vmem_shared>>)
      %dma_wait3A_117 = arith.constant 0 : i32
      %dma_wait3A_118 = arith.constant 0 : i32
      %dma_wait3A_119 = tpu.memref_slice %arg5[%dma_wait3A_117, %dma_wait3A_118] : memref<80x128xi32, #tpu.memory_space<vmem>> -> memref<1x128xi32, #tpu.memory_space<vmem>>
      %dma_wait3A_120 = tpu.memref_squeeze %dma_wait3A_119 : memref<1x128xi32, #tpu.memory_space<vmem>> -> memref<128xi32, #tpu.memory_space<vmem>>
      %dma_wait3A_121 = arith.constant 0 : i32
      %dma_wait3A_122 = arith.constant 0 : i32
      %dma_wait3A_123 = tpu.memref_slice %arg4[%dma_wait3A_121, %dma_wait3A_122] : memref<10240x16xf32, #tpu.memory_space<vmem_shared>> -> memref<10240x16xf32, #tpu.memory_space<vmem_shared>>
      tpu.wait_indirect_dma semaphore(%arg8 : memref<!tpu.dma_semaphore, #tpu.memory_space<semaphore_mem>>) src(%arg6 : memref<128x16xf32, #tpu.memory_space<vmem>>) dst(%dma_wait3A_123 : memref<10240x16xf32, #tpu.memory_space<vmem_shared>>)
      %dma_wait3A_124 = arith.constant 0 : i32
      %dma_wait3A_125 = arith.constant 0 : i32
      %dma_wait3A_126 = tpu.memref_slice %arg5[%dma_wait3A_124, %dma_wait3A_125] : memref<80x128xi32, #tpu.memory_space<vmem>> -> memref<1x128xi32, #tpu.memory_space<vmem>>
      %dma_wait3A_127 = tpu.memref_squeeze %dma_wait3A_126 : memref<1x128xi32, #tpu.memory_space<vmem>> -> memref<128xi32, #tpu.memory_space<vmem>>
      %dma_wait3A_128 = arith.constant 0 : i32
      %dma_wait3A_129 = arith.constant 0 : i32
      %dma_wait3A_130 = tpu.memref_slice %arg4[%dma_wait3A_128, %dma_wait3A_129] : memref<10240x16xf32, #tpu.memory_space<vmem_shared>> -> memref<10240x16xf32, #tpu.memory_space<vmem_shared>>
      tpu.wait_indirect_dma semaphore(%arg8 : memref<!tpu.dma_semaphore, #tpu.memory_space<semaphore_mem>>) src(%arg6 : memref<128x16xf32, #tpu.memory_space<vmem>>) dst(%dma_wait3A_130 : memref<10240x16xf32, #tpu.memory_space<vmem_shared>>)
      %dma_wait3A_131 = arith.constant 0 : i32
      %dma_wait3A_132 = arith.constant 0 : i32
      %dma_wait3A_133 = tpu.memref_slice %arg5[%dma_wait3A_131, %dma_wait3A_132] : memref<80x128xi32, #tpu.memory_space<vmem>> -> memref<1x128xi32, #tpu.memory_space<vmem>>
      %dma_wait3A_134 = tpu.memref_squeeze %dma_wait3A_133 : memref<1x128xi32, #tpu.memory_space<vmem>> -> memref<128xi32, #tpu.memory_space<vmem>>
      %dma_wait3A_135 = arith.constant 0 : i32
      %dma_wait3A_136 = arith.constant 0 : i32
      %dma_wait3A_137 = tpu.memref_slice %arg4[%dma_wait3A_135, %dma_wait3A_136] : memref<10240x16xf32, #tpu.memory_space<vmem_shared>> -> memref<10240x16xf32, #tpu.memory_space<vmem_shared>>
      tpu.wait_indirect_dma semaphore(%arg8 : memref<!tpu.dma_semaphore, #tpu.memory_space<semaphore_mem>>) src(%arg6 : memref<128x16xf32, #tpu.memory_space<vmem>>) dst(%dma_wait3A_137 : memref<10240x16xf32, #tpu.memory_space<vmem_shared>>)
      %dma_wait3A_138 = arith.constant 0 : i32
      %dma_wait3A_139 = arith.constant 0 : i32
      %dma_wait3A_140 = tpu.memref_slice %arg5[%dma_wait3A_138, %dma_wait3A_139] : memref<80x128xi32, #tpu.memory_space<vmem>> -> memref<1x128xi32, #tpu.memory_space<vmem>>
      %dma_wait3A_141 = tpu.memref_squeeze %dma_wait3A_140 : memref<1x128xi32, #tpu.memory_space<vmem>> -> memref<128xi32, #tpu.memory_space<vmem>>
      %dma_wait3A_142 = arith.constant 0 : i32
      %dma_wait3A_143 = arith.constant 0 : i32
      %dma_wait3A_144 = tpu.memref_slice %arg4[%dma_wait3A_142, %dma_wait3A_143] : memref<10240x16xf32, #tpu.memory_space<vmem_shared>> -> memref<10240x16xf32, #tpu.memory_space<vmem_shared>>
      tpu.wait_indirect_dma semaphore(%arg8 : memref<!tpu.dma_semaphore, #tpu.memory_space<semaphore_mem>>) src(%arg6 : memref<128x16xf32, #tpu.memory_space<vmem>>) dst(%dma_wait3A_144 : memref<10240x16xf32, #tpu.memory_space<vmem_shared>>)
      %dma_wait3A_145 = arith.constant 0 : i32
      %dma_wait3A_146 = arith.constant 0 : i32
      %dma_wait3A_147 = tpu.memref_slice %arg5[%dma_wait3A_145, %dma_wait3A_146] : memref<80x128xi32, #tpu.memory_space<vmem>> -> memref<1x128xi32, #tpu.memory_space<vmem>>
      %dma_wait3A_148 = tpu.memref_squeeze %dma_wait3A_147 : memref<1x128xi32, #tpu.memory_space<vmem>> -> memref<128xi32, #tpu.memory_space<vmem>>
      %dma_wait3A_149 = arith.constant 0 : i32
      %dma_wait3A_150 = arith.constant 0 : i32
      %dma_wait3A_151 = tpu.memref_slice %arg4[%dma_wait3A_149, %dma_wait3A_150] : memref<10240x16xf32, #tpu.memory_space<vmem_shared>> -> memref<10240x16xf32, #tpu.memory_space<vmem_shared>>
      tpu.wait_indirect_dma semaphore(%arg8 : memref<!tpu.dma_semaphore, #tpu.memory_space<semaphore_mem>>) src(%arg6 : memref<128x16xf32, #tpu.memory_space<vmem>>) dst(%dma_wait3A_151 : memref<10240x16xf32, #tpu.memory_space<vmem_shared>>)
      %dma_wait3A_152 = arith.constant 0 : i32
      %dma_wait3A_153 = arith.constant 0 : i32
      %dma_wait3A_154 = tpu.memref_slice %arg5[%dma_wait3A_152, %dma_wait3A_153] : memref<80x128xi32, #tpu.memory_space<vmem>> -> memref<1x128xi32, #tpu.memory_space<vmem>>
      %dma_wait3A_155 = tpu.memref_squeeze %dma_wait3A_154 : memref<1x128xi32, #tpu.memory_space<vmem>> -> memref<128xi32, #tpu.memory_space<vmem>>
      %dma_wait3A_156 = arith.constant 0 : i32
      %dma_wait3A_157 = arith.constant 0 : i32
      %dma_wait3A_158 = tpu.memref_slice %arg4[%dma_wait3A_156, %dma_wait3A_157] : memref<10240x16xf32, #tpu.memory_space<vmem_shared>> -> memref<10240x16xf32, #tpu.memory_space<vmem_shared>>
      tpu.wait_indirect_dma semaphore(%arg8 : memref<!tpu.dma_semaphore, #tpu.memory_space<semaphore_mem>>) src(%arg6 : memref<128x16xf32, #tpu.memory_space<vmem>>) dst(%dma_wait3A_158 : memref<10240x16xf32, #tpu.memory_space<vmem_shared>>)
      %dma_wait3A_159 = arith.constant 0 : i32
      %dma_wait3A_160 = arith.constant 0 : i32
      %dma_wait3A_161 = tpu.memref_slice %arg5[%dma_wait3A_159, %dma_wait3A_160] : memref<80x128xi32, #tpu.memory_space<vmem>> -> memref<1x128xi32, #tpu.memory_space<vmem>>
      %dma_wait3A_162 = tpu.memref_squeeze %dma_wait3A_161 : memref<1x128xi32, #tpu.memory_space<vmem>> -> memref<128xi32, #tpu.memory_space<vmem>>
      %dma_wait3A_163 = arith.constant 0 : i32
      %dma_wait3A_164 = arith.constant 0 : i32
      %dma_wait3A_165 = tpu.memref_slice %arg4[%dma_wait3A_163, %dma_wait3A_164] : memref<10240x16xf32, #tpu.memory_space<vmem_shared>> -> memref<10240x16xf32, #tpu.memory_space<vmem_shared>>
      tpu.wait_indirect_dma semaphore(%arg8 : memref<!tpu.dma_semaphore, #tpu.memory_space<semaphore_mem>>) src(%arg6 : memref<128x16xf32, #tpu.memory_space<vmem>>) dst(%dma_wait3A_165 : memref<10240x16xf32, #tpu.memory_space<vmem_shared>>)
      %scan3A_166 = arith.constant 0 : i32
      scf.yield %scan3A_166 : i32
    }
    %scan3A_24 = arith.constant 10 : i32
    %barrier3A_25 = arith.constant 0 : index
    tpu.barrier barrier_id(%barrier3A_25)
    %mul3A_26 = arith.constant 640 : i32
    %mul3A_27 = arith.muli %arg1, %mul3A_26 : i32
    %mul3A_28 = arith.constant 640 : i32
    %mul3A_29 = arith.muli %arg1, %mul3A_28 : i32
    "tpu.region"() ({
      %run_scoped3A = tpu.sem_alloc : memref<!tpu.dma_semaphore, #tpu.memory_space<semaphore_mem>>
      %dma_start3A = arith.constant 0 : i32
      %dma_start3A_30 = tpu.memref_slice %arg3[%arg0, %mul3A_29, %dma_start3A] : memref<2x10240x16xf32, #tpu.memory_space<hbm>> -> memref<1x640x16xf32, #tpu.memory_space<hbm>>
      %dma_start3A_31 = tpu.memref_squeeze %dma_start3A_30 : memref<1x640x16xf32, #tpu.memory_space<hbm>> -> memref<640x16xf32, #tpu.memory_space<hbm>>
      %dma_start3A_32 = arith.constant 0 : i32
      %dma_start3A_33 = tpu.memref_slice %arg4[%mul3A_27, %dma_start3A_32] : memref<10240x16xf32, #tpu.memory_space<vmem_shared>> -> memref<640x16xf32, #tpu.memory_space<vmem_shared>>
      tpu.enqueue_dma source(%dma_start3A_33 : memref<640x16xf32, #tpu.memory_space<vmem_shared>>) target(%dma_start3A_31 : memref<640x16xf32, #tpu.memory_space<hbm>>) target_semaphore(%run_scoped3A : memref<!tpu.dma_semaphore, #tpu.memory_space<semaphore_mem>>)
      %dma_wait3A = arith.constant 0 : i32
      %dma_wait3A_34 = tpu.memref_slice %arg3[%arg0, %mul3A_29, %dma_wait3A] : memref<2x10240x16xf32, #tpu.memory_space<hbm>> -> memref<1x640x16xf32, #tpu.memory_space<hbm>>
      %dma_wait3A_35 = tpu.memref_squeeze %dma_wait3A_34 : memref<1x640x16xf32, #tpu.memory_space<hbm>> -> memref<640x16xf32, #tpu.memory_space<hbm>>
      %dma_wait3A_36 = arith.constant 0 : i32
      %dma_wait3A_37 = tpu.memref_slice %arg4[%mul3A_27, %dma_wait3A_36] : memref<10240x16xf32, #tpu.memory_space<vmem_shared>> -> memref<640x16xf32, #tpu.memory_space<vmem_shared>>
      tpu.wait_dma2 semaphore(%run_scoped3A : memref<!tpu.dma_semaphore, #tpu.memory_space<semaphore_mem>>) src(%dma_wait3A_37 : memref<640x16xf32, #tpu.memory_space<vmem_shared>>) dst(%dma_wait3A_35 : memref<640x16xf32, #tpu.memory_space<hbm>>)
      tpu.yield
    }) : () -> ()
    return
  }
}

#map = affine_map<(d0, d1) -> (0, 0)>
#map1 = affine_map<(d0, d1) -> (0, 0, 0)>
module attributes {stable_mosaic.version = 14 : i64} {
  func.func @aggk(%arg0: i32, %arg1: i32, %arg2: memref<10240x128xf32, #tpu.memory_space<hbm>>, %arg3: memref<2560x128xi32, #tpu.memory_space<hbm>>, %arg4: memref<2560x128xi32, #tpu.memory_space<hbm>>, %arg5: memref<2x10240x128xf32, #tpu.memory_space<hbm>>, %arg6: memref<10240x128xf32, #tpu.memory_space<vmem_shared>>, %arg7: memref<8x128xi32, #tpu.memory_space<vmem>>, %arg8: memref<8x128xi32, #tpu.memory_space<vmem>>, %arg9: memref<128x128xf32, #tpu.memory_space<vmem>>, %arg10: memref<128x128xf32, #tpu.memory_space<vmem>>, %arg11: memref<!tpu.dma_semaphore, #tpu.memory_space<semaphore_mem>>, %arg12: memref<!tpu.dma_semaphore, #tpu.memory_space<semaphore_mem>>, %arg13: memref<!tpu.dma_semaphore, #tpu.memory_space<semaphore_mem>>, %arg14: memref<!tpu.dma_semaphore, #tpu.memory_space<semaphore_mem>>, %arg15: memref<!tpu.dma_semaphore, #tpu.memory_space<semaphore_mem>>, %arg16: memref<!tpu.dma_semaphore, #tpu.memory_space<semaphore_mem>>, %arg17: memref<!tpu.dma_semaphore, #tpu.memory_space<semaphore_mem>>, %arg18: memref<!tpu.dma_semaphore, #tpu.memory_space<semaphore_mem>>, %arg19: memref<!tpu.dma_semaphore, #tpu.memory_space<semaphore_mem>>, %arg20: memref<!tpu.dma_semaphore, #tpu.memory_space<semaphore_mem>>, %arg21: memref<!tpu.dma_semaphore, #tpu.memory_space<semaphore_mem>>, %arg22: memref<!tpu.dma_semaphore, #tpu.memory_space<semaphore_mem>>, %arg23: memref<!tpu.dma_semaphore, #tpu.memory_space<semaphore_mem>>, %arg24: memref<!tpu.dma_semaphore, #tpu.memory_space<semaphore_mem>>, %arg25: memref<!tpu.dma_semaphore, #tpu.memory_space<semaphore_mem>>, %arg26: memref<!tpu.dma_semaphore, #tpu.memory_space<semaphore_mem>>, %arg27: memref<!tpu.dma_semaphore, #tpu.memory_space<semaphore_mem>>, %arg28: memref<!tpu.dma_semaphore, #tpu.memory_space<semaphore_mem>>, %arg29: memref<!tpu.dma_semaphore, #tpu.memory_space<semaphore_mem>>, %arg30: memref<!tpu.dma_semaphore, #tpu.memory_space<semaphore_mem>>) attributes {dimension_semantics = [#tpu.dimension_semantics<core_parallel>, #tpu.dimension_semantics<subcore_parallel>], iteration_bounds = array<i64: 2, 16>, scalar_prefetch = 0 : i64, scratch_operands = 25 : i64, tpu.core_type = #tpu.core_type<sc_vector_subcore>, window_params = [{transform_indices = #map}, {transform_indices = #map}, {transform_indices = #map}, {transform_indices = #map1}]} {
    %mul3A = arith.constant 16 : i32
    %mul3A_0 = arith.muli %arg0, %mul3A : i32
    %add3A = arith.addi %mul3A_0, %arg1 : i32
    %scan3A = arith.constant 0 : i32
    %scan3A_1 = arith.constant 0 : i32
    %scan3A_2 = arith.constant 128 : i32
    %scan3A_3 = arith.addi %scan3A_1, %scan3A_2 : i32
    %scan3A_4 = arith.constant 1 : i32
    %scan3A_5 = scf.for %scan3A_393 = %scan3A_1 to %scan3A_3 step %scan3A_4 iter_args(%scan3A_394 = %scan3A) -> (i32)  : i32 {
      %broadcast_in_dim3A = arith.constant 0.000000e+00 : f32
      %broadcast_in_dim3A_395 = vector.broadcast %broadcast_in_dim3A : f32 to vector<16xf32>
      %swap3A = arith.index_cast %scan3A_393 : i32 to index
      %swap3A_396 = arith.constant 0 : index
      %swap3A_397 = tpu.vector_load %arg9[%swap3A, %swap3A_396] {strides = array<i32>} : memref<128x128xf32, #tpu.memory_space<vmem>>, vector<1x16xf32>,
      %swap3A_398 = vector.shape_cast %swap3A_397 : vector<1x16xf32> to vector<16xf32>
      %swap3A_399 = vector.shape_cast %broadcast_in_dim3A_395 : vector<16xf32> to vector<1x16xf32>
      tpu.vector_store %arg9[%swap3A, %swap3A_396], %swap3A_399 {strides = array<i32>} : memref<128x128xf32, #tpu.memory_space<vmem>>, vector<1x16xf32>,
      %broadcast_in_dim3A_400 = arith.constant 0.000000e+00 : f32
      %broadcast_in_dim3A_401 = vector.broadcast %broadcast_in_dim3A_400 : f32 to vector<16xf32>
      %swap3A_402 = arith.index_cast %scan3A_393 : i32 to index
      %swap3A_403 = arith.constant 16 : index
      %swap3A_404 = tpu.vector_load %arg9[%swap3A_402, %swap3A_403] {strides = array<i32>} : memref<128x128xf32, #tpu.memory_space<vmem>>, vector<1x16xf32>,
      %swap3A_405 = vector.shape_cast %swap3A_404 : vector<1x16xf32> to vector<16xf32>
      %swap3A_406 = vector.shape_cast %broadcast_in_dim3A_401 : vector<16xf32> to vector<1x16xf32>
      tpu.vector_store %arg9[%swap3A_402, %swap3A_403], %swap3A_406 {strides = array<i32>} : memref<128x128xf32, #tpu.memory_space<vmem>>, vector<1x16xf32>,
      %broadcast_in_dim3A_407 = arith.constant 0.000000e+00 : f32
      %broadcast_in_dim3A_408 = vector.broadcast %broadcast_in_dim3A_407 : f32 to vector<16xf32>
      %swap3A_409 = arith.index_cast %scan3A_393 : i32 to index
      %swap3A_410 = arith.constant 32 : index
      %swap3A_411 = tpu.vector_load %arg9[%swap3A_409, %swap3A_410] {strides = array<i32>} : memref<128x128xf32, #tpu.memory_space<vmem>>, vector<1x16xf32>,
      %swap3A_412 = vector.shape_cast %swap3A_411 : vector<1x16xf32> to vector<16xf32>
      %swap3A_413 = vector.shape_cast %broadcast_in_dim3A_408 : vector<16xf32> to vector<1x16xf32>
      tpu.vector_store %arg9[%swap3A_409, %swap3A_410], %swap3A_413 {strides = array<i32>} : memref<128x128xf32, #tpu.memory_space<vmem>>, vector<1x16xf32>,
      %broadcast_in_dim3A_414 = arith.constant 0.000000e+00 : f32
      %broadcast_in_dim3A_415 = vector.broadcast %broadcast_in_dim3A_414 : f32 to vector<16xf32>
      %swap3A_416 = arith.index_cast %scan3A_393 : i32 to index
      %swap3A_417 = arith.constant 48 : index
      %swap3A_418 = tpu.vector_load %arg9[%swap3A_416, %swap3A_417] {strides = array<i32>} : memref<128x128xf32, #tpu.memory_space<vmem>>, vector<1x16xf32>,
      %swap3A_419 = vector.shape_cast %swap3A_418 : vector<1x16xf32> to vector<16xf32>
      %swap3A_420 = vector.shape_cast %broadcast_in_dim3A_415 : vector<16xf32> to vector<1x16xf32>
      tpu.vector_store %arg9[%swap3A_416, %swap3A_417], %swap3A_420 {strides = array<i32>} : memref<128x128xf32, #tpu.memory_space<vmem>>, vector<1x16xf32>,
      %broadcast_in_dim3A_421 = arith.constant 0.000000e+00 : f32
      %broadcast_in_dim3A_422 = vector.broadcast %broadcast_in_dim3A_421 : f32 to vector<16xf32>
      %swap3A_423 = arith.index_cast %scan3A_393 : i32 to index
      %swap3A_424 = arith.constant 64 : index
      %swap3A_425 = tpu.vector_load %arg9[%swap3A_423, %swap3A_424] {strides = array<i32>} : memref<128x128xf32, #tpu.memory_space<vmem>>, vector<1x16xf32>,
      %swap3A_426 = vector.shape_cast %swap3A_425 : vector<1x16xf32> to vector<16xf32>
      %swap3A_427 = vector.shape_cast %broadcast_in_dim3A_422 : vector<16xf32> to vector<1x16xf32>
      tpu.vector_store %arg9[%swap3A_423, %swap3A_424], %swap3A_427 {strides = array<i32>} : memref<128x128xf32, #tpu.memory_space<vmem>>, vector<1x16xf32>,
      %broadcast_in_dim3A_428 = arith.constant 0.000000e+00 : f32
      %broadcast_in_dim3A_429 = vector.broadcast %broadcast_in_dim3A_428 : f32 to vector<16xf32>
      %swap3A_430 = arith.index_cast %scan3A_393 : i32 to index
      %swap3A_431 = arith.constant 80 : index
      %swap3A_432 = tpu.vector_load %arg9[%swap3A_430, %swap3A_431] {strides = array<i32>} : memref<128x128xf32, #tpu.memory_space<vmem>>, vector<1x16xf32>,
      %swap3A_433 = vector.shape_cast %swap3A_432 : vector<1x16xf32> to vector<16xf32>
      %swap3A_434 = vector.shape_cast %broadcast_in_dim3A_429 : vector<16xf32> to vector<1x16xf32>
      tpu.vector_store %arg9[%swap3A_430, %swap3A_431], %swap3A_434 {strides = array<i32>} : memref<128x128xf32, #tpu.memory_space<vmem>>, vector<1x16xf32>,
      %broadcast_in_dim3A_435 = arith.constant 0.000000e+00 : f32
      %broadcast_in_dim3A_436 = vector.broadcast %broadcast_in_dim3A_435 : f32 to vector<16xf32>
      %swap3A_437 = arith.index_cast %scan3A_393 : i32 to index
      %swap3A_438 = arith.constant 96 : index
      %swap3A_439 = tpu.vector_load %arg9[%swap3A_437, %swap3A_438] {strides = array<i32>} : memref<128x128xf32, #tpu.memory_space<vmem>>, vector<1x16xf32>,
      %swap3A_440 = vector.shape_cast %swap3A_439 : vector<1x16xf32> to vector<16xf32>
      %swap3A_441 = vector.shape_cast %broadcast_in_dim3A_436 : vector<16xf32> to vector<1x16xf32>
      tpu.vector_store %arg9[%swap3A_437, %swap3A_438], %swap3A_441 {strides = array<i32>} : memref<128x128xf32, #tpu.memory_space<vmem>>, vector<1x16xf32>,
      %broadcast_in_dim3A_442 = arith.constant 0.000000e+00 : f32
      %broadcast_in_dim3A_443 = vector.broadcast %broadcast_in_dim3A_442 : f32 to vector<16xf32>
      %swap3A_444 = arith.index_cast %scan3A_393 : i32 to index
      %swap3A_445 = arith.constant 112 : index
      %swap3A_446 = tpu.vector_load %arg9[%swap3A_444, %swap3A_445] {strides = array<i32>} : memref<128x128xf32, #tpu.memory_space<vmem>>, vector<1x16xf32>,
      %swap3A_447 = vector.shape_cast %swap3A_446 : vector<1x16xf32> to vector<16xf32>
      %swap3A_448 = vector.shape_cast %broadcast_in_dim3A_443 : vector<16xf32> to vector<1x16xf32>
      tpu.vector_store %arg9[%swap3A_444, %swap3A_445], %swap3A_448 {strides = array<i32>} : memref<128x128xf32, #tpu.memory_space<vmem>>, vector<1x16xf32>,
      %scan3A_449 = arith.constant 0 : i32
      scf.yield %scan3A_449 : i32
    }
    %scan3A_6 = arith.constant 128 : i32
    %mul3A_7 = arith.constant 640 : i32
    %mul3A_8 = arith.muli %arg1, %mul3A_7 : i32
    %add3A_9 = arith.constant 0 : i32
    %add3A_10 = arith.addi %mul3A_8, %add3A_9 : i32
    "tpu.region"() ({
      %run_scoped3A = tpu.sem_alloc : memref<!tpu.dma_semaphore, #tpu.memory_space<semaphore_mem>>
      %dma_start3A_393 = arith.constant 0 : i32
      %dma_start3A_394 = tpu.memref_slice %arg6[%add3A_10, %dma_start3A_393] : memref<10240x128xf32, #tpu.memory_space<vmem_shared>> -> memref<128x128xf32, #tpu.memory_space<vmem_shared>>
      %dma_start3A_395 = arith.constant 0 : i32
      %dma_start3A_396 = tpu.memref_slice %arg6[%add3A_10, %dma_start3A_395] : memref<10240x128xf32, #tpu.memory_space<vmem_shared>> -> memref<128x128xf32, #tpu.memory_space<vmem_shared>>
      tpu.enqueue_dma source(%arg9 : memref<128x128xf32, #tpu.memory_space<vmem>>) target(%dma_start3A_396 : memref<128x128xf32, #tpu.memory_space<vmem_shared>>) target_semaphore(%run_scoped3A : memref<!tpu.dma_semaphore, #tpu.memory_space<semaphore_mem>>)
      %dma_wait3A_397 = arith.constant 0 : i32
      %dma_wait3A_398 = tpu.memref_slice %arg6[%add3A_10, %dma_wait3A_397] : memref<10240x128xf32, #tpu.memory_space<vmem_shared>> -> memref<128x128xf32, #tpu.memory_space<vmem_shared>>
      %dma_wait3A_399 = arith.constant 0 : i32
      %dma_wait3A_400 = tpu.memref_slice %arg6[%add3A_10, %dma_wait3A_399] : memref<10240x128xf32, #tpu.memory_space<vmem_shared>> -> memref<128x128xf32, #tpu.memory_space<vmem_shared>>
      tpu.wait_dma2 semaphore(%run_scoped3A : memref<!tpu.dma_semaphore, #tpu.memory_space<semaphore_mem>>) src(%arg9 : memref<128x128xf32, #tpu.memory_space<vmem>>) dst(%dma_wait3A_400 : memref<128x128xf32, #tpu.memory_space<vmem_shared>>)
      tpu.yield
    }) : () -> ()
    %mul3A_11 = arith.constant 640 : i32
    %mul3A_12 = arith.muli %arg1, %mul3A_11 : i32
    %add3A_13 = arith.constant 128 : i32
    %add3A_14 = arith.addi %mul3A_12, %add3A_13 : i32
    "tpu.region"() ({
      %run_scoped3A = tpu.sem_alloc : memref<!tpu.dma_semaphore, #tpu.memory_space<semaphore_mem>>
      %dma_start3A_393 = arith.constant 0 : i32
      %dma_start3A_394 = tpu.memref_slice %arg6[%add3A_14, %dma_start3A_393] : memref<10240x128xf32, #tpu.memory_space<vmem_shared>> -> memref<128x128xf32, #tpu.memory_space<vmem_shared>>
      %dma_start3A_395 = arith.constant 0 : i32
      %dma_start3A_396 = tpu.memref_slice %arg6[%add3A_14, %dma_start3A_395] : memref<10240x128xf32, #tpu.memory_space<vmem_shared>> -> memref<128x128xf32, #tpu.memory_space<vmem_shared>>
      tpu.enqueue_dma source(%arg9 : memref<128x128xf32, #tpu.memory_space<vmem>>) target(%dma_start3A_396 : memref<128x128xf32, #tpu.memory_space<vmem_shared>>) target_semaphore(%run_scoped3A : memref<!tpu.dma_semaphore, #tpu.memory_space<semaphore_mem>>)
      %dma_wait3A_397 = arith.constant 0 : i32
      %dma_wait3A_398 = tpu.memref_slice %arg6[%add3A_14, %dma_wait3A_397] : memref<10240x128xf32, #tpu.memory_space<vmem_shared>> -> memref<128x128xf32, #tpu.memory_space<vmem_shared>>
      %dma_wait3A_399 = arith.constant 0 : i32
      %dma_wait3A_400 = tpu.memref_slice %arg6[%add3A_14, %dma_wait3A_399] : memref<10240x128xf32, #tpu.memory_space<vmem_shared>> -> memref<128x128xf32, #tpu.memory_space<vmem_shared>>
      tpu.wait_dma2 semaphore(%run_scoped3A : memref<!tpu.dma_semaphore, #tpu.memory_space<semaphore_mem>>) src(%arg9 : memref<128x128xf32, #tpu.memory_space<vmem>>) dst(%dma_wait3A_400 : memref<128x128xf32, #tpu.memory_space<vmem_shared>>)
      tpu.yield
    }) : () -> ()
    %mul3A_15 = arith.constant 640 : i32
    %mul3A_16 = arith.muli %arg1, %mul3A_15 : i32
    %add3A_17 = arith.constant 256 : i32
    %add3A_18 = arith.addi %mul3A_16, %add3A_17 : i32
    "tpu.region"() ({
      %run_scoped3A = tpu.sem_alloc : memref<!tpu.dma_semaphore, #tpu.memory_space<semaphore_mem>>
      %dma_start3A_393 = arith.constant 0 : i32
      %dma_start3A_394 = tpu.memref_slice %arg6[%add3A_18, %dma_start3A_393] : memref<10240x128xf32, #tpu.memory_space<vmem_shared>> -> memref<128x128xf32, #tpu.memory_space<vmem_shared>>
      %dma_start3A_395 = arith.constant 0 : i32
      %dma_start3A_396 = tpu.memref_slice %arg6[%add3A_18, %dma_start3A_395] : memref<10240x128xf32, #tpu.memory_space<vmem_shared>> -> memref<128x128xf32, #tpu.memory_space<vmem_shared>>
      tpu.enqueue_dma source(%arg9 : memref<128x128xf32, #tpu.memory_space<vmem>>) target(%dma_start3A_396 : memref<128x128xf32, #tpu.memory_space<vmem_shared>>) target_semaphore(%run_scoped3A : memref<!tpu.dma_semaphore, #tpu.memory_space<semaphore_mem>>)
      %dma_wait3A_397 = arith.constant 0 : i32
      %dma_wait3A_398 = tpu.memref_slice %arg6[%add3A_18, %dma_wait3A_397] : memref<10240x128xf32, #tpu.memory_space<vmem_shared>> -> memref<128x128xf32, #tpu.memory_space<vmem_shared>>
      %dma_wait3A_399 = arith.constant 0 : i32
      %dma_wait3A_400 = tpu.memref_slice %arg6[%add3A_18, %dma_wait3A_399] : memref<10240x128xf32, #tpu.memory_space<vmem_shared>> -> memref<128x128xf32, #tpu.memory_space<vmem_shared>>
      tpu.wait_dma2 semaphore(%run_scoped3A : memref<!tpu.dma_semaphore, #tpu.memory_space<semaphore_mem>>) src(%arg9 : memref<128x128xf32, #tpu.memory_space<vmem>>) dst(%dma_wait3A_400 : memref<128x128xf32, #tpu.memory_space<vmem_shared>>)
      tpu.yield
    }) : () -> ()
    %mul3A_19 = arith.constant 640 : i32
    %mul3A_20 = arith.muli %arg1, %mul3A_19 : i32
    %add3A_21 = arith.constant 384 : i32
    %add3A_22 = arith.addi %mul3A_20, %add3A_21 : i32
    "tpu.region"() ({
      %run_scoped3A = tpu.sem_alloc : memref<!tpu.dma_semaphore, #tpu.memory_space<semaphore_mem>>
      %dma_start3A_393 = arith.constant 0 : i32
      %dma_start3A_394 = tpu.memref_slice %arg6[%add3A_22, %dma_start3A_393] : memref<10240x128xf32, #tpu.memory_space<vmem_shared>> -> memref<128x128xf32, #tpu.memory_space<vmem_shared>>
      %dma_start3A_395 = arith.constant 0 : i32
      %dma_start3A_396 = tpu.memref_slice %arg6[%add3A_22, %dma_start3A_395] : memref<10240x128xf32, #tpu.memory_space<vmem_shared>> -> memref<128x128xf32, #tpu.memory_space<vmem_shared>>
      tpu.enqueue_dma source(%arg9 : memref<128x128xf32, #tpu.memory_space<vmem>>) target(%dma_start3A_396 : memref<128x128xf32, #tpu.memory_space<vmem_shared>>) target_semaphore(%run_scoped3A : memref<!tpu.dma_semaphore, #tpu.memory_space<semaphore_mem>>)
      %dma_wait3A_397 = arith.constant 0 : i32
      %dma_wait3A_398 = tpu.memref_slice %arg6[%add3A_22, %dma_wait3A_397] : memref<10240x128xf32, #tpu.memory_space<vmem_shared>> -> memref<128x128xf32, #tpu.memory_space<vmem_shared>>
      %dma_wait3A_399 = arith.constant 0 : i32
      %dma_wait3A_400 = tpu.memref_slice %arg6[%add3A_22, %dma_wait3A_399] : memref<10240x128xf32, #tpu.memory_space<vmem_shared>> -> memref<128x128xf32, #tpu.memory_space<vmem_shared>>
      tpu.wait_dma2 semaphore(%run_scoped3A : memref<!tpu.dma_semaphore, #tpu.memory_space<semaphore_mem>>) src(%arg9 : memref<128x128xf32, #tpu.memory_space<vmem>>) dst(%dma_wait3A_400 : memref<128x128xf32, #tpu.memory_space<vmem_shared>>)
      tpu.yield
    }) : () -> ()
    %mul3A_23 = arith.constant 640 : i32
    %mul3A_24 = arith.muli %arg1, %mul3A_23 : i32
    %add3A_25 = arith.constant 512 : i32
    %add3A_26 = arith.addi %mul3A_24, %add3A_25 : i32
    "tpu.region"() ({
      %run_scoped3A = tpu.sem_alloc : memref<!tpu.dma_semaphore, #tpu.memory_space<semaphore_mem>>
      %dma_start3A_393 = arith.constant 0 : i32
      %dma_start3A_394 = tpu.memref_slice %arg6[%add3A_26, %dma_start3A_393] : memref<10240x128xf32, #tpu.memory_space<vmem_shared>> -> memref<128x128xf32, #tpu.memory_space<vmem_shared>>
      %dma_start3A_395 = arith.constant 0 : i32
      %dma_start3A_396 = tpu.memref_slice %arg6[%add3A_26, %dma_start3A_395] : memref<10240x128xf32, #tpu.memory_space<vmem_shared>> -> memref<128x128xf32, #tpu.memory_space<vmem_shared>>
      tpu.enqueue_dma source(%arg9 : memref<128x128xf32, #tpu.memory_space<vmem>>) target(%dma_start3A_396 : memref<128x128xf32, #tpu.memory_space<vmem_shared>>) target_semaphore(%run_scoped3A : memref<!tpu.dma_semaphore, #tpu.memory_space<semaphore_mem>>)
      %dma_wait3A_397 = arith.constant 0 : i32
      %dma_wait3A_398 = tpu.memref_slice %arg6[%add3A_26, %dma_wait3A_397] : memref<10240x128xf32, #tpu.memory_space<vmem_shared>> -> memref<128x128xf32, #tpu.memory_space<vmem_shared>>
      %dma_wait3A_399 = arith.constant 0 : i32
      %dma_wait3A_400 = tpu.memref_slice %arg6[%add3A_26, %dma_wait3A_399] : memref<10240x128xf32, #tpu.memory_space<vmem_shared>> -> memref<128x128xf32, #tpu.memory_space<vmem_shared>>
      tpu.wait_dma2 semaphore(%run_scoped3A : memref<!tpu.dma_semaphore, #tpu.memory_space<semaphore_mem>>) src(%arg9 : memref<128x128xf32, #tpu.memory_space<vmem>>) dst(%dma_wait3A_400 : memref<128x128xf32, #tpu.memory_space<vmem_shared>>)
      tpu.yield
    }) : () -> ()
    %mul3A_27 = arith.constant 80 : i32
    %mul3A_28 = arith.muli %add3A, %mul3A_27 : i32
    %add3A_29 = arith.constant 0 : i32
    %add3A_30 = arith.addi %mul3A_28, %add3A_29 : i32
    %dma_start3A = arith.constant 0 : i32
    %dma_start3A_31 = arith.constant 0 : i32
    %dma_start3A_32 = tpu.memref_slice %arg7[%dma_start3A, %dma_start3A_31] : memref<8x128xi32, #tpu.memory_space<vmem>> -> memref<1x128xi32, #tpu.memory_space<vmem>>
    %dma_start3A_33 = tpu.memref_squeeze %dma_start3A_32 : memref<1x128xi32, #tpu.memory_space<vmem>> -> memref<128xi32, #tpu.memory_space<vmem>>
    %dma_start3A_34 = arith.constant 0 : i32
    %dma_start3A_35 = tpu.memref_slice %arg3[%add3A_30, %dma_start3A_34] : memref<2560x128xi32, #tpu.memory_space<hbm>> -> memref<1x128xi32, #tpu.memory_space<hbm>>
    %dma_start3A_36 = tpu.memref_squeeze %dma_start3A_35 : memref<1x128xi32, #tpu.memory_space<hbm>> -> memref<128xi32, #tpu.memory_space<hbm>>
    %dma_start3A_37 = arith.constant 0 : i32
    %dma_start3A_38 = tpu.memref_slice %arg7[%dma_start3A, %dma_start3A_37] : memref<8x128xi32, #tpu.memory_space<vmem>> -> memref<1x128xi32, #tpu.memory_space<vmem>>
    %dma_start3A_39 = tpu.memref_squeeze %dma_start3A_38 : memref<1x128xi32, #tpu.memory_space<vmem>> -> memref<128xi32, #tpu.memory_space<vmem>>
    %dma_start3A_40 = arith.constant 0 : i32
    %dma_start3A_41 = tpu.memref_slice %arg3[%add3A_30, %dma_start3A_40] : memref<2560x128xi32, #tpu.memory_space<hbm>> -> memref<1x128xi32, #tpu.memory_space<hbm>>
    %dma_start3A_42 = tpu.memref_squeeze %dma_start3A_41 : memref<1x128xi32, #tpu.memory_space<hbm>> -> memref<128xi32, #tpu.memory_space<hbm>>
    tpu.enqueue_dma source(%dma_start3A_42 : memref<128xi32, #tpu.memory_space<hbm>>) target(%dma_start3A_39 : memref<128xi32, #tpu.memory_space<vmem>>) target_semaphore(%arg15 : memref<!tpu.dma_semaphore, #tpu.memory_space<semaphore_mem>>)
    %mul3A_43 = arith.constant 80 : i32
    %mul3A_44 = arith.muli %add3A, %mul3A_43 : i32
    %add3A_45 = arith.constant 0 : i32
    %add3A_46 = arith.addi %mul3A_44, %add3A_45 : i32
    %dma_start3A_47 = arith.constant 0 : i32
    %dma_start3A_48 = arith.constant 0 : i32
    %dma_start3A_49 = tpu.memref_slice %arg8[%dma_start3A_47, %dma_start3A_48] : memref<8x128xi32, #tpu.memory_space<vmem>> -> memref<1x128xi32, #tpu.memory_space<vmem>>
    %dma_start3A_50 = tpu.memref_squeeze %dma_start3A_49 : memref<1x128xi32, #tpu.memory_space<vmem>> -> memref<128xi32, #tpu.memory_space<vmem>>
    %dma_start3A_51 = arith.constant 0 : i32
    %dma_start3A_52 = tpu.memref_slice %arg4[%add3A_46, %dma_start3A_51] : memref<2560x128xi32, #tpu.memory_space<hbm>> -> memref<1x128xi32, #tpu.memory_space<hbm>>
    %dma_start3A_53 = tpu.memref_squeeze %dma_start3A_52 : memref<1x128xi32, #tpu.memory_space<hbm>> -> memref<128xi32, #tpu.memory_space<hbm>>
    %dma_start3A_54 = arith.constant 0 : i32
    %dma_start3A_55 = tpu.memref_slice %arg8[%dma_start3A_47, %dma_start3A_54] : memref<8x128xi32, #tpu.memory_space<vmem>> -> memref<1x128xi32, #tpu.memory_space<vmem>>
    %dma_start3A_56 = tpu.memref_squeeze %dma_start3A_55 : memref<1x128xi32, #tpu.memory_space<vmem>> -> memref<128xi32, #tpu.memory_space<vmem>>
    %dma_start3A_57 = arith.constant 0 : i32
    %dma_start3A_58 = tpu.memref_slice %arg4[%add3A_46, %dma_start3A_57] : memref<2560x128xi32, #tpu.memory_space<hbm>> -> memref<1x128xi32, #tpu.memory_space<hbm>>
    %dma_start3A_59 = tpu.memref_squeeze %dma_start3A_58 : memref<1x128xi32, #tpu.memory_space<hbm>> -> memref<128xi32, #tpu.memory_space<hbm>>
    tpu.enqueue_dma source(%dma_start3A_59 : memref<128xi32, #tpu.memory_space<hbm>>) target(%dma_start3A_56 : memref<128xi32, #tpu.memory_space<vmem>>) target_semaphore(%arg23 : memref<!tpu.dma_semaphore, #tpu.memory_space<semaphore_mem>>)
    %mul3A_60 = arith.constant 80 : i32
    %mul3A_61 = arith.muli %add3A, %mul3A_60 : i32
    %add3A_62 = arith.constant 1 : i32
    %add3A_63 = arith.addi %mul3A_61, %add3A_62 : i32
    %dma_start3A_64 = arith.constant 1 : i32
    %dma_start3A_65 = arith.constant 0 : i32
    %dma_start3A_66 = tpu.memref_slice %arg7[%dma_start3A_64, %dma_start3A_65] : memref<8x128xi32, #tpu.memory_space<vmem>> -> memref<1x128xi32, #tpu.memory_space<vmem>>
    %dma_start3A_67 = tpu.memref_squeeze %dma_start3A_66 : memref<1x128xi32, #tpu.memory_space<vmem>> -> memref<128xi32, #tpu.memory_space<vmem>>
    %dma_start3A_68 = arith.constant 0 : i32
    %dma_start3A_69 = tpu.memref_slice %arg3[%add3A_63, %dma_start3A_68] : memref<2560x128xi32, #tpu.memory_space<hbm>> -> memref<1x128xi32, #tpu.memory_space<hbm>>
    %dma_start3A_70 = tpu.memref_squeeze %dma_start3A_69 : memref<1x128xi32, #tpu.memory_space<hbm>> -> memref<128xi32, #tpu.memory_space<hbm>>
    %dma_start3A_71 = arith.constant 0 : i32
    %dma_start3A_72 = tpu.memref_slice %arg7[%dma_start3A_64, %dma_start3A_71] : memref<8x128xi32, #tpu.memory_space<vmem>> -> memref<1x128xi32, #tpu.memory_space<vmem>>
    %dma_start3A_73 = tpu.memref_squeeze %dma_start3A_72 : memref<1x128xi32, #tpu.memory_space<vmem>> -> memref<128xi32, #tpu.memory_space<vmem>>
    %dma_start3A_74 = arith.constant 0 : i32
    %dma_start3A_75 = tpu.memref_slice %arg3[%add3A_63, %dma_start3A_74] : memref<2560x128xi32, #tpu.memory_space<hbm>> -> memref<1x128xi32, #tpu.memory_space<hbm>>
    %dma_start3A_76 = tpu.memref_squeeze %dma_start3A_75 : memref<1x128xi32, #tpu.memory_space<hbm>> -> memref<128xi32, #tpu.memory_space<hbm>>
    tpu.enqueue_dma source(%dma_start3A_76 : memref<128xi32, #tpu.memory_space<hbm>>) target(%dma_start3A_73 : memref<128xi32, #tpu.memory_space<vmem>>) target_semaphore(%arg16 : memref<!tpu.dma_semaphore, #tpu.memory_space<semaphore_mem>>)
    %mul3A_77 = arith.constant 80 : i32
    %mul3A_78 = arith.muli %add3A, %mul3A_77 : i32
    %add3A_79 = arith.constant 1 : i32
    %add3A_80 = arith.addi %mul3A_78, %add3A_79 : i32
    %dma_start3A_81 = arith.constant 1 : i32
    %dma_start3A_82 = arith.constant 0 : i32
    %dma_start3A_83 = tpu.memref_slice %arg8[%dma_start3A_81, %dma_start3A_82] : memref<8x128xi32, #tpu.memory_space<vmem>> -> memref<1x128xi32, #tpu.memory_space<vmem>>
    %dma_start3A_84 = tpu.memref_squeeze %dma_start3A_83 : memref<1x128xi32, #tpu.memory_space<vmem>> -> memref<128xi32, #tpu.memory_space<vmem>>
    %dma_start3A_85 = arith.constant 0 : i32
    %dma_start3A_86 = tpu.memref_slice %arg4[%add3A_80, %dma_start3A_85] : memref<2560x128xi32, #tpu.memory_space<hbm>> -> memref<1x128xi32, #tpu.memory_space<hbm>>
    %dma_start3A_87 = tpu.memref_squeeze %dma_start3A_86 : memref<1x128xi32, #tpu.memory_space<hbm>> -> memref<128xi32, #tpu.memory_space<hbm>>
    %dma_start3A_88 = arith.constant 0 : i32
    %dma_start3A_89 = tpu.memref_slice %arg8[%dma_start3A_81, %dma_start3A_88] : memref<8x128xi32, #tpu.memory_space<vmem>> -> memref<1x128xi32, #tpu.memory_space<vmem>>
    %dma_start3A_90 = tpu.memref_squeeze %dma_start3A_89 : memref<1x128xi32, #tpu.memory_space<vmem>> -> memref<128xi32, #tpu.memory_space<vmem>>
    %dma_start3A_91 = arith.constant 0 : i32
    %dma_start3A_92 = tpu.memref_slice %arg4[%add3A_80, %dma_start3A_91] : memref<2560x128xi32, #tpu.memory_space<hbm>> -> memref<1x128xi32, #tpu.memory_space<hbm>>
    %dma_start3A_93 = tpu.memref_squeeze %dma_start3A_92 : memref<1x128xi32, #tpu.memory_space<hbm>> -> memref<128xi32, #tpu.memory_space<hbm>>
    tpu.enqueue_dma source(%dma_start3A_93 : memref<128xi32, #tpu.memory_space<hbm>>) target(%dma_start3A_90 : memref<128xi32, #tpu.memory_space<vmem>>) target_semaphore(%arg24 : memref<!tpu.dma_semaphore, #tpu.memory_space<semaphore_mem>>)
    %mul3A_94 = arith.constant 80 : i32
    %mul3A_95 = arith.muli %add3A, %mul3A_94 : i32
    %add3A_96 = arith.constant 2 : i32
    %add3A_97 = arith.addi %mul3A_95, %add3A_96 : i32
    %dma_start3A_98 = arith.constant 2 : i32
    %dma_start3A_99 = arith.constant 0 : i32
    %dma_start3A_100 = tpu.memref_slice %arg7[%dma_start3A_98, %dma_start3A_99] : memref<8x128xi32, #tpu.memory_space<vmem>> -> memref<1x128xi32, #tpu.memory_space<vmem>>
    %dma_start3A_101 = tpu.memref_squeeze %dma_start3A_100 : memref<1x128xi32, #tpu.memory_space<vmem>> -> memref<128xi32, #tpu.memory_space<vmem>>
    %dma_start3A_102 = arith.constant 0 : i32
    %dma_start3A_103 = tpu.memref_slice %arg3[%add3A_97, %dma_start3A_102] : memref<2560x128xi32, #tpu.memory_space<hbm>> -> memref<1x128xi32, #tpu.memory_space<hbm>>
    %dma_start3A_104 = tpu.memref_squeeze %dma_start3A_103 : memref<1x128xi32, #tpu.memory_space<hbm>> -> memref<128xi32, #tpu.memory_space<hbm>>
    %dma_start3A_105 = arith.constant 0 : i32
    %dma_start3A_106 = tpu.memref_slice %arg7[%dma_start3A_98, %dma_start3A_105] : memref<8x128xi32, #tpu.memory_space<vmem>> -> memref<1x128xi32, #tpu.memory_space<vmem>>
    %dma_start3A_107 = tpu.memref_squeeze %dma_start3A_106 : memref<1x128xi32, #tpu.memory_space<vmem>> -> memref<128xi32, #tpu.memory_space<vmem>>
    %dma_start3A_108 = arith.constant 0 : i32
    %dma_start3A_109 = tpu.memref_slice %arg3[%add3A_97, %dma_start3A_108] : memref<2560x128xi32, #tpu.memory_space<hbm>> -> memref<1x128xi32, #tpu.memory_space<hbm>>
    %dma_start3A_110 = tpu.memref_squeeze %dma_start3A_109 : memref<1x128xi32, #tpu.memory_space<hbm>> -> memref<128xi32, #tpu.memory_space<hbm>>
    tpu.enqueue_dma source(%dma_start3A_110 : memref<128xi32, #tpu.memory_space<hbm>>) target(%dma_start3A_107 : memref<128xi32, #tpu.memory_space<vmem>>) target_semaphore(%arg17 : memref<!tpu.dma_semaphore, #tpu.memory_space<semaphore_mem>>)
    %mul3A_111 = arith.constant 80 : i32
    %mul3A_112 = arith.muli %add3A, %mul3A_111 : i32
    %add3A_113 = arith.constant 2 : i32
    %add3A_114 = arith.addi %mul3A_112, %add3A_113 : i32
    %dma_start3A_115 = arith.constant 2 : i32
    %dma_start3A_116 = arith.constant 0 : i32
    %dma_start3A_117 = tpu.memref_slice %arg8[%dma_start3A_115, %dma_start3A_116] : memref<8x128xi32, #tpu.memory_space<vmem>> -> memref<1x128xi32, #tpu.memory_space<vmem>>
    %dma_start3A_118 = tpu.memref_squeeze %dma_start3A_117 : memref<1x128xi32, #tpu.memory_space<vmem>> -> memref<128xi32, #tpu.memory_space<vmem>>
    %dma_start3A_119 = arith.constant 0 : i32
    %dma_start3A_120 = tpu.memref_slice %arg4[%add3A_114, %dma_start3A_119] : memref<2560x128xi32, #tpu.memory_space<hbm>> -> memref<1x128xi32, #tpu.memory_space<hbm>>
    %dma_start3A_121 = tpu.memref_squeeze %dma_start3A_120 : memref<1x128xi32, #tpu.memory_space<hbm>> -> memref<128xi32, #tpu.memory_space<hbm>>
    %dma_start3A_122 = arith.constant 0 : i32
    %dma_start3A_123 = tpu.memref_slice %arg8[%dma_start3A_115, %dma_start3A_122] : memref<8x128xi32, #tpu.memory_space<vmem>> -> memref<1x128xi32, #tpu.memory_space<vmem>>
    %dma_start3A_124 = tpu.memref_squeeze %dma_start3A_123 : memref<1x128xi32, #tpu.memory_space<vmem>> -> memref<128xi32, #tpu.memory_space<vmem>>
    %dma_start3A_125 = arith.constant 0 : i32
    %dma_start3A_126 = tpu.memref_slice %arg4[%add3A_114, %dma_start3A_125] : memref<2560x128xi32, #tpu.memory_space<hbm>> -> memref<1x128xi32, #tpu.memory_space<hbm>>
    %dma_start3A_127 = tpu.memref_squeeze %dma_start3A_126 : memref<1x128xi32, #tpu.memory_space<hbm>> -> memref<128xi32, #tpu.memory_space<hbm>>
    tpu.enqueue_dma source(%dma_start3A_127 : memref<128xi32, #tpu.memory_space<hbm>>) target(%dma_start3A_124 : memref<128xi32, #tpu.memory_space<vmem>>) target_semaphore(%arg25 : memref<!tpu.dma_semaphore, #tpu.memory_space<semaphore_mem>>)
    %mul3A_128 = arith.constant 80 : i32
    %mul3A_129 = arith.muli %add3A, %mul3A_128 : i32
    %add3A_130 = arith.constant 3 : i32
    %add3A_131 = arith.addi %mul3A_129, %add3A_130 : i32
    %dma_start3A_132 = arith.constant 3 : i32
    %dma_start3A_133 = arith.constant 0 : i32
    %dma_start3A_134 = tpu.memref_slice %arg7[%dma_start3A_132, %dma_start3A_133] : memref<8x128xi32, #tpu.memory_space<vmem>> -> memref<1x128xi32, #tpu.memory_space<vmem>>
    %dma_start3A_135 = tpu.memref_squeeze %dma_start3A_134 : memref<1x128xi32, #tpu.memory_space<vmem>> -> memref<128xi32, #tpu.memory_space<vmem>>
    %dma_start3A_136 = arith.constant 0 : i32
    %dma_start3A_137 = tpu.memref_slice %arg3[%add3A_131, %dma_start3A_136] : memref<2560x128xi32, #tpu.memory_space<hbm>> -> memref<1x128xi32, #tpu.memory_space<hbm>>
    %dma_start3A_138 = tpu.memref_squeeze %dma_start3A_137 : memref<1x128xi32, #tpu.memory_space<hbm>> -> memref<128xi32, #tpu.memory_space<hbm>>
    %dma_start3A_139 = arith.constant 0 : i32
    %dma_start3A_140 = tpu.memref_slice %arg7[%dma_start3A_132, %dma_start3A_139] : memref<8x128xi32, #tpu.memory_space<vmem>> -> memref<1x128xi32, #tpu.memory_space<vmem>>
    %dma_start3A_141 = tpu.memref_squeeze %dma_start3A_140 : memref<1x128xi32, #tpu.memory_space<vmem>> -> memref<128xi32, #tpu.memory_space<vmem>>
    %dma_start3A_142 = arith.constant 0 : i32
    %dma_start3A_143 = tpu.memref_slice %arg3[%add3A_131, %dma_start3A_142] : memref<2560x128xi32, #tpu.memory_space<hbm>> -> memref<1x128xi32, #tpu.memory_space<hbm>>
    %dma_start3A_144 = tpu.memref_squeeze %dma_start3A_143 : memref<1x128xi32, #tpu.memory_space<hbm>> -> memref<128xi32, #tpu.memory_space<hbm>>
    tpu.enqueue_dma source(%dma_start3A_144 : memref<128xi32, #tpu.memory_space<hbm>>) target(%dma_start3A_141 : memref<128xi32, #tpu.memory_space<vmem>>) target_semaphore(%arg18 : memref<!tpu.dma_semaphore, #tpu.memory_space<semaphore_mem>>)
    %mul3A_145 = arith.constant 80 : i32
    %mul3A_146 = arith.muli %add3A, %mul3A_145 : i32
    %add3A_147 = arith.constant 3 : i32
    %add3A_148 = arith.addi %mul3A_146, %add3A_147 : i32
    %dma_start3A_149 = arith.constant 3 : i32
    %dma_start3A_150 = arith.constant 0 : i32
    %dma_start3A_151 = tpu.memref_slice %arg8[%dma_start3A_149, %dma_start3A_150] : memref<8x128xi32, #tpu.memory_space<vmem>> -> memref<1x128xi32, #tpu.memory_space<vmem>>
    %dma_start3A_152 = tpu.memref_squeeze %dma_start3A_151 : memref<1x128xi32, #tpu.memory_space<vmem>> -> memref<128xi32, #tpu.memory_space<vmem>>
    %dma_start3A_153 = arith.constant 0 : i32
    %dma_start3A_154 = tpu.memref_slice %arg4[%add3A_148, %dma_start3A_153] : memref<2560x128xi32, #tpu.memory_space<hbm>> -> memref<1x128xi32, #tpu.memory_space<hbm>>
    %dma_start3A_155 = tpu.memref_squeeze %dma_start3A_154 : memref<1x128xi32, #tpu.memory_space<hbm>> -> memref<128xi32, #tpu.memory_space<hbm>>
    %dma_start3A_156 = arith.constant 0 : i32
    %dma_start3A_157 = tpu.memref_slice %arg8[%dma_start3A_149, %dma_start3A_156] : memref<8x128xi32, #tpu.memory_space<vmem>> -> memref<1x128xi32, #tpu.memory_space<vmem>>
    %dma_start3A_158 = tpu.memref_squeeze %dma_start3A_157 : memref<1x128xi32, #tpu.memory_space<vmem>> -> memref<128xi32, #tpu.memory_space<vmem>>
    %dma_start3A_159 = arith.constant 0 : i32
    %dma_start3A_160 = tpu.memref_slice %arg4[%add3A_148, %dma_start3A_159] : memref<2560x128xi32, #tpu.memory_space<hbm>> -> memref<1x128xi32, #tpu.memory_space<hbm>>
    %dma_start3A_161 = tpu.memref_squeeze %dma_start3A_160 : memref<1x128xi32, #tpu.memory_space<hbm>> -> memref<128xi32, #tpu.memory_space<hbm>>
    tpu.enqueue_dma source(%dma_start3A_161 : memref<128xi32, #tpu.memory_space<hbm>>) target(%dma_start3A_158 : memref<128xi32, #tpu.memory_space<vmem>>) target_semaphore(%arg26 : memref<!tpu.dma_semaphore, #tpu.memory_space<semaphore_mem>>)
    %mul3A_162 = arith.constant 80 : i32
    %mul3A_163 = arith.muli %add3A, %mul3A_162 : i32
    %add3A_164 = arith.constant 4 : i32
    %add3A_165 = arith.addi %mul3A_163, %add3A_164 : i32
    %dma_start3A_166 = arith.constant 4 : i32
    %dma_start3A_167 = arith.constant 0 : i32
    %dma_start3A_168 = tpu.memref_slice %arg7[%dma_start3A_166, %dma_start3A_167] : memref<8x128xi32, #tpu.memory_space<vmem>> -> memref<1x128xi32, #tpu.memory_space<vmem>>
    %dma_start3A_169 = tpu.memref_squeeze %dma_start3A_168 : memref<1x128xi32, #tpu.memory_space<vmem>> -> memref<128xi32, #tpu.memory_space<vmem>>
    %dma_start3A_170 = arith.constant 0 : i32
    %dma_start3A_171 = tpu.memref_slice %arg3[%add3A_165, %dma_start3A_170] : memref<2560x128xi32, #tpu.memory_space<hbm>> -> memref<1x128xi32, #tpu.memory_space<hbm>>
    %dma_start3A_172 = tpu.memref_squeeze %dma_start3A_171 : memref<1x128xi32, #tpu.memory_space<hbm>> -> memref<128xi32, #tpu.memory_space<hbm>>
    %dma_start3A_173 = arith.constant 0 : i32
    %dma_start3A_174 = tpu.memref_slice %arg7[%dma_start3A_166, %dma_start3A_173] : memref<8x128xi32, #tpu.memory_space<vmem>> -> memref<1x128xi32, #tpu.memory_space<vmem>>
    %dma_start3A_175 = tpu.memref_squeeze %dma_start3A_174 : memref<1x128xi32, #tpu.memory_space<vmem>> -> memref<128xi32, #tpu.memory_space<vmem>>
    %dma_start3A_176 = arith.constant 0 : i32
    %dma_start3A_177 = tpu.memref_slice %arg3[%add3A_165, %dma_start3A_176] : memref<2560x128xi32, #tpu.memory_space<hbm>> -> memref<1x128xi32, #tpu.memory_space<hbm>>
    %dma_start3A_178 = tpu.memref_squeeze %dma_start3A_177 : memref<1x128xi32, #tpu.memory_space<hbm>> -> memref<128xi32, #tpu.memory_space<hbm>>
    tpu.enqueue_dma source(%dma_start3A_178 : memref<128xi32, #tpu.memory_space<hbm>>) target(%dma_start3A_175 : memref<128xi32, #tpu.memory_space<vmem>>) target_semaphore(%arg19 : memref<!tpu.dma_semaphore, #tpu.memory_space<semaphore_mem>>)
    %mul3A_179 = arith.constant 80 : i32
    %mul3A_180 = arith.muli %add3A, %mul3A_179 : i32
    %add3A_181 = arith.constant 4 : i32
    %add3A_182 = arith.addi %mul3A_180, %add3A_181 : i32
    %dma_start3A_183 = arith.constant 4 : i32
    %dma_start3A_184 = arith.constant 0 : i32
    %dma_start3A_185 = tpu.memref_slice %arg8[%dma_start3A_183, %dma_start3A_184] : memref<8x128xi32, #tpu.memory_space<vmem>> -> memref<1x128xi32, #tpu.memory_space<vmem>>
    %dma_start3A_186 = tpu.memref_squeeze %dma_start3A_185 : memref<1x128xi32, #tpu.memory_space<vmem>> -> memref<128xi32, #tpu.memory_space<vmem>>
    %dma_start3A_187 = arith.constant 0 : i32
    %dma_start3A_188 = tpu.memref_slice %arg4[%add3A_182, %dma_start3A_187] : memref<2560x128xi32, #tpu.memory_space<hbm>> -> memref<1x128xi32, #tpu.memory_space<hbm>>
    %dma_start3A_189 = tpu.memref_squeeze %dma_start3A_188 : memref<1x128xi32, #tpu.memory_space<hbm>> -> memref<128xi32, #tpu.memory_space<hbm>>
    %dma_start3A_190 = arith.constant 0 : i32
    %dma_start3A_191 = tpu.memref_slice %arg8[%dma_start3A_183, %dma_start3A_190] : memref<8x128xi32, #tpu.memory_space<vmem>> -> memref<1x128xi32, #tpu.memory_space<vmem>>
    %dma_start3A_192 = tpu.memref_squeeze %dma_start3A_191 : memref<1x128xi32, #tpu.memory_space<vmem>> -> memref<128xi32, #tpu.memory_space<vmem>>
    %dma_start3A_193 = arith.constant 0 : i32
    %dma_start3A_194 = tpu.memref_slice %arg4[%add3A_182, %dma_start3A_193] : memref<2560x128xi32, #tpu.memory_space<hbm>> -> memref<1x128xi32, #tpu.memory_space<hbm>>
    %dma_start3A_195 = tpu.memref_squeeze %dma_start3A_194 : memref<1x128xi32, #tpu.memory_space<hbm>> -> memref<128xi32, #tpu.memory_space<hbm>>
    tpu.enqueue_dma source(%dma_start3A_195 : memref<128xi32, #tpu.memory_space<hbm>>) target(%dma_start3A_192 : memref<128xi32, #tpu.memory_space<vmem>>) target_semaphore(%arg27 : memref<!tpu.dma_semaphore, #tpu.memory_space<semaphore_mem>>)
    %mul3A_196 = arith.constant 80 : i32
    %mul3A_197 = arith.muli %add3A, %mul3A_196 : i32
    %add3A_198 = arith.constant 5 : i32
    %add3A_199 = arith.addi %mul3A_197, %add3A_198 : i32
    %dma_start3A_200 = arith.constant 5 : i32
    %dma_start3A_201 = arith.constant 0 : i32
    %dma_start3A_202 = tpu.memref_slice %arg7[%dma_start3A_200, %dma_start3A_201] : memref<8x128xi32, #tpu.memory_space<vmem>> -> memref<1x128xi32, #tpu.memory_space<vmem>>
    %dma_start3A_203 = tpu.memref_squeeze %dma_start3A_202 : memref<1x128xi32, #tpu.memory_space<vmem>> -> memref<128xi32, #tpu.memory_space<vmem>>
    %dma_start3A_204 = arith.constant 0 : i32
    %dma_start3A_205 = tpu.memref_slice %arg3[%add3A_199, %dma_start3A_204] : memref<2560x128xi32, #tpu.memory_space<hbm>> -> memref<1x128xi32, #tpu.memory_space<hbm>>
    %dma_start3A_206 = tpu.memref_squeeze %dma_start3A_205 : memref<1x128xi32, #tpu.memory_space<hbm>> -> memref<128xi32, #tpu.memory_space<hbm>>
    %dma_start3A_207 = arith.constant 0 : i32
    %dma_start3A_208 = tpu.memref_slice %arg7[%dma_start3A_200, %dma_start3A_207] : memref<8x128xi32, #tpu.memory_space<vmem>> -> memref<1x128xi32, #tpu.memory_space<vmem>>
    %dma_start3A_209 = tpu.memref_squeeze %dma_start3A_208 : memref<1x128xi32, #tpu.memory_space<vmem>> -> memref<128xi32, #tpu.memory_space<vmem>>
    %dma_start3A_210 = arith.constant 0 : i32
    %dma_start3A_211 = tpu.memref_slice %arg3[%add3A_199, %dma_start3A_210] : memref<2560x128xi32, #tpu.memory_space<hbm>> -> memref<1x128xi32, #tpu.memory_space<hbm>>
    %dma_start3A_212 = tpu.memref_squeeze %dma_start3A_211 : memref<1x128xi32, #tpu.memory_space<hbm>> -> memref<128xi32, #tpu.memory_space<hbm>>
    tpu.enqueue_dma source(%dma_start3A_212 : memref<128xi32, #tpu.memory_space<hbm>>) target(%dma_start3A_209 : memref<128xi32, #tpu.memory_space<vmem>>) target_semaphore(%arg20 : memref<!tpu.dma_semaphore, #tpu.memory_space<semaphore_mem>>)
    %mul3A_213 = arith.constant 80 : i32
    %mul3A_214 = arith.muli %add3A, %mul3A_213 : i32
    %add3A_215 = arith.constant 5 : i32
    %add3A_216 = arith.addi %mul3A_214, %add3A_215 : i32
    %dma_start3A_217 = arith.constant 5 : i32
    %dma_start3A_218 = arith.constant 0 : i32
    %dma_start3A_219 = tpu.memref_slice %arg8[%dma_start3A_217, %dma_start3A_218] : memref<8x128xi32, #tpu.memory_space<vmem>> -> memref<1x128xi32, #tpu.memory_space<vmem>>
    %dma_start3A_220 = tpu.memref_squeeze %dma_start3A_219 : memref<1x128xi32, #tpu.memory_space<vmem>> -> memref<128xi32, #tpu.memory_space<vmem>>
    %dma_start3A_221 = arith.constant 0 : i32
    %dma_start3A_222 = tpu.memref_slice %arg4[%add3A_216, %dma_start3A_221] : memref<2560x128xi32, #tpu.memory_space<hbm>> -> memref<1x128xi32, #tpu.memory_space<hbm>>
    %dma_start3A_223 = tpu.memref_squeeze %dma_start3A_222 : memref<1x128xi32, #tpu.memory_space<hbm>> -> memref<128xi32, #tpu.memory_space<hbm>>
    %dma_start3A_224 = arith.constant 0 : i32
    %dma_start3A_225 = tpu.memref_slice %arg8[%dma_start3A_217, %dma_start3A_224] : memref<8x128xi32, #tpu.memory_space<vmem>> -> memref<1x128xi32, #tpu.memory_space<vmem>>
    %dma_start3A_226 = tpu.memref_squeeze %dma_start3A_225 : memref<1x128xi32, #tpu.memory_space<vmem>> -> memref<128xi32, #tpu.memory_space<vmem>>
    %dma_start3A_227 = arith.constant 0 : i32
    %dma_start3A_228 = tpu.memref_slice %arg4[%add3A_216, %dma_start3A_227] : memref<2560x128xi32, #tpu.memory_space<hbm>> -> memref<1x128xi32, #tpu.memory_space<hbm>>
    %dma_start3A_229 = tpu.memref_squeeze %dma_start3A_228 : memref<1x128xi32, #tpu.memory_space<hbm>> -> memref<128xi32, #tpu.memory_space<hbm>>
    tpu.enqueue_dma source(%dma_start3A_229 : memref<128xi32, #tpu.memory_space<hbm>>) target(%dma_start3A_226 : memref<128xi32, #tpu.memory_space<vmem>>) target_semaphore(%arg28 : memref<!tpu.dma_semaphore, #tpu.memory_space<semaphore_mem>>)
    %mul3A_230 = arith.constant 80 : i32
    %mul3A_231 = arith.muli %add3A, %mul3A_230 : i32
    %add3A_232 = arith.constant 6 : i32
    %add3A_233 = arith.addi %mul3A_231, %add3A_232 : i32
    %dma_start3A_234 = arith.constant 6 : i32
    %dma_start3A_235 = arith.constant 0 : i32
    %dma_start3A_236 = tpu.memref_slice %arg7[%dma_start3A_234, %dma_start3A_235] : memref<8x128xi32, #tpu.memory_space<vmem>> -> memref<1x128xi32, #tpu.memory_space<vmem>>
    %dma_start3A_237 = tpu.memref_squeeze %dma_start3A_236 : memref<1x128xi32, #tpu.memory_space<vmem>> -> memref<128xi32, #tpu.memory_space<vmem>>
    %dma_start3A_238 = arith.constant 0 : i32
    %dma_start3A_239 = tpu.memref_slice %arg3[%add3A_233, %dma_start3A_238] : memref<2560x128xi32, #tpu.memory_space<hbm>> -> memref<1x128xi32, #tpu.memory_space<hbm>>
    %dma_start3A_240 = tpu.memref_squeeze %dma_start3A_239 : memref<1x128xi32, #tpu.memory_space<hbm>> -> memref<128xi32, #tpu.memory_space<hbm>>
    %dma_start3A_241 = arith.constant 0 : i32
    %dma_start3A_242 = tpu.memref_slice %arg7[%dma_start3A_234, %dma_start3A_241] : memref<8x128xi32, #tpu.memory_space<vmem>> -> memref<1x128xi32, #tpu.memory_space<vmem>>
    %dma_start3A_243 = tpu.memref_squeeze %dma_start3A_242 : memref<1x128xi32, #tpu.memory_space<vmem>> -> memref<128xi32, #tpu.memory_space<vmem>>
    %dma_start3A_244 = arith.constant 0 : i32
    %dma_start3A_245 = tpu.memref_slice %arg3[%add3A_233, %dma_start3A_244] : memref<2560x128xi32, #tpu.memory_space<hbm>> -> memref<1x128xi32, #tpu.memory_space<hbm>>
    %dma_start3A_246 = tpu.memref_squeeze %dma_start3A_245 : memref<1x128xi32, #tpu.memory_space<hbm>> -> memref<128xi32, #tpu.memory_space<hbm>>
    tpu.enqueue_dma source(%dma_start3A_246 : memref<128xi32, #tpu.memory_space<hbm>>) target(%dma_start3A_243 : memref<128xi32, #tpu.memory_space<vmem>>) target_semaphore(%arg21 : memref<!tpu.dma_semaphore, #tpu.memory_space<semaphore_mem>>)
    %mul3A_247 = arith.constant 80 : i32
    %mul3A_248 = arith.muli %add3A, %mul3A_247 : i32
    %add3A_249 = arith.constant 6 : i32
    %add3A_250 = arith.addi %mul3A_248, %add3A_249 : i32
    %dma_start3A_251 = arith.constant 6 : i32
    %dma_start3A_252 = arith.constant 0 : i32
    %dma_start3A_253 = tpu.memref_slice %arg8[%dma_start3A_251, %dma_start3A_252] : memref<8x128xi32, #tpu.memory_space<vmem>> -> memref<1x128xi32, #tpu.memory_space<vmem>>
    %dma_start3A_254 = tpu.memref_squeeze %dma_start3A_253 : memref<1x128xi32, #tpu.memory_space<vmem>> -> memref<128xi32, #tpu.memory_space<vmem>>
    %dma_start3A_255 = arith.constant 0 : i32
    %dma_start3A_256 = tpu.memref_slice %arg4[%add3A_250, %dma_start3A_255] : memref<2560x128xi32, #tpu.memory_space<hbm>> -> memref<1x128xi32, #tpu.memory_space<hbm>>
    %dma_start3A_257 = tpu.memref_squeeze %dma_start3A_256 : memref<1x128xi32, #tpu.memory_space<hbm>> -> memref<128xi32, #tpu.memory_space<hbm>>
    %dma_start3A_258 = arith.constant 0 : i32
    %dma_start3A_259 = tpu.memref_slice %arg8[%dma_start3A_251, %dma_start3A_258] : memref<8x128xi32, #tpu.memory_space<vmem>> -> memref<1x128xi32, #tpu.memory_space<vmem>>
    %dma_start3A_260 = tpu.memref_squeeze %dma_start3A_259 : memref<1x128xi32, #tpu.memory_space<vmem>> -> memref<128xi32, #tpu.memory_space<vmem>>
    %dma_start3A_261 = arith.constant 0 : i32
    %dma_start3A_262 = tpu.memref_slice %arg4[%add3A_250, %dma_start3A_261] : memref<2560x128xi32, #tpu.memory_space<hbm>> -> memref<1x128xi32, #tpu.memory_space<hbm>>
    %dma_start3A_263 = tpu.memref_squeeze %dma_start3A_262 : memref<1x128xi32, #tpu.memory_space<hbm>> -> memref<128xi32, #tpu.memory_space<hbm>>
    tpu.enqueue_dma source(%dma_start3A_263 : memref<128xi32, #tpu.memory_space<hbm>>) target(%dma_start3A_260 : memref<128xi32, #tpu.memory_space<vmem>>) target_semaphore(%arg29 : memref<!tpu.dma_semaphore, #tpu.memory_space<semaphore_mem>>)
    %mul3A_264 = arith.constant 80 : i32
    %mul3A_265 = arith.muli %add3A, %mul3A_264 : i32
    %add3A_266 = arith.constant 7 : i32
    %add3A_267 = arith.addi %mul3A_265, %add3A_266 : i32
    %dma_start3A_268 = arith.constant 7 : i32
    %dma_start3A_269 = arith.constant 0 : i32
    %dma_start3A_270 = tpu.memref_slice %arg7[%dma_start3A_268, %dma_start3A_269] : memref<8x128xi32, #tpu.memory_space<vmem>> -> memref<1x128xi32, #tpu.memory_space<vmem>>
    %dma_start3A_271 = tpu.memref_squeeze %dma_start3A_270 : memref<1x128xi32, #tpu.memory_space<vmem>> -> memref<128xi32, #tpu.memory_space<vmem>>
    %dma_start3A_272 = arith.constant 0 : i32
    %dma_start3A_273 = tpu.memref_slice %arg3[%add3A_267, %dma_start3A_272] : memref<2560x128xi32, #tpu.memory_space<hbm>> -> memref<1x128xi32, #tpu.memory_space<hbm>>
    %dma_start3A_274 = tpu.memref_squeeze %dma_start3A_273 : memref<1x128xi32, #tpu.memory_space<hbm>> -> memref<128xi32, #tpu.memory_space<hbm>>
    %dma_start3A_275 = arith.constant 0 : i32
    %dma_start3A_276 = tpu.memref_slice %arg7[%dma_start3A_268, %dma_start3A_275] : memref<8x128xi32, #tpu.memory_space<vmem>> -> memref<1x128xi32, #tpu.memory_space<vmem>>
    %dma_start3A_277 = tpu.memref_squeeze %dma_start3A_276 : memref<1x128xi32, #tpu.memory_space<vmem>> -> memref<128xi32, #tpu.memory_space<vmem>>
    %dma_start3A_278 = arith.constant 0 : i32
    %dma_start3A_279 = tpu.memref_slice %arg3[%add3A_267, %dma_start3A_278] : memref<2560x128xi32, #tpu.memory_space<hbm>> -> memref<1x128xi32, #tpu.memory_space<hbm>>
    %dma_start3A_280 = tpu.memref_squeeze %dma_start3A_279 : memref<1x128xi32, #tpu.memory_space<hbm>> -> memref<128xi32, #tpu.memory_space<hbm>>
    tpu.enqueue_dma source(%dma_start3A_280 : memref<128xi32, #tpu.memory_space<hbm>>) target(%dma_start3A_277 : memref<128xi32, #tpu.memory_space<vmem>>) target_semaphore(%arg22 : memref<!tpu.dma_semaphore, #tpu.memory_space<semaphore_mem>>)
    %mul3A_281 = arith.constant 80 : i32
    %mul3A_282 = arith.muli %add3A, %mul3A_281 : i32
    %add3A_283 = arith.constant 7 : i32
    %add3A_284 = arith.addi %mul3A_282, %add3A_283 : i32
    %dma_start3A_285 = arith.constant 7 : i32
    %dma_start3A_286 = arith.constant 0 : i32
    %dma_start3A_287 = tpu.memref_slice %arg8[%dma_start3A_285, %dma_start3A_286] : memref<8x128xi32, #tpu.memory_space<vmem>> -> memref<1x128xi32, #tpu.memory_space<vmem>>
    %dma_start3A_288 = tpu.memref_squeeze %dma_start3A_287 : memref<1x128xi32, #tpu.memory_space<vmem>> -> memref<128xi32, #tpu.memory_space<vmem>>
    %dma_start3A_289 = arith.constant 0 : i32
    %dma_start3A_290 = tpu.memref_slice %arg4[%add3A_284, %dma_start3A_289] : memref<2560x128xi32, #tpu.memory_space<hbm>> -> memref<1x128xi32, #tpu.memory_space<hbm>>
    %dma_start3A_291 = tpu.memref_squeeze %dma_start3A_290 : memref<1x128xi32, #tpu.memory_space<hbm>> -> memref<128xi32, #tpu.memory_space<hbm>>
    %dma_start3A_292 = arith.constant 0 : i32
    %dma_start3A_293 = tpu.memref_slice %arg8[%dma_start3A_285, %dma_start3A_292] : memref<8x128xi32, #tpu.memory_space<vmem>> -> memref<1x128xi32, #tpu.memory_space<vmem>>
    %dma_start3A_294 = tpu.memref_squeeze %dma_start3A_293 : memref<1x128xi32, #tpu.memory_space<vmem>> -> memref<128xi32, #tpu.memory_space<vmem>>
    %dma_start3A_295 = arith.constant 0 : i32
    %dma_start3A_296 = tpu.memref_slice %arg4[%add3A_284, %dma_start3A_295] : memref<2560x128xi32, #tpu.memory_space<hbm>> -> memref<1x128xi32, #tpu.memory_space<hbm>>
    %dma_start3A_297 = tpu.memref_squeeze %dma_start3A_296 : memref<1x128xi32, #tpu.memory_space<hbm>> -> memref<128xi32, #tpu.memory_space<hbm>>
    tpu.enqueue_dma source(%dma_start3A_297 : memref<128xi32, #tpu.memory_space<hbm>>) target(%dma_start3A_294 : memref<128xi32, #tpu.memory_space<vmem>>) target_semaphore(%arg30 : memref<!tpu.dma_semaphore, #tpu.memory_space<semaphore_mem>>)
    %barrier3A = arith.constant 0 : index
    tpu.barrier barrier_id(%barrier3A)
    %dma_wait3A = arith.constant 0 : i32
    %dma_wait3A_298 = arith.constant 0 : i32
    %dma_wait3A_299 = arith.constant 0 : i32
    %dma_wait3A_300 = tpu.memref_slice %arg7[%dma_wait3A_298, %dma_wait3A_299] : memref<8x128xi32, #tpu.memory_space<vmem>> -> memref<1x128xi32, #tpu.memory_space<vmem>>
    %dma_wait3A_301 = tpu.memref_squeeze %dma_wait3A_300 : memref<1x128xi32, #tpu.memory_space<vmem>> -> memref<128xi32, #tpu.memory_space<vmem>>
    %dma_wait3A_302 = arith.constant 0 : i32
    %dma_wait3A_303 = tpu.memref_slice %arg3[%dma_wait3A, %dma_wait3A_302] : memref<2560x128xi32, #tpu.memory_space<hbm>> -> memref<1x128xi32, #tpu.memory_space<hbm>>
    %dma_wait3A_304 = tpu.memref_squeeze %dma_wait3A_303 : memref<1x128xi32, #tpu.memory_space<hbm>> -> memref<128xi32, #tpu.memory_space<hbm>>
    %dma_wait3A_305 = arith.constant 0 : i32
    %dma_wait3A_306 = tpu.memref_slice %arg7[%dma_wait3A_298, %dma_wait3A_305] : memref<8x128xi32, #tpu.memory_space<vmem>> -> memref<1x128xi32, #tpu.memory_space<vmem>>
    %dma_wait3A_307 = tpu.memref_squeeze %dma_wait3A_306 : memref<1x128xi32, #tpu.memory_space<vmem>> -> memref<128xi32, #tpu.memory_space<vmem>>
    %dma_wait3A_308 = arith.constant 0 : i32
    %dma_wait3A_309 = tpu.memref_slice %arg3[%dma_wait3A, %dma_wait3A_308] : memref<2560x128xi32, #tpu.memory_space<hbm>> -> memref<1x128xi32, #tpu.memory_space<hbm>>
    %dma_wait3A_310 = tpu.memref_squeeze %dma_wait3A_309 : memref<1x128xi32, #tpu.memory_space<hbm>> -> memref<128xi32, #tpu.memory_space<hbm>>
    tpu.wait_dma2 semaphore(%arg15 : memref<!tpu.dma_semaphore, #tpu.memory_space<semaphore_mem>>) src(%dma_wait3A_310 : memref<128xi32, #tpu.memory_space<hbm>>) dst(%dma_wait3A_307 : memref<128xi32, #tpu.memory_space<vmem>>)
    %dma_wait3A_311 = arith.constant 0 : i32
    %dma_wait3A_312 = arith.constant 0 : i32
    %dma_wait3A_313 = arith.constant 0 : i32
    %dma_wait3A_314 = tpu.memref_slice %arg8[%dma_wait3A_312, %dma_wait3A_313] : memref<8x128xi32, #tpu.memory_space<vmem>> -> memref<1x128xi32, #tpu.memory_space<vmem>>
    %dma_wait3A_315 = tpu.memref_squeeze %dma_wait3A_314 : memref<1x128xi32, #tpu.memory_space<vmem>> -> memref<128xi32, #tpu.memory_space<vmem>>
    %dma_wait3A_316 = arith.constant 0 : i32
    %dma_wait3A_317 = tpu.memref_slice %arg4[%dma_wait3A_311, %dma_wait3A_316] : memref<2560x128xi32, #tpu.memory_space<hbm>> -> memref<1x128xi32, #tpu.memory_space<hbm>>
    %dma_wait3A_318 = tpu.memref_squeeze %dma_wait3A_317 : memref<1x128xi32, #tpu.memory_space<hbm>> -> memref<128xi32, #tpu.memory_space<hbm>>
    %dma_wait3A_319 = arith.constant 0 : i32
    %dma_wait3A_320 = tpu.memref_slice %arg8[%dma_wait3A_312, %dma_wait3A_319] : memref<8x128xi32, #tpu.memory_space<vmem>> -> memref<1x128xi32, #tpu.memory_space<vmem>>
    %dma_wait3A_321 = tpu.memref_squeeze %dma_wait3A_320 : memref<1x128xi32, #tpu.memory_space<vmem>> -> memref<128xi32, #tpu.memory_space<vmem>>
    %dma_wait3A_322 = arith.constant 0 : i32
    %dma_wait3A_323 = tpu.memref_slice %arg4[%dma_wait3A_311, %dma_wait3A_322] : memref<2560x128xi32, #tpu.memory_space<hbm>> -> memref<1x128xi32, #tpu.memory_space<hbm>>
    %dma_wait3A_324 = tpu.memref_squeeze %dma_wait3A_323 : memref<1x128xi32, #tpu.memory_space<hbm>> -> memref<128xi32, #tpu.memory_space<hbm>>
    tpu.wait_dma2 semaphore(%arg23 : memref<!tpu.dma_semaphore, #tpu.memory_space<semaphore_mem>>) src(%dma_wait3A_324 : memref<128xi32, #tpu.memory_space<hbm>>) dst(%dma_wait3A_321 : memref<128xi32, #tpu.memory_space<vmem>>)
    %dma_start3A_325 = arith.constant 0 : i32
    %dma_start3A_326 = arith.constant 0 : i32
    %dma_start3A_327 = tpu.memref_slice %arg7[%dma_start3A_325, %dma_start3A_326] : memref<8x128xi32, #tpu.memory_space<vmem>> -> memref<1x128xi32, #tpu.memory_space<vmem>>
    %dma_start3A_328 = tpu.memref_squeeze %dma_start3A_327 : memref<1x128xi32, #tpu.memory_space<vmem>> -> memref<128xi32, #tpu.memory_space<vmem>>
    %dma_start3A_329 = arith.constant 0 : i32
    %dma_start3A_330 = arith.constant 0 : i32
    %dma_start3A_331 = tpu.memref_slice %arg2[%dma_start3A_329, %dma_start3A_330] : memref<10240x128xf32, #tpu.memory_space<hbm>> -> memref<10240x128xf32, #tpu.memory_space<hbm>>
    tpu.enqueue_indirect_dma source(%dma_start3A_331 : memref<10240x128xf32, #tpu.memory_space<hbm>>) target(%arg9 : memref<128x128xf32, #tpu.memory_space<vmem>>) offsets(%dma_start3A_328 : memref<128xi32, #tpu.memory_space<vmem>>) semaphore(%arg11 : memref<!tpu.dma_semaphore, #tpu.memory_space<semaphore_mem>>)
    %dma_wait3A_332 = arith.constant 0 : i32
    %dma_wait3A_333 = arith.constant 0 : i32
    %dma_wait3A_334 = arith.constant 0 : i32
    %dma_wait3A_335 = tpu.memref_slice %arg7[%dma_wait3A_333, %dma_wait3A_334] : memref<8x128xi32, #tpu.memory_space<vmem>> -> memref<1x128xi32, #tpu.memory_space<vmem>>
    %dma_wait3A_336 = tpu.memref_squeeze %dma_wait3A_335 : memref<1x128xi32, #tpu.memory_space<vmem>> -> memref<128xi32, #tpu.memory_space<vmem>>
    %dma_wait3A_337 = arith.constant 0 : i32
    %dma_wait3A_338 = tpu.memref_slice %arg3[%dma_wait3A_332, %dma_wait3A_337] : memref<2560x128xi32, #tpu.memory_space<hbm>> -> memref<1x128xi32, #tpu.memory_space<hbm>>
    %dma_wait3A_339 = tpu.memref_squeeze %dma_wait3A_338 : memref<1x128xi32, #tpu.memory_space<hbm>> -> memref<128xi32, #tpu.memory_space<hbm>>
    %dma_wait3A_340 = arith.constant 0 : i32
    %dma_wait3A_341 = tpu.memref_slice %arg7[%dma_wait3A_333, %dma_wait3A_340] : memref<8x128xi32, #tpu.memory_space<vmem>> -> memref<1x128xi32, #tpu.memory_space<vmem>>
    %dma_wait3A_342 = tpu.memref_squeeze %dma_wait3A_341 : memref<1x128xi32, #tpu.memory_space<vmem>> -> memref<128xi32, #tpu.memory_space<vmem>>
    %dma_wait3A_343 = arith.constant 0 : i32
    %dma_wait3A_344 = tpu.memref_slice %arg3[%dma_wait3A_332, %dma_wait3A_343] : memref<2560x128xi32, #tpu.memory_space<hbm>> -> memref<1x128xi32, #tpu.memory_space<hbm>>
    %dma_wait3A_345 = tpu.memref_squeeze %dma_wait3A_344 : memref<1x128xi32, #tpu.memory_space<hbm>> -> memref<128xi32, #tpu.memory_space<hbm>>
    tpu.wait_dma2 semaphore(%arg16 : memref<!tpu.dma_semaphore, #tpu.memory_space<semaphore_mem>>) src(%dma_wait3A_345 : memref<128xi32, #tpu.memory_space<hbm>>) dst(%dma_wait3A_342 : memref<128xi32, #tpu.memory_space<vmem>>)
    %dma_wait3A_346 = arith.constant 0 : i32
    %dma_wait3A_347 = arith.constant 0 : i32
    %dma_wait3A_348 = arith.constant 0 : i32
    %dma_wait3A_349 = tpu.memref_slice %arg8[%dma_wait3A_347, %dma_wait3A_348] : memref<8x128xi32, #tpu.memory_space<vmem>> -> memref<1x128xi32, #tpu.memory_space<vmem>>
    %dma_wait3A_350 = tpu.memref_squeeze %dma_wait3A_349 : memref<1x128xi32, #tpu.memory_space<vmem>> -> memref<128xi32, #tpu.memory_space<vmem>>
    %dma_wait3A_351 = arith.constant 0 : i32
    %dma_wait3A_352 = tpu.memref_slice %arg4[%dma_wait3A_346, %dma_wait3A_351] : memref<2560x128xi32, #tpu.memory_space<hbm>> -> memref<1x128xi32, #tpu.memory_space<hbm>>
    %dma_wait3A_353 = tpu.memref_squeeze %dma_wait3A_352 : memref<1x128xi32, #tpu.memory_space<hbm>> -> memref<128xi32, #tpu.memory_space<hbm>>
    %dma_wait3A_354 = arith.constant 0 : i32
    %dma_wait3A_355 = tpu.memref_slice %arg8[%dma_wait3A_347, %dma_wait3A_354] : memref<8x128xi32, #tpu.memory_space<vmem>> -> memref<1x128xi32, #tpu.memory_space<vmem>>
    %dma_wait3A_356 = tpu.memref_squeeze %dma_wait3A_355 : memref<1x128xi32, #tpu.memory_space<vmem>> -> memref<128xi32, #tpu.memory_space<vmem>>
    %dma_wait3A_357 = arith.constant 0 : i32
    %dma_wait3A_358 = tpu.memref_slice %arg4[%dma_wait3A_346, %dma_wait3A_357] : memref<2560x128xi32, #tpu.memory_space<hbm>> -> memref<1x128xi32, #tpu.memory_space<hbm>>
    %dma_wait3A_359 = tpu.memref_squeeze %dma_wait3A_358 : memref<1x128xi32, #tpu.memory_space<hbm>> -> memref<128xi32, #tpu.memory_space<hbm>>
    tpu.wait_dma2 semaphore(%arg24 : memref<!tpu.dma_semaphore, #tpu.memory_space<semaphore_mem>>) src(%dma_wait3A_359 : memref<128xi32, #tpu.memory_space<hbm>>) dst(%dma_wait3A_356 : memref<128xi32, #tpu.memory_space<vmem>>)
    %dma_start3A_360 = arith.constant 1 : i32
    %dma_start3A_361 = arith.constant 0 : i32
    %dma_start3A_362 = tpu.memref_slice %arg7[%dma_start3A_360, %dma_start3A_361] : memref<8x128xi32, #tpu.memory_space<vmem>> -> memref<1x128xi32, #tpu.memory_space<vmem>>
    %dma_start3A_363 = tpu.memref_squeeze %dma_start3A_362 : memref<1x128xi32, #tpu.memory_space<vmem>> -> memref<128xi32, #tpu.memory_space<vmem>>
    %dma_start3A_364 = arith.constant 0 : i32
    %dma_start3A_365 = arith.constant 0 : i32
    %dma_start3A_366 = tpu.memref_slice %arg2[%dma_start3A_364, %dma_start3A_365] : memref<10240x128xf32, #tpu.memory_space<hbm>> -> memref<10240x128xf32, #tpu.memory_space<hbm>>
    tpu.enqueue_indirect_dma source(%dma_start3A_366 : memref<10240x128xf32, #tpu.memory_space<hbm>>) target(%arg10 : memref<128x128xf32, #tpu.memory_space<vmem>>) offsets(%dma_start3A_363 : memref<128xi32, #tpu.memory_space<vmem>>) semaphore(%arg12 : memref<!tpu.dma_semaphore, #tpu.memory_space<semaphore_mem>>)
    %scan3A_367 = arith.constant 0 : i32
    %scan3A_368 = arith.constant 0 : i32
    %scan3A_369 = arith.constant 10 : i32
    %scan3A_370 = arith.addi %scan3A_368, %scan3A_369 : i32
    %scan3A_371 = arith.constant 1 : i32
    %scan3A_372 = scf.for %scan3A_393 = %scan3A_368 to %scan3A_370 step %scan3A_371 iter_args(%scan3A_394 = %scan3A_367) -> (i32)  : i32 {
      %mul3A_395 = arith.constant 8 : i32
      %mul3A_396 = arith.muli %scan3A_393, %mul3A_395 : i32
      %add3A_397 = arith.constant 0 : i32
      %add3A_398 = arith.addi %mul3A_396, %add3A_397 : i32
      %dma_wait3A_399 = arith.constant 0 : i32
      %dma_wait3A_400 = arith.constant 0 : i32
      %dma_wait3A_401 = tpu.memref_slice %arg7[%dma_wait3A_399, %dma_wait3A_400] : memref<8x128xi32, #tpu.memory_space<vmem>> -> memref<1x128xi32, #tpu.memory_space<vmem>>
      %dma_wait3A_402 = tpu.memref_squeeze %dma_wait3A_401 : memref<1x128xi32, #tpu.memory_space<vmem>> -> memref<128xi32, #tpu.memory_space<vmem>>
      %dma_wait3A_403 = arith.constant 0 : i32
      %dma_wait3A_404 = arith.constant 0 : i32
      %dma_wait3A_405 = tpu.memref_slice %arg2[%dma_wait3A_403, %dma_wait3A_404] : memref<10240x128xf32, #tpu.memory_space<hbm>> -> memref<10240x128xf32, #tpu.memory_space<hbm>>
      tpu.wait_indirect_dma semaphore(%arg11 : memref<!tpu.dma_semaphore, #tpu.memory_space<semaphore_mem>>) src(%dma_wait3A_405 : memref<10240x128xf32, #tpu.memory_space<hbm>>) dst(%arg9 : memref<128x128xf32, #tpu.memory_space<vmem>>)
      %dma_start3A_406 = arith.constant 0 : i32
      %dma_start3A_407 = arith.constant 0 : i32
      %dma_start3A_408 = tpu.memref_slice %arg8[%dma_start3A_406, %dma_start3A_407] : memref<8x128xi32, #tpu.memory_space<vmem>> -> memref<1x128xi32, #tpu.memory_space<vmem>>
      %dma_start3A_409 = tpu.memref_squeeze %dma_start3A_408 : memref<1x128xi32, #tpu.memory_space<vmem>> -> memref<128xi32, #tpu.memory_space<vmem>>
      %dma_start3A_410 = arith.constant 0 : i32
      %dma_start3A_411 = arith.constant 0 : i32
      %dma_start3A_412 = tpu.memref_slice %arg6[%dma_start3A_410, %dma_start3A_411] : memref<10240x128xf32, #tpu.memory_space<vmem_shared>> -> memref<10240x128xf32, #tpu.memory_space<vmem_shared>>
      tpu.enqueue_indirect_dma source(%arg9 : memref<128x128xf32, #tpu.memory_space<vmem>>) target(%dma_start3A_412 : memref<10240x128xf32, #tpu.memory_space<vmem_shared>>) offsets(%dma_start3A_409 : memref<128xi32, #tpu.memory_space<vmem>>) semaphore(%arg13 : memref<!tpu.dma_semaphore, #tpu.memory_space<semaphore_mem>>) {add = true}
      %add3A_413 = arith.constant 2 : i32
      %add3A_414 = arith.addi %add3A_398, %add3A_413 : i32
      %lt3A = arith.constant 80 : i32
      %lt3A_415 = arith.cmpi slt, %add3A_414, %lt3A : i32
      %convert_element_type3A = arith.extui %lt3A_415 : i1 to i32
      %cond3A = arith.constant 0 : i32
      %cond3A_416 = arith.cmpi ne, %convert_element_type3A, %cond3A : i32
      scf.if %cond3A_416 {
        %dma_wait3A_593 = arith.constant 0 : i32
        %dma_wait3A_594 = arith.constant 0 : i32
        %dma_wait3A_595 = tpu.memref_slice %arg8[%dma_wait3A_593, %dma_wait3A_594] : memref<8x128xi32, #tpu.memory_space<vmem>> -> memref<1x128xi32, #tpu.memory_space<vmem>>
        %dma_wait3A_596 = tpu.memref_squeeze %dma_wait3A_595 : memref<1x128xi32, #tpu.memory_space<vmem>> -> memref<128xi32, #tpu.memory_space<vmem>>
        %dma_wait3A_597 = arith.constant 0 : i32
        %dma_wait3A_598 = arith.constant 0 : i32
        %dma_wait3A_599 = tpu.memref_slice %arg6[%dma_wait3A_597, %dma_wait3A_598] : memref<10240x128xf32, #tpu.memory_space<vmem_shared>> -> memref<10240x128xf32, #tpu.memory_space<vmem_shared>>
        tpu.wait_indirect_dma semaphore(%arg13 : memref<!tpu.dma_semaphore, #tpu.memory_space<semaphore_mem>>) src(%arg9 : memref<128x128xf32, #tpu.memory_space<vmem>>) dst(%dma_wait3A_599 : memref<10240x128xf32, #tpu.memory_space<vmem_shared>>)
        %add3A_600 = arith.constant 8 : i32
        %add3A_601 = arith.addi %add3A_398, %add3A_600 : i32
        %lt3A_602 = arith.constant 80 : i32
        %lt3A_603 = arith.cmpi slt, %add3A_601, %lt3A_602 : i32
        %convert_element_type3A_604 = arith.extui %lt3A_603 : i1 to i32
        %cond3A_605 = arith.constant 0 : i32
        %cond3A_606 = arith.cmpi ne, %convert_element_type3A_604, %cond3A_605 : i32
        scf.if %cond3A_606 {
          %add3A_642 = arith.constant 8 : i32
          %add3A_643 = arith.addi %add3A_398, %add3A_642 : i32
          %mul3A_644 = arith.constant 80 : i32
          %mul3A_645 = arith.muli %add3A, %mul3A_644 : i32
          %add3A_646 = arith.addi %mul3A_645, %add3A_643 : i32
          %dma_start3A_647 = arith.constant 0 : i32
          %dma_start3A_648 = arith.constant 0 : i32
          %dma_start3A_649 = tpu.memref_slice %arg7[%dma_start3A_647, %dma_start3A_648] : memref<8x128xi32, #tpu.memory_space<vmem>> -> memref<1x128xi32, #tpu.memory_space<vmem>>
          %dma_start3A_650 = tpu.memref_squeeze %dma_start3A_649 : memref<1x128xi32, #tpu.memory_space<vmem>> -> memref<128xi32, #tpu.memory_space<vmem>>
          %dma_start3A_651 = arith.constant 0 : i32
          %dma_start3A_652 = tpu.memref_slice %arg3[%add3A_646, %dma_start3A_651] : memref<2560x128xi32, #tpu.memory_space<hbm>> -> memref<1x128xi32, #tpu.memory_space<hbm>>
          %dma_start3A_653 = tpu.memref_squeeze %dma_start3A_652 : memref<1x128xi32, #tpu.memory_space<hbm>> -> memref<128xi32, #tpu.memory_space<hbm>>
          %dma_start3A_654 = arith.constant 0 : i32
          %dma_start3A_655 = tpu.memref_slice %arg7[%dma_start3A_647, %dma_start3A_654] : memref<8x128xi32, #tpu.memory_space<vmem>> -> memref<1x128xi32, #tpu.memory_space<vmem>>
          %dma_start3A_656 = tpu.memref_squeeze %dma_start3A_655 : memref<1x128xi32, #tpu.memory_space<vmem>> -> memref<128xi32, #tpu.memory_space<vmem>>
          %dma_start3A_657 = arith.constant 0 : i32
          %dma_start3A_658 = tpu.memref_slice %arg3[%add3A_646, %dma_start3A_657] : memref<2560x128xi32, #tpu.memory_space<hbm>> -> memref<1x128xi32, #tpu.memory_space<hbm>>
          %dma_start3A_659 = tpu.memref_squeeze %dma_start3A_658 : memref<1x128xi32, #tpu.memory_space<hbm>> -> memref<128xi32, #tpu.memory_space<hbm>>
          tpu.enqueue_dma source(%dma_start3A_659 : memref<128xi32, #tpu.memory_space<hbm>>) target(%dma_start3A_656 : memref<128xi32, #tpu.memory_space<vmem>>) target_semaphore(%arg15 : memref<!tpu.dma_semaphore, #tpu.memory_space<semaphore_mem>>)
          %mul3A_660 = arith.constant 80 : i32
          %mul3A_661 = arith.muli %add3A, %mul3A_660 : i32
          %add3A_662 = arith.addi %mul3A_661, %add3A_643 : i32
          %dma_start3A_663 = arith.constant 0 : i32
          %dma_start3A_664 = arith.constant 0 : i32
          %dma_start3A_665 = tpu.memref_slice %arg8[%dma_start3A_663, %dma_start3A_664] : memref<8x128xi32, #tpu.memory_space<vmem>> -> memref<1x128xi32, #tpu.memory_space<vmem>>
          %dma_start3A_666 = tpu.memref_squeeze %dma_start3A_665 : memref<1x128xi32, #tpu.memory_space<vmem>> -> memref<128xi32, #tpu.memory_space<vmem>>
          %dma_start3A_667 = arith.constant 0 : i32
          %dma_start3A_668 = tpu.memref_slice %arg4[%add3A_662, %dma_start3A_667] : memref<2560x128xi32, #tpu.memory_space<hbm>> -> memref<1x128xi32, #tpu.memory_space<hbm>>
          %dma_start3A_669 = tpu.memref_squeeze %dma_start3A_668 : memref<1x128xi32, #tpu.memory_space<hbm>> -> memref<128xi32, #tpu.memory_space<hbm>>
          %dma_start3A_670 = arith.constant 0 : i32
          %dma_start3A_671 = tpu.memref_slice %arg8[%dma_start3A_663, %dma_start3A_670] : memref<8x128xi32, #tpu.memory_space<vmem>> -> memref<1x128xi32, #tpu.memory_space<vmem>>
          %dma_start3A_672 = tpu.memref_squeeze %dma_start3A_671 : memref<1x128xi32, #tpu.memory_space<vmem>> -> memref<128xi32, #tpu.memory_space<vmem>>
          %dma_start3A_673 = arith.constant 0 : i32
          %dma_start3A_674 = tpu.memref_slice %arg4[%add3A_662, %dma_start3A_673] : memref<2560x128xi32, #tpu.memory_space<hbm>> -> memref<1x128xi32, #tpu.memory_space<hbm>>
          %dma_start3A_675 = tpu.memref_squeeze %dma_start3A_674 : memref<1x128xi32, #tpu.memory_space<hbm>> -> memref<128xi32, #tpu.memory_space<hbm>>
          tpu.enqueue_dma source(%dma_start3A_675 : memref<128xi32, #tpu.memory_space<hbm>>) target(%dma_start3A_672 : memref<128xi32, #tpu.memory_space<vmem>>) target_semaphore(%arg23 : memref<!tpu.dma_semaphore, #tpu.memory_space<semaphore_mem>>)
        } else {
        }
        %dma_wait3A_607 = arith.constant 0 : i32
        %dma_wait3A_608 = arith.constant 0 : i32
        %dma_wait3A_609 = arith.constant 0 : i32
        %dma_wait3A_610 = tpu.memref_slice %arg7[%dma_wait3A_608, %dma_wait3A_609] : memref<8x128xi32, #tpu.memory_space<vmem>> -> memref<1x128xi32, #tpu.memory_space<vmem>>
        %dma_wait3A_611 = tpu.memref_squeeze %dma_wait3A_610 : memref<1x128xi32, #tpu.memory_space<vmem>> -> memref<128xi32, #tpu.memory_space<vmem>>
        %dma_wait3A_612 = arith.constant 0 : i32
        %dma_wait3A_613 = tpu.memref_slice %arg3[%dma_wait3A_607, %dma_wait3A_612] : memref<2560x128xi32, #tpu.memory_space<hbm>> -> memref<1x128xi32, #tpu.memory_space<hbm>>
        %dma_wait3A_614 = tpu.memref_squeeze %dma_wait3A_613 : memref<1x128xi32, #tpu.memory_space<hbm>> -> memref<128xi32, #tpu.memory_space<hbm>>
        %dma_wait3A_615 = arith.constant 0 : i32
        %dma_wait3A_616 = tpu.memref_slice %arg7[%dma_wait3A_608, %dma_wait3A_615] : memref<8x128xi32, #tpu.memory_space<vmem>> -> memref<1x128xi32, #tpu.memory_space<vmem>>
        %dma_wait3A_617 = tpu.memref_squeeze %dma_wait3A_616 : memref<1x128xi32, #tpu.memory_space<vmem>> -> memref<128xi32, #tpu.memory_space<vmem>>
        %dma_wait3A_618 = arith.constant 0 : i32
        %dma_wait3A_619 = tpu.memref_slice %arg3[%dma_wait3A_607, %dma_wait3A_618] : memref<2560x128xi32, #tpu.memory_space<hbm>> -> memref<1x128xi32, #tpu.memory_space<hbm>>
        %dma_wait3A_620 = tpu.memref_squeeze %dma_wait3A_619 : memref<1x128xi32, #tpu.memory_space<hbm>> -> memref<128xi32, #tpu.memory_space<hbm>>
        tpu.wait_dma2 semaphore(%arg17 : memref<!tpu.dma_semaphore, #tpu.memory_space<semaphore_mem>>) src(%dma_wait3A_620 : memref<128xi32, #tpu.memory_space<hbm>>) dst(%dma_wait3A_617 : memref<128xi32, #tpu.memory_space<vmem>>)
        %dma_wait3A_621 = arith.constant 0 : i32
        %dma_wait3A_622 = arith.constant 0 : i32
        %dma_wait3A_623 = arith.constant 0 : i32
        %dma_wait3A_624 = tpu.memref_slice %arg8[%dma_wait3A_622, %dma_wait3A_623] : memref<8x128xi32, #tpu.memory_space<vmem>> -> memref<1x128xi32, #tpu.memory_space<vmem>>
        %dma_wait3A_625 = tpu.memref_squeeze %dma_wait3A_624 : memref<1x128xi32, #tpu.memory_space<vmem>> -> memref<128xi32, #tpu.memory_space<vmem>>
        %dma_wait3A_626 = arith.constant 0 : i32
        %dma_wait3A_627 = tpu.memref_slice %arg4[%dma_wait3A_621, %dma_wait3A_626] : memref<2560x128xi32, #tpu.memory_space<hbm>> -> memref<1x128xi32, #tpu.memory_space<hbm>>
        %dma_wait3A_628 = tpu.memref_squeeze %dma_wait3A_627 : memref<1x128xi32, #tpu.memory_space<hbm>> -> memref<128xi32, #tpu.memory_space<hbm>>
        %dma_wait3A_629 = arith.constant 0 : i32
        %dma_wait3A_630 = tpu.memref_slice %arg8[%dma_wait3A_622, %dma_wait3A_629] : memref<8x128xi32, #tpu.memory_space<vmem>> -> memref<1x128xi32, #tpu.memory_space<vmem>>
        %dma_wait3A_631 = tpu.memref_squeeze %dma_wait3A_630 : memref<1x128xi32, #tpu.memory_space<vmem>> -> memref<128xi32, #tpu.memory_space<vmem>>
        %dma_wait3A_632 = arith.constant 0 : i32
        %dma_wait3A_633 = tpu.memref_slice %arg4[%dma_wait3A_621, %dma_wait3A_632] : memref<2560x128xi32, #tpu.memory_space<hbm>> -> memref<1x128xi32, #tpu.memory_space<hbm>>
        %dma_wait3A_634 = tpu.memref_squeeze %dma_wait3A_633 : memref<1x128xi32, #tpu.memory_space<hbm>> -> memref<128xi32, #tpu.memory_space<hbm>>
        tpu.wait_dma2 semaphore(%arg25 : memref<!tpu.dma_semaphore, #tpu.memory_space<semaphore_mem>>) src(%dma_wait3A_634 : memref<128xi32, #tpu.memory_space<hbm>>) dst(%dma_wait3A_631 : memref<128xi32, #tpu.memory_space<vmem>>)
        %dma_start3A_635 = arith.constant 2 : i32
        %dma_start3A_636 = arith.constant 0 : i32
        %dma_start3A_637 = tpu.memref_slice %arg7[%dma_start3A_635, %dma_start3A_636] : memref<8x128xi32, #tpu.memory_space<vmem>> -> memref<1x128xi32, #tpu.memory_space<vmem>>
        %dma_start3A_638 = tpu.memref_squeeze %dma_start3A_637 : memref<1x128xi32, #tpu.memory_space<vmem>> -> memref<128xi32, #tpu.memory_space<vmem>>
        %dma_start3A_639 = arith.constant 0 : i32
        %dma_start3A_640 = arith.constant 0 : i32
        %dma_start3A_641 = tpu.memref_slice %arg2[%dma_start3A_639, %dma_start3A_640] : memref<10240x128xf32, #tpu.memory_space<hbm>> -> memref<10240x128xf32, #tpu.memory_space<hbm>>
        tpu.enqueue_indirect_dma source(%dma_start3A_641 : memref<10240x128xf32, #tpu.memory_space<hbm>>) target(%arg9 : memref<128x128xf32, #tpu.memory_space<vmem>>) offsets(%dma_start3A_638 : memref<128xi32, #tpu.memory_space<vmem>>) semaphore(%arg11 : memref<!tpu.dma_semaphore, #tpu.memory_space<semaphore_mem>>)
      } else {
      }
      %mul3A_417 = arith.constant 8 : i32
      %mul3A_418 = arith.muli %scan3A_393, %mul3A_417 : i32
      %add3A_419 = arith.constant 1 : i32
      %add3A_420 = arith.addi %mul3A_418, %add3A_419 : i32
      %dma_wait3A_421 = arith.constant 0 : i32
      %dma_wait3A_422 = arith.constant 0 : i32
      %dma_wait3A_423 = tpu.memref_slice %arg7[%dma_wait3A_421, %dma_wait3A_422] : memref<8x128xi32, #tpu.memory_space<vmem>> -> memref<1x128xi32, #tpu.memory_space<vmem>>
      %dma_wait3A_424 = tpu.memref_squeeze %dma_wait3A_423 : memref<1x128xi32, #tpu.memory_space<vmem>> -> memref<128xi32, #tpu.memory_space<vmem>>
      %dma_wait3A_425 = arith.constant 0 : i32
      %dma_wait3A_426 = arith.constant 0 : i32
      %dma_wait3A_427 = tpu.memref_slice %arg2[%dma_wait3A_425, %dma_wait3A_426] : memref<10240x128xf32, #tpu.memory_space<hbm>> -> memref<10240x128xf32, #tpu.memory_space<hbm>>
      tpu.wait_indirect_dma semaphore(%arg12 : memref<!tpu.dma_semaphore, #tpu.memory_space<semaphore_mem>>) src(%dma_wait3A_427 : memref<10240x128xf32, #tpu.memory_space<hbm>>) dst(%arg10 : memref<128x128xf32, #tpu.memory_space<vmem>>)
      %dma_start3A_428 = arith.constant 1 : i32
      %dma_start3A_429 = arith.constant 0 : i32
      %dma_start3A_430 = tpu.memref_slice %arg8[%dma_start3A_428, %dma_start3A_429] : memref<8x128xi32, #tpu.memory_space<vmem>> -> memref<1x128xi32, #tpu.memory_space<vmem>>
      %dma_start3A_431 = tpu.memref_squeeze %dma_start3A_430 : memref<1x128xi32, #tpu.memory_space<vmem>> -> memref<128xi32, #tpu.memory_space<vmem>>
      %dma_start3A_432 = arith.constant 0 : i32
      %dma_start3A_433 = arith.constant 0 : i32
      %dma_start3A_434 = tpu.memref_slice %arg6[%dma_start3A_432, %dma_start3A_433] : memref<10240x128xf32, #tpu.memory_space<vmem_shared>> -> memref<10240x128xf32, #tpu.memory_space<vmem_shared>>
      tpu.enqueue_indirect_dma source(%arg10 : memref<128x128xf32, #tpu.memory_space<vmem>>) target(%dma_start3A_434 : memref<10240x128xf32, #tpu.memory_space<vmem_shared>>) offsets(%dma_start3A_431 : memref<128xi32, #tpu.memory_space<vmem>>) semaphore(%arg14 : memref<!tpu.dma_semaphore, #tpu.memory_space<semaphore_mem>>) {add = true}
      %add3A_435 = arith.constant 2 : i32
      %add3A_436 = arith.addi %add3A_420, %add3A_435 : i32
      %lt3A_437 = arith.constant 80 : i32
      %lt3A_438 = arith.cmpi slt, %add3A_436, %lt3A_437 : i32
      %convert_element_type3A_439 = arith.extui %lt3A_438 : i1 to i32
      %cond3A_440 = arith.constant 0 : i32
      %cond3A_441 = arith.cmpi ne, %convert_element_type3A_439, %cond3A_440 : i32
      scf.if %cond3A_441 {
        %dma_wait3A_593 = arith.constant 0 : i32
        %dma_wait3A_594 = arith.constant 0 : i32
        %dma_wait3A_595 = tpu.memref_slice %arg8[%dma_wait3A_593, %dma_wait3A_594] : memref<8x128xi32, #tpu.memory_space<vmem>> -> memref<1x128xi32, #tpu.memory_space<vmem>>
        %dma_wait3A_596 = tpu.memref_squeeze %dma_wait3A_595 : memref<1x128xi32, #tpu.memory_space<vmem>> -> memref<128xi32, #tpu.memory_space<vmem>>
        %dma_wait3A_597 = arith.constant 0 : i32
        %dma_wait3A_598 = arith.constant 0 : i32
        %dma_wait3A_599 = tpu.memref_slice %arg6[%dma_wait3A_597, %dma_wait3A_598] : memref<10240x128xf32, #tpu.memory_space<vmem_shared>> -> memref<10240x128xf32, #tpu.memory_space<vmem_shared>>
        tpu.wait_indirect_dma semaphore(%arg14 : memref<!tpu.dma_semaphore, #tpu.memory_space<semaphore_mem>>) src(%arg10 : memref<128x128xf32, #tpu.memory_space<vmem>>) dst(%dma_wait3A_599 : memref<10240x128xf32, #tpu.memory_space<vmem_shared>>)
        %add3A_600 = arith.constant 8 : i32
        %add3A_601 = arith.addi %add3A_420, %add3A_600 : i32
        %lt3A_602 = arith.constant 80 : i32
        %lt3A_603 = arith.cmpi slt, %add3A_601, %lt3A_602 : i32
        %convert_element_type3A_604 = arith.extui %lt3A_603 : i1 to i32
        %cond3A_605 = arith.constant 0 : i32
        %cond3A_606 = arith.cmpi ne, %convert_element_type3A_604, %cond3A_605 : i32
        scf.if %cond3A_606 {
          %add3A_642 = arith.constant 8 : i32
          %add3A_643 = arith.addi %add3A_420, %add3A_642 : i32
          %mul3A_644 = arith.constant 80 : i32
          %mul3A_645 = arith.muli %add3A, %mul3A_644 : i32
          %add3A_646 = arith.addi %mul3A_645, %add3A_643 : i32
          %dma_start3A_647 = arith.constant 1 : i32
          %dma_start3A_648 = arith.constant 0 : i32
          %dma_start3A_649 = tpu.memref_slice %arg7[%dma_start3A_647, %dma_start3A_648] : memref<8x128xi32, #tpu.memory_space<vmem>> -> memref<1x128xi32, #tpu.memory_space<vmem>>
          %dma_start3A_650 = tpu.memref_squeeze %dma_start3A_649 : memref<1x128xi32, #tpu.memory_space<vmem>> -> memref<128xi32, #tpu.memory_space<vmem>>
          %dma_start3A_651 = arith.constant 0 : i32
          %dma_start3A_652 = tpu.memref_slice %arg3[%add3A_646, %dma_start3A_651] : memref<2560x128xi32, #tpu.memory_space<hbm>> -> memref<1x128xi32, #tpu.memory_space<hbm>>
          %dma_start3A_653 = tpu.memref_squeeze %dma_start3A_652 : memref<1x128xi32, #tpu.memory_space<hbm>> -> memref<128xi32, #tpu.memory_space<hbm>>
          %dma_start3A_654 = arith.constant 0 : i32
          %dma_start3A_655 = tpu.memref_slice %arg7[%dma_start3A_647, %dma_start3A_654] : memref<8x128xi32, #tpu.memory_space<vmem>> -> memref<1x128xi32, #tpu.memory_space<vmem>>
          %dma_start3A_656 = tpu.memref_squeeze %dma_start3A_655 : memref<1x128xi32, #tpu.memory_space<vmem>> -> memref<128xi32, #tpu.memory_space<vmem>>
          %dma_start3A_657 = arith.constant 0 : i32
          %dma_start3A_658 = tpu.memref_slice %arg3[%add3A_646, %dma_start3A_657] : memref<2560x128xi32, #tpu.memory_space<hbm>> -> memref<1x128xi32, #tpu.memory_space<hbm>>
          %dma_start3A_659 = tpu.memref_squeeze %dma_start3A_658 : memref<1x128xi32, #tpu.memory_space<hbm>> -> memref<128xi32, #tpu.memory_space<hbm>>
          tpu.enqueue_dma source(%dma_start3A_659 : memref<128xi32, #tpu.memory_space<hbm>>) target(%dma_start3A_656 : memref<128xi32, #tpu.memory_space<vmem>>) target_semaphore(%arg16 : memref<!tpu.dma_semaphore, #tpu.memory_space<semaphore_mem>>)
          %mul3A_660 = arith.constant 80 : i32
          %mul3A_661 = arith.muli %add3A, %mul3A_660 : i32
          %add3A_662 = arith.addi %mul3A_661, %add3A_643 : i32
          %dma_start3A_663 = arith.constant 1 : i32
          %dma_start3A_664 = arith.constant 0 : i32
          %dma_start3A_665 = tpu.memref_slice %arg8[%dma_start3A_663, %dma_start3A_664] : memref<8x128xi32, #tpu.memory_space<vmem>> -> memref<1x128xi32, #tpu.memory_space<vmem>>
          %dma_start3A_666 = tpu.memref_squeeze %dma_start3A_665 : memref<1x128xi32, #tpu.memory_space<vmem>> -> memref<128xi32, #tpu.memory_space<vmem>>
          %dma_start3A_667 = arith.constant 0 : i32
          %dma_start3A_668 = tpu.memref_slice %arg4[%add3A_662, %dma_start3A_667] : memref<2560x128xi32, #tpu.memory_space<hbm>> -> memref<1x128xi32, #tpu.memory_space<hbm>>
          %dma_start3A_669 = tpu.memref_squeeze %dma_start3A_668 : memref<1x128xi32, #tpu.memory_space<hbm>> -> memref<128xi32, #tpu.memory_space<hbm>>
          %dma_start3A_670 = arith.constant 0 : i32
          %dma_start3A_671 = tpu.memref_slice %arg8[%dma_start3A_663, %dma_start3A_670] : memref<8x128xi32, #tpu.memory_space<vmem>> -> memref<1x128xi32, #tpu.memory_space<vmem>>
          %dma_start3A_672 = tpu.memref_squeeze %dma_start3A_671 : memref<1x128xi32, #tpu.memory_space<vmem>> -> memref<128xi32, #tpu.memory_space<vmem>>
          %dma_start3A_673 = arith.constant 0 : i32
          %dma_start3A_674 = tpu.memref_slice %arg4[%add3A_662, %dma_start3A_673] : memref<2560x128xi32, #tpu.memory_space<hbm>> -> memref<1x128xi32, #tpu.memory_space<hbm>>
          %dma_start3A_675 = tpu.memref_squeeze %dma_start3A_674 : memref<1x128xi32, #tpu.memory_space<hbm>> -> memref<128xi32, #tpu.memory_space<hbm>>
          tpu.enqueue_dma source(%dma_start3A_675 : memref<128xi32, #tpu.memory_space<hbm>>) target(%dma_start3A_672 : memref<128xi32, #tpu.memory_space<vmem>>) target_semaphore(%arg24 : memref<!tpu.dma_semaphore, #tpu.memory_space<semaphore_mem>>)
        } else {
        }
        %dma_wait3A_607 = arith.constant 0 : i32
        %dma_wait3A_608 = arith.constant 0 : i32
        %dma_wait3A_609 = arith.constant 0 : i32
        %dma_wait3A_610 = tpu.memref_slice %arg7[%dma_wait3A_608, %dma_wait3A_609] : memref<8x128xi32, #tpu.memory_space<vmem>> -> memref<1x128xi32, #tpu.memory_space<vmem>>
        %dma_wait3A_611 = tpu.memref_squeeze %dma_wait3A_610 : memref<1x128xi32, #tpu.memory_space<vmem>> -> memref<128xi32, #tpu.memory_space<vmem>>
        %dma_wait3A_612 = arith.constant 0 : i32
        %dma_wait3A_613 = tpu.memref_slice %arg3[%dma_wait3A_607, %dma_wait3A_612] : memref<2560x128xi32, #tpu.memory_space<hbm>> -> memref<1x128xi32, #tpu.memory_space<hbm>>
        %dma_wait3A_614 = tpu.memref_squeeze %dma_wait3A_613 : memref<1x128xi32, #tpu.memory_space<hbm>> -> memref<128xi32, #tpu.memory_space<hbm>>
        %dma_wait3A_615 = arith.constant 0 : i32
        %dma_wait3A_616 = tpu.memref_slice %arg7[%dma_wait3A_608, %dma_wait3A_615] : memref<8x128xi32, #tpu.memory_space<vmem>> -> memref<1x128xi32, #tpu.memory_space<vmem>>
        %dma_wait3A_617 = tpu.memref_squeeze %dma_wait3A_616 : memref<1x128xi32, #tpu.memory_space<vmem>> -> memref<128xi32, #tpu.memory_space<vmem>>
        %dma_wait3A_618 = arith.constant 0 : i32
        %dma_wait3A_619 = tpu.memref_slice %arg3[%dma_wait3A_607, %dma_wait3A_618] : memref<2560x128xi32, #tpu.memory_space<hbm>> -> memref<1x128xi32, #tpu.memory_space<hbm>>
        %dma_wait3A_620 = tpu.memref_squeeze %dma_wait3A_619 : memref<1x128xi32, #tpu.memory_space<hbm>> -> memref<128xi32, #tpu.memory_space<hbm>>
        tpu.wait_dma2 semaphore(%arg18 : memref<!tpu.dma_semaphore, #tpu.memory_space<semaphore_mem>>) src(%dma_wait3A_620 : memref<128xi32, #tpu.memory_space<hbm>>) dst(%dma_wait3A_617 : memref<128xi32, #tpu.memory_space<vmem>>)
        %dma_wait3A_621 = arith.constant 0 : i32
        %dma_wait3A_622 = arith.constant 0 : i32
        %dma_wait3A_623 = arith.constant 0 : i32
        %dma_wait3A_624 = tpu.memref_slice %arg8[%dma_wait3A_622, %dma_wait3A_623] : memref<8x128xi32, #tpu.memory_space<vmem>> -> memref<1x128xi32, #tpu.memory_space<vmem>>
        %dma_wait3A_625 = tpu.memref_squeeze %dma_wait3A_624 : memref<1x128xi32, #tpu.memory_space<vmem>> -> memref<128xi32, #tpu.memory_space<vmem>>
        %dma_wait3A_626 = arith.constant 0 : i32
        %dma_wait3A_627 = tpu.memref_slice %arg4[%dma_wait3A_621, %dma_wait3A_626] : memref<2560x128xi32, #tpu.memory_space<hbm>> -> memref<1x128xi32, #tpu.memory_space<hbm>>
        %dma_wait3A_628 = tpu.memref_squeeze %dma_wait3A_627 : memref<1x128xi32, #tpu.memory_space<hbm>> -> memref<128xi32, #tpu.memory_space<hbm>>
        %dma_wait3A_629 = arith.constant 0 : i32
        %dma_wait3A_630 = tpu.memref_slice %arg8[%dma_wait3A_622, %dma_wait3A_629] : memref<8x128xi32, #tpu.memory_space<vmem>> -> memref<1x128xi32, #tpu.memory_space<vmem>>
        %dma_wait3A_631 = tpu.memref_squeeze %dma_wait3A_630 : memref<1x128xi32, #tpu.memory_space<vmem>> -> memref<128xi32, #tpu.memory_space<vmem>>
        %dma_wait3A_632 = arith.constant 0 : i32
        %dma_wait3A_633 = tpu.memref_slice %arg4[%dma_wait3A_621, %dma_wait3A_632] : memref<2560x128xi32, #tpu.memory_space<hbm>> -> memref<1x128xi32, #tpu.memory_space<hbm>>
        %dma_wait3A_634 = tpu.memref_squeeze %dma_wait3A_633 : memref<1x128xi32, #tpu.memory_space<hbm>> -> memref<128xi32, #tpu.memory_space<hbm>>
        tpu.wait_dma2 semaphore(%arg26 : memref<!tpu.dma_semaphore, #tpu.memory_space<semaphore_mem>>) src(%dma_wait3A_634 : memref<128xi32, #tpu.memory_space<hbm>>) dst(%dma_wait3A_631 : memref<128xi32, #tpu.memory_space<vmem>>)
        %dma_start3A_635 = arith.constant 3 : i32
        %dma_start3A_636 = arith.constant 0 : i32
        %dma_start3A_637 = tpu.memref_slice %arg7[%dma_start3A_635, %dma_start3A_636] : memref<8x128xi32, #tpu.memory_space<vmem>> -> memref<1x128xi32, #tpu.memory_space<vmem>>
        %dma_start3A_638 = tpu.memref_squeeze %dma_start3A_637 : memref<1x128xi32, #tpu.memory_space<vmem>> -> memref<128xi32, #tpu.memory_space<vmem>>
        %dma_start3A_639 = arith.constant 0 : i32
        %dma_start3A_640 = arith.constant 0 : i32
        %dma_start3A_641 = tpu.memref_slice %arg2[%dma_start3A_639, %dma_start3A_640] : memref<10240x128xf32, #tpu.memory_space<hbm>> -> memref<10240x128xf32, #tpu.memory_space<hbm>>
        tpu.enqueue_indirect_dma source(%dma_start3A_641 : memref<10240x128xf32, #tpu.memory_space<hbm>>) target(%arg10 : memref<128x128xf32, #tpu.memory_space<vmem>>) offsets(%dma_start3A_638 : memref<128xi32, #tpu.memory_space<vmem>>) semaphore(%arg12 : memref<!tpu.dma_semaphore, #tpu.memory_space<semaphore_mem>>)
      } else {
      }
      %mul3A_442 = arith.constant 8 : i32
      %mul3A_443 = arith.muli %scan3A_393, %mul3A_442 : i32
      %add3A_444 = arith.constant 2 : i32
      %add3A_445 = arith.addi %mul3A_443, %add3A_444 : i32
      %dma_wait3A_446 = arith.constant 0 : i32
      %dma_wait3A_447 = arith.constant 0 : i32
      %dma_wait3A_448 = tpu.memref_slice %arg7[%dma_wait3A_446, %dma_wait3A_447] : memref<8x128xi32, #tpu.memory_space<vmem>> -> memref<1x128xi32, #tpu.memory_space<vmem>>
      %dma_wait3A_449 = tpu.memref_squeeze %dma_wait3A_448 : memref<1x128xi32, #tpu.memory_space<vmem>> -> memref<128xi32, #tpu.memory_space<vmem>>
      %dma_wait3A_450 = arith.constant 0 : i32
      %dma_wait3A_451 = arith.constant 0 : i32
      %dma_wait3A_452 = tpu.memref_slice %arg2[%dma_wait3A_450, %dma_wait3A_451] : memref<10240x128xf32, #tpu.memory_space<hbm>> -> memref<10240x128xf32, #tpu.memory_space<hbm>>
      tpu.wait_indirect_dma semaphore(%arg11 : memref<!tpu.dma_semaphore, #tpu.memory_space<semaphore_mem>>) src(%dma_wait3A_452 : memref<10240x128xf32, #tpu.memory_space<hbm>>) dst(%arg9 : memref<128x128xf32, #tpu.memory_space<vmem>>)
      %dma_start3A_453 = arith.constant 2 : i32
      %dma_start3A_454 = arith.constant 0 : i32
      %dma_start3A_455 = tpu.memref_slice %arg8[%dma_start3A_453, %dma_start3A_454] : memref<8x128xi32, #tpu.memory_space<vmem>> -> memref<1x128xi32, #tpu.memory_space<vmem>>
      %dma_start3A_456 = tpu.memref_squeeze %dma_start3A_455 : memref<1x128xi32, #tpu.memory_space<vmem>> -> memref<128xi32, #tpu.memory_space<vmem>>
      %dma_start3A_457 = arith.constant 0 : i32
      %dma_start3A_458 = arith.constant 0 : i32
      %dma_start3A_459 = tpu.memref_slice %arg6[%dma_start3A_457, %dma_start3A_458] : memref<10240x128xf32, #tpu.memory_space<vmem_shared>> -> memref<10240x128xf32, #tpu.memory_space<vmem_shared>>
      tpu.enqueue_indirect_dma source(%arg9 : memref<128x128xf32, #tpu.memory_space<vmem>>) target(%dma_start3A_459 : memref<10240x128xf32, #tpu.memory_space<vmem_shared>>) offsets(%dma_start3A_456 : memref<128xi32, #tpu.memory_space<vmem>>) semaphore(%arg13 : memref<!tpu.dma_semaphore, #tpu.memory_space<semaphore_mem>>) {add = true}
      %add3A_460 = arith.constant 2 : i32
      %add3A_461 = arith.addi %add3A_445, %add3A_460 : i32
      %lt3A_462 = arith.constant 80 : i32
      %lt3A_463 = arith.cmpi slt, %add3A_461, %lt3A_462 : i32
      %convert_element_type3A_464 = arith.extui %lt3A_463 : i1 to i32
      %cond3A_465 = arith.constant 0 : i32
      %cond3A_466 = arith.cmpi ne, %convert_element_type3A_464, %cond3A_465 : i32
      scf.if %cond3A_466 {
        %dma_wait3A_593 = arith.constant 0 : i32
        %dma_wait3A_594 = arith.constant 0 : i32
        %dma_wait3A_595 = tpu.memref_slice %arg8[%dma_wait3A_593, %dma_wait3A_594] : memref<8x128xi32, #tpu.memory_space<vmem>> -> memref<1x128xi32, #tpu.memory_space<vmem>>
        %dma_wait3A_596 = tpu.memref_squeeze %dma_wait3A_595 : memref<1x128xi32, #tpu.memory_space<vmem>> -> memref<128xi32, #tpu.memory_space<vmem>>
        %dma_wait3A_597 = arith.constant 0 : i32
        %dma_wait3A_598 = arith.constant 0 : i32
        %dma_wait3A_599 = tpu.memref_slice %arg6[%dma_wait3A_597, %dma_wait3A_598] : memref<10240x128xf32, #tpu.memory_space<vmem_shared>> -> memref<10240x128xf32, #tpu.memory_space<vmem_shared>>
        tpu.wait_indirect_dma semaphore(%arg13 : memref<!tpu.dma_semaphore, #tpu.memory_space<semaphore_mem>>) src(%arg9 : memref<128x128xf32, #tpu.memory_space<vmem>>) dst(%dma_wait3A_599 : memref<10240x128xf32, #tpu.memory_space<vmem_shared>>)
        %add3A_600 = arith.constant 8 : i32
        %add3A_601 = arith.addi %add3A_445, %add3A_600 : i32
        %lt3A_602 = arith.constant 80 : i32
        %lt3A_603 = arith.cmpi slt, %add3A_601, %lt3A_602 : i32
        %convert_element_type3A_604 = arith.extui %lt3A_603 : i1 to i32
        %cond3A_605 = arith.constant 0 : i32
        %cond3A_606 = arith.cmpi ne, %convert_element_type3A_604, %cond3A_605 : i32
        scf.if %cond3A_606 {
          %add3A_642 = arith.constant 8 : i32
          %add3A_643 = arith.addi %add3A_445, %add3A_642 : i32
          %mul3A_644 = arith.constant 80 : i32
          %mul3A_645 = arith.muli %add3A, %mul3A_644 : i32
          %add3A_646 = arith.addi %mul3A_645, %add3A_643 : i32
          %dma_start3A_647 = arith.constant 2 : i32
          %dma_start3A_648 = arith.constant 0 : i32
          %dma_start3A_649 = tpu.memref_slice %arg7[%dma_start3A_647, %dma_start3A_648] : memref<8x128xi32, #tpu.memory_space<vmem>> -> memref<1x128xi32, #tpu.memory_space<vmem>>
          %dma_start3A_650 = tpu.memref_squeeze %dma_start3A_649 : memref<1x128xi32, #tpu.memory_space<vmem>> -> memref<128xi32, #tpu.memory_space<vmem>>
          %dma_start3A_651 = arith.constant 0 : i32
          %dma_start3A_652 = tpu.memref_slice %arg3[%add3A_646, %dma_start3A_651] : memref<2560x128xi32, #tpu.memory_space<hbm>> -> memref<1x128xi32, #tpu.memory_space<hbm>>
          %dma_start3A_653 = tpu.memref_squeeze %dma_start3A_652 : memref<1x128xi32, #tpu.memory_space<hbm>> -> memref<128xi32, #tpu.memory_space<hbm>>
          %dma_start3A_654 = arith.constant 0 : i32
          %dma_start3A_655 = tpu.memref_slice %arg7[%dma_start3A_647, %dma_start3A_654] : memref<8x128xi32, #tpu.memory_space<vmem>> -> memref<1x128xi32, #tpu.memory_space<vmem>>
          %dma_start3A_656 = tpu.memref_squeeze %dma_start3A_655 : memref<1x128xi32, #tpu.memory_space<vmem>> -> memref<128xi32, #tpu.memory_space<vmem>>
          %dma_start3A_657 = arith.constant 0 : i32
          %dma_start3A_658 = tpu.memref_slice %arg3[%add3A_646, %dma_start3A_657] : memref<2560x128xi32, #tpu.memory_space<hbm>> -> memref<1x128xi32, #tpu.memory_space<hbm>>
          %dma_start3A_659 = tpu.memref_squeeze %dma_start3A_658 : memref<1x128xi32, #tpu.memory_space<hbm>> -> memref<128xi32, #tpu.memory_space<hbm>>
          tpu.enqueue_dma source(%dma_start3A_659 : memref<128xi32, #tpu.memory_space<hbm>>) target(%dma_start3A_656 : memref<128xi32, #tpu.memory_space<vmem>>) target_semaphore(%arg17 : memref<!tpu.dma_semaphore, #tpu.memory_space<semaphore_mem>>)
          %mul3A_660 = arith.constant 80 : i32
          %mul3A_661 = arith.muli %add3A, %mul3A_660 : i32
          %add3A_662 = arith.addi %mul3A_661, %add3A_643 : i32
          %dma_start3A_663 = arith.constant 2 : i32
          %dma_start3A_664 = arith.constant 0 : i32
          %dma_start3A_665 = tpu.memref_slice %arg8[%dma_start3A_663, %dma_start3A_664] : memref<8x128xi32, #tpu.memory_space<vmem>> -> memref<1x128xi32, #tpu.memory_space<vmem>>
          %dma_start3A_666 = tpu.memref_squeeze %dma_start3A_665 : memref<1x128xi32, #tpu.memory_space<vmem>> -> memref<128xi32, #tpu.memory_space<vmem>>
          %dma_start3A_667 = arith.constant 0 : i32
          %dma_start3A_668 = tpu.memref_slice %arg4[%add3A_662, %dma_start3A_667] : memref<2560x128xi32, #tpu.memory_space<hbm>> -> memref<1x128xi32, #tpu.memory_space<hbm>>
          %dma_start3A_669 = tpu.memref_squeeze %dma_start3A_668 : memref<1x128xi32, #tpu.memory_space<hbm>> -> memref<128xi32, #tpu.memory_space<hbm>>
          %dma_start3A_670 = arith.constant 0 : i32
          %dma_start3A_671 = tpu.memref_slice %arg8[%dma_start3A_663, %dma_start3A_670] : memref<8x128xi32, #tpu.memory_space<vmem>> -> memref<1x128xi32, #tpu.memory_space<vmem>>
          %dma_start3A_672 = tpu.memref_squeeze %dma_start3A_671 : memref<1x128xi32, #tpu.memory_space<vmem>> -> memref<128xi32, #tpu.memory_space<vmem>>
          %dma_start3A_673 = arith.constant 0 : i32
          %dma_start3A_674 = tpu.memref_slice %arg4[%add3A_662, %dma_start3A_673] : memref<2560x128xi32, #tpu.memory_space<hbm>> -> memref<1x128xi32, #tpu.memory_space<hbm>>
          %dma_start3A_675 = tpu.memref_squeeze %dma_start3A_674 : memref<1x128xi32, #tpu.memory_space<hbm>> -> memref<128xi32, #tpu.memory_space<hbm>>
          tpu.enqueue_dma source(%dma_start3A_675 : memref<128xi32, #tpu.memory_space<hbm>>) target(%dma_start3A_672 : memref<128xi32, #tpu.memory_space<vmem>>) target_semaphore(%arg25 : memref<!tpu.dma_semaphore, #tpu.memory_space<semaphore_mem>>)
        } else {
        }
        %dma_wait3A_607 = arith.constant 0 : i32
        %dma_wait3A_608 = arith.constant 0 : i32
        %dma_wait3A_609 = arith.constant 0 : i32
        %dma_wait3A_610 = tpu.memref_slice %arg7[%dma_wait3A_608, %dma_wait3A_609] : memref<8x128xi32, #tpu.memory_space<vmem>> -> memref<1x128xi32, #tpu.memory_space<vmem>>
        %dma_wait3A_611 = tpu.memref_squeeze %dma_wait3A_610 : memref<1x128xi32, #tpu.memory_space<vmem>> -> memref<128xi32, #tpu.memory_space<vmem>>
        %dma_wait3A_612 = arith.constant 0 : i32
        %dma_wait3A_613 = tpu.memref_slice %arg3[%dma_wait3A_607, %dma_wait3A_612] : memref<2560x128xi32, #tpu.memory_space<hbm>> -> memref<1x128xi32, #tpu.memory_space<hbm>>
        %dma_wait3A_614 = tpu.memref_squeeze %dma_wait3A_613 : memref<1x128xi32, #tpu.memory_space<hbm>> -> memref<128xi32, #tpu.memory_space<hbm>>
        %dma_wait3A_615 = arith.constant 0 : i32
        %dma_wait3A_616 = tpu.memref_slice %arg7[%dma_wait3A_608, %dma_wait3A_615] : memref<8x128xi32, #tpu.memory_space<vmem>> -> memref<1x128xi32, #tpu.memory_space<vmem>>
        %dma_wait3A_617 = tpu.memref_squeeze %dma_wait3A_616 : memref<1x128xi32, #tpu.memory_space<vmem>> -> memref<128xi32, #tpu.memory_space<vmem>>
        %dma_wait3A_618 = arith.constant 0 : i32
        %dma_wait3A_619 = tpu.memref_slice %arg3[%dma_wait3A_607, %dma_wait3A_618] : memref<2560x128xi32, #tpu.memory_space<hbm>> -> memref<1x128xi32, #tpu.memory_space<hbm>>
        %dma_wait3A_620 = tpu.memref_squeeze %dma_wait3A_619 : memref<1x128xi32, #tpu.memory_space<hbm>> -> memref<128xi32, #tpu.memory_space<hbm>>
        tpu.wait_dma2 semaphore(%arg19 : memref<!tpu.dma_semaphore, #tpu.memory_space<semaphore_mem>>) src(%dma_wait3A_620 : memref<128xi32, #tpu.memory_space<hbm>>) dst(%dma_wait3A_617 : memref<128xi32, #tpu.memory_space<vmem>>)
        %dma_wait3A_621 = arith.constant 0 : i32
        %dma_wait3A_622 = arith.constant 0 : i32
        %dma_wait3A_623 = arith.constant 0 : i32
        %dma_wait3A_624 = tpu.memref_slice %arg8[%dma_wait3A_622, %dma_wait3A_623] : memref<8x128xi32, #tpu.memory_space<vmem>> -> memref<1x128xi32, #tpu.memory_space<vmem>>
        %dma_wait3A_625 = tpu.memref_squeeze %dma_wait3A_624 : memref<1x128xi32, #tpu.memory_space<vmem>> -> memref<128xi32, #tpu.memory_space<vmem>>
        %dma_wait3A_626 = arith.constant 0 : i32
        %dma_wait3A_627 = tpu.memref_slice %arg4[%dma_wait3A_621, %dma_wait3A_626] : memref<2560x128xi32, #tpu.memory_space<hbm>> -> memref<1x128xi32, #tpu.memory_space<hbm>>
        %dma_wait3A_628 = tpu.memref_squeeze %dma_wait3A_627 : memref<1x128xi32, #tpu.memory_space<hbm>> -> memref<128xi32, #tpu.memory_space<hbm>>
        %dma_wait3A_629 = arith.constant 0 : i32
        %dma_wait3A_630 = tpu.memref_slice %arg8[%dma_wait3A_622, %dma_wait3A_629] : memref<8x128xi32, #tpu.memory_space<vmem>> -> memref<1x128xi32, #tpu.memory_space<vmem>>
        %dma_wait3A_631 = tpu.memref_squeeze %dma_wait3A_630 : memref<1x128xi32, #tpu.memory_space<vmem>> -> memref<128xi32, #tpu.memory_space<vmem>>
        %dma_wait3A_632 = arith.constant 0 : i32
        %dma_wait3A_633 = tpu.memref_slice %arg4[%dma_wait3A_621, %dma_wait3A_632] : memref<2560x128xi32, #tpu.memory_space<hbm>> -> memref<1x128xi32, #tpu.memory_space<hbm>>
        %dma_wait3A_634 = tpu.memref_squeeze %dma_wait3A_633 : memref<1x128xi32, #tpu.memory_space<hbm>> -> memref<128xi32, #tpu.memory_space<hbm>>
        tpu.wait_dma2 semaphore(%arg27 : memref<!tpu.dma_semaphore, #tpu.memory_space<semaphore_mem>>) src(%dma_wait3A_634 : memref<128xi32, #tpu.memory_space<hbm>>) dst(%dma_wait3A_631 : memref<128xi32, #tpu.memory_space<vmem>>)
        %dma_start3A_635 = arith.constant 4 : i32
        %dma_start3A_636 = arith.constant 0 : i32
        %dma_start3A_637 = tpu.memref_slice %arg7[%dma_start3A_635, %dma_start3A_636] : memref<8x128xi32, #tpu.memory_space<vmem>> -> memref<1x128xi32, #tpu.memory_space<vmem>>
        %dma_start3A_638 = tpu.memref_squeeze %dma_start3A_637 : memref<1x128xi32, #tpu.memory_space<vmem>> -> memref<128xi32, #tpu.memory_space<vmem>>
        %dma_start3A_639 = arith.constant 0 : i32
        %dma_start3A_640 = arith.constant 0 : i32
        %dma_start3A_641 = tpu.memref_slice %arg2[%dma_start3A_639, %dma_start3A_640] : memref<10240x128xf32, #tpu.memory_space<hbm>> -> memref<10240x128xf32, #tpu.memory_space<hbm>>
        tpu.enqueue_indirect_dma source(%dma_start3A_641 : memref<10240x128xf32, #tpu.memory_space<hbm>>) target(%arg9 : memref<128x128xf32, #tpu.memory_space<vmem>>) offsets(%dma_start3A_638 : memref<128xi32, #tpu.memory_space<vmem>>) semaphore(%arg11 : memref<!tpu.dma_semaphore, #tpu.memory_space<semaphore_mem>>)
      } else {
      }
      %mul3A_467 = arith.constant 8 : i32
      %mul3A_468 = arith.muli %scan3A_393, %mul3A_467 : i32
      %add3A_469 = arith.constant 3 : i32
      %add3A_470 = arith.addi %mul3A_468, %add3A_469 : i32
      %dma_wait3A_471 = arith.constant 0 : i32
      %dma_wait3A_472 = arith.constant 0 : i32
      %dma_wait3A_473 = tpu.memref_slice %arg7[%dma_wait3A_471, %dma_wait3A_472] : memref<8x128xi32, #tpu.memory_space<vmem>> -> memref<1x128xi32, #tpu.memory_space<vmem>>
      %dma_wait3A_474 = tpu.memref_squeeze %dma_wait3A_473 : memref<1x128xi32, #tpu.memory_space<vmem>> -> memref<128xi32, #tpu.memory_space<vmem>>
      %dma_wait3A_475 = arith.constant 0 : i32
      %dma_wait3A_476 = arith.constant 0 : i32
      %dma_wait3A_477 = tpu.memref_slice %arg2[%dma_wait3A_475, %dma_wait3A_476] : memref<10240x128xf32, #tpu.memory_space<hbm>> -> memref<10240x128xf32, #tpu.memory_space<hbm>>
      tpu.wait_indirect_dma semaphore(%arg12 : memref<!tpu.dma_semaphore, #tpu.memory_space<semaphore_mem>>) src(%dma_wait3A_477 : memref<10240x128xf32, #tpu.memory_space<hbm>>) dst(%arg10 : memref<128x128xf32, #tpu.memory_space<vmem>>)
      %dma_start3A_478 = arith.constant 3 : i32
      %dma_start3A_479 = arith.constant 0 : i32
      %dma_start3A_480 = tpu.memref_slice %arg8[%dma_start3A_478, %dma_start3A_479] : memref<8x128xi32, #tpu.memory_space<vmem>> -> memref<1x128xi32, #tpu.memory_space<vmem>>
      %dma_start3A_481 = tpu.memref_squeeze %dma_start3A_480 : memref<1x128xi32, #tpu.memory_space<vmem>> -> memref<128xi32, #tpu.memory_space<vmem>>
      %dma_start3A_482 = arith.constant 0 : i32
      %dma_start3A_483 = arith.constant 0 : i32
      %dma_start3A_484 = tpu.memref_slice %arg6[%dma_start3A_482, %dma_start3A_483] : memref<10240x128xf32, #tpu.memory_space<vmem_shared>> -> memref<10240x128xf32, #tpu.memory_space<vmem_shared>>
      tpu.enqueue_indirect_dma source(%arg10 : memref<128x128xf32, #tpu.memory_space<vmem>>) target(%dma_start3A_484 : memref<10240x128xf32, #tpu.memory_space<vmem_shared>>) offsets(%dma_start3A_481 : memref<128xi32, #tpu.memory_space<vmem>>) semaphore(%arg14 : memref<!tpu.dma_semaphore, #tpu.memory_space<semaphore_mem>>) {add = true}
      %add3A_485 = arith.constant 2 : i32
      %add3A_486 = arith.addi %add3A_470, %add3A_485 : i32
      %lt3A_487 = arith.constant 80 : i32
      %lt3A_488 = arith.cmpi slt, %add3A_486, %lt3A_487 : i32
      %convert_element_type3A_489 = arith.extui %lt3A_488 : i1 to i32
      %cond3A_490 = arith.constant 0 : i32
      %cond3A_491 = arith.cmpi ne, %convert_element_type3A_489, %cond3A_490 : i32
      scf.if %cond3A_491 {
        %dma_wait3A_593 = arith.constant 0 : i32
        %dma_wait3A_594 = arith.constant 0 : i32
        %dma_wait3A_595 = tpu.memref_slice %arg8[%dma_wait3A_593, %dma_wait3A_594] : memref<8x128xi32, #tpu.memory_space<vmem>> -> memref<1x128xi32, #tpu.memory_space<vmem>>
        %dma_wait3A_596 = tpu.memref_squeeze %dma_wait3A_595 : memref<1x128xi32, #tpu.memory_space<vmem>> -> memref<128xi32, #tpu.memory_space<vmem>>
        %dma_wait3A_597 = arith.constant 0 : i32
        %dma_wait3A_598 = arith.constant 0 : i32
        %dma_wait3A_599 = tpu.memref_slice %arg6[%dma_wait3A_597, %dma_wait3A_598] : memref<10240x128xf32, #tpu.memory_space<vmem_shared>> -> memref<10240x128xf32, #tpu.memory_space<vmem_shared>>
        tpu.wait_indirect_dma semaphore(%arg14 : memref<!tpu.dma_semaphore, #tpu.memory_space<semaphore_mem>>) src(%arg10 : memref<128x128xf32, #tpu.memory_space<vmem>>) dst(%dma_wait3A_599 : memref<10240x128xf32, #tpu.memory_space<vmem_shared>>)
        %add3A_600 = arith.constant 8 : i32
        %add3A_601 = arith.addi %add3A_470, %add3A_600 : i32
        %lt3A_602 = arith.constant 80 : i32
        %lt3A_603 = arith.cmpi slt, %add3A_601, %lt3A_602 : i32
        %convert_element_type3A_604 = arith.extui %lt3A_603 : i1 to i32
        %cond3A_605 = arith.constant 0 : i32
        %cond3A_606 = arith.cmpi ne, %convert_element_type3A_604, %cond3A_605 : i32
        scf.if %cond3A_606 {
          %add3A_642 = arith.constant 8 : i32
          %add3A_643 = arith.addi %add3A_470, %add3A_642 : i32
          %mul3A_644 = arith.constant 80 : i32
          %mul3A_645 = arith.muli %add3A, %mul3A_644 : i32
          %add3A_646 = arith.addi %mul3A_645, %add3A_643 : i32
          %dma_start3A_647 = arith.constant 3 : i32
          %dma_start3A_648 = arith.constant 0 : i32
          %dma_start3A_649 = tpu.memref_slice %arg7[%dma_start3A_647, %dma_start3A_648] : memref<8x128xi32, #tpu.memory_space<vmem>> -> memref<1x128xi32, #tpu.memory_space<vmem>>
          %dma_start3A_650 = tpu.memref_squeeze %dma_start3A_649 : memref<1x128xi32, #tpu.memory_space<vmem>> -> memref<128xi32, #tpu.memory_space<vmem>>
          %dma_start3A_651 = arith.constant 0 : i32
          %dma_start3A_652 = tpu.memref_slice %arg3[%add3A_646, %dma_start3A_651] : memref<2560x128xi32, #tpu.memory_space<hbm>> -> memref<1x128xi32, #tpu.memory_space<hbm>>
          %dma_start3A_653 = tpu.memref_squeeze %dma_start3A_652 : memref<1x128xi32, #tpu.memory_space<hbm>> -> memref<128xi32, #tpu.memory_space<hbm>>
          %dma_start3A_654 = arith.constant 0 : i32
          %dma_start3A_655 = tpu.memref_slice %arg7[%dma_start3A_647, %dma_start3A_654] : memref<8x128xi32, #tpu.memory_space<vmem>> -> memref<1x128xi32, #tpu.memory_space<vmem>>
          %dma_start3A_656 = tpu.memref_squeeze %dma_start3A_655 : memref<1x128xi32, #tpu.memory_space<vmem>> -> memref<128xi32, #tpu.memory_space<vmem>>
          %dma_start3A_657 = arith.constant 0 : i32
          %dma_start3A_658 = tpu.memref_slice %arg3[%add3A_646, %dma_start3A_657] : memref<2560x128xi32, #tpu.memory_space<hbm>> -> memref<1x128xi32, #tpu.memory_space<hbm>>
          %dma_start3A_659 = tpu.memref_squeeze %dma_start3A_658 : memref<1x128xi32, #tpu.memory_space<hbm>> -> memref<128xi32, #tpu.memory_space<hbm>>
          tpu.enqueue_dma source(%dma_start3A_659 : memref<128xi32, #tpu.memory_space<hbm>>) target(%dma_start3A_656 : memref<128xi32, #tpu.memory_space<vmem>>) target_semaphore(%arg18 : memref<!tpu.dma_semaphore, #tpu.memory_space<semaphore_mem>>)
          %mul3A_660 = arith.constant 80 : i32
          %mul3A_661 = arith.muli %add3A, %mul3A_660 : i32
          %add3A_662 = arith.addi %mul3A_661, %add3A_643 : i32
          %dma_start3A_663 = arith.constant 3 : i32
          %dma_start3A_664 = arith.constant 0 : i32
          %dma_start3A_665 = tpu.memref_slice %arg8[%dma_start3A_663, %dma_start3A_664] : memref<8x128xi32, #tpu.memory_space<vmem>> -> memref<1x128xi32, #tpu.memory_space<vmem>>
          %dma_start3A_666 = tpu.memref_squeeze %dma_start3A_665 : memref<1x128xi32, #tpu.memory_space<vmem>> -> memref<128xi32, #tpu.memory_space<vmem>>
          %dma_start3A_667 = arith.constant 0 : i32
          %dma_start3A_668 = tpu.memref_slice %arg4[%add3A_662, %dma_start3A_667] : memref<2560x128xi32, #tpu.memory_space<hbm>> -> memref<1x128xi32, #tpu.memory_space<hbm>>
          %dma_start3A_669 = tpu.memref_squeeze %dma_start3A_668 : memref<1x128xi32, #tpu.memory_space<hbm>> -> memref<128xi32, #tpu.memory_space<hbm>>
          %dma_start3A_670 = arith.constant 0 : i32
          %dma_start3A_671 = tpu.memref_slice %arg8[%dma_start3A_663, %dma_start3A_670] : memref<8x128xi32, #tpu.memory_space<vmem>> -> memref<1x128xi32, #tpu.memory_space<vmem>>
          %dma_start3A_672 = tpu.memref_squeeze %dma_start3A_671 : memref<1x128xi32, #tpu.memory_space<vmem>> -> memref<128xi32, #tpu.memory_space<vmem>>
          %dma_start3A_673 = arith.constant 0 : i32
          %dma_start3A_674 = tpu.memref_slice %arg4[%add3A_662, %dma_start3A_673] : memref<2560x128xi32, #tpu.memory_space<hbm>> -> memref<1x128xi32, #tpu.memory_space<hbm>>
          %dma_start3A_675 = tpu.memref_squeeze %dma_start3A_674 : memref<1x128xi32, #tpu.memory_space<hbm>> -> memref<128xi32, #tpu.memory_space<hbm>>
          tpu.enqueue_dma source(%dma_start3A_675 : memref<128xi32, #tpu.memory_space<hbm>>) target(%dma_start3A_672 : memref<128xi32, #tpu.memory_space<vmem>>) target_semaphore(%arg26 : memref<!tpu.dma_semaphore, #tpu.memory_space<semaphore_mem>>)
        } else {
        }
        %dma_wait3A_607 = arith.constant 0 : i32
        %dma_wait3A_608 = arith.constant 0 : i32
        %dma_wait3A_609 = arith.constant 0 : i32
        %dma_wait3A_610 = tpu.memref_slice %arg7[%dma_wait3A_608, %dma_wait3A_609] : memref<8x128xi32, #tpu.memory_space<vmem>> -> memref<1x128xi32, #tpu.memory_space<vmem>>
        %dma_wait3A_611 = tpu.memref_squeeze %dma_wait3A_610 : memref<1x128xi32, #tpu.memory_space<vmem>> -> memref<128xi32, #tpu.memory_space<vmem>>
        %dma_wait3A_612 = arith.constant 0 : i32
        %dma_wait3A_613 = tpu.memref_slice %arg3[%dma_wait3A_607, %dma_wait3A_612] : memref<2560x128xi32, #tpu.memory_space<hbm>> -> memref<1x128xi32, #tpu.memory_space<hbm>>
        %dma_wait3A_614 = tpu.memref_squeeze %dma_wait3A_613 : memref<1x128xi32, #tpu.memory_space<hbm>> -> memref<128xi32, #tpu.memory_space<hbm>>
        %dma_wait3A_615 = arith.constant 0 : i32
        %dma_wait3A_616 = tpu.memref_slice %arg7[%dma_wait3A_608, %dma_wait3A_615] : memref<8x128xi32, #tpu.memory_space<vmem>> -> memref<1x128xi32, #tpu.memory_space<vmem>>
        %dma_wait3A_617 = tpu.memref_squeeze %dma_wait3A_616 : memref<1x128xi32, #tpu.memory_space<vmem>> -> memref<128xi32, #tpu.memory_space<vmem>>
        %dma_wait3A_618 = arith.constant 0 : i32
        %dma_wait3A_619 = tpu.memref_slice %arg3[%dma_wait3A_607, %dma_wait3A_618] : memref<2560x128xi32, #tpu.memory_space<hbm>> -> memref<1x128xi32, #tpu.memory_space<hbm>>
        %dma_wait3A_620 = tpu.memref_squeeze %dma_wait3A_619 : memref<1x128xi32, #tpu.memory_space<hbm>> -> memref<128xi32, #tpu.memory_space<hbm>>
        tpu.wait_dma2 semaphore(%arg20 : memref<!tpu.dma_semaphore, #tpu.memory_space<semaphore_mem>>) src(%dma_wait3A_620 : memref<128xi32, #tpu.memory_space<hbm>>) dst(%dma_wait3A_617 : memref<128xi32, #tpu.memory_space<vmem>>)
        %dma_wait3A_621 = arith.constant 0 : i32
        %dma_wait3A_622 = arith.constant 0 : i32
        %dma_wait3A_623 = arith.constant 0 : i32
        %dma_wait3A_624 = tpu.memref_slice %arg8[%dma_wait3A_622, %dma_wait3A_623] : memref<8x128xi32, #tpu.memory_space<vmem>> -> memref<1x128xi32, #tpu.memory_space<vmem>>
        %dma_wait3A_625 = tpu.memref_squeeze %dma_wait3A_624 : memref<1x128xi32, #tpu.memory_space<vmem>> -> memref<128xi32, #tpu.memory_space<vmem>>
        %dma_wait3A_626 = arith.constant 0 : i32
        %dma_wait3A_627 = tpu.memref_slice %arg4[%dma_wait3A_621, %dma_wait3A_626] : memref<2560x128xi32, #tpu.memory_space<hbm>> -> memref<1x128xi32, #tpu.memory_space<hbm>>
        %dma_wait3A_628 = tpu.memref_squeeze %dma_wait3A_627 : memref<1x128xi32, #tpu.memory_space<hbm>> -> memref<128xi32, #tpu.memory_space<hbm>>
        %dma_wait3A_629 = arith.constant 0 : i32
        %dma_wait3A_630 = tpu.memref_slice %arg8[%dma_wait3A_622, %dma_wait3A_629] : memref<8x128xi32, #tpu.memory_space<vmem>> -> memref<1x128xi32, #tpu.memory_space<vmem>>
        %dma_wait3A_631 = tpu.memref_squeeze %dma_wait3A_630 : memref<1x128xi32, #tpu.memory_space<vmem>> -> memref<128xi32, #tpu.memory_space<vmem>>
        %dma_wait3A_632 = arith.constant 0 : i32
        %dma_wait3A_633 = tpu.memref_slice %arg4[%dma_wait3A_621, %dma_wait3A_632] : memref<2560x128xi32, #tpu.memory_space<hbm>> -> memref<1x128xi32, #tpu.memory_space<hbm>>
        %dma_wait3A_634 = tpu.memref_squeeze %dma_wait3A_633 : memref<1x128xi32, #tpu.memory_space<hbm>> -> memref<128xi32, #tpu.memory_space<hbm>>
        tpu.wait_dma2 semaphore(%arg28 : memref<!tpu.dma_semaphore, #tpu.memory_space<semaphore_mem>>) src(%dma_wait3A_634 : memref<128xi32, #tpu.memory_space<hbm>>) dst(%dma_wait3A_631 : memref<128xi32, #tpu.memory_space<vmem>>)
        %dma_start3A_635 = arith.constant 5 : i32
        %dma_start3A_636 = arith.constant 0 : i32
        %dma_start3A_637 = tpu.memref_slice %arg7[%dma_start3A_635, %dma_start3A_636] : memref<8x128xi32, #tpu.memory_space<vmem>> -> memref<1x128xi32, #tpu.memory_space<vmem>>
        %dma_start3A_638 = tpu.memref_squeeze %dma_start3A_637 : memref<1x128xi32, #tpu.memory_space<vmem>> -> memref<128xi32, #tpu.memory_space<vmem>>
        %dma_start3A_639 = arith.constant 0 : i32
        %dma_start3A_640 = arith.constant 0 : i32
        %dma_start3A_641 = tpu.memref_slice %arg2[%dma_start3A_639, %dma_start3A_640] : memref<10240x128xf32, #tpu.memory_space<hbm>> -> memref<10240x128xf32, #tpu.memory_space<hbm>>
        tpu.enqueue_indirect_dma source(%dma_start3A_641 : memref<10240x128xf32, #tpu.memory_space<hbm>>) target(%arg10 : memref<128x128xf32, #tpu.memory_space<vmem>>) offsets(%dma_start3A_638 : memref<128xi32, #tpu.memory_space<vmem>>) semaphore(%arg12 : memref<!tpu.dma_semaphore, #tpu.memory_space<semaphore_mem>>)
      } else {
      }
      %mul3A_492 = arith.constant 8 : i32
      %mul3A_493 = arith.muli %scan3A_393, %mul3A_492 : i32
      %add3A_494 = arith.constant 4 : i32
      %add3A_495 = arith.addi %mul3A_493, %add3A_494 : i32
      %dma_wait3A_496 = arith.constant 0 : i32
      %dma_wait3A_497 = arith.constant 0 : i32
      %dma_wait3A_498 = tpu.memref_slice %arg7[%dma_wait3A_496, %dma_wait3A_497] : memref<8x128xi32, #tpu.memory_space<vmem>> -> memref<1x128xi32, #tpu.memory_space<vmem>>
      %dma_wait3A_499 = tpu.memref_squeeze %dma_wait3A_498 : memref<1x128xi32, #tpu.memory_space<vmem>> -> memref<128xi32, #tpu.memory_space<vmem>>
      %dma_wait3A_500 = arith.constant 0 : i32
      %dma_wait3A_501 = arith.constant 0 : i32
      %dma_wait3A_502 = tpu.memref_slice %arg2[%dma_wait3A_500, %dma_wait3A_501] : memref<10240x128xf32, #tpu.memory_space<hbm>> -> memref<10240x128xf32, #tpu.memory_space<hbm>>
      tpu.wait_indirect_dma semaphore(%arg11 : memref<!tpu.dma_semaphore, #tpu.memory_space<semaphore_mem>>) src(%dma_wait3A_502 : memref<10240x128xf32, #tpu.memory_space<hbm>>) dst(%arg9 : memref<128x128xf32, #tpu.memory_space<vmem>>)
      %dma_start3A_503 = arith.constant 4 : i32
      %dma_start3A_504 = arith.constant 0 : i32
      %dma_start3A_505 = tpu.memref_slice %arg8[%dma_start3A_503, %dma_start3A_504] : memref<8x128xi32, #tpu.memory_space<vmem>> -> memref<1x128xi32, #tpu.memory_space<vmem>>
      %dma_start3A_506 = tpu.memref_squeeze %dma_start3A_505 : memref<1x128xi32, #tpu.memory_space<vmem>> -> memref<128xi32, #tpu.memory_space<vmem>>
      %dma_start3A_507 = arith.constant 0 : i32
      %dma_start3A_508 = arith.constant 0 : i32
      %dma_start3A_509 = tpu.memref_slice %arg6[%dma_start3A_507, %dma_start3A_508] : memref<10240x128xf32, #tpu.memory_space<vmem_shared>> -> memref<10240x128xf32, #tpu.memory_space<vmem_shared>>
      tpu.enqueue_indirect_dma source(%arg9 : memref<128x128xf32, #tpu.memory_space<vmem>>) target(%dma_start3A_509 : memref<10240x128xf32, #tpu.memory_space<vmem_shared>>) offsets(%dma_start3A_506 : memref<128xi32, #tpu.memory_space<vmem>>) semaphore(%arg13 : memref<!tpu.dma_semaphore, #tpu.memory_space<semaphore_mem>>) {add = true}
      %add3A_510 = arith.constant 2 : i32
      %add3A_511 = arith.addi %add3A_495, %add3A_510 : i32
      %lt3A_512 = arith.constant 80 : i32
      %lt3A_513 = arith.cmpi slt, %add3A_511, %lt3A_512 : i32
      %convert_element_type3A_514 = arith.extui %lt3A_513 : i1 to i32
      %cond3A_515 = arith.constant 0 : i32
      %cond3A_516 = arith.cmpi ne, %convert_element_type3A_514, %cond3A_515 : i32
      scf.if %cond3A_516 {
        %dma_wait3A_593 = arith.constant 0 : i32
        %dma_wait3A_594 = arith.constant 0 : i32
        %dma_wait3A_595 = tpu.memref_slice %arg8[%dma_wait3A_593, %dma_wait3A_594] : memref<8x128xi32, #tpu.memory_space<vmem>> -> memref<1x128xi32, #tpu.memory_space<vmem>>
        %dma_wait3A_596 = tpu.memref_squeeze %dma_wait3A_595 : memref<1x128xi32, #tpu.memory_space<vmem>> -> memref<128xi32, #tpu.memory_space<vmem>>
        %dma_wait3A_597 = arith.constant 0 : i32
        %dma_wait3A_598 = arith.constant 0 : i32
        %dma_wait3A_599 = tpu.memref_slice %arg6[%dma_wait3A_597, %dma_wait3A_598] : memref<10240x128xf32, #tpu.memory_space<vmem_shared>> -> memref<10240x128xf32, #tpu.memory_space<vmem_shared>>
        tpu.wait_indirect_dma semaphore(%arg13 : memref<!tpu.dma_semaphore, #tpu.memory_space<semaphore_mem>>) src(%arg9 : memref<128x128xf32, #tpu.memory_space<vmem>>) dst(%dma_wait3A_599 : memref<10240x128xf32, #tpu.memory_space<vmem_shared>>)
        %add3A_600 = arith.constant 8 : i32
        %add3A_601 = arith.addi %add3A_495, %add3A_600 : i32
        %lt3A_602 = arith.constant 80 : i32
        %lt3A_603 = arith.cmpi slt, %add3A_601, %lt3A_602 : i32
        %convert_element_type3A_604 = arith.extui %lt3A_603 : i1 to i32
        %cond3A_605 = arith.constant 0 : i32
        %cond3A_606 = arith.cmpi ne, %convert_element_type3A_604, %cond3A_605 : i32
        scf.if %cond3A_606 {
          %add3A_642 = arith.constant 8 : i32
          %add3A_643 = arith.addi %add3A_495, %add3A_642 : i32
          %mul3A_644 = arith.constant 80 : i32
          %mul3A_645 = arith.muli %add3A, %mul3A_644 : i32
          %add3A_646 = arith.addi %mul3A_645, %add3A_643 : i32
          %dma_start3A_647 = arith.constant 4 : i32
          %dma_start3A_648 = arith.constant 0 : i32
          %dma_start3A_649 = tpu.memref_slice %arg7[%dma_start3A_647, %dma_start3A_648] : memref<8x128xi32, #tpu.memory_space<vmem>> -> memref<1x128xi32, #tpu.memory_space<vmem>>
          %dma_start3A_650 = tpu.memref_squeeze %dma_start3A_649 : memref<1x128xi32, #tpu.memory_space<vmem>> -> memref<128xi32, #tpu.memory_space<vmem>>
          %dma_start3A_651 = arith.constant 0 : i32
          %dma_start3A_652 = tpu.memref_slice %arg3[%add3A_646, %dma_start3A_651] : memref<2560x128xi32, #tpu.memory_space<hbm>> -> memref<1x128xi32, #tpu.memory_space<hbm>>
          %dma_start3A_653 = tpu.memref_squeeze %dma_start3A_652 : memref<1x128xi32, #tpu.memory_space<hbm>> -> memref<128xi32, #tpu.memory_space<hbm>>
          %dma_start3A_654 = arith.constant 0 : i32
          %dma_start3A_655 = tpu.memref_slice %arg7[%dma_start3A_647, %dma_start3A_654] : memref<8x128xi32, #tpu.memory_space<vmem>> -> memref<1x128xi32, #tpu.memory_space<vmem>>
          %dma_start3A_656 = tpu.memref_squeeze %dma_start3A_655 : memref<1x128xi32, #tpu.memory_space<vmem>> -> memref<128xi32, #tpu.memory_space<vmem>>
          %dma_start3A_657 = arith.constant 0 : i32
          %dma_start3A_658 = tpu.memref_slice %arg3[%add3A_646, %dma_start3A_657] : memref<2560x128xi32, #tpu.memory_space<hbm>> -> memref<1x128xi32, #tpu.memory_space<hbm>>
          %dma_start3A_659 = tpu.memref_squeeze %dma_start3A_658 : memref<1x128xi32, #tpu.memory_space<hbm>> -> memref<128xi32, #tpu.memory_space<hbm>>
          tpu.enqueue_dma source(%dma_start3A_659 : memref<128xi32, #tpu.memory_space<hbm>>) target(%dma_start3A_656 : memref<128xi32, #tpu.memory_space<vmem>>) target_semaphore(%arg19 : memref<!tpu.dma_semaphore, #tpu.memory_space<semaphore_mem>>)
          %mul3A_660 = arith.constant 80 : i32
          %mul3A_661 = arith.muli %add3A, %mul3A_660 : i32
          %add3A_662 = arith.addi %mul3A_661, %add3A_643 : i32
          %dma_start3A_663 = arith.constant 4 : i32
          %dma_start3A_664 = arith.constant 0 : i32
          %dma_start3A_665 = tpu.memref_slice %arg8[%dma_start3A_663, %dma_start3A_664] : memref<8x128xi32, #tpu.memory_space<vmem>> -> memref<1x128xi32, #tpu.memory_space<vmem>>
          %dma_start3A_666 = tpu.memref_squeeze %dma_start3A_665 : memref<1x128xi32, #tpu.memory_space<vmem>> -> memref<128xi32, #tpu.memory_space<vmem>>
          %dma_start3A_667 = arith.constant 0 : i32
          %dma_start3A_668 = tpu.memref_slice %arg4[%add3A_662, %dma_start3A_667] : memref<2560x128xi32, #tpu.memory_space<hbm>> -> memref<1x128xi32, #tpu.memory_space<hbm>>
          %dma_start3A_669 = tpu.memref_squeeze %dma_start3A_668 : memref<1x128xi32, #tpu.memory_space<hbm>> -> memref<128xi32, #tpu.memory_space<hbm>>
          %dma_start3A_670 = arith.constant 0 : i32
          %dma_start3A_671 = tpu.memref_slice %arg8[%dma_start3A_663, %dma_start3A_670] : memref<8x128xi32, #tpu.memory_space<vmem>> -> memref<1x128xi32, #tpu.memory_space<vmem>>
          %dma_start3A_672 = tpu.memref_squeeze %dma_start3A_671 : memref<1x128xi32, #tpu.memory_space<vmem>> -> memref<128xi32, #tpu.memory_space<vmem>>
          %dma_start3A_673 = arith.constant 0 : i32
          %dma_start3A_674 = tpu.memref_slice %arg4[%add3A_662, %dma_start3A_673] : memref<2560x128xi32, #tpu.memory_space<hbm>> -> memref<1x128xi32, #tpu.memory_space<hbm>>
          %dma_start3A_675 = tpu.memref_squeeze %dma_start3A_674 : memref<1x128xi32, #tpu.memory_space<hbm>> -> memref<128xi32, #tpu.memory_space<hbm>>
          tpu.enqueue_dma source(%dma_start3A_675 : memref<128xi32, #tpu.memory_space<hbm>>) target(%dma_start3A_672 : memref<128xi32, #tpu.memory_space<vmem>>) target_semaphore(%arg27 : memref<!tpu.dma_semaphore, #tpu.memory_space<semaphore_mem>>)
        } else {
        }
        %dma_wait3A_607 = arith.constant 0 : i32
        %dma_wait3A_608 = arith.constant 0 : i32
        %dma_wait3A_609 = arith.constant 0 : i32
        %dma_wait3A_610 = tpu.memref_slice %arg7[%dma_wait3A_608, %dma_wait3A_609] : memref<8x128xi32, #tpu.memory_space<vmem>> -> memref<1x128xi32, #tpu.memory_space<vmem>>
        %dma_wait3A_611 = tpu.memref_squeeze %dma_wait3A_610 : memref<1x128xi32, #tpu.memory_space<vmem>> -> memref<128xi32, #tpu.memory_space<vmem>>
        %dma_wait3A_612 = arith.constant 0 : i32
        %dma_wait3A_613 = tpu.memref_slice %arg3[%dma_wait3A_607, %dma_wait3A_612] : memref<2560x128xi32, #tpu.memory_space<hbm>> -> memref<1x128xi32, #tpu.memory_space<hbm>>
        %dma_wait3A_614 = tpu.memref_squeeze %dma_wait3A_613 : memref<1x128xi32, #tpu.memory_space<hbm>> -> memref<128xi32, #tpu.memory_space<hbm>>
        %dma_wait3A_615 = arith.constant 0 : i32
        %dma_wait3A_616 = tpu.memref_slice %arg7[%dma_wait3A_608, %dma_wait3A_615] : memref<8x128xi32, #tpu.memory_space<vmem>> -> memref<1x128xi32, #tpu.memory_space<vmem>>
        %dma_wait3A_617 = tpu.memref_squeeze %dma_wait3A_616 : memref<1x128xi32, #tpu.memory_space<vmem>> -> memref<128xi32, #tpu.memory_space<vmem>>
        %dma_wait3A_618 = arith.constant 0 : i32
        %dma_wait3A_619 = tpu.memref_slice %arg3[%dma_wait3A_607, %dma_wait3A_618] : memref<2560x128xi32, #tpu.memory_space<hbm>> -> memref<1x128xi32, #tpu.memory_space<hbm>>
        %dma_wait3A_620 = tpu.memref_squeeze %dma_wait3A_619 : memref<1x128xi32, #tpu.memory_space<hbm>> -> memref<128xi32, #tpu.memory_space<hbm>>
        tpu.wait_dma2 semaphore(%arg21 : memref<!tpu.dma_semaphore, #tpu.memory_space<semaphore_mem>>) src(%dma_wait3A_620 : memref<128xi32, #tpu.memory_space<hbm>>) dst(%dma_wait3A_617 : memref<128xi32, #tpu.memory_space<vmem>>)
        %dma_wait3A_621 = arith.constant 0 : i32
        %dma_wait3A_622 = arith.constant 0 : i32
        %dma_wait3A_623 = arith.constant 0 : i32
        %dma_wait3A_624 = tpu.memref_slice %arg8[%dma_wait3A_622, %dma_wait3A_623] : memref<8x128xi32, #tpu.memory_space<vmem>> -> memref<1x128xi32, #tpu.memory_space<vmem>>
        %dma_wait3A_625 = tpu.memref_squeeze %dma_wait3A_624 : memref<1x128xi32, #tpu.memory_space<vmem>> -> memref<128xi32, #tpu.memory_space<vmem>>
        %dma_wait3A_626 = arith.constant 0 : i32
        %dma_wait3A_627 = tpu.memref_slice %arg4[%dma_wait3A_621, %dma_wait3A_626] : memref<2560x128xi32, #tpu.memory_space<hbm>> -> memref<1x128xi32, #tpu.memory_space<hbm>>
        %dma_wait3A_628 = tpu.memref_squeeze %dma_wait3A_627 : memref<1x128xi32, #tpu.memory_space<hbm>> -> memref<128xi32, #tpu.memory_space<hbm>>
        %dma_wait3A_629 = arith.constant 0 : i32
        %dma_wait3A_630 = tpu.memref_slice %arg8[%dma_wait3A_622, %dma_wait3A_629] : memref<8x128xi32, #tpu.memory_space<vmem>> -> memref<1x128xi32, #tpu.memory_space<vmem>>
        %dma_wait3A_631 = tpu.memref_squeeze %dma_wait3A_630 : memref<1x128xi32, #tpu.memory_space<vmem>> -> memref<128xi32, #tpu.memory_space<vmem>>
        %dma_wait3A_632 = arith.constant 0 : i32
        %dma_wait3A_633 = tpu.memref_slice %arg4[%dma_wait3A_621, %dma_wait3A_632] : memref<2560x128xi32, #tpu.memory_space<hbm>> -> memref<1x128xi32, #tpu.memory_space<hbm>>
        %dma_wait3A_634 = tpu.memref_squeeze %dma_wait3A_633 : memref<1x128xi32, #tpu.memory_space<hbm>> -> memref<128xi32, #tpu.memory_space<hbm>>
        tpu.wait_dma2 semaphore(%arg29 : memref<!tpu.dma_semaphore, #tpu.memory_space<semaphore_mem>>) src(%dma_wait3A_634 : memref<128xi32, #tpu.memory_space<hbm>>) dst(%dma_wait3A_631 : memref<128xi32, #tpu.memory_space<vmem>>)
        %dma_start3A_635 = arith.constant 6 : i32
        %dma_start3A_636 = arith.constant 0 : i32
        %dma_start3A_637 = tpu.memref_slice %arg7[%dma_start3A_635, %dma_start3A_636] : memref<8x128xi32, #tpu.memory_space<vmem>> -> memref<1x128xi32, #tpu.memory_space<vmem>>
        %dma_start3A_638 = tpu.memref_squeeze %dma_start3A_637 : memref<1x128xi32, #tpu.memory_space<vmem>> -> memref<128xi32, #tpu.memory_space<vmem>>
        %dma_start3A_639 = arith.constant 0 : i32
        %dma_start3A_640 = arith.constant 0 : i32
        %dma_start3A_641 = tpu.memref_slice %arg2[%dma_start3A_639, %dma_start3A_640] : memref<10240x128xf32, #tpu.memory_space<hbm>> -> memref<10240x128xf32, #tpu.memory_space<hbm>>
        tpu.enqueue_indirect_dma source(%dma_start3A_641 : memref<10240x128xf32, #tpu.memory_space<hbm>>) target(%arg9 : memref<128x128xf32, #tpu.memory_space<vmem>>) offsets(%dma_start3A_638 : memref<128xi32, #tpu.memory_space<vmem>>) semaphore(%arg11 : memref<!tpu.dma_semaphore, #tpu.memory_space<semaphore_mem>>)
      } else {
      }
      %mul3A_517 = arith.constant 8 : i32
      %mul3A_518 = arith.muli %scan3A_393, %mul3A_517 : i32
      %add3A_519 = arith.constant 5 : i32
      %add3A_520 = arith.addi %mul3A_518, %add3A_519 : i32
      %dma_wait3A_521 = arith.constant 0 : i32
      %dma_wait3A_522 = arith.constant 0 : i32
      %dma_wait3A_523 = tpu.memref_slice %arg7[%dma_wait3A_521, %dma_wait3A_522] : memref<8x128xi32, #tpu.memory_space<vmem>> -> memref<1x128xi32, #tpu.memory_space<vmem>>
      %dma_wait3A_524 = tpu.memref_squeeze %dma_wait3A_523 : memref<1x128xi32, #tpu.memory_space<vmem>> -> memref<128xi32, #tpu.memory_space<vmem>>
      %dma_wait3A_525 = arith.constant 0 : i32
      %dma_wait3A_526 = arith.constant 0 : i32
      %dma_wait3A_527 = tpu.memref_slice %arg2[%dma_wait3A_525, %dma_wait3A_526] : memref<10240x128xf32, #tpu.memory_space<hbm>> -> memref<10240x128xf32, #tpu.memory_space<hbm>>
      tpu.wait_indirect_dma semaphore(%arg12 : memref<!tpu.dma_semaphore, #tpu.memory_space<semaphore_mem>>) src(%dma_wait3A_527 : memref<10240x128xf32, #tpu.memory_space<hbm>>) dst(%arg10 : memref<128x128xf32, #tpu.memory_space<vmem>>)
      %dma_start3A_528 = arith.constant 5 : i32
      %dma_start3A_529 = arith.constant 0 : i32
      %dma_start3A_530 = tpu.memref_slice %arg8[%dma_start3A_528, %dma_start3A_529] : memref<8x128xi32, #tpu.memory_space<vmem>> -> memref<1x128xi32, #tpu.memory_space<vmem>>
      %dma_start3A_531 = tpu.memref_squeeze %dma_start3A_530 : memref<1x128xi32, #tpu.memory_space<vmem>> -> memref<128xi32, #tpu.memory_space<vmem>>
      %dma_start3A_532 = arith.constant 0 : i32
      %dma_start3A_533 = arith.constant 0 : i32
      %dma_start3A_534 = tpu.memref_slice %arg6[%dma_start3A_532, %dma_start3A_533] : memref<10240x128xf32, #tpu.memory_space<vmem_shared>> -> memref<10240x128xf32, #tpu.memory_space<vmem_shared>>
      tpu.enqueue_indirect_dma source(%arg10 : memref<128x128xf32, #tpu.memory_space<vmem>>) target(%dma_start3A_534 : memref<10240x128xf32, #tpu.memory_space<vmem_shared>>) offsets(%dma_start3A_531 : memref<128xi32, #tpu.memory_space<vmem>>) semaphore(%arg14 : memref<!tpu.dma_semaphore, #tpu.memory_space<semaphore_mem>>) {add = true}
      %add3A_535 = arith.constant 2 : i32
      %add3A_536 = arith.addi %add3A_520, %add3A_535 : i32
      %lt3A_537 = arith.constant 80 : i32
      %lt3A_538 = arith.cmpi slt, %add3A_536, %lt3A_537 : i32
      %convert_element_type3A_539 = arith.extui %lt3A_538 : i1 to i32
      %cond3A_540 = arith.constant 0 : i32
      %cond3A_541 = arith.cmpi ne, %convert_element_type3A_539, %cond3A_540 : i32
      scf.if %cond3A_541 {
        %dma_wait3A_593 = arith.constant 0 : i32
        %dma_wait3A_594 = arith.constant 0 : i32
        %dma_wait3A_595 = tpu.memref_slice %arg8[%dma_wait3A_593, %dma_wait3A_594] : memref<8x128xi32, #tpu.memory_space<vmem>> -> memref<1x128xi32, #tpu.memory_space<vmem>>
        %dma_wait3A_596 = tpu.memref_squeeze %dma_wait3A_595 : memref<1x128xi32, #tpu.memory_space<vmem>> -> memref<128xi32, #tpu.memory_space<vmem>>
        %dma_wait3A_597 = arith.constant 0 : i32
        %dma_wait3A_598 = arith.constant 0 : i32
        %dma_wait3A_599 = tpu.memref_slice %arg6[%dma_wait3A_597, %dma_wait3A_598] : memref<10240x128xf32, #tpu.memory_space<vmem_shared>> -> memref<10240x128xf32, #tpu.memory_space<vmem_shared>>
        tpu.wait_indirect_dma semaphore(%arg14 : memref<!tpu.dma_semaphore, #tpu.memory_space<semaphore_mem>>) src(%arg10 : memref<128x128xf32, #tpu.memory_space<vmem>>) dst(%dma_wait3A_599 : memref<10240x128xf32, #tpu.memory_space<vmem_shared>>)
        %add3A_600 = arith.constant 8 : i32
        %add3A_601 = arith.addi %add3A_520, %add3A_600 : i32
        %lt3A_602 = arith.constant 80 : i32
        %lt3A_603 = arith.cmpi slt, %add3A_601, %lt3A_602 : i32
        %convert_element_type3A_604 = arith.extui %lt3A_603 : i1 to i32
        %cond3A_605 = arith.constant 0 : i32
        %cond3A_606 = arith.cmpi ne, %convert_element_type3A_604, %cond3A_605 : i32
        scf.if %cond3A_606 {
          %add3A_642 = arith.constant 8 : i32
          %add3A_643 = arith.addi %add3A_520, %add3A_642 : i32
          %mul3A_644 = arith.constant 80 : i32
          %mul3A_645 = arith.muli %add3A, %mul3A_644 : i32
          %add3A_646 = arith.addi %mul3A_645, %add3A_643 : i32
          %dma_start3A_647 = arith.constant 5 : i32
          %dma_start3A_648 = arith.constant 0 : i32
          %dma_start3A_649 = tpu.memref_slice %arg7[%dma_start3A_647, %dma_start3A_648] : memref<8x128xi32, #tpu.memory_space<vmem>> -> memref<1x128xi32, #tpu.memory_space<vmem>>
          %dma_start3A_650 = tpu.memref_squeeze %dma_start3A_649 : memref<1x128xi32, #tpu.memory_space<vmem>> -> memref<128xi32, #tpu.memory_space<vmem>>
          %dma_start3A_651 = arith.constant 0 : i32
          %dma_start3A_652 = tpu.memref_slice %arg3[%add3A_646, %dma_start3A_651] : memref<2560x128xi32, #tpu.memory_space<hbm>> -> memref<1x128xi32, #tpu.memory_space<hbm>>
          %dma_start3A_653 = tpu.memref_squeeze %dma_start3A_652 : memref<1x128xi32, #tpu.memory_space<hbm>> -> memref<128xi32, #tpu.memory_space<hbm>>
          %dma_start3A_654 = arith.constant 0 : i32
          %dma_start3A_655 = tpu.memref_slice %arg7[%dma_start3A_647, %dma_start3A_654] : memref<8x128xi32, #tpu.memory_space<vmem>> -> memref<1x128xi32, #tpu.memory_space<vmem>>
          %dma_start3A_656 = tpu.memref_squeeze %dma_start3A_655 : memref<1x128xi32, #tpu.memory_space<vmem>> -> memref<128xi32, #tpu.memory_space<vmem>>
          %dma_start3A_657 = arith.constant 0 : i32
          %dma_start3A_658 = tpu.memref_slice %arg3[%add3A_646, %dma_start3A_657] : memref<2560x128xi32, #tpu.memory_space<hbm>> -> memref<1x128xi32, #tpu.memory_space<hbm>>
          %dma_start3A_659 = tpu.memref_squeeze %dma_start3A_658 : memref<1x128xi32, #tpu.memory_space<hbm>> -> memref<128xi32, #tpu.memory_space<hbm>>
          tpu.enqueue_dma source(%dma_start3A_659 : memref<128xi32, #tpu.memory_space<hbm>>) target(%dma_start3A_656 : memref<128xi32, #tpu.memory_space<vmem>>) target_semaphore(%arg20 : memref<!tpu.dma_semaphore, #tpu.memory_space<semaphore_mem>>)
          %mul3A_660 = arith.constant 80 : i32
          %mul3A_661 = arith.muli %add3A, %mul3A_660 : i32
          %add3A_662 = arith.addi %mul3A_661, %add3A_643 : i32
          %dma_start3A_663 = arith.constant 5 : i32
          %dma_start3A_664 = arith.constant 0 : i32
          %dma_start3A_665 = tpu.memref_slice %arg8[%dma_start3A_663, %dma_start3A_664] : memref<8x128xi32, #tpu.memory_space<vmem>> -> memref<1x128xi32, #tpu.memory_space<vmem>>
          %dma_start3A_666 = tpu.memref_squeeze %dma_start3A_665 : memref<1x128xi32, #tpu.memory_space<vmem>> -> memref<128xi32, #tpu.memory_space<vmem>>
          %dma_start3A_667 = arith.constant 0 : i32
          %dma_start3A_668 = tpu.memref_slice %arg4[%add3A_662, %dma_start3A_667] : memref<2560x128xi32, #tpu.memory_space<hbm>> -> memref<1x128xi32, #tpu.memory_space<hbm>>
          %dma_start3A_669 = tpu.memref_squeeze %dma_start3A_668 : memref<1x128xi32, #tpu.memory_space<hbm>> -> memref<128xi32, #tpu.memory_space<hbm>>
          %dma_start3A_670 = arith.constant 0 : i32
          %dma_start3A_671 = tpu.memref_slice %arg8[%dma_start3A_663, %dma_start3A_670] : memref<8x128xi32, #tpu.memory_space<vmem>> -> memref<1x128xi32, #tpu.memory_space<vmem>>
          %dma_start3A_672 = tpu.memref_squeeze %dma_start3A_671 : memref<1x128xi32, #tpu.memory_space<vmem>> -> memref<128xi32, #tpu.memory_space<vmem>>
          %dma_start3A_673 = arith.constant 0 : i32
          %dma_start3A_674 = tpu.memref_slice %arg4[%add3A_662, %dma_start3A_673] : memref<2560x128xi32, #tpu.memory_space<hbm>> -> memref<1x128xi32, #tpu.memory_space<hbm>>
          %dma_start3A_675 = tpu.memref_squeeze %dma_start3A_674 : memref<1x128xi32, #tpu.memory_space<hbm>> -> memref<128xi32, #tpu.memory_space<hbm>>
          tpu.enqueue_dma source(%dma_start3A_675 : memref<128xi32, #tpu.memory_space<hbm>>) target(%dma_start3A_672 : memref<128xi32, #tpu.memory_space<vmem>>) target_semaphore(%arg28 : memref<!tpu.dma_semaphore, #tpu.memory_space<semaphore_mem>>)
        } else {
        }
        %dma_wait3A_607 = arith.constant 0 : i32
        %dma_wait3A_608 = arith.constant 0 : i32
        %dma_wait3A_609 = arith.constant 0 : i32
        %dma_wait3A_610 = tpu.memref_slice %arg7[%dma_wait3A_608, %dma_wait3A_609] : memref<8x128xi32, #tpu.memory_space<vmem>> -> memref<1x128xi32, #tpu.memory_space<vmem>>
        %dma_wait3A_611 = tpu.memref_squeeze %dma_wait3A_610 : memref<1x128xi32, #tpu.memory_space<vmem>> -> memref<128xi32, #tpu.memory_space<vmem>>
        %dma_wait3A_612 = arith.constant 0 : i32
        %dma_wait3A_613 = tpu.memref_slice %arg3[%dma_wait3A_607, %dma_wait3A_612] : memref<2560x128xi32, #tpu.memory_space<hbm>> -> memref<1x128xi32, #tpu.memory_space<hbm>>
        %dma_wait3A_614 = tpu.memref_squeeze %dma_wait3A_613 : memref<1x128xi32, #tpu.memory_space<hbm>> -> memref<128xi32, #tpu.memory_space<hbm>>
        %dma_wait3A_615 = arith.constant 0 : i32
        %dma_wait3A_616 = tpu.memref_slice %arg7[%dma_wait3A_608, %dma_wait3A_615] : memref<8x128xi32, #tpu.memory_space<vmem>> -> memref<1x128xi32, #tpu.memory_space<vmem>>
        %dma_wait3A_617 = tpu.memref_squeeze %dma_wait3A_616 : memref<1x128xi32, #tpu.memory_space<vmem>> -> memref<128xi32, #tpu.memory_space<vmem>>
        %dma_wait3A_618 = arith.constant 0 : i32
        %dma_wait3A_619 = tpu.memref_slice %arg3[%dma_wait3A_607, %dma_wait3A_618] : memref<2560x128xi32, #tpu.memory_space<hbm>> -> memref<1x128xi32, #tpu.memory_space<hbm>>
        %dma_wait3A_620 = tpu.memref_squeeze %dma_wait3A_619 : memref<1x128xi32, #tpu.memory_space<hbm>> -> memref<128xi32, #tpu.memory_space<hbm>>
        tpu.wait_dma2 semaphore(%arg22 : memref<!tpu.dma_semaphore, #tpu.memory_space<semaphore_mem>>) src(%dma_wait3A_620 : memref<128xi32, #tpu.memory_space<hbm>>) dst(%dma_wait3A_617 : memref<128xi32, #tpu.memory_space<vmem>>)
        %dma_wait3A_621 = arith.constant 0 : i32
        %dma_wait3A_622 = arith.constant 0 : i32
        %dma_wait3A_623 = arith.constant 0 : i32
        %dma_wait3A_624 = tpu.memref_slice %arg8[%dma_wait3A_622, %dma_wait3A_623] : memref<8x128xi32, #tpu.memory_space<vmem>> -> memref<1x128xi32, #tpu.memory_space<vmem>>
        %dma_wait3A_625 = tpu.memref_squeeze %dma_wait3A_624 : memref<1x128xi32, #tpu.memory_space<vmem>> -> memref<128xi32, #tpu.memory_space<vmem>>
        %dma_wait3A_626 = arith.constant 0 : i32
        %dma_wait3A_627 = tpu.memref_slice %arg4[%dma_wait3A_621, %dma_wait3A_626] : memref<2560x128xi32, #tpu.memory_space<hbm>> -> memref<1x128xi32, #tpu.memory_space<hbm>>
        %dma_wait3A_628 = tpu.memref_squeeze %dma_wait3A_627 : memref<1x128xi32, #tpu.memory_space<hbm>> -> memref<128xi32, #tpu.memory_space<hbm>>
        %dma_wait3A_629 = arith.constant 0 : i32
        %dma_wait3A_630 = tpu.memref_slice %arg8[%dma_wait3A_622, %dma_wait3A_629] : memref<8x128xi32, #tpu.memory_space<vmem>> -> memref<1x128xi32, #tpu.memory_space<vmem>>
        %dma_wait3A_631 = tpu.memref_squeeze %dma_wait3A_630 : memref<1x128xi32, #tpu.memory_space<vmem>> -> memref<128xi32, #tpu.memory_space<vmem>>
        %dma_wait3A_632 = arith.constant 0 : i32
        %dma_wait3A_633 = tpu.memref_slice %arg4[%dma_wait3A_621, %dma_wait3A_632] : memref<2560x128xi32, #tpu.memory_space<hbm>> -> memref<1x128xi32, #tpu.memory_space<hbm>>
        %dma_wait3A_634 = tpu.memref_squeeze %dma_wait3A_633 : memref<1x128xi32, #tpu.memory_space<hbm>> -> memref<128xi32, #tpu.memory_space<hbm>>
        tpu.wait_dma2 semaphore(%arg30 : memref<!tpu.dma_semaphore, #tpu.memory_space<semaphore_mem>>) src(%dma_wait3A_634 : memref<128xi32, #tpu.memory_space<hbm>>) dst(%dma_wait3A_631 : memref<128xi32, #tpu.memory_space<vmem>>)
        %dma_start3A_635 = arith.constant 7 : i32
        %dma_start3A_636 = arith.constant 0 : i32
        %dma_start3A_637 = tpu.memref_slice %arg7[%dma_start3A_635, %dma_start3A_636] : memref<8x128xi32, #tpu.memory_space<vmem>> -> memref<1x128xi32, #tpu.memory_space<vmem>>
        %dma_start3A_638 = tpu.memref_squeeze %dma_start3A_637 : memref<1x128xi32, #tpu.memory_space<vmem>> -> memref<128xi32, #tpu.memory_space<vmem>>
        %dma_start3A_639 = arith.constant 0 : i32
        %dma_start3A_640 = arith.constant 0 : i32
        %dma_start3A_641 = tpu.memref_slice %arg2[%dma_start3A_639, %dma_start3A_640] : memref<10240x128xf32, #tpu.memory_space<hbm>> -> memref<10240x128xf32, #tpu.memory_space<hbm>>
        tpu.enqueue_indirect_dma source(%dma_start3A_641 : memref<10240x128xf32, #tpu.memory_space<hbm>>) target(%arg10 : memref<128x128xf32, #tpu.memory_space<vmem>>) offsets(%dma_start3A_638 : memref<128xi32, #tpu.memory_space<vmem>>) semaphore(%arg12 : memref<!tpu.dma_semaphore, #tpu.memory_space<semaphore_mem>>)
      } else {
      }
      %mul3A_542 = arith.constant 8 : i32
      %mul3A_543 = arith.muli %scan3A_393, %mul3A_542 : i32
      %add3A_544 = arith.constant 6 : i32
      %add3A_545 = arith.addi %mul3A_543, %add3A_544 : i32
      %dma_wait3A_546 = arith.constant 0 : i32
      %dma_wait3A_547 = arith.constant 0 : i32
      %dma_wait3A_548 = tpu.memref_slice %arg7[%dma_wait3A_546, %dma_wait3A_547] : memref<8x128xi32, #tpu.memory_space<vmem>> -> memref<1x128xi32, #tpu.memory_space<vmem>>
      %dma_wait3A_549 = tpu.memref_squeeze %dma_wait3A_548 : memref<1x128xi32, #tpu.memory_space<vmem>> -> memref<128xi32, #tpu.memory_space<vmem>>
      %dma_wait3A_550 = arith.constant 0 : i32
      %dma_wait3A_551 = arith.constant 0 : i32
      %dma_wait3A_552 = tpu.memref_slice %arg2[%dma_wait3A_550, %dma_wait3A_551] : memref<10240x128xf32, #tpu.memory_space<hbm>> -> memref<10240x128xf32, #tpu.memory_space<hbm>>
      tpu.wait_indirect_dma semaphore(%arg11 : memref<!tpu.dma_semaphore, #tpu.memory_space<semaphore_mem>>) src(%dma_wait3A_552 : memref<10240x128xf32, #tpu.memory_space<hbm>>) dst(%arg9 : memref<128x128xf32, #tpu.memory_space<vmem>>)
      %dma_start3A_553 = arith.constant 6 : i32
      %dma_start3A_554 = arith.constant 0 : i32
      %dma_start3A_555 = tpu.memref_slice %arg8[%dma_start3A_553, %dma_start3A_554] : memref<8x128xi32, #tpu.memory_space<vmem>> -> memref<1x128xi32, #tpu.memory_space<vmem>>
      %dma_start3A_556 = tpu.memref_squeeze %dma_start3A_555 : memref<1x128xi32, #tpu.memory_space<vmem>> -> memref<128xi32, #tpu.memory_space<vmem>>
      %dma_start3A_557 = arith.constant 0 : i32
      %dma_start3A_558 = arith.constant 0 : i32
      %dma_start3A_559 = tpu.memref_slice %arg6[%dma_start3A_557, %dma_start3A_558] : memref<10240x128xf32, #tpu.memory_space<vmem_shared>> -> memref<10240x128xf32, #tpu.memory_space<vmem_shared>>
      tpu.enqueue_indirect_dma source(%arg9 : memref<128x128xf32, #tpu.memory_space<vmem>>) target(%dma_start3A_559 : memref<10240x128xf32, #tpu.memory_space<vmem_shared>>) offsets(%dma_start3A_556 : memref<128xi32, #tpu.memory_space<vmem>>) semaphore(%arg13 : memref<!tpu.dma_semaphore, #tpu.memory_space<semaphore_mem>>) {add = true}
      %add3A_560 = arith.constant 2 : i32
      %add3A_561 = arith.addi %add3A_545, %add3A_560 : i32
      %lt3A_562 = arith.constant 80 : i32
      %lt3A_563 = arith.cmpi slt, %add3A_561, %lt3A_562 : i32
      %convert_element_type3A_564 = arith.extui %lt3A_563 : i1 to i32
      %cond3A_565 = arith.constant 0 : i32
      %cond3A_566 = arith.cmpi ne, %convert_element_type3A_564, %cond3A_565 : i32
      scf.if %cond3A_566 {
        %dma_wait3A_593 = arith.constant 0 : i32
        %dma_wait3A_594 = arith.constant 0 : i32
        %dma_wait3A_595 = tpu.memref_slice %arg8[%dma_wait3A_593, %dma_wait3A_594] : memref<8x128xi32, #tpu.memory_space<vmem>> -> memref<1x128xi32, #tpu.memory_space<vmem>>
        %dma_wait3A_596 = tpu.memref_squeeze %dma_wait3A_595 : memref<1x128xi32, #tpu.memory_space<vmem>> -> memref<128xi32, #tpu.memory_space<vmem>>
        %dma_wait3A_597 = arith.constant 0 : i32
        %dma_wait3A_598 = arith.constant 0 : i32
        %dma_wait3A_599 = tpu.memref_slice %arg6[%dma_wait3A_597, %dma_wait3A_598] : memref<10240x128xf32, #tpu.memory_space<vmem_shared>> -> memref<10240x128xf32, #tpu.memory_space<vmem_shared>>
        tpu.wait_indirect_dma semaphore(%arg13 : memref<!tpu.dma_semaphore, #tpu.memory_space<semaphore_mem>>) src(%arg9 : memref<128x128xf32, #tpu.memory_space<vmem>>) dst(%dma_wait3A_599 : memref<10240x128xf32, #tpu.memory_space<vmem_shared>>)
        %add3A_600 = arith.constant 8 : i32
        %add3A_601 = arith.addi %add3A_545, %add3A_600 : i32
        %lt3A_602 = arith.constant 80 : i32
        %lt3A_603 = arith.cmpi slt, %add3A_601, %lt3A_602 : i32
        %convert_element_type3A_604 = arith.extui %lt3A_603 : i1 to i32
        %cond3A_605 = arith.constant 0 : i32
        %cond3A_606 = arith.cmpi ne, %convert_element_type3A_604, %cond3A_605 : i32
        scf.if %cond3A_606 {
          %add3A_642 = arith.constant 8 : i32
          %add3A_643 = arith.addi %add3A_545, %add3A_642 : i32
          %mul3A_644 = arith.constant 80 : i32
          %mul3A_645 = arith.muli %add3A, %mul3A_644 : i32
          %add3A_646 = arith.addi %mul3A_645, %add3A_643 : i32
          %dma_start3A_647 = arith.constant 6 : i32
          %dma_start3A_648 = arith.constant 0 : i32
          %dma_start3A_649 = tpu.memref_slice %arg7[%dma_start3A_647, %dma_start3A_648] : memref<8x128xi32, #tpu.memory_space<vmem>> -> memref<1x128xi32, #tpu.memory_space<vmem>>
          %dma_start3A_650 = tpu.memref_squeeze %dma_start3A_649 : memref<1x128xi32, #tpu.memory_space<vmem>> -> memref<128xi32, #tpu.memory_space<vmem>>
          %dma_start3A_651 = arith.constant 0 : i32
          %dma_start3A_652 = tpu.memref_slice %arg3[%add3A_646, %dma_start3A_651] : memref<2560x128xi32, #tpu.memory_space<hbm>> -> memref<1x128xi32, #tpu.memory_space<hbm>>
          %dma_start3A_653 = tpu.memref_squeeze %dma_start3A_652 : memref<1x128xi32, #tpu.memory_space<hbm>> -> memref<128xi32, #tpu.memory_space<hbm>>
          %dma_start3A_654 = arith.constant 0 : i32
          %dma_start3A_655 = tpu.memref_slice %arg7[%dma_start3A_647, %dma_start3A_654] : memref<8x128xi32, #tpu.memory_space<vmem>> -> memref<1x128xi32, #tpu.memory_space<vmem>>
          %dma_start3A_656 = tpu.memref_squeeze %dma_start3A_655 : memref<1x128xi32, #tpu.memory_space<vmem>> -> memref<128xi32, #tpu.memory_space<vmem>>
          %dma_start3A_657 = arith.constant 0 : i32
          %dma_start3A_658 = tpu.memref_slice %arg3[%add3A_646, %dma_start3A_657] : memref<2560x128xi32, #tpu.memory_space<hbm>> -> memref<1x128xi32, #tpu.memory_space<hbm>>
          %dma_start3A_659 = tpu.memref_squeeze %dma_start3A_658 : memref<1x128xi32, #tpu.memory_space<hbm>> -> memref<128xi32, #tpu.memory_space<hbm>>
          tpu.enqueue_dma source(%dma_start3A_659 : memref<128xi32, #tpu.memory_space<hbm>>) target(%dma_start3A_656 : memref<128xi32, #tpu.memory_space<vmem>>) target_semaphore(%arg21 : memref<!tpu.dma_semaphore, #tpu.memory_space<semaphore_mem>>)
          %mul3A_660 = arith.constant 80 : i32
          %mul3A_661 = arith.muli %add3A, %mul3A_660 : i32
          %add3A_662 = arith.addi %mul3A_661, %add3A_643 : i32
          %dma_start3A_663 = arith.constant 6 : i32
          %dma_start3A_664 = arith.constant 0 : i32
          %dma_start3A_665 = tpu.memref_slice %arg8[%dma_start3A_663, %dma_start3A_664] : memref<8x128xi32, #tpu.memory_space<vmem>> -> memref<1x128xi32, #tpu.memory_space<vmem>>
          %dma_start3A_666 = tpu.memref_squeeze %dma_start3A_665 : memref<1x128xi32, #tpu.memory_space<vmem>> -> memref<128xi32, #tpu.memory_space<vmem>>
          %dma_start3A_667 = arith.constant 0 : i32
          %dma_start3A_668 = tpu.memref_slice %arg4[%add3A_662, %dma_start3A_667] : memref<2560x128xi32, #tpu.memory_space<hbm>> -> memref<1x128xi32, #tpu.memory_space<hbm>>
          %dma_start3A_669 = tpu.memref_squeeze %dma_start3A_668 : memref<1x128xi32, #tpu.memory_space<hbm>> -> memref<128xi32, #tpu.memory_space<hbm>>
          %dma_start3A_670 = arith.constant 0 : i32
          %dma_start3A_671 = tpu.memref_slice %arg8[%dma_start3A_663, %dma_start3A_670] : memref<8x128xi32, #tpu.memory_space<vmem>> -> memref<1x128xi32, #tpu.memory_space<vmem>>
          %dma_start3A_672 = tpu.memref_squeeze %dma_start3A_671 : memref<1x128xi32, #tpu.memory_space<vmem>> -> memref<128xi32, #tpu.memory_space<vmem>>
          %dma_start3A_673 = arith.constant 0 : i32
          %dma_start3A_674 = tpu.memref_slice %arg4[%add3A_662, %dma_start3A_673] : memref<2560x128xi32, #tpu.memory_space<hbm>> -> memref<1x128xi32, #tpu.memory_space<hbm>>
          %dma_start3A_675 = tpu.memref_squeeze %dma_start3A_674 : memref<1x128xi32, #tpu.memory_space<hbm>> -> memref<128xi32, #tpu.memory_space<hbm>>
          tpu.enqueue_dma source(%dma_start3A_675 : memref<128xi32, #tpu.memory_space<hbm>>) target(%dma_start3A_672 : memref<128xi32, #tpu.memory_space<vmem>>) target_semaphore(%arg29 : memref<!tpu.dma_semaphore, #tpu.memory_space<semaphore_mem>>)
        } else {
        }
        %dma_wait3A_607 = arith.constant 0 : i32
        %dma_wait3A_608 = arith.constant 0 : i32
        %dma_wait3A_609 = arith.constant 0 : i32
        %dma_wait3A_610 = tpu.memref_slice %arg7[%dma_wait3A_608, %dma_wait3A_609] : memref<8x128xi32, #tpu.memory_space<vmem>> -> memref<1x128xi32, #tpu.memory_space<vmem>>
        %dma_wait3A_611 = tpu.memref_squeeze %dma_wait3A_610 : memref<1x128xi32, #tpu.memory_space<vmem>> -> memref<128xi32, #tpu.memory_space<vmem>>
        %dma_wait3A_612 = arith.constant 0 : i32
        %dma_wait3A_613 = tpu.memref_slice %arg3[%dma_wait3A_607, %dma_wait3A_612] : memref<2560x128xi32, #tpu.memory_space<hbm>> -> memref<1x128xi32, #tpu.memory_space<hbm>>
        %dma_wait3A_614 = tpu.memref_squeeze %dma_wait3A_613 : memref<1x128xi32, #tpu.memory_space<hbm>> -> memref<128xi32, #tpu.memory_space<hbm>>
        %dma_wait3A_615 = arith.constant 0 : i32
        %dma_wait3A_616 = tpu.memref_slice %arg7[%dma_wait3A_608, %dma_wait3A_615] : memref<8x128xi32, #tpu.memory_space<vmem>> -> memref<1x128xi32, #tpu.memory_space<vmem>>
        %dma_wait3A_617 = tpu.memref_squeeze %dma_wait3A_616 : memref<1x128xi32, #tpu.memory_space<vmem>> -> memref<128xi32, #tpu.memory_space<vmem>>
        %dma_wait3A_618 = arith.constant 0 : i32
        %dma_wait3A_619 = tpu.memref_slice %arg3[%dma_wait3A_607, %dma_wait3A_618] : memref<2560x128xi32, #tpu.memory_space<hbm>> -> memref<1x128xi32, #tpu.memory_space<hbm>>
        %dma_wait3A_620 = tpu.memref_squeeze %dma_wait3A_619 : memref<1x128xi32, #tpu.memory_space<hbm>> -> memref<128xi32, #tpu.memory_space<hbm>>
        tpu.wait_dma2 semaphore(%arg15 : memref<!tpu.dma_semaphore, #tpu.memory_space<semaphore_mem>>) src(%dma_wait3A_620 : memref<128xi32, #tpu.memory_space<hbm>>) dst(%dma_wait3A_617 : memref<128xi32, #tpu.memory_space<vmem>>)
        %dma_wait3A_621 = arith.constant 0 : i32
        %dma_wait3A_622 = arith.constant 0 : i32
        %dma_wait3A_623 = arith.constant 0 : i32
        %dma_wait3A_624 = tpu.memref_slice %arg8[%dma_wait3A_622, %dma_wait3A_623] : memref<8x128xi32, #tpu.memory_space<vmem>> -> memref<1x128xi32, #tpu.memory_space<vmem>>
        %dma_wait3A_625 = tpu.memref_squeeze %dma_wait3A_624 : memref<1x128xi32, #tpu.memory_space<vmem>> -> memref<128xi32, #tpu.memory_space<vmem>>
        %dma_wait3A_626 = arith.constant 0 : i32
        %dma_wait3A_627 = tpu.memref_slice %arg4[%dma_wait3A_621, %dma_wait3A_626] : memref<2560x128xi32, #tpu.memory_space<hbm>> -> memref<1x128xi32, #tpu.memory_space<hbm>>
        %dma_wait3A_628 = tpu.memref_squeeze %dma_wait3A_627 : memref<1x128xi32, #tpu.memory_space<hbm>> -> memref<128xi32, #tpu.memory_space<hbm>>
        %dma_wait3A_629 = arith.constant 0 : i32
        %dma_wait3A_630 = tpu.memref_slice %arg8[%dma_wait3A_622, %dma_wait3A_629] : memref<8x128xi32, #tpu.memory_space<vmem>> -> memref<1x128xi32, #tpu.memory_space<vmem>>
        %dma_wait3A_631 = tpu.memref_squeeze %dma_wait3A_630 : memref<1x128xi32, #tpu.memory_space<vmem>> -> memref<128xi32, #tpu.memory_space<vmem>>
        %dma_wait3A_632 = arith.constant 0 : i32
        %dma_wait3A_633 = tpu.memref_slice %arg4[%dma_wait3A_621, %dma_wait3A_632] : memref<2560x128xi32, #tpu.memory_space<hbm>> -> memref<1x128xi32, #tpu.memory_space<hbm>>
        %dma_wait3A_634 = tpu.memref_squeeze %dma_wait3A_633 : memref<1x128xi32, #tpu.memory_space<hbm>> -> memref<128xi32, #tpu.memory_space<hbm>>
        tpu.wait_dma2 semaphore(%arg23 : memref<!tpu.dma_semaphore, #tpu.memory_space<semaphore_mem>>) src(%dma_wait3A_634 : memref<128xi32, #tpu.memory_space<hbm>>) dst(%dma_wait3A_631 : memref<128xi32, #tpu.memory_space<vmem>>)
        %dma_start3A_635 = arith.constant 0 : i32
        %dma_start3A_636 = arith.constant 0 : i32
        %dma_start3A_637 = tpu.memref_slice %arg7[%dma_start3A_635, %dma_start3A_636] : memref<8x128xi32, #tpu.memory_space<vmem>> -> memref<1x128xi32, #tpu.memory_space<vmem>>
        %dma_start3A_638 = tpu.memref_squeeze %dma_start3A_637 : memref<1x128xi32, #tpu.memory_space<vmem>> -> memref<128xi32, #tpu.memory_space<vmem>>
        %dma_start3A_639 = arith.constant 0 : i32
        %dma_start3A_640 = arith.constant 0 : i32
        %dma_start3A_641 = tpu.memref_slice %arg2[%dma_start3A_639, %dma_start3A_640] : memref<10240x128xf32, #tpu.memory_space<hbm>> -> memref<10240x128xf32, #tpu.memory_space<hbm>>
        tpu.enqueue_indirect_dma source(%dma_start3A_641 : memref<10240x128xf32, #tpu.memory_space<hbm>>) target(%arg9 : memref<128x128xf32, #tpu.memory_space<vmem>>) offsets(%dma_start3A_638 : memref<128xi32, #tpu.memory_space<vmem>>) semaphore(%arg11 : memref<!tpu.dma_semaphore, #tpu.memory_space<semaphore_mem>>)
      } else {
      }
      %mul3A_567 = arith.constant 8 : i32
      %mul3A_568 = arith.muli %scan3A_393, %mul3A_567 : i32
      %add3A_569 = arith.constant 7 : i32
      %add3A_570 = arith.addi %mul3A_568, %add3A_569 : i32
      %dma_wait3A_571 = arith.constant 0 : i32
      %dma_wait3A_572 = arith.constant 0 : i32
      %dma_wait3A_573 = tpu.memref_slice %arg7[%dma_wait3A_571, %dma_wait3A_572] : memref<8x128xi32, #tpu.memory_space<vmem>> -> memref<1x128xi32, #tpu.memory_space<vmem>>
      %dma_wait3A_574 = tpu.memref_squeeze %dma_wait3A_573 : memref<1x128xi32, #tpu.memory_space<vmem>> -> memref<128xi32, #tpu.memory_space<vmem>>
      %dma_wait3A_575 = arith.constant 0 : i32
      %dma_wait3A_576 = arith.constant 0 : i32
      %dma_wait3A_577 = tpu.memref_slice %arg2[%dma_wait3A_575, %dma_wait3A_576] : memref<10240x128xf32, #tpu.memory_space<hbm>> -> memref<10240x128xf32, #tpu.memory_space<hbm>>
      tpu.wait_indirect_dma semaphore(%arg12 : memref<!tpu.dma_semaphore, #tpu.memory_space<semaphore_mem>>) src(%dma_wait3A_577 : memref<10240x128xf32, #tpu.memory_space<hbm>>) dst(%arg10 : memref<128x128xf32, #tpu.memory_space<vmem>>)
      %dma_start3A_578 = arith.constant 7 : i32
      %dma_start3A_579 = arith.constant 0 : i32
      %dma_start3A_580 = tpu.memref_slice %arg8[%dma_start3A_578, %dma_start3A_579] : memref<8x128xi32, #tpu.memory_space<vmem>> -> memref<1x128xi32, #tpu.memory_space<vmem>>
      %dma_start3A_581 = tpu.memref_squeeze %dma_start3A_580 : memref<1x128xi32, #tpu.memory_space<vmem>> -> memref<128xi32, #tpu.memory_space<vmem>>
      %dma_start3A_582 = arith.constant 0 : i32
      %dma_start3A_583 = arith.constant 0 : i32
      %dma_start3A_584 = tpu.memref_slice %arg6[%dma_start3A_582, %dma_start3A_583] : memref<10240x128xf32, #tpu.memory_space<vmem_shared>> -> memref<10240x128xf32, #tpu.memory_space<vmem_shared>>
      tpu.enqueue_indirect_dma source(%arg10 : memref<128x128xf32, #tpu.memory_space<vmem>>) target(%dma_start3A_584 : memref<10240x128xf32, #tpu.memory_space<vmem_shared>>) offsets(%dma_start3A_581 : memref<128xi32, #tpu.memory_space<vmem>>) semaphore(%arg14 : memref<!tpu.dma_semaphore, #tpu.memory_space<semaphore_mem>>) {add = true}
      %add3A_585 = arith.constant 2 : i32
      %add3A_586 = arith.addi %add3A_570, %add3A_585 : i32
      %lt3A_587 = arith.constant 80 : i32
      %lt3A_588 = arith.cmpi slt, %add3A_586, %lt3A_587 : i32
      %convert_element_type3A_589 = arith.extui %lt3A_588 : i1 to i32
      %cond3A_590 = arith.constant 0 : i32
      %cond3A_591 = arith.cmpi ne, %convert_element_type3A_589, %cond3A_590 : i32
      scf.if %cond3A_591 {
        %dma_wait3A_593 = arith.constant 0 : i32
        %dma_wait3A_594 = arith.constant 0 : i32
        %dma_wait3A_595 = tpu.memref_slice %arg8[%dma_wait3A_593, %dma_wait3A_594] : memref<8x128xi32, #tpu.memory_space<vmem>> -> memref<1x128xi32, #tpu.memory_space<vmem>>
        %dma_wait3A_596 = tpu.memref_squeeze %dma_wait3A_595 : memref<1x128xi32, #tpu.memory_space<vmem>> -> memref<128xi32, #tpu.memory_space<vmem>>
        %dma_wait3A_597 = arith.constant 0 : i32
        %dma_wait3A_598 = arith.constant 0 : i32
        %dma_wait3A_599 = tpu.memref_slice %arg6[%dma_wait3A_597, %dma_wait3A_598] : memref<10240x128xf32, #tpu.memory_space<vmem_shared>> -> memref<10240x128xf32, #tpu.memory_space<vmem_shared>>
        tpu.wait_indirect_dma semaphore(%arg14 : memref<!tpu.dma_semaphore, #tpu.memory_space<semaphore_mem>>) src(%arg10 : memref<128x128xf32, #tpu.memory_space<vmem>>) dst(%dma_wait3A_599 : memref<10240x128xf32, #tpu.memory_space<vmem_shared>>)
        %add3A_600 = arith.constant 8 : i32
        %add3A_601 = arith.addi %add3A_570, %add3A_600 : i32
        %lt3A_602 = arith.constant 80 : i32
        %lt3A_603 = arith.cmpi slt, %add3A_601, %lt3A_602 : i32
        %convert_element_type3A_604 = arith.extui %lt3A_603 : i1 to i32
        %cond3A_605 = arith.constant 0 : i32
        %cond3A_606 = arith.cmpi ne, %convert_element_type3A_604, %cond3A_605 : i32
        scf.if %cond3A_606 {
          %add3A_642 = arith.constant 8 : i32
          %add3A_643 = arith.addi %add3A_570, %add3A_642 : i32
          %mul3A_644 = arith.constant 80 : i32
          %mul3A_645 = arith.muli %add3A, %mul3A_644 : i32
          %add3A_646 = arith.addi %mul3A_645, %add3A_643 : i32
          %dma_start3A_647 = arith.constant 7 : i32
          %dma_start3A_648 = arith.constant 0 : i32
          %dma_start3A_649 = tpu.memref_slice %arg7[%dma_start3A_647, %dma_start3A_648] : memref<8x128xi32, #tpu.memory_space<vmem>> -> memref<1x128xi32, #tpu.memory_space<vmem>>
          %dma_start3A_650 = tpu.memref_squeeze %dma_start3A_649 : memref<1x128xi32, #tpu.memory_space<vmem>> -> memref<128xi32, #tpu.memory_space<vmem>>
          %dma_start3A_651 = arith.constant 0 : i32
          %dma_start3A_652 = tpu.memref_slice %arg3[%add3A_646, %dma_start3A_651] : memref<2560x128xi32, #tpu.memory_space<hbm>> -> memref<1x128xi32, #tpu.memory_space<hbm>>
          %dma_start3A_653 = tpu.memref_squeeze %dma_start3A_652 : memref<1x128xi32, #tpu.memory_space<hbm>> -> memref<128xi32, #tpu.memory_space<hbm>>
          %dma_start3A_654 = arith.constant 0 : i32
          %dma_start3A_655 = tpu.memref_slice %arg7[%dma_start3A_647, %dma_start3A_654] : memref<8x128xi32, #tpu.memory_space<vmem>> -> memref<1x128xi32, #tpu.memory_space<vmem>>
          %dma_start3A_656 = tpu.memref_squeeze %dma_start3A_655 : memref<1x128xi32, #tpu.memory_space<vmem>> -> memref<128xi32, #tpu.memory_space<vmem>>
          %dma_start3A_657 = arith.constant 0 : i32
          %dma_start3A_658 = tpu.memref_slice %arg3[%add3A_646, %dma_start3A_657] : memref<2560x128xi32, #tpu.memory_space<hbm>> -> memref<1x128xi32, #tpu.memory_space<hbm>>
          %dma_start3A_659 = tpu.memref_squeeze %dma_start3A_658 : memref<1x128xi32, #tpu.memory_space<hbm>> -> memref<128xi32, #tpu.memory_space<hbm>>
          tpu.enqueue_dma source(%dma_start3A_659 : memref<128xi32, #tpu.memory_space<hbm>>) target(%dma_start3A_656 : memref<128xi32, #tpu.memory_space<vmem>>) target_semaphore(%arg22 : memref<!tpu.dma_semaphore, #tpu.memory_space<semaphore_mem>>)
          %mul3A_660 = arith.constant 80 : i32
          %mul3A_661 = arith.muli %add3A, %mul3A_660 : i32
          %add3A_662 = arith.addi %mul3A_661, %add3A_643 : i32
          %dma_start3A_663 = arith.constant 7 : i32
          %dma_start3A_664 = arith.constant 0 : i32
          %dma_start3A_665 = tpu.memref_slice %arg8[%dma_start3A_663, %dma_start3A_664] : memref<8x128xi32, #tpu.memory_space<vmem>> -> memref<1x128xi32, #tpu.memory_space<vmem>>
          %dma_start3A_666 = tpu.memref_squeeze %dma_start3A_665 : memref<1x128xi32, #tpu.memory_space<vmem>> -> memref<128xi32, #tpu.memory_space<vmem>>
          %dma_start3A_667 = arith.constant 0 : i32
          %dma_start3A_668 = tpu.memref_slice %arg4[%add3A_662, %dma_start3A_667] : memref<2560x128xi32, #tpu.memory_space<hbm>> -> memref<1x128xi32, #tpu.memory_space<hbm>>
          %dma_start3A_669 = tpu.memref_squeeze %dma_start3A_668 : memref<1x128xi32, #tpu.memory_space<hbm>> -> memref<128xi32, #tpu.memory_space<hbm>>
          %dma_start3A_670 = arith.constant 0 : i32
          %dma_start3A_671 = tpu.memref_slice %arg8[%dma_start3A_663, %dma_start3A_670] : memref<8x128xi32, #tpu.memory_space<vmem>> -> memref<1x128xi32, #tpu.memory_space<vmem>>
          %dma_start3A_672 = tpu.memref_squeeze %dma_start3A_671 : memref<1x128xi32, #tpu.memory_space<vmem>> -> memref<128xi32, #tpu.memory_space<vmem>>
          %dma_start3A_673 = arith.constant 0 : i32
          %dma_start3A_674 = tpu.memref_slice %arg4[%add3A_662, %dma_start3A_673] : memref<2560x128xi32, #tpu.memory_space<hbm>> -> memref<1x128xi32, #tpu.memory_space<hbm>>
          %dma_start3A_675 = tpu.memref_squeeze %dma_start3A_674 : memref<1x128xi32, #tpu.memory_space<hbm>> -> memref<128xi32, #tpu.memory_space<hbm>>
          tpu.enqueue_dma source(%dma_start3A_675 : memref<128xi32, #tpu.memory_space<hbm>>) target(%dma_start3A_672 : memref<128xi32, #tpu.memory_space<vmem>>) target_semaphore(%arg30 : memref<!tpu.dma_semaphore, #tpu.memory_space<semaphore_mem>>)
        } else {
        }
        %dma_wait3A_607 = arith.constant 0 : i32
        %dma_wait3A_608 = arith.constant 0 : i32
        %dma_wait3A_609 = arith.constant 0 : i32
        %dma_wait3A_610 = tpu.memref_slice %arg7[%dma_wait3A_608, %dma_wait3A_609] : memref<8x128xi32, #tpu.memory_space<vmem>> -> memref<1x128xi32, #tpu.memory_space<vmem>>
        %dma_wait3A_611 = tpu.memref_squeeze %dma_wait3A_610 : memref<1x128xi32, #tpu.memory_space<vmem>> -> memref<128xi32, #tpu.memory_space<vmem>>
        %dma_wait3A_612 = arith.constant 0 : i32
        %dma_wait3A_613 = tpu.memref_slice %arg3[%dma_wait3A_607, %dma_wait3A_612] : memref<2560x128xi32, #tpu.memory_space<hbm>> -> memref<1x128xi32, #tpu.memory_space<hbm>>
        %dma_wait3A_614 = tpu.memref_squeeze %dma_wait3A_613 : memref<1x128xi32, #tpu.memory_space<hbm>> -> memref<128xi32, #tpu.memory_space<hbm>>
        %dma_wait3A_615 = arith.constant 0 : i32
        %dma_wait3A_616 = tpu.memref_slice %arg7[%dma_wait3A_608, %dma_wait3A_615] : memref<8x128xi32, #tpu.memory_space<vmem>> -> memref<1x128xi32, #tpu.memory_space<vmem>>
        %dma_wait3A_617 = tpu.memref_squeeze %dma_wait3A_616 : memref<1x128xi32, #tpu.memory_space<vmem>> -> memref<128xi32, #tpu.memory_space<vmem>>
        %dma_wait3A_618 = arith.constant 0 : i32
        %dma_wait3A_619 = tpu.memref_slice %arg3[%dma_wait3A_607, %dma_wait3A_618] : memref<2560x128xi32, #tpu.memory_space<hbm>> -> memref<1x128xi32, #tpu.memory_space<hbm>>
        %dma_wait3A_620 = tpu.memref_squeeze %dma_wait3A_619 : memref<1x128xi32, #tpu.memory_space<hbm>> -> memref<128xi32, #tpu.memory_space<hbm>>
        tpu.wait_dma2 semaphore(%arg16 : memref<!tpu.dma_semaphore, #tpu.memory_space<semaphore_mem>>) src(%dma_wait3A_620 : memref<128xi32, #tpu.memory_space<hbm>>) dst(%dma_wait3A_617 : memref<128xi32, #tpu.memory_space<vmem>>)
        %dma_wait3A_621 = arith.constant 0 : i32
        %dma_wait3A_622 = arith.constant 0 : i32
        %dma_wait3A_623 = arith.constant 0 : i32
        %dma_wait3A_624 = tpu.memref_slice %arg8[%dma_wait3A_622, %dma_wait3A_623] : memref<8x128xi32, #tpu.memory_space<vmem>> -> memref<1x128xi32, #tpu.memory_space<vmem>>
        %dma_wait3A_625 = tpu.memref_squeeze %dma_wait3A_624 : memref<1x128xi32, #tpu.memory_space<vmem>> -> memref<128xi32, #tpu.memory_space<vmem>>
        %dma_wait3A_626 = arith.constant 0 : i32
        %dma_wait3A_627 = tpu.memref_slice %arg4[%dma_wait3A_621, %dma_wait3A_626] : memref<2560x128xi32, #tpu.memory_space<hbm>> -> memref<1x128xi32, #tpu.memory_space<hbm>>
        %dma_wait3A_628 = tpu.memref_squeeze %dma_wait3A_627 : memref<1x128xi32, #tpu.memory_space<hbm>> -> memref<128xi32, #tpu.memory_space<hbm>>
        %dma_wait3A_629 = arith.constant 0 : i32
        %dma_wait3A_630 = tpu.memref_slice %arg8[%dma_wait3A_622, %dma_wait3A_629] : memref<8x128xi32, #tpu.memory_space<vmem>> -> memref<1x128xi32, #tpu.memory_space<vmem>>
        %dma_wait3A_631 = tpu.memref_squeeze %dma_wait3A_630 : memref<1x128xi32, #tpu.memory_space<vmem>> -> memref<128xi32, #tpu.memory_space<vmem>>
        %dma_wait3A_632 = arith.constant 0 : i32
        %dma_wait3A_633 = tpu.memref_slice %arg4[%dma_wait3A_621, %dma_wait3A_632] : memref<2560x128xi32, #tpu.memory_space<hbm>> -> memref<1x128xi32, #tpu.memory_space<hbm>>
        %dma_wait3A_634 = tpu.memref_squeeze %dma_wait3A_633 : memref<1x128xi32, #tpu.memory_space<hbm>> -> memref<128xi32, #tpu.memory_space<hbm>>
        tpu.wait_dma2 semaphore(%arg24 : memref<!tpu.dma_semaphore, #tpu.memory_space<semaphore_mem>>) src(%dma_wait3A_634 : memref<128xi32, #tpu.memory_space<hbm>>) dst(%dma_wait3A_631 : memref<128xi32, #tpu.memory_space<vmem>>)
        %dma_start3A_635 = arith.constant 1 : i32
        %dma_start3A_636 = arith.constant 0 : i32
        %dma_start3A_637 = tpu.memref_slice %arg7[%dma_start3A_635, %dma_start3A_636] : memref<8x128xi32, #tpu.memory_space<vmem>> -> memref<1x128xi32, #tpu.memory_space<vmem>>
        %dma_start3A_638 = tpu.memref_squeeze %dma_start3A_637 : memref<1x128xi32, #tpu.memory_space<vmem>> -> memref<128xi32, #tpu.memory_space<vmem>>
        %dma_start3A_639 = arith.constant 0 : i32
        %dma_start3A_640 = arith.constant 0 : i32
        %dma_start3A_641 = tpu.memref_slice %arg2[%dma_start3A_639, %dma_start3A_640] : memref<10240x128xf32, #tpu.memory_space<hbm>> -> memref<10240x128xf32, #tpu.memory_space<hbm>>
        tpu.enqueue_indirect_dma source(%dma_start3A_641 : memref<10240x128xf32, #tpu.memory_space<hbm>>) target(%arg10 : memref<128x128xf32, #tpu.memory_space<vmem>>) offsets(%dma_start3A_638 : memref<128xi32, #tpu.memory_space<vmem>>) semaphore(%arg12 : memref<!tpu.dma_semaphore, #tpu.memory_space<semaphore_mem>>)
      } else {
      }
      %scan3A_592 = arith.constant 0 : i32
      scf.yield %scan3A_592 : i32
    }
    %scan3A_373 = arith.constant 10 : i32
    %dma_wait3A_374 = arith.constant 0 : i32
    %dma_wait3A_375 = arith.constant 0 : i32
    %dma_wait3A_376 = tpu.memref_slice %arg8[%dma_wait3A_374, %dma_wait3A_375] : memref<8x128xi32, #tpu.memory_space<vmem>> -> memref<1x128xi32, #tpu.memory_space<vmem>>
    %dma_wait3A_377 = tpu.memref_squeeze %dma_wait3A_376 : memref<1x128xi32, #tpu.memory_space<vmem>> -> memref<128xi32, #tpu.memory_space<vmem>>
    %dma_wait3A_378 = arith.constant 0 : i32
    %dma_wait3A_379 = arith.constant 0 : i32
    %dma_wait3A_380 = tpu.memref_slice %arg6[%dma_wait3A_378, %dma_wait3A_379] : memref<10240x128xf32, #tpu.memory_space<vmem_shared>> -> memref<10240x128xf32, #tpu.memory_space<vmem_shared>>
    tpu.wait_indirect_dma semaphore(%arg13 : memref<!tpu.dma_semaphore, #tpu.memory_space<semaphore_mem>>) src(%arg9 : memref<128x128xf32, #tpu.memory_space<vmem>>) dst(%dma_wait3A_380 : memref<10240x128xf32, #tpu.memory_space<vmem_shared>>)
    %dma_wait3A_381 = arith.constant 0 : i32
    %dma_wait3A_382 = arith.constant 0 : i32
    %dma_wait3A_383 = tpu.memref_slice %arg8[%dma_wait3A_381, %dma_wait3A_382] : memref<8x128xi32, #tpu.memory_space<vmem>> -> memref<1x128xi32, #tpu.memory_space<vmem>>
    %dma_wait3A_384 = tpu.memref_squeeze %dma_wait3A_383 : memref<1x128xi32, #tpu.memory_space<vmem>> -> memref<128xi32, #tpu.memory_space<vmem>>
    %dma_wait3A_385 = arith.constant 0 : i32
    %dma_wait3A_386 = arith.constant 0 : i32
    %dma_wait3A_387 = tpu.memref_slice %arg6[%dma_wait3A_385, %dma_wait3A_386] : memref<10240x128xf32, #tpu.memory_space<vmem_shared>> -> memref<10240x128xf32, #tpu.memory_space<vmem_shared>>
    tpu.wait_indirect_dma semaphore(%arg14 : memref<!tpu.dma_semaphore, #tpu.memory_space<semaphore_mem>>) src(%arg10 : memref<128x128xf32, #tpu.memory_space<vmem>>) dst(%dma_wait3A_387 : memref<10240x128xf32, #tpu.memory_space<vmem_shared>>)
    %barrier3A_388 = arith.constant 0 : index
    tpu.barrier barrier_id(%barrier3A_388)
    %mul3A_389 = arith.constant 640 : i32
    %mul3A_390 = arith.muli %arg1, %mul3A_389 : i32
    %mul3A_391 = arith.constant 640 : i32
    %mul3A_392 = arith.muli %arg1, %mul3A_391 : i32
    "tpu.region"() ({
      %run_scoped3A = tpu.sem_alloc : memref<!tpu.dma_semaphore, #tpu.memory_space<semaphore_mem>>
      %dma_start3A_393 = arith.constant 0 : i32
      %dma_start3A_394 = tpu.memref_slice %arg5[%arg0, %mul3A_392, %dma_start3A_393] : memref<2x10240x128xf32, #tpu.memory_space<hbm>> -> memref<1x640x128xf32, #tpu.memory_space<hbm>>
      %dma_start3A_395 = tpu.memref_squeeze %dma_start3A_394 : memref<1x640x128xf32, #tpu.memory_space<hbm>> -> memref<640x128xf32, #tpu.memory_space<hbm>>
      %dma_start3A_396 = arith.constant 0 : i32
      %dma_start3A_397 = tpu.memref_slice %arg6[%mul3A_390, %dma_start3A_396] : memref<10240x128xf32, #tpu.memory_space<vmem_shared>> -> memref<640x128xf32, #tpu.memory_space<vmem_shared>>
      tpu.enqueue_dma source(%dma_start3A_397 : memref<640x128xf32, #tpu.memory_space<vmem_shared>>) target(%dma_start3A_395 : memref<640x128xf32, #tpu.memory_space<hbm>>) target_semaphore(%run_scoped3A : memref<!tpu.dma_semaphore, #tpu.memory_space<semaphore_mem>>)
      %dma_wait3A_398 = arith.constant 0 : i32
      %dma_wait3A_399 = tpu.memref_slice %arg5[%arg0, %mul3A_392, %dma_wait3A_398] : memref<2x10240x128xf32, #tpu.memory_space<hbm>> -> memref<1x640x128xf32, #tpu.memory_space<hbm>>
      %dma_wait3A_400 = tpu.memref_squeeze %dma_wait3A_399 : memref<1x640x128xf32, #tpu.memory_space<hbm>> -> memref<640x128xf32, #tpu.memory_space<hbm>>
      %dma_wait3A_401 = arith.constant 0 : i32
      %dma_wait3A_402 = tpu.memref_slice %arg6[%mul3A_390, %dma_wait3A_401] : memref<10240x128xf32, #tpu.memory_space<vmem_shared>> -> memref<640x128xf32, #tpu.memory_space<vmem_shared>>
      tpu.wait_dma2 semaphore(%run_scoped3A : memref<!tpu.dma_semaphore, #tpu.memory_space<semaphore_mem>>) src(%dma_wait3A_402 : memref<640x128xf32, #tpu.memory_space<vmem_shared>>) dst(%dma_wait3A_400 : memref<640x128xf32, #tpu.memory_space<hbm>>)
      tpu.yield
    }) : () -> ()
    return
  }
}

module attributes {stable_mosaic.version = 14 : i64} {
  func.func @body(%arg0: i32, %arg1: memref<1024x128xf32, #tpu.memory_space<vmem>>, %arg2: memref<128x128xf32, #tpu.memory_space<vmem>>, %arg3: memref<2x1024x16xf32, #tpu.memory_space<vmem>>, %arg4: memref<1024x128xf32, #tpu.memory_space<vmem>>) attributes {dimension_semantics = [#tpu.dimension_semantics<arbitrary>], iteration_bounds = array<i64: 10>, scalar_prefetch = 0 : i64, scratch_operands = 0 : i64, tpu.core_type = #tpu.core_type<tc>, window_params = [{transform_indices = @transform_0, window_bounds = array<i64: 1024, 128>}, {pipeline_mode = #tpu.pipeline_mode<synchronous>, transform_indices = @transform_1, window_bounds = array<i64: 128, 128>}, {transform_indices = @transform_2, window_bounds = array<i64: 2, 1024, 16>}, {transform_indices = @transform_3, window_bounds = array<i64: 1024, 128>}]} {
    %get3A = arith.constant 0 : index
    %get3A_0 = arith.constant 0 : index
    %get3A_1 = arith.constant 0 : index
    %get3A_2 = vector.load %arg3[%get3A, %get3A_0, %get3A_1] : memref<2x1024x16xf32, #tpu.memory_space<vmem>>, vector<1x1024x1xf32>
    %get3A_3 = vector.shape_cast %get3A_2 : vector<1x1024x1xf32> to vector<1024xf32>
    %get3A_4 = arith.constant 1 : index
    %get3A_5 = arith.constant 0 : index
    %get3A_6 = arith.constant 0 : index
    %get3A_7 = vector.load %arg3[%get3A_4, %get3A_5, %get3A_6] : memref<2x1024x16xf32, #tpu.memory_space<vmem>>, vector<1x1024x1xf32>
    %get3A_8 = vector.shape_cast %get3A_7 : vector<1x1024x1xf32> to vector<1024xf32>
    %add3A = arith.addf %get3A_3, %get3A_8 : vector<1024xf32>
    %add3A_9 = arith.constant 1.000000e+00 : f32
    %add3A_10 = vector.broadcast %add3A_9 : f32 to vector<1024xf32>
    %add3A_11 = arith.addf %add3A, %add3A_10 : vector<1024xf32>
    %rsqrt3A = math.rsqrt %add3A_11 : vector<1024xf32>
    %broadcast_in_dim3A = vector.shape_cast %rsqrt3A : vector<1024xf32> to vector<1024x1xf32>
    %get3A_12 = arith.constant 0 : index
    %get3A_13 = arith.constant 0 : index
    %get3A_14 = vector.load %arg1[%get3A_12, %get3A_13] : memref<1024x128xf32, #tpu.memory_space<vmem>>, vector<1024x128xf32>
    %get3A_15 = arith.constant 0 : index
    %get3A_16 = arith.constant 0 : index
    %get3A_17 = vector.load %arg2[%get3A_15, %get3A_16] : memref<128x128xf32, #tpu.memory_space<vmem>>, vector<128x128xf32>
    %dot_general3A = arith.constant dense<0.000000e+00> : vector<1024x128xf32>
    %dot_general3A_18 = tpu.matmul %get3A_14, %get3A_17, %dot_general3A {dimension_numbers = #tpu.dot_dimension_numbers<[1], [0], [0], [1], [0, 0, 1, 1], [], []>, transpose_lhs_hint = false} : vector<1024x128xf32>, vector<128x128xf32>, vector<1024x128xf32> -> vector<1024x128xf32>
    %mul3A = vector.broadcast %broadcast_in_dim3A : vector<1024x1xf32> to vector<1024x128xf32>
    %mul3A_19 = arith.mulf %mul3A, %dot_general3A_18 : vector<1024x128xf32>
    %swap3A = arith.constant 0 : index
    %swap3A_20 = arith.constant 0 : index
    %swap3A_21 = vector.load %arg4[%swap3A, %swap3A_20] : memref<1024x128xf32, #tpu.memory_space<vmem>>, vector<1024x128xf32>
    tpu.vector_store %arg4[%swap3A, %swap3A_20], %mul3A_19 {strides = array<i32>} : memref<1024x128xf32, #tpu.memory_space<vmem>>, vector<1024x128xf32>,
    return
  }
  func.func @transform_0(%arg0: i32) -> (i32, i32) {
    %c0_i32 = arith.constant 0 : i32
    %c0_i32_0 = arith.constant 0 : i32
    return %arg0, %c0_i32 : i32, i32
  }
  func.func @transform_1(%arg0: i32) -> (i32, i32) {
    %c0_i32 = arith.constant 0 : i32
    %c0_i32_0 = arith.constant 0 : i32
    %c0_i32_1 = arith.constant 0 : i32
    return %c0_i32, %c0_i32_0 : i32, i32
  }
  func.func @transform_2(%arg0: i32) -> (i32, i32, i32) {
    %c0_i32 = arith.constant 0 : i32
    %c0_i32_0 = arith.constant 0 : i32
    %c0_i32_1 = arith.constant 0 : i32
    return %c0_i32, %arg0, %c0_i32_0 : i32, i32, i32
  }
  func.func @transform_3(%arg0: i32) -> (i32, i32) {
    %c0_i32 = arith.constant 0 : i32
    %c0_i32_0 = arith.constant 0 : i32
    return %arg0, %c0_i32 : i32, i32
  }
}

module attributes {stable_mosaic.version = 14 : i64} {
  func.func @body(%arg0: i32, %arg1: memref<2x1024x128xf32, #tpu.memory_space<vmem>>, %arg2: memref<1024x128xf32, #tpu.memory_space<vmem>>, %arg3: memref<2x1024x16xf32, #tpu.memory_space<vmem>>, %arg4: memref<128x128xf32, #tpu.memory_space<vmem>>, %arg5: memref<1x128xf32, #tpu.memory_space<vmem>>, %arg6: memref<1024x128xf32, #tpu.memory_space<vmem>>) attributes {dimension_semantics = [#tpu.dimension_semantics<arbitrary>], iteration_bounds = array<i64: 10>, scalar_prefetch = 0 : i64, scratch_operands = 0 : i64, tpu.core_type = #tpu.core_type<tc>, window_params = [{transform_indices = @transform_0, window_bounds = array<i64: 2, 1024, 128>}, {transform_indices = @transform_1, window_bounds = array<i64: 1024, 128>}, {transform_indices = @transform_2, window_bounds = array<i64: 2, 1024, 16>}, {pipeline_mode = #tpu.pipeline_mode<synchronous>, transform_indices = @transform_3, window_bounds = array<i64: 128, 128>}, {pipeline_mode = #tpu.pipeline_mode<synchronous>, transform_indices = @transform_4, window_bounds = array<i64: 1, 128>}, {transform_indices = @transform_5, window_bounds = array<i64: 1024, 128>}]} {
    %get3A = arith.constant 0 : index
    %get3A_0 = arith.constant 0 : index
    %get3A_1 = arith.constant 0 : index
    %get3A_2 = vector.load %arg3[%get3A, %get3A_0, %get3A_1] : memref<2x1024x16xf32, #tpu.memory_space<vmem>>, vector<1x1024x1xf32>
    %get3A_3 = vector.shape_cast %get3A_2 : vector<1x1024x1xf32> to vector<1024xf32>
    %get3A_4 = arith.constant 1 : index
    %get3A_5 = arith.constant 0 : index
    %get3A_6 = arith.constant 0 : index
    %get3A_7 = vector.load %arg3[%get3A_4, %get3A_5, %get3A_6] : memref<2x1024x16xf32, #tpu.memory_space<vmem>>, vector<1x1024x1xf32>
    %get3A_8 = vector.shape_cast %get3A_7 : vector<1x1024x1xf32> to vector<1024xf32>
    %add3A = arith.addf %get3A_3, %get3A_8 : vector<1024xf32>
    %add3A_9 = arith.constant 1.000000e+00 : f32
    %add3A_10 = vector.broadcast %add3A_9 : f32 to vector<1024xf32>
    %add3A_11 = arith.addf %add3A, %add3A_10 : vector<1024xf32>
    %rsqrt3A = math.rsqrt %add3A_11 : vector<1024xf32>
    %broadcast_in_dim3A = vector.shape_cast %rsqrt3A : vector<1024xf32> to vector<1024x1xf32>
    %get3A_12 = arith.constant 0 : index
    %get3A_13 = arith.constant 0 : index
    %get3A_14 = arith.constant 0 : index
    %get3A_15 = vector.load %arg1[%get3A_12, %get3A_13, %get3A_14] : memref<2x1024x128xf32, #tpu.memory_space<vmem>>, vector<1x1024x128xf32>
    %get3A_16 = vector.shape_cast %get3A_15 : vector<1x1024x128xf32> to vector<1024x128xf32>
    %get3A_17 = arith.constant 1 : index
    %get3A_18 = arith.constant 0 : index
    %get3A_19 = arith.constant 0 : index
    %get3A_20 = vector.load %arg1[%get3A_17, %get3A_18, %get3A_19] : memref<2x1024x128xf32, #tpu.memory_space<vmem>>, vector<1x1024x128xf32>
    %get3A_21 = vector.shape_cast %get3A_20 : vector<1x1024x128xf32> to vector<1024x128xf32>
    %add3A_22 = arith.addf %get3A_16, %get3A_21 : vector<1024x128xf32>
    %get3A_23 = arith.constant 0 : index
    %get3A_24 = arith.constant 0 : index
    %get3A_25 = vector.load %arg2[%get3A_23, %get3A_24] : memref<1024x128xf32, #tpu.memory_space<vmem>>, vector<1024x128xf32>
    %add3A_26 = arith.addf %add3A_22, %get3A_25 : vector<1024x128xf32>
    %mul3A = vector.broadcast %broadcast_in_dim3A : vector<1024x1xf32> to vector<1024x128xf32>
    %mul3A_27 = arith.mulf %mul3A, %add3A_26 : vector<1024x128xf32>
    %get3A_28 = arith.constant 0 : index
    %get3A_29 = arith.constant 0 : index
    %get3A_30 = vector.load %arg5[%get3A_28, %get3A_29] : memref<1x128xf32, #tpu.memory_space<vmem>>, vector<1x128xf32>
    %add3A_31 = vector.broadcast %get3A_30 : vector<1x128xf32> to vector<1024x128xf32>
    %add3A_32 = arith.addf %mul3A_27, %add3A_31 : vector<1024x128xf32>
    %max3A = arith.constant 0.000000e+00 : f32
    %max3A_33 = vector.broadcast %max3A : f32 to vector<1024x128xf32>
    %max3A_34 = arith.maximumf %add3A_32, %max3A_33 : vector<1024x128xf32>
    %broadcast_in_dim3A_35 = vector.shape_cast %rsqrt3A : vector<1024xf32> to vector<1024x1xf32>
    %get3A_36 = arith.constant 0 : index
    %get3A_37 = arith.constant 0 : index
    %get3A_38 = vector.load %arg4[%get3A_36, %get3A_37] : memref<128x128xf32, #tpu.memory_space<vmem>>, vector<128x128xf32>
    %dot_general3A = arith.constant dense<0.000000e+00> : vector<1024x128xf32>
    %dot_general3A_39 = tpu.matmul %max3A_34, %get3A_38, %dot_general3A {dimension_numbers = #tpu.dot_dimension_numbers<[1], [0], [0], [1], [0, 0, 1, 1], [], []>, transpose_lhs_hint = false} : vector<1024x128xf32>, vector<128x128xf32>, vector<1024x128xf32> -> vector<1024x128xf32>
    %mul3A_40 = vector.broadcast %broadcast_in_dim3A_35 : vector<1024x1xf32> to vector<1024x128xf32>
    %mul3A_41 = arith.mulf %mul3A_40, %dot_general3A_39 : vector<1024x128xf32>
    %swap3A = arith.constant 0 : index
    %swap3A_42 = arith.constant 0 : index
    %swap3A_43 = vector.load %arg6[%swap3A, %swap3A_42] : memref<1024x128xf32, #tpu.memory_space<vmem>>, vector<1024x128xf32>
    tpu.vector_store %arg6[%swap3A, %swap3A_42], %mul3A_41 {strides = array<i32>} : memref<1024x128xf32, #tpu.memory_space<vmem>>, vector<1024x128xf32>,
    return
  }
  func.func @transform_0(%arg0: i32) -> (i32, i32, i32) {
    %c0_i32 = arith.constant 0 : i32
    %c0_i32_0 = arith.constant 0 : i32
    %c0_i32_1 = arith.constant 0 : i32
    return %c0_i32, %arg0, %c0_i32_0 : i32, i32, i32
  }
  func.func @transform_1(%arg0: i32) -> (i32, i32) {
    %c0_i32 = arith.constant 0 : i32
    %c0_i32_0 = arith.constant 0 : i32
    return %arg0, %c0_i32 : i32, i32
  }
  func.func @transform_2(%arg0: i32) -> (i32, i32, i32) {
    %c0_i32 = arith.constant 0 : i32
    %c0_i32_0 = arith.constant 0 : i32
    %c0_i32_1 = arith.constant 0 : i32
    return %c0_i32, %arg0, %c0_i32_0 : i32, i32, i32
  }
  func.func @transform_3(%arg0: i32) -> (i32, i32) {
    %c0_i32 = arith.constant 0 : i32
    %c0_i32_0 = arith.constant 0 : i32
    %c0_i32_1 = arith.constant 0 : i32
    return %c0_i32, %c0_i32_0 : i32, i32
  }
  func.func @transform_4(%arg0: i32) -> (i32, i32) {
    %c0_i32 = arith.constant 0 : i32
    %c0_i32_0 = arith.constant 0 : i32
    %c0_i32_1 = arith.constant 0 : i32
    return %c0_i32, %c0_i32_0 : i32, i32
  }
  func.func @transform_5(%arg0: i32) -> (i32, i32) {
    %c0_i32 = arith.constant 0 : i32
    %c0_i32_0 = arith.constant 0 : i32
    return %arg0, %c0_i32 : i32, i32
  }
}

module attributes {stable_mosaic.version = 14 : i64} {
  func.func @body(%arg0: i32, %arg1: memref<1024x128xf32, #tpu.memory_space<vmem>>, %arg2: memref<8x128xf32, #tpu.memory_space<vmem>>, %arg3: memref<1024x1xi32, #tpu.memory_space<vmem>>, %arg4: memref<128x128xf32, #tpu.memory_space<vmem>>, %arg5: memref<1x128xf32, #tpu.memory_space<vmem>>, %arg6: memref<128x128xf32, #tpu.memory_space<vmem>>, %arg7: memref<1x128xf32, #tpu.memory_space<vmem>>, %arg8: memref<128x128xf32, #tpu.memory_space<vmem>>, %arg9: memref<8x128xf32, #tpu.memory_space<vmem>>) attributes {dimension_semantics = [#tpu.dimension_semantics<arbitrary>], iteration_bounds = array<i64: 10>, scalar_prefetch = 0 : i64, scratch_operands = 0 : i64, tpu.core_type = #tpu.core_type<tc>, window_params = [{transform_indices = @transform_0, window_bounds = array<i64: 1024, 128>}, {pipeline_mode = #tpu.pipeline_mode<synchronous>, transform_indices = @transform_1, window_bounds = array<i64: 8, 128>}, {transform_indices = @transform_2, window_bounds = array<i64: 1024, 1>}, {pipeline_mode = #tpu.pipeline_mode<synchronous>, transform_indices = @transform_3, window_bounds = array<i64: 128, 128>}, {pipeline_mode = #tpu.pipeline_mode<synchronous>, transform_indices = @transform_4, window_bounds = array<i64: 1, 128>}, {pipeline_mode = #tpu.pipeline_mode<synchronous>, transform_indices = @transform_5, window_bounds = array<i64: 128, 128>}, {pipeline_mode = #tpu.pipeline_mode<synchronous>, transform_indices = @transform_6, window_bounds = array<i64: 1, 128>}, {pipeline_mode = #tpu.pipeline_mode<synchronous>, transform_indices = @transform_7, window_bounds = array<i64: 128, 128>}, {pipeline_mode = #tpu.pipeline_mode<synchronous>, transform_indices = @transform_8, window_bounds = array<i64: 8, 128>}]} {
    %get3A = arith.constant 0 : index
    %get3A_0 = arith.constant 0 : index
    %get3A_1 = vector.load %arg1[%get3A, %get3A_0] : memref<1024x128xf32, #tpu.memory_space<vmem>>, vector<1024x128xf32>
    %get3A_2 = arith.constant 0 : index
    %get3A_3 = arith.constant 0 : index
    %get3A_4 = vector.load %arg4[%get3A_2, %get3A_3] : memref<128x128xf32, #tpu.memory_space<vmem>>, vector<128x128xf32>
    %dot_general3A = arith.constant dense<0.000000e+00> : vector<1024x128xf32>
    %dot_general3A_5 = tpu.matmul %get3A_1, %get3A_4, %dot_general3A {dimension_numbers = #tpu.dot_dimension_numbers<[1], [0], [0], [1], [0, 0, 1, 1], [], []>, transpose_lhs_hint = false} : vector<1024x128xf32>, vector<128x128xf32>, vector<1024x128xf32> -> vector<1024x128xf32>
    %slice3A = vector.extract_strided_slice %dot_general3A_5 {offsets = [0, 0], sizes = [1024, 1], strides = [1, 1]} : vector<1024x128xf32> to vector<1024x1xf32>
    %squeeze3A = vector.shape_cast %slice3A : vector<1024x1xf32> to vector<1024xf32>
    %get3A_6 = arith.constant 0 : index
    %get3A_7 = arith.constant 0 : index
    %get3A_8 = vector.load %arg5[%get3A_6, %get3A_7] : memref<1x128xf32, #tpu.memory_space<vmem>>, vector<1x1xf32>
    %get3A_9 = vector.extract %get3A_8[0, 0] : f32 from vector<1x1xf32>
    %add3A = vector.broadcast %get3A_9 : f32 to vector<1024xf32>
    %add3A_10 = arith.addf %squeeze3A, %add3A : vector<1024xf32>
    %get3A_11 = arith.constant 0 : index
    %get3A_12 = arith.constant 0 : index
    %get3A_13 = vector.load %arg2[%get3A_11, %get3A_12] : memref<8x128xf32, #tpu.memory_space<vmem>>, vector<1x128xf32>
    %get3A_14 = vector.shape_cast %get3A_13 : vector<1x128xf32> to vector<128xf32>
    %is_finite3A = tpu.weird %get3A_14 : vector<128xf32> -> vector<128xi1>
    %is_finite3A_15 = arith.constant dense<true> : vector<128xi1>
    %is_finite3A_16 = arith.xori %is_finite3A, %is_finite3A_15 : vector<128xi1>
    %jit3A = arith.constant 0.000000e+00 : f32
    %broadcast_in_dim3A = vector.broadcast %jit3A : f32 to vector<128xf32>
    %select_n3A = arith.select %is_finite3A_16, %get3A_14, %broadcast_in_dim3A : vector<128xi1>, vector<128xf32>
    %iota3A = tpu.iota {dimensions = array<i32: 1>} : vector<1024x128xi32>
    %get3A_17 = arith.constant 0 : index
    %get3A_18 = arith.constant 0 : index
    %get3A_19 = vector.load %arg3[%get3A_17, %get3A_18] : memref<1024x1xi32, #tpu.memory_space<vmem>>, vector<1024x1xi32>
    %eq3A = vector.broadcast %get3A_19 : vector<1024x1xi32> to vector<1024x128xi32>
    %eq3A_20 = arith.cmpi eq, %eq3A, %iota3A : vector<1024x128xi32>
    %convert_element_type3A = arith.extui %eq3A_20 : vector<1024x128xi1> to vector<1024x128xi32>
    %convert_element_type3A_21 = arith.sitofp %convert_element_type3A : vector<1024x128xi32> to vector<1024x128xf32>
    %dot_general3A_22 = arith.constant dense<0.000000e+00> : vector<1024xf32>
    %dot_general3A_23 = tpu.matmul %convert_element_type3A_21, %select_n3A, %dot_general3A_22 {dimension_numbers = #tpu.dot_dimension_numbers<[1], [0], [0], [], [0, 0], [], []>, transpose_lhs_hint = false} : vector<1024x128xf32>, vector<128xf32>, vector<1024xf32> -> vector<1024xf32>
    %sub3A = arith.subf %add3A_10, %dot_general3A_23 : vector<1024xf32>
    %exp3A = math.exp %sub3A : vector<1024xf32>
    %get3A_24 = arith.constant 0 : index
    %get3A_25 = arith.constant 0 : index
    %get3A_26 = vector.load %arg6[%get3A_24, %get3A_25] : memref<128x128xf32, #tpu.memory_space<vmem>>, vector<128x128xf32>
    %dot_general3A_27 = arith.constant dense<0.000000e+00> : vector<1024x128xf32>
    %dot_general3A_28 = tpu.matmul %get3A_1, %get3A_26, %dot_general3A_27 {dimension_numbers = #tpu.dot_dimension_numbers<[1], [0], [0], [1], [0, 0, 1, 1], [], []>, transpose_lhs_hint = false} : vector<1024x128xf32>, vector<128x128xf32>, vector<1024x128xf32> -> vector<1024x128xf32>
    %get3A_29 = arith.constant 0 : index
    %get3A_30 = arith.constant 0 : index
    %get3A_31 = vector.load %arg7[%get3A_29, %get3A_30] : memref<1x128xf32, #tpu.memory_space<vmem>>, vector<1x128xf32>
    %add3A_32 = vector.broadcast %get3A_31 : vector<1x128xf32> to vector<1024x128xf32>
    %add3A_33 = arith.addf %dot_general3A_28, %add3A_32 : vector<1024x128xf32>
    %broadcast_in_dim3A_34 = vector.shape_cast %exp3A : vector<1024xf32> to vector<1024x1xf32>
    %mul3A = vector.broadcast %broadcast_in_dim3A_34 : vector<1024x1xf32> to vector<1024x128xf32>
    %mul3A_35 = arith.mulf %mul3A, %add3A_33 : vector<1024x128xf32>
    %dot_general3A_36 = arith.constant dense<0.000000e+00> : vector<128x128xf32>
    %dot_general3A_37 = tpu.matmul %convert_element_type3A_21, %mul3A_35, %dot_general3A_36 {dimension_numbers = #tpu.dot_dimension_numbers<[0], [0], [1], [1], [0, 1, 1, 1], [], []>, transpose_lhs_hint = false} : vector<1024x128xf32>, vector<1024x128xf32>, vector<128x128xf32> -> vector<128x128xf32>
    %broadcast_in_dim3A_38 = vector.shape_cast %exp3A : vector<1024xf32> to vector<1024x1xf32>
    %mul3A_39 = vector.broadcast %broadcast_in_dim3A_38 : vector<1024x1xf32> to vector<1024x128xf32>
    %mul3A_40 = arith.mulf %convert_element_type3A_21, %mul3A_39 : vector<1024x128xf32>
    %reduce_sum3A = arith.constant dense<0.000000e+00> : vector<128xf32>
    %reduce_sum3A_41 = vector.multi_reduction <add>, %mul3A_40, %reduce_sum3A [0] : vector<1024x128xf32> to vector<128xf32>
    %eq3A_42 = arith.constant 0 : i32
    %eq3A_43 = arith.cmpi eq, %arg0, %eq3A_42 : i32
    %convert_element_type3A_44 = arith.extui %eq3A_43 : i1 to i32
    %cond3A = arith.constant 0 : i32
    %cond3A_45 = arith.cmpi ne, %convert_element_type3A_44, %cond3A : i32
    scf.if %cond3A_45 {
      %broadcast_in_dim3A_61 = arith.constant 0.000000e+00 : f32
      %broadcast_in_dim3A_62 = vector.broadcast %broadcast_in_dim3A_61 : f32 to vector<128x128xf32>
      %swap3A_63 = arith.constant 0 : index
      %swap3A_64 = arith.constant 0 : index
      %swap3A_65 = vector.load %arg8[%swap3A_63, %swap3A_64] : memref<128x128xf32, #tpu.memory_space<vmem>>, vector<128x128xf32>
      tpu.vector_store %arg8[%swap3A_63, %swap3A_64], %broadcast_in_dim3A_62 {strides = array<i32>} : memref<128x128xf32, #tpu.memory_space<vmem>>, vector<128x128xf32>,
      %broadcast_in_dim3A_66 = arith.constant 0.000000e+00 : f32
      %broadcast_in_dim3A_67 = vector.broadcast %broadcast_in_dim3A_66 : f32 to vector<8x128xf32>
      %swap3A_68 = arith.constant 0 : index
      %swap3A_69 = arith.constant 0 : index
      %swap3A_70 = vector.load %arg9[%swap3A_68, %swap3A_69] : memref<8x128xf32, #tpu.memory_space<vmem>>, vector<8x128xf32>
      tpu.vector_store %arg9[%swap3A_68, %swap3A_69], %broadcast_in_dim3A_67 {strides = array<i32>} : memref<8x128xf32, #tpu.memory_space<vmem>>, vector<8x128xf32>,
    } else {
    }
    %get3A_46 = arith.constant 0 : index
    %get3A_47 = arith.constant 0 : index
    %get3A_48 = vector.load %arg8[%get3A_46, %get3A_47] : memref<128x128xf32, #tpu.memory_space<vmem>>, vector<128x128xf32>
    %add3A_49 = arith.addf %get3A_48, %dot_general3A_37 : vector<128x128xf32>
    %swap3A = arith.constant 0 : index
    %swap3A_50 = arith.constant 0 : index
    %swap3A_51 = vector.load %arg8[%swap3A, %swap3A_50] : memref<128x128xf32, #tpu.memory_space<vmem>>, vector<128x128xf32>
    tpu.vector_store %arg8[%swap3A, %swap3A_50], %add3A_49 {strides = array<i32>} : memref<128x128xf32, #tpu.memory_space<vmem>>, vector<128x128xf32>,
    %get3A_52 = arith.constant 0 : index
    %get3A_53 = arith.constant 0 : index
    %get3A_54 = vector.load %arg9[%get3A_52, %get3A_53] : memref<8x128xf32, #tpu.memory_space<vmem>>, vector<8x128xf32>
    %broadcast_in_dim3A_55 = vector.shape_cast %reduce_sum3A_41 : vector<128xf32> to vector<1x128xf32>
    %add3A_56 = vector.broadcast %broadcast_in_dim3A_55 : vector<1x128xf32> to vector<8x128xf32>
    %add3A_57 = arith.addf %get3A_54, %add3A_56 : vector<8x128xf32>
    %swap3A_58 = arith.constant 0 : index
    %swap3A_59 = arith.constant 0 : index
    %swap3A_60 = vector.load %arg9[%swap3A_58, %swap3A_59] : memref<8x128xf32, #tpu.memory_space<vmem>>, vector<8x128xf32>
    tpu.vector_store %arg9[%swap3A_58, %swap3A_59], %add3A_57 {strides = array<i32>} : memref<8x128xf32, #tpu.memory_space<vmem>>, vector<8x128xf32>,
    return
  }
  func.func @transform_0(%arg0: i32) -> (i32, i32) {
    %c0_i32 = arith.constant 0 : i32
    %c0_i32_0 = arith.constant 0 : i32
    return %arg0, %c0_i32 : i32, i32
  }
  func.func @transform_1(%arg0: i32) -> (i32, i32) {
    %c0_i32 = arith.constant 0 : i32
    %c0_i32_0 = arith.constant 0 : i32
    %c0_i32_1 = arith.constant 0 : i32
    return %c0_i32, %c0_i32_0 : i32, i32
  }
  func.func @transform_2(%arg0: i32) -> (i32, i32) {
    %c0_i32 = arith.constant 0 : i32
    %c0_i32_0 = arith.constant 0 : i32
    return %arg0, %c0_i32 : i32, i32
  }
  func.func @transform_3(%arg0: i32) -> (i32, i32) {
    %c0_i32 = arith.constant 0 : i32
    %c0_i32_0 = arith.constant 0 : i32
    %c0_i32_1 = arith.constant 0 : i32
    return %c0_i32, %c0_i32_0 : i32, i32
  }
  func.func @transform_4(%arg0: i32) -> (i32, i32) {
    %c0_i32 = arith.constant 0 : i32
    %c0_i32_0 = arith.constant 0 : i32
    %c0_i32_1 = arith.constant 0 : i32
    return %c0_i32, %c0_i32_0 : i32, i32
  }
  func.func @transform_5(%arg0: i32) -> (i32, i32) {
    %c0_i32 = arith.constant 0 : i32
    %c0_i32_0 = arith.constant 0 : i32
    %c0_i32_1 = arith.constant 0 : i32
    return %c0_i32, %c0_i32_0 : i32, i32
  }
  func.func @transform_6(%arg0: i32) -> (i32, i32) {
    %c0_i32 = arith.constant 0 : i32
    %c0_i32_0 = arith.constant 0 : i32
    %c0_i32_1 = arith.constant 0 : i32
    return %c0_i32, %c0_i32_0 : i32, i32
  }
  func.func @transform_7(%arg0: i32) -> (i32, i32) {
    %c0_i32 = arith.constant 0 : i32
    %c0_i32_0 = arith.constant 0 : i32
    %c0_i32_1 = arith.constant 0 : i32
    return %c0_i32, %c0_i32_0 : i32, i32
  }
  func.func @transform_8(%arg0: i32) -> (i32, i32) {
    %c0_i32 = arith.constant 0 : i32
    %c0_i32_0 = arith.constant 0 : i32
    %c0_i32_1 = arith.constant 0 : i32
    return %c0_i32, %c0_i32_0 : i32, i32
  }
}

module attributes {stable_mosaic.version = 14 : i64} {
  func.func @body(%arg0: i32, %arg1: memref<2x1024x128xf32, #tpu.memory_space<vmem>>, %arg2: memref<1024x128xf32, #tpu.memory_space<vmem>>, %arg3: memref<2x1024x16xf32, #tpu.memory_space<vmem>>, %arg4: memref<1x128xf32, #tpu.memory_space<vmem>>, %arg5: memref<128x128xf32, #tpu.memory_space<vmem>>, %arg6: memref<1x128xf32, #tpu.memory_space<vmem>>, %arg7: memref<1024x1xi32, #tpu.memory_space<vmem>>, %arg8: memref<1024x128xf32, #tpu.memory_space<vmem>>, %arg9: memref<8x128xf32, #tpu.memory_space<vmem>>) attributes {dimension_semantics = [#tpu.dimension_semantics<arbitrary>], iteration_bounds = array<i64: 10>, scalar_prefetch = 0 : i64, scratch_operands = 0 : i64, tpu.core_type = #tpu.core_type<tc>, window_params = [{transform_indices = @transform_0, window_bounds = array<i64: 2, 1024, 128>}, {transform_indices = @transform_1, window_bounds = array<i64: 1024, 128>}, {transform_indices = @transform_2, window_bounds = array<i64: 2, 1024, 16>}, {pipeline_mode = #tpu.pipeline_mode<synchronous>, transform_indices = @transform_3, window_bounds = array<i64: 1, 128>}, {pipeline_mode = #tpu.pipeline_mode<synchronous>, transform_indices = @transform_4, window_bounds = array<i64: 128, 128>}, {pipeline_mode = #tpu.pipeline_mode<synchronous>, transform_indices = @transform_5, window_bounds = array<i64: 1, 128>}, {transform_indices = @transform_6, window_bounds = array<i64: 1024, 1>}, {transform_indices = @transform_7, window_bounds = array<i64: 1024, 128>}, {pipeline_mode = #tpu.pipeline_mode<synchronous>, transform_indices = @transform_8, window_bounds = array<i64: 8, 128>}]} {
    %get3A = arith.constant 0 : index
    %get3A_0 = arith.constant 0 : index
    %get3A_1 = arith.constant 0 : index
    %get3A_2 = vector.load %arg3[%get3A, %get3A_0, %get3A_1] : memref<2x1024x16xf32, #tpu.memory_space<vmem>>, vector<1x1024x1xf32>
    %get3A_3 = vector.shape_cast %get3A_2 : vector<1x1024x1xf32> to vector<1024xf32>
    %get3A_4 = arith.constant 1 : index
    %get3A_5 = arith.constant 0 : index
    %get3A_6 = arith.constant 0 : index
    %get3A_7 = vector.load %arg3[%get3A_4, %get3A_5, %get3A_6] : memref<2x1024x16xf32, #tpu.memory_space<vmem>>, vector<1x1024x1xf32>
    %get3A_8 = vector.shape_cast %get3A_7 : vector<1x1024x1xf32> to vector<1024xf32>
    %add3A = arith.addf %get3A_3, %get3A_8 : vector<1024xf32>
    %add3A_9 = arith.constant 1.000000e+00 : f32
    %add3A_10 = vector.broadcast %add3A_9 : f32 to vector<1024xf32>
    %add3A_11 = arith.addf %add3A, %add3A_10 : vector<1024xf32>
    %rsqrt3A = math.rsqrt %add3A_11 : vector<1024xf32>
    %broadcast_in_dim3A = vector.shape_cast %rsqrt3A : vector<1024xf32> to vector<1024x1xf32>
    %get3A_12 = arith.constant 0 : index
    %get3A_13 = arith.constant 0 : index
    %get3A_14 = arith.constant 0 : index
    %get3A_15 = vector.load %arg1[%get3A_12, %get3A_13, %get3A_14] : memref<2x1024x128xf32, #tpu.memory_space<vmem>>, vector<1x1024x128xf32>
    %get3A_16 = vector.shape_cast %get3A_15 : vector<1x1024x128xf32> to vector<1024x128xf32>
    %get3A_17 = arith.constant 1 : index
    %get3A_18 = arith.constant 0 : index
    %get3A_19 = arith.constant 0 : index
    %get3A_20 = vector.load %arg1[%get3A_17, %get3A_18, %get3A_19] : memref<2x1024x128xf32, #tpu.memory_space<vmem>>, vector<1x1024x128xf32>
    %get3A_21 = vector.shape_cast %get3A_20 : vector<1x1024x128xf32> to vector<1024x128xf32>
    %add3A_22 = arith.addf %get3A_16, %get3A_21 : vector<1024x128xf32>
    %get3A_23 = arith.constant 0 : index
    %get3A_24 = arith.constant 0 : index
    %get3A_25 = vector.load %arg2[%get3A_23, %get3A_24] : memref<1024x128xf32, #tpu.memory_space<vmem>>, vector<1024x128xf32>
    %add3A_26 = arith.addf %add3A_22, %get3A_25 : vector<1024x128xf32>
    %mul3A = vector.broadcast %broadcast_in_dim3A : vector<1024x1xf32> to vector<1024x128xf32>
    %mul3A_27 = arith.mulf %mul3A, %add3A_26 : vector<1024x128xf32>
    %get3A_28 = arith.constant 0 : index
    %get3A_29 = arith.constant 0 : index
    %get3A_30 = vector.load %arg4[%get3A_28, %get3A_29] : memref<1x128xf32, #tpu.memory_space<vmem>>, vector<1x128xf32>
    %add3A_31 = vector.broadcast %get3A_30 : vector<1x128xf32> to vector<1024x128xf32>
    %add3A_32 = arith.addf %mul3A_27, %add3A_31 : vector<1024x128xf32>
    %max3A = arith.constant 0.000000e+00 : f32
    %max3A_33 = vector.broadcast %max3A : f32 to vector<1024x128xf32>
    %max3A_34 = arith.maximumf %add3A_32, %max3A_33 : vector<1024x128xf32>
    %swap3A = arith.constant 0 : index
    %swap3A_35 = arith.constant 0 : index
    %swap3A_36 = vector.load %arg8[%swap3A, %swap3A_35] : memref<1024x128xf32, #tpu.memory_space<vmem>>, vector<1024x128xf32>
    tpu.vector_store %arg8[%swap3A, %swap3A_35], %max3A_34 {strides = array<i32>} : memref<1024x128xf32, #tpu.memory_space<vmem>>, vector<1024x128xf32>,
    %get3A_37 = arith.constant 0 : index
    %get3A_38 = arith.constant 0 : index
    %get3A_39 = vector.load %arg5[%get3A_37, %get3A_38] : memref<128x128xf32, #tpu.memory_space<vmem>>, vector<128x128xf32>
    %dot_general3A = arith.constant dense<0.000000e+00> : vector<1024x128xf32>
    %dot_general3A_40 = tpu.matmul %max3A_34, %get3A_39, %dot_general3A {dimension_numbers = #tpu.dot_dimension_numbers<[1], [0], [0], [1], [0, 0, 1, 1], [], []>, transpose_lhs_hint = false} : vector<1024x128xf32>, vector<128x128xf32>, vector<1024x128xf32> -> vector<1024x128xf32>
    %slice3A = vector.extract_strided_slice %dot_general3A_40 {offsets = [0, 0], sizes = [1024, 1], strides = [1, 1]} : vector<1024x128xf32> to vector<1024x1xf32>
    %squeeze3A = vector.shape_cast %slice3A : vector<1024x1xf32> to vector<1024xf32>
    %get3A_41 = arith.constant 0 : index
    %get3A_42 = arith.constant 0 : index
    %get3A_43 = vector.load %arg6[%get3A_41, %get3A_42] : memref<1x128xf32, #tpu.memory_space<vmem>>, vector<1x1xf32>
    %get3A_44 = vector.extract %get3A_43[0, 0] : f32 from vector<1x1xf32>
    %add3A_45 = vector.broadcast %get3A_44 : f32 to vector<1024xf32>
    %add3A_46 = arith.addf %squeeze3A, %add3A_45 : vector<1024xf32>
    %iota3A = tpu.iota {dimensions = array<i32: 1>} : vector<1024x128xi32>
    %get3A_47 = arith.constant 0 : index
    %get3A_48 = arith.constant 0 : index
    %get3A_49 = vector.load %arg7[%get3A_47, %get3A_48] : memref<1024x1xi32, #tpu.memory_space<vmem>>, vector<1024x1xi32>
    %eq3A = vector.broadcast %get3A_49 : vector<1024x1xi32> to vector<1024x128xi32>
    %eq3A_50 = arith.cmpi eq, %eq3A, %iota3A : vector<1024x128xi32>
    %broadcast_in_dim3A_51 = vector.shape_cast %add3A_46 : vector<1024xf32> to vector<1024x1xf32>
    %jit3A = arith.constant 0xFF800000 : f32
    %broadcast_in_dim3A_52 = vector.shape_cast %broadcast_in_dim3A_51 : vector<1024x1xf32> to vector<1024x1xf32>
    %broadcast_in_dim3A_53 = vector.broadcast %broadcast_in_dim3A_52 : vector<1024x1xf32> to vector<1024x128xf32>
    %broadcast_in_dim3A_54 = vector.broadcast %jit3A : f32 to vector<1024x128xf32>
    %select_n3A = arith.select %eq3A_50, %broadcast_in_dim3A_53, %broadcast_in_dim3A_54 : vector<1024x128xi1>, vector<1024x128xf32>
    %reduce_max3A = arith.constant dense<0xFF800000> : vector<128xf32>
    %reduce_max3A_55 = vector.multi_reduction <maximumf>, %select_n3A, %reduce_max3A [0] : vector<1024x128xf32> to vector<128xf32>
    %eq3A_56 = arith.constant 0 : i32
    %eq3A_57 = arith.cmpi eq, %arg0, %eq3A_56 : i32
    %convert_element_type3A = arith.extui %eq3A_57 : i1 to i32
    %cond3A = arith.constant 0 : i32
    %cond3A_58 = arith.cmpi ne, %convert_element_type3A, %cond3A : i32
    scf.if %cond3A_58 {
      %broadcast_in_dim3A_68 = arith.constant 0xFF800000 : f32
      %broadcast_in_dim3A_69 = vector.broadcast %broadcast_in_dim3A_68 : f32 to vector<8x128xf32>
      %swap3A_70 = arith.constant 0 : index
      %swap3A_71 = arith.constant 0 : index
      %swap3A_72 = vector.load %arg9[%swap3A_70, %swap3A_71] : memref<8x128xf32, #tpu.memory_space<vmem>>, vector<8x128xf32>
      tpu.vector_store %arg9[%swap3A_70, %swap3A_71], %broadcast_in_dim3A_69 {strides = array<i32>} : memref<8x128xf32, #tpu.memory_space<vmem>>, vector<8x128xf32>,
    } else {
    }
    %get3A_59 = arith.constant 0 : index
    %get3A_60 = arith.constant 0 : index
    %get3A_61 = vector.load %arg9[%get3A_59, %get3A_60] : memref<8x128xf32, #tpu.memory_space<vmem>>, vector<8x128xf32>
    %broadcast_in_dim3A_62 = vector.shape_cast %reduce_max3A_55 : vector<128xf32> to vector<1x128xf32>
    %max3A_63 = vector.broadcast %broadcast_in_dim3A_62 : vector<1x128xf32> to vector<8x128xf32>
    %max3A_64 = arith.maximumf %get3A_61, %max3A_63 : vector<8x128xf32>
    %swap3A_65 = arith.constant 0 : index
    %swap3A_66 = arith.constant 0 : index
    %swap3A_67 = vector.load %arg9[%swap3A_65, %swap3A_66] : memref<8x128xf32, #tpu.memory_space<vmem>>, vector<8x128xf32>
    tpu.vector_store %arg9[%swap3A_65, %swap3A_66], %max3A_64 {strides = array<i32>} : memref<8x128xf32, #tpu.memory_space<vmem>>, vector<8x128xf32>,
    return
  }
  func.func @transform_0(%arg0: i32) -> (i32, i32, i32) {
    %c0_i32 = arith.constant 0 : i32
    %c0_i32_0 = arith.constant 0 : i32
    %c0_i32_1 = arith.constant 0 : i32
    return %c0_i32, %arg0, %c0_i32_0 : i32, i32, i32
  }
  func.func @transform_1(%arg0: i32) -> (i32, i32) {
    %c0_i32 = arith.constant 0 : i32
    %c0_i32_0 = arith.constant 0 : i32
    return %arg0, %c0_i32 : i32, i32
  }
  func.func @transform_2(%arg0: i32) -> (i32, i32, i32) {
    %c0_i32 = arith.constant 0 : i32
    %c0_i32_0 = arith.constant 0 : i32
    %c0_i32_1 = arith.constant 0 : i32
    return %c0_i32, %arg0, %c0_i32_0 : i32, i32, i32
  }
  func.func @transform_3(%arg0: i32) -> (i32, i32) {
    %c0_i32 = arith.constant 0 : i32
    %c0_i32_0 = arith.constant 0 : i32
    %c0_i32_1 = arith.constant 0 : i32
    return %c0_i32, %c0_i32_0 : i32, i32
  }
  func.func @transform_4(%arg0: i32) -> (i32, i32) {
    %c0_i32 = arith.constant 0 : i32
    %c0_i32_0 = arith.constant 0 : i32
    %c0_i32_1 = arith.constant 0 : i32
    return %c0_i32, %c0_i32_0 : i32, i32
  }
  func.func @transform_5(%arg0: i32) -> (i32, i32) {
    %c0_i32 = arith.constant 0 : i32
    %c0_i32_0 = arith.constant 0 : i32
    %c0_i32_1 = arith.constant 0 : i32
    return %c0_i32, %c0_i32_0 : i32, i32
  }
  func.func @transform_6(%arg0: i32) -> (i32, i32) {
    %c0_i32 = arith.constant 0 : i32
    %c0_i32_0 = arith.constant 0 : i32
    return %arg0, %c0_i32 : i32, i32
  }
  func.func @transform_7(%arg0: i32) -> (i32, i32) {
    %c0_i32 = arith.constant 0 : i32
    %c0_i32_0 = arith.constant 0 : i32
    return %arg0, %c0_i32 : i32, i32
  }
  func.func @transform_8(%arg0: i32) -> (i32, i32) {
    %c0_i32 = arith.constant 0 : i32
    %c0_i32_0 = arith.constant 0 : i32
    %c0_i32_1 = arith.constant 0 : i32
    return %c0_i32, %c0_i32_0 : i32, i32
  }
}

module attributes {stable_mosaic.version = 14 : i64} {
  func.func @body(%arg0: memref<128x128xf32, #tpu.memory_space<vmem>>, %arg1: memref<8x128xf32, #tpu.memory_space<vmem>>, %arg2: memref<128x128xf32, #tpu.memory_space<vmem>>, %arg3: memref<1x128xf32, #tpu.memory_space<vmem>>, %arg4: memref<128x128xf32, #tpu.memory_space<vmem>>, %arg5: memref<1x128xf32, #tpu.memory_space<vmem>>, %arg6: memref<128x128xf32, #tpu.memory_space<vmem>>) attributes {dimension_semantics = [], scalar_prefetch = 0 : i64, scratch_operands = 0 : i64, tpu.core_type = #tpu.core_type<tc>} {
    %get3A = arith.constant 0 : index
    %get3A_0 = arith.constant 0 : index
    %get3A_1 = vector.load %arg1[%get3A, %get3A_0] : memref<8x128xf32, #tpu.memory_space<vmem>>, vector<1x128xf32>
    %get3A_2 = vector.shape_cast %get3A_1 : vector<1x128xf32> to vector<128xf32>
    %max3A = arith.constant 9.99999996E-13 : f32
    %max3A_3 = vector.broadcast %max3A : f32 to vector<128xf32>
    %max3A_4 = arith.maximumf %get3A_2, %max3A_3 : vector<128xf32>
    %get3A_5 = arith.constant 0 : index
    %get3A_6 = arith.constant 0 : index
    %get3A_7 = vector.load %arg0[%get3A_5, %get3A_6] : memref<128x128xf32, #tpu.memory_space<vmem>>, vector<128x128xf32>
    %broadcast_in_dim3A = vector.shape_cast %max3A_4 : vector<128xf32> to vector<128x1xf32>
    %div3A = vector.broadcast %broadcast_in_dim3A : vector<128x1xf32> to vector<128x128xf32>
    %div3A_8 = arith.divf %get3A_7, %div3A : vector<128x128xf32>
    %get3A_9 = arith.constant 0 : index
    %get3A_10 = arith.constant 0 : index
    %get3A_11 = vector.load %arg2[%get3A_9, %get3A_10] : memref<128x128xf32, #tpu.memory_space<vmem>>, vector<128x128xf32>
    %dot_general3A = arith.constant dense<0.000000e+00> : vector<128x128xf32>
    %dot_general3A_12 = tpu.matmul %div3A_8, %get3A_11, %dot_general3A {dimension_numbers = #tpu.dot_dimension_numbers<[1], [0], [0], [1], [0, 0, 1, 1], [], []>, transpose_lhs_hint = false} : vector<128x128xf32>, vector<128x128xf32>, vector<128x128xf32> -> vector<128x128xf32>
    %get3A_13 = arith.constant 0 : index
    %get3A_14 = arith.constant 0 : index
    %get3A_15 = vector.load %arg3[%get3A_13, %get3A_14] : memref<1x128xf32, #tpu.memory_space<vmem>>, vector<1x128xf32>
    %add3A = vector.broadcast %get3A_15 : vector<1x128xf32> to vector<128x128xf32>
    %add3A_16 = arith.addf %dot_general3A_12, %add3A : vector<128x128xf32>
    %max3A_17 = arith.constant 0.000000e+00 : f32
    %max3A_18 = vector.broadcast %max3A_17 : f32 to vector<128x128xf32>
    %max3A_19 = arith.maximumf %add3A_16, %max3A_18 : vector<128x128xf32>
    %get3A_20 = arith.constant 0 : index
    %get3A_21 = arith.constant 0 : index
    %get3A_22 = vector.load %arg4[%get3A_20, %get3A_21] : memref<128x128xf32, #tpu.memory_space<vmem>>, vector<128x128xf32>
    %dot_general3A_23 = arith.constant dense<0.000000e+00> : vector<128x128xf32>
    %dot_general3A_24 = tpu.matmul %max3A_19, %get3A_22, %dot_general3A_23 {dimension_numbers = #tpu.dot_dimension_numbers<[1], [0], [0], [1], [0, 0, 1, 1], [], []>, transpose_lhs_hint = false} : vector<128x128xf32>, vector<128x128xf32>, vector<128x128xf32> -> vector<128x128xf32>
    %get3A_25 = arith.constant 0 : index
    %get3A_26 = arith.constant 0 : index
    %get3A_27 = vector.load %arg5[%get3A_25, %get3A_26] : memref<1x128xf32, #tpu.memory_space<vmem>>, vector<1x128xf32>
    %add3A_28 = vector.broadcast %get3A_27 : vector<1x128xf32> to vector<128x128xf32>
    %add3A_29 = arith.addf %dot_general3A_24, %add3A_28 : vector<128x128xf32>
    %swap3A = arith.constant 0 : index
    %swap3A_30 = arith.constant 0 : index
    %swap3A_31 = vector.load %arg6[%swap3A, %swap3A_30] : memref<128x128xf32, #tpu.memory_space<vmem>>, vector<128x128xf32>
    tpu.vector_store %arg6[%swap3A, %swap3A_30], %add3A_29 {strides = array<i32>} : memref<128x128xf32, #tpu.memory_space<vmem>>, vector<128x128xf32>,
    return
  }
}

</mosaic_0001>

<sc_bundles>
// kernel: kernel.10.cloned.1.call-start
scs
__scs_entry_jumppad:
0x0: {  	(pc) =	sbr.rel $0x88, $3  }
0x1: {  	(tag) =	ssettag $0x0;
	lr =	simm.s32 $0x1  }
0x2: {  	[smem:$0x3F92] =	sst lr;
	_ =	strace $0xD0000000  }
0x3: {  	_ = 	snop  }
0x4: {  	_ = 	snop  }
0x5: {  	_ = 	snop  }
0x6: {  	_ = 	snop  }
0x7: {  	_ = 	snop  }
__scs_overlays_trampoline_lowered:
0x8: {  	[smem:$0x3FA1] =	sst s0  }
0x9: {  	[smem:$0x3FA2] =	sst s1  }
0xa: {  	[smem:$0x3FA3] =	sst s2  }
0xb: {  	[smem:$0x3FA4] =	sst s3  }
0xc: {  	[smem:$0x3FA5] =	sst s4  }
0xd: {  	[smem:$0x3FA6] =	sst s5  }
0xe: {  	[smem:$0x3FA7] =	sst s6  }
0xf: {  	[smem:$0x3FA8] =	sst s7  }
0x10: {  	[smem:$0x3FA9] =	sst s8  }
0x11: {  	[smem:$0x3FAA] =	sst s9;
	s0 =	simm.s32 @!p0 $0x0  }
0x12: {  	s1 =	sld [smem:$0x3F90];
	s0 =	simm.s32 @p0 $0x1  }
0x13: {  	[smem:$0x3FAB] =	sst s0;
	s0 =	simm.s32 @!p1 $0x0  }
0x14: {  	s2 =	sld [smem:$0x3F8F];
	s0 =	simm.s32 @p1 $0x1  }
0x15: {  	[smem:$0x3FAC] =	sst s0;
	s0 =	simm.s32 @!p2 $0x0  }
0x16: {  	s3 =	sld [smem:$0x3FDB];
	s0 =	simm.s32 @p2 $0x1  }
0x17: {  	s4 =	simm.s32 $0x1BF5;
	[smem:$0x3FAE] =	sst s0  }
0x18: {  	s0 =	sld [smem:$0x3F91];
	_ =	swait.ge [sflag:s4], $0x0  }
0x19: {  	s7 =	sld [smem:$0x3F92]  }
0x1a: {  	s8 =	sadd.s32 $0xFFFFE003, lr  }
0x1b: {  	s9 =	sadd.s32 $0xFFFFFEF7, lr;
	s5 =	simm.s32 $0xFFFFFFFF;
	p2 =	slt.u32 s8, $0xFFFFF086  }
0x1c: {  	p1 =	slt.u32 s9, $0xF7A;
	s5 =	simm.s32 @!p2 $0x0  }
0x1d: {  	s5 =	simm.s32 @p1 $0x1;
	p0 =	seq.s32 s7, s2  }
0x1e: {  	s7 =	smul.u32 @!p0 $0xF7A, s2;
	p2 =	seq.s32 @!p0 s5, $0x0  }
0x1f: {  	s9 =	smul.u32 $0xF7A, s1;
	s8 =	simm.s32 @!p0 $0x1BF5;
	p2 =	por !p2, p0  }
0x20: {  	[sflag:s8] =	ssyncset.s32 @!p0 $0xFFFFF086;
	s6 =	sadd.s32 @!p0 s3, s7;
	s7 =	simm.s32 @!p0 $0x108  }
0x21: {  	s3 =	sadd.s32 s3, s9;
	s6 =	sadd.s32 @!p0 $0x88, s6;
	s7 =	simm.s32 @p2 $0x1082  }
0x22: {  	[simem:s7], [sflag:s8] =	dma.local @!p0 [hbm:s6], $0xF7A  }
0x23: {  	s9 =	sor.u32 $0xD0000000, s2;
	s6 =	simm.s32 $0x108;
	_ =	swait.ge @!p0 [sflag:s8], $0x0  }
0x24: {  	s3 =	sadd.s32 $0x88, s3;
	s6 =	simm.s32 @!p1 $0x1082;
	[sflag:s4] =	ssyncset.s32 $0xFFFFF086  }
0x25: {  	[simem:s6], [sflag:s4] =	dma.local [hbm:s3], $0xF7A  }
0x26: {  	[smem:$0x3F92] =	sst s1;
	(tag) =	ssettag s2;
	_ =	strace s9  }
0x27: {  	s1 =	sld [smem:$0x3FA2]  }
0x28: {  	s2 =	sld [smem:$0x3FA3]  }
0x29: {  	s4 =	sld [smem:$0x3FA5]  }
0x2a: {  	p0 =	seq.s32 s5, $0x0;
	s5 =	sld [smem:$0x3FA6]  }
0x2b: {  	s6 =	sld [smem:$0x3FA7]  }
0x2c: {  	s7 =	sld [smem:$0x3FA8]  }
0x2d: {  	s3 =	simm.s32 $0x108;
	s8 =	sld [smem:$0x3FA9]  }
0x2e: {  	s3 =	simm.s32 @!p0 $0x1082;
	s9 =	sld [smem:$0x3FAA]  }
0x2f: {  	lr =	sadd.s32 s0, s3;
	s0 =	sld [smem:$0x3FA1]  }
0x30: {  	s3 =	sld [smem:$0x3FA4]  }
0x31: {  	[smem:$0x3FAD] =	sst s10  }
0x32: {  	s10 =	sld [smem:$0x3FAB];
	_ =	sdelay $0x3  }
0x33: {  	p0 =	seq.s32 s10, $0x1;
	s10 =	sld [smem:$0x3FAD];
	_ =	sdelay $0x3  }
0x34: {  	[smem:$0x3FAD] =	sst s10  }
0x35: {  	s10 =	sld [smem:$0x3FAC];
	_ =	sdelay $0x3  }
0x36: {  	p1 =	seq.s32 s10, $0x1;
	s10 =	sld [smem:$0x3FAD];
	_ =	sdelay $0x3  }
0x37: {  	[smem:$0x3FAD] =	sst s10  }
0x38: {  	s10 =	sld [smem:$0x3FAE]  }
0x39: {  	_ = 	snop;
	(pc) =	sbr.ind lr, $3  }
0x3a: {  	_ = 	snop  }
0x3b: {  	_ = 	snop  }
0x3c: {  	p2 =	seq.s32 s10, $0x1;
	s10 =	sld [smem:$0x3FAD]  }
0x3d: {  	_ =	shalt  }
0x3e: {  	_ =	shalt  }
0x3f: {  	_ =	shalt  }
0x40: {  	_ =	shalt  }
0x41: {  	_ =	shalt  }
0x42: {  	_ =	shalt  }
0x43: {  	_ =	shalt  }
0x44: {  	_ =	shalt  }
0x45: {  	_ =	shalt  }
0x46: {  	_ =	shalt  }
0x47: {  	_ =	shalt  }
0x48: {  	_ =	shalt  }
0x49: {  	_ =	shalt  }
0x4a: {  	_ =	shalt  }
0x4b: {  	_ =	shalt  }
0x4c: {  	_ =	shalt  }
0x4d: {  	_ =	shalt  }
0x4e: {  	_ =	shalt  }
0x4f: {  	_ =	shalt  }
0x50: {  	_ =	shalt  }
0x51: {  	_ =	shalt  }
0x52: {  	_ =	shalt  }
0x53: {  	_ =	shalt  }
0x54: {  	_ =	shalt  }
0x55: {  	_ =	shalt  }
0x56: {  	_ =	shalt  }
0x57: {  	_ =	shalt  }
0x58: {  	_ =	shalt  }
0x59: {  	_ =	shalt  }
0x5a: {  	_ =	shalt  }
0x5b: {  	_ =	shalt  }
0x5c: {  	_ =	shalt  }
0x5d: {  	_ =	shalt  }
0x5e: {  	_ =	shalt  }
0x5f: {  	_ =	shalt  }
0x60: {  	_ =	shalt  }
0x61: {  	_ =	shalt  }
0x62: {  	_ =	shalt  }
0x63: {  	_ =	shalt  }
0x64: {  	_ =	shalt  }
0x65: {  	_ =	shalt  }
0x66: {  	_ =	shalt  }
0x67: {  	_ =	shalt  }
0x68: {  	_ =	shalt  }
0x69: {  	_ =	shalt  }
0x6a: {  	_ =	shalt  }
0x6b: {  	_ =	shalt  }
0x6c: {  	_ =	shalt  }
0x6d: {  	_ =	shalt  }
0x6e: {  	_ =	shalt  }
0x6f: {  	_ =	shalt  }
0x70: {  	_ =	shalt  }
0x71: {  	_ =	shalt  }
0x72: {  	_ =	shalt  }
0x73: {  	_ =	shalt  }
0x74: {  	_ =	shalt  }
0x75: {  	_ =	shalt  }
0x76: {  	_ =	shalt  }
0x77: {  	_ =	shalt  }
0x78: {  	_ =	shalt  }
0x79: {  	_ =	shalt  }
0x7a: {  	_ =	shalt  }
0x7b: {  	_ =	shalt  }
0x7c: {  	_ =	shalt  }
0x7d: {  	_ =	shalt  }
0x7e: {  	_ =	shalt  }
0x7f: {  	_ =	shalt  }
0x80: {  	_ =	shalt  }
0x81: {  	_ =	shalt  }
0x82: {  	_ =	shalt  }
0x83: {  	_ =	shalt  }
0x84: {  	_ =	shalt  }
0x85: {  	_ =	shalt  }
0x86: {  	_ =	shalt  }
0x87: {  	_ =	shalt  }
.Lfunc_end0:
.L_simem_size_0:
called_computation_lowered:
.L_overlay_start_0:
0x88: {  	s2 =	sld [smem:$0x3FD9]  }
0x89: {  	s3 =	sld [smem:$0x3FFE];
	_ =	sdelay $0x1  }
0x8a: {  	s1 =	srdreg.scid  }
0x8b: {  	s0 =	sand.u32 $0x1, s1  }
0x8c: {  	s16 =	sshll.u32 s0, $0xA;
	s2 =	sadd.s32 s3, s2  }
0x8d: {  	s2 =	sadd.s32 s2, s16  }
0x8e: {  	[smem:$0x3FB9] =	sst s2  }
0x8f: {  	_ = 	snop  }
0x90: {  	(tm) =	ssettm $0x1  }
0x91: {  	s17 =	sld [smem:$0x3FFB];
	_ =	sdelay $0x3  }
0x92: {  	_ =	strace s17  }
0x93: {  	s2 =	sld [smem:$0x3FFC];
	_ =	sdelay $0x3  }
0x94: {  	_ =	strace s2  }
0x95: {  	s2 =	sld [smem:$0x3FFD];
	_ =	sdelay $0x3  }
0x96: {  	_ =	strace s2  }
0x97: {  	_ =	strace $0x8FFFFFFF  }
0x98: {  	s18 =	sld [smem:$0x3FDB];
	_ =	sdelay $0x1  }
0x99: {  	s19 =	simm.s32 $_scs_section_size  }
0x9a: {  	s4 =	simm.s32 $_size__tile_overlayer_lowered;
	s5 =	simm.s32 $_tile_overlayer_lowered  }
0x9b: {  	s22 =	simm.s32 $0x1BFF;
	s21 =	sshll.u32 s5, $0x1;
	s2 =	sadd.s32 s19, s18  }
0x9c: {  	s6 =	simm.s32 $0x0;
	s20 =	sshll.u32 s4, $0x1;
	s4 =	sadd.s32 s21, s2  }
0x9d: {  	[timem:s6], [sflag:s22] =	dma.local [hbm:s4], s20  }
0x9e: {  	_ =	swait.ge [sflag:s22], s20  }
0x9f: {  	s3 =	ssub.s32 $0x0, s20;
	[sflag:s22] =	ssyncset.done $0x0  }
0xa0: {  	[sflag:s22] =	ssyncadd.s32 s3;
	_ =	sdelay $0x1  }
0xa1: {  	s23 =	simm.s32 $0x1B8B  }
0xa2: {  	_ =	swait.ge [sflag:s23], $0x1  }
0xa3: {  	[sflag:s23] =	ssyncset.done $0x0  }
0xa4: {  	s25 =	simm.s32 $0x1B8E;
	s24 =	sld [smem:$0x3FFE];
	[sflag:s23] =	ssyncadd.s32 $0xFFFFFFFF  }
0xa5: {  	s26 =	simm.s32 $execute0_lowered;
	[smem:$0x3FD2] =	sst s25  }
0xa6: {  	s4 =	sshll.u32 s26, $0x1;
	_ =	strace $0x80000046;
	[dreg:$0x1] =	wrdreg $0xFFFFFFFF  }
0xa7: {  	s28 =	simm.s32 $_size_execute0_lowered;
	s2 =	sadd.s32 s2, s4;
	[dreg:$0x0] =	wrdreg $0x0  }
0xa8: {  	s4 =	sshll.u32 s28, $0x1;
	[dreg:$0x2] =	wrdreg s2  }
0xa9: {  	[dreg:$0x3] =	wrdreg s4  }
0xaa: {  	[dreg:$0x4] =	wrdreg $0xC0  }
0xab: {  	_ =	task [dreg:s6], $0x5FFFF  }
0xac: {  	[dreg:$0x1] =	wrdreg $0xFFFFFFFF  }
0xad: {  	[dreg:$0x0] =	wrdreg $0x60  }
0xae: {  	[dreg:$0x2] =	wrdreg s24  }
0xaf: {  	[dreg:$0x3] =	wrdreg $0x0  }
0xb0: {  	[dreg:$0x4] =	wrdreg $0x9  }
0xb1: {  	_ =	task.clear_ibuf [dreg:s6], $0x5FFFF;
	_ =	strace $0x90000046  }
0xb2: {  	s29 =	simm.s32 $0x9;
	_ =	strace $0x80000048  }
0xb3: {  	_ =	swait.ge [sflag:s29], $0x1  }
0xb4: {  	[sflag:s29] =	ssyncadd.s32 $0xFFFFFFFF  }
0xb5: {  	_ =	strace $0x90000048  }
0xb6: {  	_ =	sfence  }
0xb7: {  	s30 =	sld [smem:$0x0];
	_ =	sdelay $0x2  }
0xb8: {  	s31 =	sshll.u32 s1, $0xD;
	s1 =	sshrl.u32 s1, $0x2  }
0xb9: {  	s3 =	sand.u32 $0x4000, s31;
	s1 =	sadd.s32 s1, s30  }
0xba: {  	s0 =	sor.u32 s3, s0;
	s1 =	sshll.u32 s1, $0x11  }
0xbb: {  	s0 =	sor.u32 s1, s0  }
0xbc: {  	s0 =	sadd.s32 $0x8F2B, s0  }
0xbd: {  	[sflag:s0] =	ssyncadd.remote.s32 $0x1  }
0xbe: {  	_ =	sfence.sel $0xFFFF  }
0xbf: {  	[dreg:$0x0] =	wrdreg $0xFFFFFFFF;
	(pc) =	sbr.abs _section_cstart, $3  }
0xc0: {  	[dreg:$0x1] =	wrdreg $0xFFFFFFFF  }
0xc1: {  	_ =	task.clear_ibuf [dreg:s6], $0x2FFFF;
	_ =	strace $0x9FFFFFFF  }
0xc2: {  	(tm) =	ssettm $0x7FFFFFFF  }
0xc3: {  	_ =	shalt  }
tec
execute0_lowered:
.L_overlay_start_1:
0x0: {  	(tag) =	ssettag $0x1  }
0x1: {  	s5 =	rddreg [dreg:$0x0]  }
0x2: {  	s0 =	srdreg.scid;
	s2 =	rddreg [dreg:$0x1]  }
0x3: {  	s3 =	simm.s32 $0x0;
	s10 =	simm.s32 $0x2800;
	s4 =	sand.u32 $0x1, s0  }
0x4: {  	s11 =	simm.s32 $0x80;
	s0 =	stileid.u32;
	s7 =	smul.u32 $0x140000, s4  }
0x5: {  	s12 =	simm.s32 $0x5000;
	s13 =	simm.s32 $0x1;
	s8 =	smul.u32 $0x14000, s0  }
0x6: {  	[smem:$0x7FF] =	sst s3;
	s1 =	sshll.u32 s4, $0x4;
	s9 =	smul.u32 $0x50000, s0  }
0x7: {  	s4 =	ssub.s32 $0x2, s4;
	s14 =	sshll.u32 s0, $0x6;
	s1 =	sor.u32 s0, s1  }
0x8: {  	s31 =	sshrl.u32 s4, $0x1;
	s14 =	sor.u32 $0x1C02, s14;
	s6 =	smul.u32 $0x500, s1  }
0x9: {  	s1 =	rddreg [dreg:$0x2];
	_ =	strace $0x80000047;
	s7 =	sadd.s32 s8, s7  }
0xa: {  	s9 =	sshrl.u32 s9, $0x2;
	s8 =	ssub.s32 s4, s31;
	s7 =	sshrl.u32 s7, $0x3  }
0xb: {  	s4 =	sadd.s32 s9, s2;
	s9 =	simm.s32 $0x2;
	s6 =	sadd.s32 s6, s5  }
0xc: {  	s7 =	sadd.s32 s7, s5;
	s15 =	sshrl.u32 s4, $0x3;
	s5 =	sadd.s32 $0xCE00, s6  }
0xd: {  	v0 =	vimm.f32 $0.0e+00;
	v1 =	vimm.f32 $1.000000000e+00;
	s6 =	sadd.s32 $0x16E00, s7;
	s7 =	smax.u32 s8, $0x1;
	s8 =	simm.s32 $0x9000  }
.LBB2_1:
0xe: {  	s16 =	simm.s32 $0x200;
	s17 =	simm.s32 $0x0  }
.LBB2_2:
0xf: {  	p0 =	sne.s32 s16, $0x4FE00;
	[tilespmem:s17+$0x9000] =	vst v0;
	s17 =	smov.u32 s16;
	s16 =	sadd.s32 $0x200, s16  }
.Ltmp0:
0x10: {  	(pc) =	sbr.rel @p0 .LBB2_2-.Ltmp0, $2  }
0x11: {  	_ =	sdelay $0x2  }
0x12: {  	s17 =	sshra.s32 s17, $0x2  }
0x13: {  	[tilespmem:s17+$0x9000] =	vst v0  }
0x14: {  	[spmem:s4] =	stream.linear.scatter [tilespmem:s8], [sflag:$0x2], $0x14000, $0x38;
	[tilespmem:$0x1D000] =	vst v63  }
0x15: {  	_ =	swait.ge [sflag:s9], $0x14000  }
0x16: {  	[sflag:s9] =	ssyncset.done $0x0  }
0x17: {  	s16 =	simm.s32 $0x200;
	s17 =	simm.s32 $0x0;
	[sflag:s9] =	ssyncadd.s32 $0xFFFEC000  }
.LBB2_4:
0x18: {  	p0 =	sne.s32 s16, $0xFE00;
	[tilespmem:s17+$0x5000] =	vst v1;
	s17 =	smov.u32 s16;
	s16 =	sadd.s32 $0x200, s16  }
.Ltmp1:
0x19: {  	(pc) =	sbr.rel @p0 .LBB2_4-.Ltmp1, $2  }
0x1a: {  	_ =	sdelay $0x2  }
0x1b: {  	s17 =	sshra.s32 s17, $0x2  }
0x1c: {  	[tilespmem:s17+$0x5000] =	vst v1;
	s16 =	simm.s32 $0x0  }
0x1d: {  	[tilespmem:s10], [sflag:$0x2] =	stream.linear.gather [hbm4b:s5+s16], $0x2800, $0x38;
	[tilespmem:$0x1D000] =	vst v63  }
0x1e: {  	_ =	swait.ge [sflag:s9], $0x2800  }
0x1f: {  	[sflag:s9] =	ssyncset.done $0x0  }
0x20: {  	[sflag:s9] =	ssyncadd.s32 $0xFFFFD800  }
0x21: {  	s23 =	simm.s32 $0x2800;
	[bflag:$0x0] =	sbarrier.arrive $0xFFFF  }
0x22: {  	[spmem:s2] =	stream.indirect.scatter.add.f32 [tilespmem:s12], [sflag:$0x1], $0x10, s23, s11, $0xb8;
	[tilespmem:$0x1D000] =	vst v63  }
0x23: {  	s24 =	simm.s32 $0x2880  }
0x24: {  	[spmem:s2] =	stream.indirect.scatter.add.f32 [tilespmem:s12], [sflag:$0x1], $0x10, s24, s11, $0xb8;
	[tilespmem:$0x1D000] =	vst v63  }
0x25: {  	s25 =	simm.s32 $0x2900  }
0x26: {  	[spmem:s2] =	stream.indirect.scatter.add.f32 [tilespmem:s12], [sflag:$0x1], $0x10, s25, s11, $0xb8;
	[tilespmem:$0x1D000] =	vst v63  }
0x27: {  	s26 =	simm.s32 $0x2980  }
0x28: {  	[spmem:s2] =	stream.indirect.scatter.add.f32 [tilespmem:s12], [sflag:$0x1], $0x10, s26, s11, $0xb8;
	[tilespmem:$0x1D000] =	vst v63  }
0x29: {  	s28 =	simm.s32 $0x2A00  }
0x2a: {  	[spmem:s2] =	stream.indirect.scatter.add.f32 [tilespmem:s12], [sflag:$0x1], $0x10, s28, s11, $0xb8;
	[tilespmem:$0x1D000] =	vst v63  }
0x2b: {  	s29 =	simm.s32 $0x2A80  }
0x2c: {  	[spmem:s2] =	stream.indirect.scatter.add.f32 [tilespmem:s12], [sflag:$0x1], $0x10, s29, s11, $0xb8;
	[tilespmem:$0x1D000] =	vst v63  }
0x2d: {  	s30 =	simm.s32 $0x2B00  }
0x2e: {  	[spmem:s2] =	stream.indirect.scatter.add.f32 [tilespmem:s12], [sflag:$0x1], $0x10, s30, s11, $0xb8;
	[tilespmem:$0x1D000] =	vst v63  }
0x2f: {  	s31 =	simm.s32 $0x2B80  }
0x30: {  	[spmem:s2] =	stream.indirect.scatter.add.f32 [tilespmem:s12], [sflag:$0x1], $0x10, s31, s11, $0xb8;
	[tilespmem:$0x1D000] =	vst v63  }
0x31: {  	_ =	swait.ge [sflag:s13], $0x800  }
0x32: {  	[sflag:s13] =	ssyncset.done $0x0  }
0x33: {  	[sflag:s13] =	ssyncadd.s32 $0xFFFFF800  }
0x34: {  	_ =	swait.ge [sflag:s13], $0x800  }
0x35: {  	[sflag:s13] =	ssyncset.done $0x0  }
0x36: {  	[sflag:s13] =	ssyncadd.s32 $0xFFFFF800  }
0x37: {  	_ =	swait.ge [sflag:s13], $0x800  }
0x38: {  	[sflag:s13] =	ssyncset.done $0x0  }
0x39: {  	[sflag:s13] =	ssyncadd.s32 $0xFFFFF800  }
0x3a: {  	_ =	swait.ge [sflag:s13], $0x800  }
0x3b: {  	[sflag:s13] =	ssyncset.done $0x0  }
0x3c: {  	[sflag:s13] =	ssyncadd.s32 $0xFFFFF800  }
0x3d: {  	_ =	swait.ge [sflag:s13], $0x800  }
0x3e: {  	[sflag:s13] =	ssyncset.done $0x0  }
0x3f: {  	[sflag:s13] =	ssyncadd.s32 $0xFFFFF800  }
0x40: {  	_ =	swait.ge [sflag:s13], $0x800  }
0x41: {  	[sflag:s13] =	ssyncset.done $0x0  }
0x42: {  	[sflag:s13] =	ssyncadd.s32 $0xFFFFF800  }
0x43: {  	_ =	swait.ge [sflag:s13], $0x800  }
0x44: {  	[sflag:s13] =	ssyncset.done $0x0  }
0x45: {  	[sflag:s13] =	ssyncadd.s32 $0xFFFFF800  }
0x46: {  	_ =	swait.ge [sflag:s13], $0x800  }
0x47: {  	s19 =	simm.s32 $0x2000;
	s18 =	simm.s32 $0x400;
	[sflag:s13] =	ssyncset.done $0x0  }
.LBB2_6:
0x48: {  	s20 =	sadd.s32 $0x2800, s18  }
0x49: {  	[sflag:s13] =	ssyncadd.s32 $0xFFFFF800;
	s17 =	smov.u32 s19;
	s16 =	sadd.s32 $0x1000, s19  }
0x4a: {  	[spmem:s2] =	stream.indirect.scatter.add.f32 [tilespmem:s12], [sflag:$0x1], $0x10, s20, s11, $0xb8;
	[tilespmem:$0x1D000] =	vst v63  }
0x4b: {  	p0 =	sne.s32 s19, $0x9000;
	s19 =	sadd.s32 $0x2880, s18  }
0x4c: {  	[spmem:s2] =	stream.indirect.scatter.add.f32 [tilespmem:s12], [sflag:$0x1], $0x10, s19, s11, $0xb8;
	[tilespmem:$0x1D000] =	vst v63  }
0x4d: {  	s19 =	sadd.s32 $0x2900, s18  }
0x4e: {  	[spmem:s2] =	stream.indirect.scatter.add.f32 [tilespmem:s12], [sflag:$0x1], $0x10, s19, s11, $0xb8;
	[tilespmem:$0x1D000] =	vst v63  }
0x4f: {  	s19 =	sadd.s32 $0x2980, s18  }
0x50: {  	[spmem:s2] =	stream.indirect.scatter.add.f32 [tilespmem:s12], [sflag:$0x1], $0x10, s19, s11, $0xb8;
	[tilespmem:$0x1D000] =	vst v63  }
0x51: {  	s19 =	sadd.s32 $0x2A00, s18  }
0x52: {  	[spmem:s2] =	stream.indirect.scatter.add.f32 [tilespmem:s12], [sflag:$0x1], $0x10, s19, s11, $0xb8;
	[tilespmem:$0x1D000] =	vst v63  }
0x53: {  	s19 =	sadd.s32 $0x2A80, s18  }
0x54: {  	[spmem:s2] =	stream.indirect.scatter.add.f32 [tilespmem:s12], [sflag:$0x1], $0x10, s19, s11, $0xb8;
	[tilespmem:$0x1D000] =	vst v63  }
0x55: {  	s19 =	sadd.s32 $0x2B00, s18  }
0x56: {  	[spmem:s2] =	stream.indirect.scatter.add.f32 [tilespmem:s12], [sflag:$0x1], $0x10, s19, s11, $0xb8;
	[tilespmem:$0x1D000] =	vst v63  }
0x57: {  	s18 =	sadd.s32 $0x2B80, s18  }
0x58: {  	[spmem:s2] =	stream.indirect.scatter.add.f32 [tilespmem:s12], [sflag:$0x1], $0x10, s18, s11, $0xb8;
	[tilespmem:$0x1D000] =	vst v63  }
0x59: {  	_ =	swait.ge [sflag:s13], $0x800  }
0x5a: {  	[sflag:s13] =	ssyncset.done $0x0  }
0x5b: {  	[sflag:s13] =	ssyncadd.s32 $0xFFFFF800  }
0x5c: {  	_ =	swait.ge [sflag:s13], $0x800  }
0x5d: {  	[sflag:s13] =	ssyncset.done $0x0  }
0x5e: {  	[sflag:s13] =	ssyncadd.s32 $0xFFFFF800  }
0x5f: {  	_ =	swait.ge [sflag:s13], $0x800  }
0x60: {  	[sflag:s13] =	ssyncset.done $0x0  }
0x61: {  	[sflag:s13] =	ssyncadd.s32 $0xFFFFF800  }
0x62: {  	_ =	swait.ge [sflag:s13], $0x800  }
0x63: {  	[sflag:s13] =	ssyncset.done $0x0  }
0x64: {  	[sflag:s13] =	ssyncadd.s32 $0xFFFFF800  }
0x65: {  	_ =	swait.ge [sflag:s13], $0x800  }
0x66: {  	[sflag:s13] =	ssyncset.done $0x0  }
0x67: {  	[sflag:s13] =	ssyncadd.s32 $0xFFFFF800  }
0x68: {  	_ =	swait.ge [sflag:s13], $0x800  }
0x69: {  	[sflag:s13] =	ssyncset.done $0x0  }
0x6a: {  	[sflag:s13] =	ssyncadd.s32 $0xFFFFF800  }
.Ltmp2:
0x6b: {  	_ =	swait.ge [sflag:s13], $0x800;
	(pc) =	sbr.rel @p0 .LBB2_6-.Ltmp2, $4  }
0x6c: {  	[sflag:s13] =	ssyncset.done $0x0  }
0x6d: {  	[sflag:s13] =	ssyncadd.s32 $0xFFFFF800  }
0x6e: {  	_ =	swait.ge [sflag:s13], $0x800  }
0x6f: {  	s19 =	smov.u32 s16;
	s18 =	sshra.s32 s17, $0x2;
	[sflag:s13] =	ssyncset.done $0x0  }
0x70: {  	s16 =	sadd.s32 $0x2800, s18;
	[sflag:s13] =	ssyncadd.s32 $0xFFFFF800  }
0x71: {  	[spmem:s2] =	stream.indirect.scatter.add.f32 [tilespmem:s12], [sflag:$0x1], $0x10, s16, s11, $0xb8;
	[tilespmem:$0x1D000] =	vst v63  }
0x72: {  	s24 =	sadd.s32 $0x2880, s18  }
0x73: {  	[spmem:s2] =	stream.indirect.scatter.add.f32 [tilespmem:s12], [sflag:$0x1], $0x10, s24, s11, $0xb8;
	[tilespmem:$0x1D000] =	vst v63  }
0x74: {  	s25 =	sadd.s32 $0x2900, s18  }
0x75: {  	[spmem:s2] =	stream.indirect.scatter.add.f32 [tilespmem:s12], [sflag:$0x1], $0x10, s25, s11, $0xb8;
	[tilespmem:$0x1D000] =	vst v63  }
0x76: {  	s26 =	sadd.s32 $0x2980, s18  }
0x77: {  	[spmem:s2] =	stream.indirect.scatter.add.f32 [tilespmem:s12], [sflag:$0x1], $0x10, s26, s11, $0xb8;
	[tilespmem:$0x1D000] =	vst v63  }
0x78: {  	s28 =	sadd.s32 $0x2A00, s18  }
0x79: {  	[spmem:s2] =	stream.indirect.scatter.add.f32 [tilespmem:s12], [sflag:$0x1], $0x10, s28, s11, $0xb8;
	[tilespmem:$0x1D000] =	vst v63  }
0x7a: {  	s29 =	sadd.s32 $0x2A80, s18  }
0x7b: {  	[spmem:s2] =	stream.indirect.scatter.add.f32 [tilespmem:s12], [sflag:$0x1], $0x10, s29, s11, $0xb8;
	[tilespmem:$0x1D000] =	vst v63  }
0x7c: {  	s30 =	sadd.s32 $0x2B00, s18  }
0x7d: {  	[spmem:s2] =	stream.indirect.scatter.add.f32 [tilespmem:s12], [sflag:$0x1], $0x10, s30, s11, $0xb8;
	[tilespmem:$0x1D000] =	vst v63  }
0x7e: {  	s31 =	sadd.s32 $0x2B80, s18  }
0x7f: {  	[spmem:s2] =	stream.indirect.scatter.add.f32 [tilespmem:s12], [sflag:$0x1], $0x10, s31, s11, $0xb8;
	[tilespmem:$0x1D000] =	vst v63  }
0x80: {  	_ =	swait.ge [sflag:s13], $0x800  }
0x81: {  	[sflag:s13] =	ssyncset.done $0x0  }
0x82: {  	[sflag:s13] =	ssyncadd.s32 $0xFFFFF800  }
0x83: {  	_ =	swait.ge [sflag:s13], $0x800  }
0x84: {  	[sflag:s13] =	ssyncset.done $0x0  }
0x85: {  	[sflag:s13] =	ssyncadd.s32 $0xFFFFF800  }
0x86: {  	_ =	swait.ge [sflag:s13], $0x800  }
0x87: {  	[sflag:s13] =	ssyncset.done $0x0  }
0x88: {  	[sflag:s13] =	ssyncadd.s32 $0xFFFFF800  }
0x89: {  	_ =	swait.ge [sflag:s13], $0x800  }
0x8a: {  	[sflag:s13] =	ssyncset.done $0x0  }
0x8b: {  	[sflag:s13] =	ssyncadd.s32 $0xFFFFF800  }
0x8c: {  	_ =	swait.ge [sflag:s13], $0x800  }
0x8d: {  	[sflag:s13] =	ssyncset.done $0x0  }
0x8e: {  	[sflag:s13] =	ssyncadd.s32 $0xFFFFF800  }
0x8f: {  	_ =	swait.ge [sflag:s13], $0x800  }
0x90: {  	[sflag:s13] =	ssyncset.done $0x0  }
0x91: {  	[sflag:s13] =	ssyncadd.s32 $0xFFFFF800  }
0x92: {  	_ =	swait.ge [sflag:s13], $0x800  }
0x93: {  	[sflag:s13] =	ssyncset.done $0x0  }
0x94: {  	[sflag:s13] =	ssyncadd.s32 $0xFFFFF800  }
0x95: {  	_ =	swait.ge [sflag:s13], $0x800  }
0x96: {  	s3 =	sadd.s32 $0x1, s3;
	[sflag:s13] =	ssyncset.done $0x0  }
0x97: {  	p0 =	sne.s32 s3, s7;
	[sflag:s13] =	ssyncadd.s32 $0xFFFFF800  }
.Ltmp3:
0x98: {  	[bflag:$0x0] =	sbarrier.arrive $0xFFFF;
	(pc) =	sbr.rel @p0 .LBB2_1-.Ltmp3, $4  }
0x99: {  	[hbm:s6], [sflag:s14] =	dma.local [spmem:s15], $0x2800  }
0x9a: {  	_ =	swait.ge [sflag:s9], $0x2800  }
0x9b: {  	[sflag:s9] =	ssyncset.done $0x0  }
0x9c: {  	[sflag:s9] =	ssyncadd.s32 $0xFFFFD800  }
0x9d: {  	_ =	sfence.sel $0x180000  }
0x9e: {  	[bflag:$0x0] =	sbarrier.arrive $0xFFFF  }
0x9f: {  	p0 =	sne.s32 s0, $0x0;
	_ =	strace $0x90000047  }
0xa0: {  	s0 =	sadd.s32 @!p0 $0x100000, s1;
	[bflag:$0x2] =	sbarrier.arrive $0xFFFF  }
0xa1: {  	[sflag:s0] =	ssyncadd.tile.s32 @!p0 $0x1;
	_ =	shalt  }
.Lfunc_end2:
_tile_overlayer_lowered:
.L_overlay_start_2:
0xa2: {  	(tag) =	ssettag $0x2  }
0xa3: {  	s0 =	rddreg [dreg:$0x0];
	s2 =	stileid.u32  }
0xa4: {  	s1 =	rddreg [dreg:$0x1];
	p0 =	sne.s32 s2, $0x0  }
0xa5: {  	s3 =	rddreg [dreg:$0x2];
	[bflag:$0x3] =	sbarrier.arrive $0xFFFF;
	s2 =	simm.s32 @!p0 $0x1C02  }
0xa6: {  	[timem:s3], [sflag:s2] =	dma.local @!p0 [hbm:s0], s1  }
0xa7: {  	s0 =	simm.s32 @!p0 $0x2  }
0xa8: {  	_ =	swait.ge @!p0 [sflag:s0], s1  }
0xa9: {  	s1 =	ssub.s32 @!p0 $0x0, s1;
	[sflag:s0] =	ssyncset.done @!p0 $0x0  }
0xaa: {  	[sflag:s0] =	ssyncadd.s32 @!p0 s1  }
0xab: {  	[bflag:$0x3] =	sbarrier.arrive $0xFFFF  }
0xac: {  	_ =	shalt  }

// kernel: kernel.13.cloned.1.call-start
scs
__scs_entry_jumppad:
0x0: {  	(pc) =	sbr.rel $0x88, $3  }
0x1: {  	(tag) =	ssettag $0x0;
	lr =	simm.s32 $0x1  }
0x2: {  	[smem:$0x3F92] =	sst lr;
	_ =	strace $0xD0000000  }
0x3: {  	_ = 	snop  }
0x4: {  	_ = 	snop  }
0x5: {  	_ = 	snop  }
0x6: {  	_ = 	snop  }
0x7: {  	_ = 	snop  }
__scs_overlays_trampoline_lowered:
0x8: {  	[smem:$0x3FA1] =	sst s0  }
0x9: {  	[smem:$0x3FA2] =	sst s1  }
0xa: {  	[smem:$0x3FA3] =	sst s2  }
0xb: {  	[smem:$0x3FA4] =	sst s3  }
0xc: {  	[smem:$0x3FA5] =	sst s4  }
0xd: {  	[smem:$0x3FA6] =	sst s5  }
0xe: {  	[smem:$0x3FA7] =	sst s6  }
0xf: {  	[smem:$0x3FA8] =	sst s7  }
0x10: {  	[smem:$0x3FA9] =	sst s8  }
0x11: {  	[smem:$0x3FAA] =	sst s9;
	s0 =	simm.s32 @!p0 $0x0  }
0x12: {  	s1 =	sld [smem:$0x3F90];
	s0 =	simm.s32 @p0 $0x1  }
0x13: {  	[smem:$0x3FAB] =	sst s0;
	s0 =	simm.s32 @!p1 $0x0  }
0x14: {  	s2 =	sld [smem:$0x3F8F];
	s0 =	simm.s32 @p1 $0x1  }
0x15: {  	[smem:$0x3FAC] =	sst s0;
	s0 =	simm.s32 @!p2 $0x0  }
0x16: {  	s3 =	sld [smem:$0x3FDB];
	s0 =	simm.s32 @p2 $0x1  }
0x17: {  	s4 =	simm.s32 $0x1BF5;
	[smem:$0x3FAE] =	sst s0  }
0x18: {  	s0 =	sld [smem:$0x3F91];
	_ =	swait.ge [sflag:s4], $0x0  }
0x19: {  	s7 =	sld [smem:$0x3F92]  }
0x1a: {  	s8 =	sadd.s32 $0xFFFFE003, lr  }
0x1b: {  	s9 =	sadd.s32 $0xFFFFFEF7, lr;
	s5 =	simm.s32 $0xFFFFFFFF;
	p2 =	slt.u32 s8, $0xFFFFF086  }
0x1c: {  	p1 =	slt.u32 s9, $0xF7A;
	s5 =	simm.s32 @!p2 $0x0  }
0x1d: {  	s5 =	simm.s32 @p1 $0x1;
	p0 =	seq.s32 s7, s2  }
0x1e: {  	s7 =	smul.u32 @!p0 $0xF7A, s2;
	p2 =	seq.s32 @!p0 s5, $0x0  }
0x1f: {  	s9 =	smul.u32 $0xF7A, s1;
	s8 =	simm.s32 @!p0 $0x1BF5;
	p2 =	por !p2, p0  }
0x20: {  	[sflag:s8] =	ssyncset.s32 @!p0 $0xFFFFF086;
	s6 =	sadd.s32 @!p0 s3, s7;
	s7 =	simm.s32 @!p0 $0x108  }
0x21: {  	s3 =	sadd.s32 s3, s9;
	s6 =	sadd.s32 @!p0 $0x88, s6;
	s7 =	simm.s32 @p2 $0x1082  }
0x22: {  	[simem:s7], [sflag:s8] =	dma.local @!p0 [hbm:s6], $0xF7A  }
0x23: {  	s9 =	sor.u32 $0xD0000000, s2;
	s6 =	simm.s32 $0x108;
	_ =	swait.ge @!p0 [sflag:s8], $0x0  }
0x24: {  	s3 =	sadd.s32 $0x88, s3;
	s6 =	simm.s32 @!p1 $0x1082;
	[sflag:s4] =	ssyncset.s32 $0xFFFFF086  }
0x25: {  	[simem:s6], [sflag:s4] =	dma.local [hbm:s3], $0xF7A  }
0x26: {  	[smem:$0x3F92] =	sst s1;
	(tag) =	ssettag s2;
	_ =	strace s9  }
0x27: {  	s1 =	sld [smem:$0x3FA2]  }
0x28: {  	s2 =	sld [smem:$0x3FA3]  }
0x29: {  	s4 =	sld [smem:$0x3FA5]  }
0x2a: {  	p0 =	seq.s32 s5, $0x0;
	s5 =	sld [smem:$0x3FA6]  }
0x2b: {  	s6 =	sld [smem:$0x3FA7]  }
0x2c: {  	s7 =	sld [smem:$0x3FA8]  }
0x2d: {  	s3 =	simm.s32 $0x108;
	s8 =	sld [smem:$0x3FA9]  }
0x2e: {  	s3 =	simm.s32 @!p0 $0x1082;
	s9 =	sld [smem:$0x3FAA]  }
0x2f: {  	lr =	sadd.s32 s0, s3;
	s0 =	sld [smem:$0x3FA1]  }
0x30: {  	s3 =	sld [smem:$0x3FA4]  }
0x31: {  	[smem:$0x3FAD] =	sst s10  }
0x32: {  	s10 =	sld [smem:$0x3FAB];
	_ =	sdelay $0x3  }
0x33: {  	p0 =	seq.s32 s10, $0x1;
	s10 =	sld [smem:$0x3FAD];
	_ =	sdelay $0x3  }
0x34: {  	[smem:$0x3FAD] =	sst s10  }
0x35: {  	s10 =	sld [smem:$0x3FAC];
	_ =	sdelay $0x3  }
0x36: {  	p1 =	seq.s32 s10, $0x1;
	s10 =	sld [smem:$0x3FAD];
	_ =	sdelay $0x3  }
0x37: {  	[smem:$0x3FAD] =	sst s10  }
0x38: {  	s10 =	sld [smem:$0x3FAE]  }
0x39: {  	_ = 	snop;
	(pc) =	sbr.ind lr, $3  }
0x3a: {  	_ = 	snop  }
0x3b: {  	_ = 	snop  }
0x3c: {  	p2 =	seq.s32 s10, $0x1;
	s10 =	sld [smem:$0x3FAD]  }
0x3d: {  	_ =	shalt  }
0x3e: {  	_ =	shalt  }
0x3f: {  	_ =	shalt  }
0x40: {  	_ =	shalt  }
0x41: {  	_ =	shalt  }
0x42: {  	_ =	shalt  }
0x43: {  	_ =	shalt  }
0x44: {  	_ =	shalt  }
0x45: {  	_ =	shalt  }
0x46: {  	_ =	shalt  }
0x47: {  	_ =	shalt  }
0x48: {  	_ =	shalt  }
0x49: {  	_ =	shalt  }
0x4a: {  	_ =	shalt  }
0x4b: {  	_ =	shalt  }
0x4c: {  	_ =	shalt  }
0x4d: {  	_ =	shalt  }
0x4e: {  	_ =	shalt  }
0x4f: {  	_ =	shalt  }
0x50: {  	_ =	shalt  }
0x51: {  	_ =	shalt  }
0x52: {  	_ =	shalt  }
0x53: {  	_ =	shalt  }
0x54: {  	_ =	shalt  }
0x55: {  	_ =	shalt  }
0x56: {  	_ =	shalt  }
0x57: {  	_ =	shalt  }
0x58: {  	_ =	shalt  }
0x59: {  	_ =	shalt  }
0x5a: {  	_ =	shalt  }
0x5b: {  	_ =	shalt  }
0x5c: {  	_ =	shalt  }
0x5d: {  	_ =	shalt  }
0x5e: {  	_ =	shalt  }
0x5f: {  	_ =	shalt  }
0x60: {  	_ =	shalt  }
0x61: {  	_ =	shalt  }
0x62: {  	_ =	shalt  }
0x63: {  	_ =	shalt  }
0x64: {  	_ =	shalt  }
0x65: {  	_ =	shalt  }
0x66: {  	_ =	shalt  }
0x67: {  	_ =	shalt  }
0x68: {  	_ =	shalt  }
0x69: {  	_ =	shalt  }
0x6a: {  	_ =	shalt  }
0x6b: {  	_ =	shalt  }
0x6c: {  	_ =	shalt  }
0x6d: {  	_ =	shalt  }
0x6e: {  	_ =	shalt  }
0x6f: {  	_ =	shalt  }
0x70: {  	_ =	shalt  }
0x71: {  	_ =	shalt  }
0x72: {  	_ =	shalt  }
0x73: {  	_ =	shalt  }
0x74: {  	_ =	shalt  }
0x75: {  	_ =	shalt  }
0x76: {  	_ =	shalt  }
0x77: {  	_ =	shalt  }
0x78: {  	_ =	shalt  }
0x79: {  	_ =	shalt  }
0x7a: {  	_ =	shalt  }
0x7b: {  	_ =	shalt  }
0x7c: {  	_ =	shalt  }
0x7d: {  	_ =	shalt  }
0x7e: {  	_ =	shalt  }
0x7f: {  	_ =	shalt  }
0x80: {  	_ =	shalt  }
0x81: {  	_ =	shalt  }
0x82: {  	_ =	shalt  }
0x83: {  	_ =	shalt  }
0x84: {  	_ =	shalt  }
0x85: {  	_ =	shalt  }
0x86: {  	_ =	shalt  }
0x87: {  	_ =	shalt  }
.Lfunc_end0:
.L_simem_size_0:
called_computation.1_lowered:
.L_overlay_start_0:
0x88: {  	s2 =	sld [smem:$0x3FD9]  }
0x89: {  	s3 =	sld [smem:$0x3FFE];
	_ =	sdelay $0x1  }
0x8a: {  	s1 =	srdreg.scid  }
0x8b: {  	s0 =	sand.u32 $0x1, s1  }
0x8c: {  	s16 =	sshll.u32 s0, $0xA;
	s2 =	sadd.s32 s3, s2  }
0x8d: {  	s2 =	sadd.s32 s2, s16  }
0x8e: {  	[smem:$0x3FB9] =	sst s2  }
0x8f: {  	_ = 	snop  }
0x90: {  	(tm) =	ssettm $0x1  }
0x91: {  	s17 =	sld [smem:$0x3FFB];
	_ =	sdelay $0x3  }
0x92: {  	_ =	strace s17  }
0x93: {  	s2 =	sld [smem:$0x3FFC];
	_ =	sdelay $0x3  }
0x94: {  	_ =	strace s2  }
0x95: {  	s2 =	sld [smem:$0x3FFD];
	_ =	sdelay $0x3  }
0x96: {  	_ =	strace s2  }
0x97: {  	_ =	strace $0x8FFFFFFF  }
0x98: {  	s18 =	sld [smem:$0x3FDB];
	_ =	sdelay $0x1  }
0x99: {  	s19 =	simm.s32 $_scs_section_size  }
0x9a: {  	s4 =	simm.s32 $_size__tile_overlayer_lowered;
	s5 =	simm.s32 $_tile_overlayer_lowered  }
0x9b: {  	s22 =	simm.s32 $0x1BFF;
	s21 =	sshll.u32 s5, $0x1;
	s2 =	sadd.s32 s19, s18  }
0x9c: {  	s6 =	simm.s32 $0x0;
	s20 =	sshll.u32 s4, $0x1;
	s4 =	sadd.s32 s21, s2  }
0x9d: {  	[timem:s6], [sflag:s22] =	dma.local [hbm:s4], s20  }
0x9e: {  	_ =	swait.ge [sflag:s22], s20  }
0x9f: {  	s3 =	ssub.s32 $0x0, s20;
	[sflag:s22] =	ssyncset.done $0x0  }
0xa0: {  	[sflag:s22] =	ssyncadd.s32 s3;
	_ =	sdelay $0x1  }
0xa1: {  	s23 =	simm.s32 $0x1B8B  }
0xa2: {  	_ =	swait.ge [sflag:s23], $0x1  }
0xa3: {  	[sflag:s23] =	ssyncset.done $0x0  }
0xa4: {  	s25 =	simm.s32 $0x1B8E;
	s24 =	sld [smem:$0x3FFE];
	[sflag:s23] =	ssyncadd.s32 $0xFFFFFFFF  }
0xa5: {  	s26 =	simm.s32 $execute0_lowered;
	[smem:$0x3FD2] =	sst s25  }
0xa6: {  	s4 =	sshll.u32 s26, $0x1;
	_ =	strace $0x80000049;
	[dreg:$0x1] =	wrdreg $0xFFFFFFFF  }
0xa7: {  	s28 =	simm.s32 $_size_execute0_lowered;
	s2 =	sadd.s32 s2, s4;
	[dreg:$0x0] =	wrdreg $0x0  }
0xa8: {  	s4 =	sshll.u32 s28, $0x1;
	[dreg:$0x2] =	wrdreg s2  }
0xa9: {  	[dreg:$0x3] =	wrdreg s4  }
0xaa: {  	[dreg:$0x4] =	wrdreg $0xC0  }
0xab: {  	_ =	task [dreg:s6], $0x5FFFF  }
0xac: {  	[dreg:$0x1] =	wrdreg $0xFFFFFFFF  }
0xad: {  	[dreg:$0x0] =	wrdreg $0x60  }
0xae: {  	[dreg:$0x2] =	wrdreg s24  }
0xaf: {  	[dreg:$0x3] =	wrdreg $0x0  }
0xb0: {  	[dreg:$0x4] =	wrdreg $0x9  }
0xb1: {  	_ =	task.clear_ibuf [dreg:s6], $0x5FFFF;
	_ =	strace $0x90000049  }
0xb2: {  	s29 =	simm.s32 $0x9;
	_ =	strace $0x8000004B  }
0xb3: {  	_ =	swait.ge [sflag:s29], $0x1  }
0xb4: {  	[sflag:s29] =	ssyncadd.s32 $0xFFFFFFFF  }
0xb5: {  	_ =	strace $0x9000004B  }
0xb6: {  	_ =	sfence  }
0xb7: {  	s30 =	sld [smem:$0x0];
	_ =	sdelay $0x2  }
0xb8: {  	s31 =	sshll.u32 s1, $0xD;
	s1 =	sshrl.u32 s1, $0x2  }
0xb9: {  	s3 =	sand.u32 $0x4000, s31;
	s1 =	sadd.s32 s1, s30  }
0xba: {  	s0 =	sor.u32 s3, s0;
	s1 =	sshll.u32 s1, $0x11  }
0xbb: {  	s0 =	sor.u32 s1, s0  }
0xbc: {  	s0 =	sadd.s32 $0x8F2B, s0  }
0xbd: {  	[sflag:s0] =	ssyncadd.remote.s32 $0x1  }
0xbe: {  	_ =	sfence.sel $0xFFFF  }
0xbf: {  	[dreg:$0x0] =	wrdreg $0xFFFFFFFF;
	(pc) =	sbr.abs _section_cstart, $3  }
0xc0: {  	[dreg:$0x1] =	wrdreg $0xFFFFFFFF  }
0xc1: {  	_ =	task.clear_ibuf [dreg:s6], $0x2FFFF;
	_ =	strace $0x9FFFFFFF  }
0xc2: {  	(tm) =	ssettm $0x7FFFFFFF  }
0xc3: {  	_ =	shalt  }
tec
execute0_lowered:
.L_overlay_start_1:
0x0: {  	(tag) =	ssettag $0x1  }
0x1: {  	s1 =	srdreg.scid  }
0x2: {  	s0 =	rddreg [dreg:$0x0];
	s11 =	stileid.u32;
	s9 =	simm.s32 $0x0  }
0x3: {  	s28 =	rddreg [dreg:$0x1];
	s29 =	simm.s32 $0x13;
	s5 =	smul.u32 $0x14000, s11  }
0x4: {  	s30 =	simm.s32 $0xC;
	s2 =	sand.u32 $0x1, s1;
	s22 =	smul.u32 $0x50, s11  }
0x5: {  	[smem:$0x7FF] =	sst s9;
	s3 =	smul.u32 $0x140000, s2;
	s4 =	sshll.u32 s2, $0x4  }
0x6: {  	s6 =	ssub.s32 $0x2, s2;
	s2 =	smul.u32 $0x500, s2;
	s4 =	sor.u32 s11, s4  }
0x7: {  	s7 =	sadd.s32 $0x2E00, s0;
	s8 =	sadd.s32 $0xCE00, s0;
	s4 =	smul.u32 $0x500, s4  }
0x8: {  	s31 =	sadd.s32 $0x66E00, s0;
	s9 =	sshrl.u32 s6, $0x1;
	s3 =	sadd.s32 s5, s3  }
0x9: {  	s5 =	ssub.s32 s6, s9;
	s2 =	sadd.s32 s22, s2;
	s12 =	sadd.s32 s7, s4  }
0xa: {  	s10 =	sor.u32 $0x10, s4;
	s13 =	sadd.s32 s8, s4;
	[dreg:$0x3] =	wrdreg s12  }
0xb: {  	s2 =	sshll.u32 s2, $0x4;
	[dreg:$0x4] =	wrdreg s13;
	s14 =	sadd.s32 s7, s10  }
0xc: {  	s15 =	sor.u32 $0x20, s4;
	s6 =	sadd.s32 s8, s10;
	[dreg:$0x5] =	wrdreg s14  }
0xd: {  	s16 =	sor.u32 $0x30, s4;
	s10 =	sadd.s32 s7, s15;
	[dreg:$0x6] =	wrdreg s6  }
0xe: {  	s19 =	sor.u32 $0x40, s4;
	s17 =	sadd.s32 s7, s16;
	[dreg:$0x7] =	wrdreg s10  }
0xf: {  	s21 =	sor.u32 $0x50, s4;
	s18 =	sadd.s32 s8, s16;
	[dreg:$0x9] =	wrdreg s17  }
0x10: {  	s24 =	sor.u32 $0x60, s4;
	s20 =	sadd.s32 s7, s19;
	[dreg:$0xa] =	wrdreg s18  }
0x11: {  	s4 =	sor.u32 $0x70, s4;
	s23 =	sadd.s32 s7, s21;
	[dreg:$0xb] =	wrdreg s20  }
0x12: {  	s1 =	sor.u32 $0xE0, s2;
	s9 =	sadd.s32 s8, s21;
	[dreg:$0xd] =	wrdreg s23  }
0x13: {  	s25 =	sadd.s32 s7, s24;
	s26 =	sadd.s32 s7, s4;
	[dreg:$0xe] =	wrdreg s9  }
0x14: {  	s4 =	sadd.s32 s8, s4;
	s13 =	sor.u32 $0xA0, s2;
	[dreg:$0xf] =	wrdreg s25  }
0x15: {  	s16 =	smul.u32 $0x50000, s11;
	s6 =	sadd.s32 s8, s15;
	[dreg:$0x11] =	wrdreg s26  }
0x16: {  	[dreg:$0x12] =	wrdreg s4;
	s9 =	sadd.s32 s1, s7;
	s4 =	sadd.s32 s1, s8  }
0x17: {  	s10 =	sor.u32 $0xC0, s2;
	s14 =	sadd.s32 s13, s7;
	s25 =	sadd.s32 s2, s7  }
0x18: {  	s26 =	sadd.s32 s2, s8;
	s2 =	sor.u32 $0x80, s2;
	[dreg:$0x8] =	wrdreg s6  }
0x19: {  	s17 =	sshrl.u32 s3, $0x3;
	s20 =	smax.u32 s5, $0x1;
	[dreg:$0x13] =	wrdreg s9  }
0x1a: {  	s1 =	simm.s32 $0x14700;
	s3 =	simm.s32 $0x8;
	[dreg:$0x14] =	wrdreg s4  }
0x1b: {  	s6 =	sadd.s32 s8, s19;
	s12 =	sadd.s32 s10, s7;
	[dreg:$0x17] =	wrdreg s14  }
0x1c: {  	s4 =	sadd.s32 s10, s8;
	s15 =	sadd.s32 s2, s7;
	[dreg:$0xc] =	wrdreg s6  }
0x1d: {  	s2 =	sadd.s32 s2, s8;
	s18 =	sshrl.u32 s16, $0x2;
	[dreg:$0x15] =	wrdreg s12  }
0x1e: {  	s7 =	simm.s32 $0x14800;
	s9 =	simm.s32 $0x15;
	[dreg:$0x16] =	wrdreg s4  }
0x1f: {  	s10 =	simm.s32 $0x80;
	s14 =	simm.s32 $0x1;
	[dreg:$0x19] =	wrdreg s15  }
0x20: {  	s6 =	sadd.s32 s8, s24;
	s4 =	sadd.s32 s13, s8;
	[dreg:$0x1a] =	wrdreg s2  }
0x21: {  	s2 =	sadd.s32 s17, s0;
	s8 =	sadd.s32 s18, s28;
	s12 =	simm.s32 $0x14300  }
0x22: {  	s13 =	simm.s32 $0x18800;
	s15 =	simm.s32 $0x3;
	[dreg:$0x10] =	wrdreg s6  }
0x23: {  	s17 =	simm.s32 $0xF;
	[dreg:$0x18] =	wrdreg s4;
	s19 =	sadd.s32 $0x8EE00, s2  }
0x24: {  	s0 =	simm.s32 $0x2;
	_ =	strace $0x8000004A;
	[dreg:$0x1c] =	wrdreg s19  }
0x25: {  	s18 =	simm.s32 $0x10;
	s21 =	sadd.s32 $0x4000, s8;
	[dreg:$0x1d] =	wrdreg s20  }
0x26: {  	s22 =	sadd.s32 $0x8000, s8;
	s23 =	sadd.s32 $0xC000, s8;
	[dreg:$0x1e] =	wrdreg s21  }
.Ltmp0:
0x27: {  	s24 =	sadd.s32 $0x10000, s8;
	[dreg:$0x1f] =	wrdreg s22;
	(pc) =	sbr.rel .LBB2_1-.Ltmp0, $4  }
0x28: {  	s2 =	simm.s32 $0x4;
	s4 =	simm.s32 $0x14;
	[smem:$0x7FC] =	sst s23  }
0x29: {  	s6 =	simm.s32 $0x0;
	[smem:$0x7FD] =	sst s24;
	s23 =	simm.s32 $0x14380  }
0x2a: {  	s19 =	simm.s32 $0x9;
	s20 =	simm.s32 $0x11;
	s21 =	simm.s32 $0xA  }
0x2b: {  	v0 =	vimm.f32 $0.0e+00;
	s22 =	simm.s32 $0x12;
	s24 =	simm.s32 $0xB;
	[dreg:$0x1b] =	wrdreg s8  }
.LBB2_6:
0x2c: {  	_ =	swait.ge [sflag:s0], $0x4000  }
0x2d: {  	[sflag:s0] =	ssyncset.done $0x0  }
0x2e: {  	s5 =	simm.s32 $0x14780;
	[sflag:s0] =	ssyncadd.s32 $0xFFFFC000  }
0x2f: {  	[spmem:s28] =	stream.indirect.scatter.add.f32 [tilespmem:s13], [sflag:$0x4], $0x80, s5, s10, $0xb8;
	[tilespmem:$0x1C800] =	vst v63  }
0x30: {  	_ =	swait.ge [sflag:s15], $0x4000  }
0x31: {  	[sflag:s15] =	ssyncset.done $0x0  }
0x32: {  	[sflag:s15] =	ssyncadd.s32 $0xFFFFC000  }
0x33: {  	_ =	swait.ge [sflag:s2], $0x4000  }
0x34: {  	[sflag:s2] =	ssyncset.done $0x0  }
0x35: {  	[sflag:s2] =	ssyncadd.s32 $0xFFFFC000  }
0x36: {  	s11 =	stileid.u32;
	[bflag:$0x0] =	sbarrier.arrive $0xFFFF  }
0x37: {  	s5 =	sshll.u32 s11, $0x6;
	s8 =	rddreg [dreg:$0x1b]  }
0x38: {  	s5 =	sor.u32 $0x1C15, s5;
	s9 =	rddreg [dreg:$0x1c];
	s6 =	sshrl.u32 s8, $0x3  }
0x39: {  	[hbm:s9], [sflag:s5] =	dma.local [spmem:s6], $0x2800  }
0x3a: {  	s9 =	simm.s32 $0x15  }
0x3b: {  	_ =	swait.ge [sflag:s9], $0x2800  }
0x3c: {  	s12 =	sld [smem:$0x7FB];
	_ =	sdelay $0x2  }
0x3d: {  	s16 =	rddreg [dreg:$0x1d];
	s6 =	sadd.s32 $0x1, s12  }
0x3e: {  	p0 =	sne.s32 s6, s16  }
.Ltmp1:
0x3f: {  	_ = 	snop;
	(pc) =	sbr.rel @!p0 .LBB2_7-.Ltmp1, $3  }
0x40: {  	_ =	sdelay $0x1  }
0x41: {  	[sflag:s9] =	ssyncset.done $0x0  }
0x42: {  	[sflag:s9] =	ssyncadd.s32 $0xFFFFD800;
	s12 =	simm.s32 $0x14300  }
.LBB2_1:
0x43: {  	[smem:$0x7FB] =	sst s6;
	s5 =	simm.s32 $0x0;
	s6 =	simm.s32 $0x200  }
.LBB2_2:
0x44: {  	p0 =	sne.s32 s6, $0xFE00;
	[tilespmem:s5+$0x14870] =	vst v0  }
0x45: {  	[tilespmem:s5+$0x14800] =	vst v0  }
0x46: {  	[tilespmem:s5+$0x14810] =	vst v0  }
.Ltmp2:
0x47: {  	[tilespmem:s5+$0x14820] =	vst v0;
	(pc) =	sbr.rel @p0 .LBB2_2-.Ltmp2, $4  }
0x48: {  	[tilespmem:s5+$0x14830] =	vst v0  }
0x49: {  	[tilespmem:s5+$0x14840] =	vst v0  }
0x4a: {  	[tilespmem:s5+$0x14850] =	vst v0  }
0x4b: {  	[tilespmem:s5+$0x14860] =	vst v0;
	s5 =	sshra.s32 s6, $0x2;
	s6 =	sadd.s32 $0x200, s6  }
0x4c: {  	[tilespmem:s5+$0x14870] =	vst v0  }
0x4d: {  	[tilespmem:s5+$0x14800] =	vst v0  }
0x4e: {  	[tilespmem:s5+$0x14810] =	vst v0  }
0x4f: {  	[tilespmem:s5+$0x14820] =	vst v0  }
0x50: {  	[tilespmem:s5+$0x14830] =	vst v0  }
0x51: {  	[tilespmem:s5+$0x14840] =	vst v0  }
0x52: {  	[tilespmem:s5+$0x14850] =	vst v0  }
0x53: {  	[tilespmem:s5+$0x14860] =	vst v0  }
0x54: {  	[spmem:s8] =	stream.linear.scatter [tilespmem:s7], [sflag:$0x15], $0x4000, $0x38;
	[tilespmem:$0x1C800] =	vst v63  }
0x55: {  	_ =	swait.ge [sflag:s9], $0x4000  }
0x56: {  	[sflag:s9] =	ssyncset.done $0x0  }
0x57: {  	s11 =	rddreg [dreg:$0x1e];
	[sflag:s9] =	ssyncadd.s32 $0xFFFFC000  }
0x58: {  	[spmem:s11] =	stream.linear.scatter [tilespmem:s7], [sflag:$0x15], $0x4000, $0x38;
	[tilespmem:$0x1C800] =	vst v63  }
0x59: {  	_ =	swait.ge [sflag:s9], $0x4000  }
0x5a: {  	[sflag:s9] =	ssyncset.done $0x0  }
0x5b: {  	s16 =	rddreg [dreg:$0x1f];
	[sflag:s9] =	ssyncadd.s32 $0xFFFFC000  }
0x5c: {  	[spmem:s16] =	stream.linear.scatter [tilespmem:s7], [sflag:$0x15], $0x4000, $0x38;
	[tilespmem:$0x1C800] =	vst v63  }
0x5d: {  	_ =	swait.ge [sflag:s9], $0x4000  }
0x5e: {  	s6 =	sld [smem:$0x7FC]  }
0x5f: {  	[sflag:s9] =	ssyncset.done $0x0  }
0x60: {  	[sflag:s9] =	ssyncadd.s32 $0xFFFFC000  }
0x61: {  	[spmem:s6] =	stream.linear.scatter [tilespmem:s7], [sflag:$0x15], $0x4000, $0x38;
	[tilespmem:$0x1C800] =	vst v63  }
0x62: {  	_ =	swait.ge [sflag:s9], $0x4000  }
0x63: {  	s8 =	sld [smem:$0x7FD]  }
0x64: {  	[sflag:s9] =	ssyncset.done $0x0  }
0x65: {  	[sflag:s9] =	ssyncadd.s32 $0xFFFFC000  }
0x66: {  	[spmem:s8] =	stream.linear.scatter [tilespmem:s7], [sflag:$0x15], $0x4000, $0x38;
	[tilespmem:$0x1C800] =	vst v63  }
0x67: {  	_ =	swait.ge [sflag:s9], $0x4000  }
0x68: {  	s5 =	simm.s32 $0x0;
	[sflag:s9] =	ssyncset.done $0x0  }
0x69: {  	s8 =	simm.s32 $0x14000;
	s6 =	rddreg [dreg:$0x3];
	[sflag:s9] =	ssyncadd.s32 $0xFFFFC000  }
0x6a: {  	[tilespmem:s8], [sflag:$0x5] =	stream.linear.gather [hbm4b:s6+s5], $0x80, $0x38;
	[tilespmem:$0x1C800] =	vst v63  }
0x6b: {  	s16 =	simm.s32 $0x14400;
	s11 =	rddreg [dreg:$0x4]  }
0x6c: {  	[tilespmem:s16], [sflag:$0xD] =	stream.linear.gather [hbm4b:s11+s5], $0x80, $0x38;
	[tilespmem:$0x1C800] =	vst v63  }
0x6d: {  	s9 =	simm.s32 $0x14080;
	s11 =	rddreg [dreg:$0x5]  }
0x6e: {  	[tilespmem:s9], [sflag:$0x6] =	stream.linear.gather [hbm4b:s11+s5], $0x80, $0x38;
	[tilespmem:$0x1C800] =	vst v63  }
0x6f: {  	s16 =	rddreg [dreg:$0x6];
	s11 =	simm.s32 $0x14480  }
0x70: {  	[tilespmem:s11], [sflag:$0xE] =	stream.linear.gather [hbm4b:s16+s5], $0x80, $0x38;
	[tilespmem:$0x1C800] =	vst v63  }
0x71: {  	s11 =	rddreg [dreg:$0x7];
	s16 =	simm.s32 $0x14100  }
0x72: {  	[tilespmem:s16], [sflag:$0x7] =	stream.linear.gather [hbm4b:s11+s5], $0x80, $0x38;
	[tilespmem:$0x1C800] =	vst v63  }
0x73: {  	s11 =	rddreg [dreg:$0x8];
	s16 =	simm.s32 $0x14500  }
0x74: {  	[tilespmem:s16], [sflag:$0xF] =	stream.linear.gather [hbm4b:s11+s5], $0x80, $0x38;
	[tilespmem:$0x1C800] =	vst v63  }
0x75: {  	s11 =	rddreg [dreg:$0x9];
	s16 =	simm.s32 $0x14180  }
0x76: {  	[tilespmem:s16], [sflag:$0x8] =	stream.linear.gather [hbm4b:s11+s5], $0x80, $0x38;
	[tilespmem:$0x1C800] =	vst v63  }
0x77: {  	s11 =	rddreg [dreg:$0xa];
	s16 =	simm.s32 $0x14580  }
0x78: {  	[tilespmem:s16], [sflag:$0x10] =	stream.linear.gather [hbm4b:s11+s5], $0x80, $0x38;
	[tilespmem:$0x1C800] =	vst v63  }
0x79: {  	s11 =	rddreg [dreg:$0xb];
	s16 =	simm.s32 $0x14200  }
0x7a: {  	[tilespmem:s16], [sflag:$0x9] =	stream.linear.gather [hbm4b:s11+s5], $0x80, $0x38;
	[tilespmem:$0x1C800] =	vst v63  }
0x7b: {  	s11 =	rddreg [dreg:$0xc];
	s16 =	simm.s32 $0x14600  }
0x7c: {  	[tilespmem:s16], [sflag:$0x11] =	stream.linear.gather [hbm4b:s11+s5], $0x80, $0x38;
	[tilespmem:$0x1C800] =	vst v63  }
0x7d: {  	s11 =	rddreg [dreg:$0xd];
	s16 =	simm.s32 $0x14280  }
0x7e: {  	[tilespmem:s16], [sflag:$0xA] =	stream.linear.gather [hbm4b:s11+s5], $0x80, $0x38;
	[tilespmem:$0x1C800] =	vst v63  }
0x7f: {  	s11 =	rddreg [dreg:$0xe];
	s16 =	simm.s32 $0x14680  }
0x80: {  	[tilespmem:s16], [sflag:$0x12] =	stream.linear.gather [hbm4b:s11+s5], $0x80, $0x38;
	[tilespmem:$0x1C800] =	vst v63  }
0x81: {  	s16 =	rddreg [dreg:$0xf]  }
0x82: {  	[tilespmem:s12], [sflag:$0xB] =	stream.linear.gather [hbm4b:s16+s5], $0x80, $0x38;
	[tilespmem:$0x1C800] =	vst v63  }
0x83: {  	s11 =	rddreg [dreg:$0x10]  }
0x84: {  	[tilespmem:s1], [sflag:$0x13] =	stream.linear.gather [hbm4b:s11+s5], $0x80, $0x38;
	[tilespmem:$0x1C800] =	vst v63  }
0x85: {  	s12 =	rddreg [dreg:$0x11]  }
0x86: {  	[tilespmem:s23], [sflag:$0xC] =	stream.linear.gather [hbm4b:s12+s5], $0x80, $0x38;
	[tilespmem:$0x1C800] =	vst v63  }
0x87: {  	s16 =	rddreg [dreg:$0x12];
	s23 =	simm.s32 $0x14780  }
0x88: {  	[tilespmem:s23], [sflag:$0x14] =	stream.linear.gather [hbm4b:s16+s5], $0x80, $0x38;
	[tilespmem:$0x1C800] =	vst v63  }
0x89: {  	s11 =	simm.s32 $0x5;
	[bflag:$0x0] =	sbarrier.arrive $0xFFFF  }
0x8a: {  	_ =	swait.ge [sflag:s11], $0x80  }
0x8b: {  	[sflag:s11] =	ssyncset.done $0x0  }
0x8c: {  	s12 =	simm.s32 $0xD;
	[sflag:s11] =	ssyncadd.s32 $0xFFFFFF80  }
0x8d: {  	_ =	swait.ge [sflag:s12], $0x80  }
0x8e: {  	[sflag:s12] =	ssyncset.done $0x0  }
0x8f: {  	s16 =	simm.s32 $0x6;
	[sflag:s12] =	ssyncadd.s32 $0xFFFFFF80  }
0x90: {  	[tilespmem:s7], [sflag:$0x1] =	stream.indirect.gather [hbm4b:s31+s10], $0x80, s8, s10, $0xb8;
	[tilespmem:$0x1C800] =	vst v63  }
0x91: {  	_ =	swait.ge [sflag:s16], $0x80  }
0x92: {  	[sflag:s16] =	ssyncset.done $0x0  }
0x93: {  	s23 =	simm.s32 $0xE;
	[sflag:s16] =	ssyncadd.s32 $0xFFFFFF80  }
0x94: {  	_ =	swait.ge [sflag:s23], $0x80  }
0x95: {  	s1 =	simm.s32 $0x14700;
	[sflag:s23] =	ssyncset.done $0x0  }
0x96: {  	s12 =	simm.s32 $0x14300;
	s16 =	simm.s32 $0x14380;
	[sflag:s23] =	ssyncadd.s32 $0xFFFFFF80  }
0x97: {  	[tilespmem:s13], [sflag:$0x2] =	stream.indirect.gather [hbm4b:s31+s10], $0x80, s9, s10, $0xb8;
	[tilespmem:$0x1C800] =	vst v63  }
.LBB2_4:
0x98: {  	_ =	swait.ge [sflag:s14], $0x4000  }
0x99: {  	[sflag:s14] =	ssyncset.done $0x0  }
0x9a: {  	s6 =	simm.s32 $0x14400;
	[sflag:s14] =	ssyncadd.s32 $0xFFFFC000  }
0x9b: {  	[spmem:s28] =	stream.indirect.scatter.add.f32 [tilespmem:s7], [sflag:$0x3], $0x80, s6, s10, $0xb8;
	[tilespmem:$0x1C800] =	vst v63  }
0x9c: {  	p0 =	seq.s32 s5, $0x480;
	_ =	swait.ge [sflag:s15], $0x4000  }
0x9d: {  	s23 =	simm.s32 @!p0 $0x14000;
	[sflag:s15] =	ssyncset.done $0x0;
	s6 =	rddreg [dreg:$0x19]  }
0x9e: {  	[sflag:s15] =	ssyncadd.s32 $0xFFFFC000;
	s8 =	sadd.s32 @!p0 s5, s6;
	s6 =	simm.s32 @!p0 $0x0  }
0x9f: {  	[tilespmem:s23], [sflag:$0x5] =	stream.linear.gather @!p0 [hbm4b:s8+s6], $0x80, $0x38;
	[tilespmem:$0x1C800] =	vst v63  }
0xa0: {  	s8 =	rddreg [dreg:$0x1a]  }
0xa1: {  	s11 =	simm.s32 $0x7;
	s23 =	simm.s32 @!p0 $0x14400;
	s8 =	sadd.s32 @!p0 s5, s8  }
0xa2: {  	[tilespmem:s23], [sflag:$0xD] =	stream.linear.gather @!p0 [hbm4b:s8+s6], $0x80, $0x38;
	[tilespmem:$0x1C800] =	vst v63  }
0xa3: {  	_ =	swait.ge [sflag:s11], $0x80  }
0xa4: {  	[sflag:s11] =	ssyncset.done $0x0  }
0xa5: {  	[sflag:s11] =	ssyncadd.s32 $0xFFFFFF80  }
0xa6: {  	_ =	swait.ge [sflag:s17], $0x80  }
0xa7: {  	[sflag:s17] =	ssyncset.done $0x0  }
0xa8: {  	s23 =	simm.s32 $0x14100;
	[sflag:s17] =	ssyncadd.s32 $0xFFFFFF80  }
0xa9: {  	[tilespmem:s7], [sflag:$0x1] =	stream.indirect.gather [hbm4b:s31+s10], $0x80, s23, s10, $0xb8;
	[tilespmem:$0x1C800] =	vst v63  }
0xaa: {  	_ =	swait.ge [sflag:s0], $0x4000  }
0xab: {  	[sflag:s0] =	ssyncset.done $0x0  }
0xac: {  	s9 =	simm.s32 $0x14480;
	[sflag:s0] =	ssyncadd.s32 $0xFFFFC000  }
0xad: {  	[spmem:s28] =	stream.indirect.scatter.add.f32 [tilespmem:s13], [sflag:$0x4], $0x80, s9, s10, $0xb8;
	[tilespmem:$0x1C800] =	vst v63  }
0xae: {  	_ =	swait.ge [sflag:s2], $0x4000  }
0xaf: {  	s23 =	sadd.s32 @!p0 s5, s25;
	[sflag:s2] =	ssyncset.done $0x0  }
0xb0: {  	s8 =	sadd.s32 @!p0 $0x90, s23;
	s9 =	simm.s32 @!p0 $0x14080;
	[sflag:s2] =	ssyncadd.s32 $0xFFFFC000  }
0xb1: {  	[tilespmem:s9], [sflag:$0x6] =	stream.linear.gather @!p0 [hbm4b:s8+s6], $0x80, $0x38;
	[tilespmem:$0x1C800] =	vst v63  }
0xb2: {  	s8 =	sadd.s32 @!p0 s5, s26  }
0xb3: {  	s11 =	simm.s32 @!p0 $0x14480;
	s9 =	sadd.s32 @!p0 $0x90, s8  }
0xb4: {  	[tilespmem:s11], [sflag:$0xE] =	stream.linear.gather @!p0 [hbm4b:s9+s6], $0x80, $0x38;
	[tilespmem:$0x1C800] =	vst v63  }
0xb5: {  	_ =	swait.ge [sflag:s3], $0x80  }
0xb6: {  	[sflag:s3] =	ssyncset.done $0x0  }
0xb7: {  	[sflag:s3] =	ssyncadd.s32 $0xFFFFFF80  }
0xb8: {  	_ =	swait.ge [sflag:s18], $0x80  }
0xb9: {  	[sflag:s18] =	ssyncset.done $0x0  }
0xba: {  	s11 =	simm.s32 $0x14180;
	[sflag:s18] =	ssyncadd.s32 $0xFFFFFF80  }
0xbb: {  	[tilespmem:s13], [sflag:$0x2] =	stream.indirect.gather [hbm4b:s31+s10], $0x80, s11, s10, $0xb8;
	[tilespmem:$0x1C800] =	vst v63  }
0xbc: {  	_ =	swait.ge [sflag:s14], $0x4000  }
0xbd: {  	[sflag:s14] =	ssyncset.done $0x0  }
0xbe: {  	s11 =	simm.s32 $0x14500;
	[sflag:s14] =	ssyncadd.s32 $0xFFFFC000  }
0xbf: {  	[spmem:s28] =	stream.indirect.scatter.add.f32 [tilespmem:s7], [sflag:$0x3], $0x80, s11, s10, $0xb8;
	[tilespmem:$0x1C800] =	vst v63  }
0xc0: {  	_ =	swait.ge [sflag:s15], $0x4000  }
0xc1: {  	[sflag:s15] =	ssyncset.done $0x0;
	s9 =	rddreg [dreg:$0x17]  }
0xc2: {  	s11 =	simm.s32 @!p0 $0x14100;
	[sflag:s15] =	ssyncadd.s32 $0xFFFFC000;
	s9 =	sadd.s32 @!p0 s5, s9  }
0xc3: {  	[tilespmem:s11], [sflag:$0x7] =	stream.linear.gather @!p0 [hbm4b:s9+s6], $0x80, $0x38;
	[tilespmem:$0x1C800] =	vst v63  }
0xc4: {  	s9 =	rddreg [dreg:$0x18]  }
0xc5: {  	s11 =	simm.s32 @!p0 $0x14500;
	s9 =	sadd.s32 @!p0 s5, s9  }
0xc6: {  	[tilespmem:s11], [sflag:$0xF] =	stream.linear.gather @!p0 [hbm4b:s9+s6], $0x80, $0x38;
	[tilespmem:$0x1C800] =	vst v63  }
0xc7: {  	_ =	swait.ge [sflag:s19], $0x80  }
0xc8: {  	[sflag:s19] =	ssyncset.done $0x0  }
0xc9: {  	[sflag:s19] =	ssyncadd.s32 $0xFFFFFF80  }
0xca: {  	_ =	swait.ge [sflag:s20], $0x80  }
0xcb: {  	[sflag:s20] =	ssyncset.done $0x0  }
0xcc: {  	s11 =	simm.s32 $0x14200;
	[sflag:s20] =	ssyncadd.s32 $0xFFFFFF80  }
0xcd: {  	[tilespmem:s7], [sflag:$0x1] =	stream.indirect.gather [hbm4b:s31+s10], $0x80, s11, s10, $0xb8;
	[tilespmem:$0x1C800] =	vst v63  }
0xce: {  	_ =	swait.ge [sflag:s0], $0x4000  }
0xcf: {  	[sflag:s0] =	ssyncset.done $0x0  }
0xd0: {  	s11 =	simm.s32 $0x14580;
	[sflag:s0] =	ssyncadd.s32 $0xFFFFC000  }
0xd1: {  	[spmem:s28] =	stream.indirect.scatter.add.f32 [tilespmem:s13], [sflag:$0x4], $0x80, s11, s10, $0xb8;
	[tilespmem:$0x1C800] =	vst v63  }
0xd2: {  	_ =	swait.ge [sflag:s2], $0x4000  }
0xd3: {  	[sflag:s2] =	ssyncset.done $0x0  }
0xd4: {  	s9 =	sadd.s32 @!p0 $0xB0, s23;
	s11 =	simm.s32 @!p0 $0x14180;
	[sflag:s2] =	ssyncadd.s32 $0xFFFFC000  }
0xd5: {  	[tilespmem:s11], [sflag:$0x8] =	stream.linear.gather @!p0 [hbm4b:s9+s6], $0x80, $0x38;
	[tilespmem:$0x1C800] =	vst v63  }
0xd6: {  	s9 =	sadd.s32 @!p0 $0xB0, s8;
	s11 =	simm.s32 @!p0 $0x14580  }
0xd7: {  	[tilespmem:s11], [sflag:$0x10] =	stream.linear.gather @!p0 [hbm4b:s9+s6], $0x80, $0x38;
	[tilespmem:$0x1C800] =	vst v63  }
0xd8: {  	_ =	swait.ge [sflag:s21], $0x80  }
0xd9: {  	[sflag:s21] =	ssyncset.done $0x0  }
0xda: {  	[sflag:s21] =	ssyncadd.s32 $0xFFFFFF80  }
0xdb: {  	_ =	swait.ge [sflag:s22], $0x80  }
0xdc: {  	[sflag:s22] =	ssyncset.done $0x0  }
0xdd: {  	s11 =	simm.s32 $0x14280;
	[sflag:s22] =	ssyncadd.s32 $0xFFFFFF80  }
0xde: {  	[tilespmem:s13], [sflag:$0x2] =	stream.indirect.gather [hbm4b:s31+s10], $0x80, s11, s10, $0xb8;
	[tilespmem:$0x1C800] =	vst v63  }
0xdf: {  	_ =	swait.ge [sflag:s14], $0x4000  }
0xe0: {  	[sflag:s14] =	ssyncset.done $0x0  }
0xe1: {  	s11 =	simm.s32 $0x14600;
	[sflag:s14] =	ssyncadd.s32 $0xFFFFC000  }
0xe2: {  	[spmem:s28] =	stream.indirect.scatter.add.f32 [tilespmem:s7], [sflag:$0x3], $0x80, s11, s10, $0xb8;
	[tilespmem:$0x1C800] =	vst v63  }
0xe3: {  	_ =	swait.ge [sflag:s15], $0x4000  }
0xe4: {  	[sflag:s15] =	ssyncset.done $0x0;
	s9 =	rddreg [dreg:$0x15]  }
0xe5: {  	s11 =	simm.s32 @!p0 $0x14200;
	[sflag:s15] =	ssyncadd.s32 $0xFFFFC000;
	s9 =	sadd.s32 @!p0 s5, s9  }
0xe6: {  	[tilespmem:s11], [sflag:$0x9] =	stream.linear.gather @!p0 [hbm4b:s9+s6], $0x80, $0x38;
	[tilespmem:$0x1C800] =	vst v63  }
0xe7: {  	s9 =	rddreg [dreg:$0x16]  }
0xe8: {  	s11 =	simm.s32 @!p0 $0x14600;
	s9 =	sadd.s32 @!p0 s5, s9  }
0xe9: {  	[tilespmem:s11], [sflag:$0x11] =	stream.linear.gather @!p0 [hbm4b:s9+s6], $0x80, $0x38;
	[tilespmem:$0x1C800] =	vst v63  }
0xea: {  	_ =	swait.ge [sflag:s24], $0x80  }
0xeb: {  	[sflag:s24] =	ssyncset.done $0x0  }
0xec: {  	[sflag:s24] =	ssyncadd.s32 $0xFFFFFF80  }
0xed: {  	_ =	swait.ge [sflag:s29], $0x80  }
0xee: {  	[sflag:s29] =	ssyncset.done $0x0  }
0xef: {  	[sflag:s29] =	ssyncadd.s32 $0xFFFFFF80  }
0xf0: {  	[tilespmem:s7], [sflag:$0x1] =	stream.indirect.gather [hbm4b:s31+s10], $0x80, s12, s10, $0xb8;
	[tilespmem:$0x1C800] =	vst v63  }
0xf1: {  	_ =	swait.ge [sflag:s0], $0x4000  }
0xf2: {  	[sflag:s0] =	ssyncset.done $0x0  }
0xf3: {  	s11 =	simm.s32 $0x14680;
	[sflag:s0] =	ssyncadd.s32 $0xFFFFC000  }
0xf4: {  	[spmem:s28] =	stream.indirect.scatter.add.f32 [tilespmem:s13], [sflag:$0x4], $0x80, s11, s10, $0xb8;
	[tilespmem:$0x1C800] =	vst v63  }
0xf5: {  	_ =	swait.ge [sflag:s2], $0x4000  }
0xf6: {  	[sflag:s2] =	ssyncset.done $0x0  }
0xf7: {  	s9 =	sadd.s32 @!p0 $0xD0, s23;
	s11 =	simm.s32 @!p0 $0x14280;
	[sflag:s2] =	ssyncadd.s32 $0xFFFFC000  }
0xf8: {  	[tilespmem:s11], [sflag:$0xA] =	stream.linear.gather @!p0 [hbm4b:s9+s6], $0x80, $0x38;
	[tilespmem:$0x1C800] =	vst v63  }
0xf9: {  	s8 =	sadd.s32 @!p0 $0xD0, s8;
	s9 =	simm.s32 @!p0 $0x14680  }
0xfa: {  	[tilespmem:s9], [sflag:$0x12] =	stream.linear.gather @!p0 [hbm4b:s8+s6], $0x80, $0x38;
	[tilespmem:$0x1C800] =	vst v63  }
0xfb: {  	_ =	swait.ge [sflag:s30], $0x80  }
0xfc: {  	[sflag:s30] =	ssyncset.done $0x0  }
0xfd: {  	[sflag:s30] =	ssyncadd.s32 $0xFFFFFF80  }
0xfe: {  	_ =	swait.ge [sflag:s4], $0x80  }
0xff: {  	[sflag:s4] =	ssyncset.done $0x0  }
0x100: {  	[sflag:s4] =	ssyncadd.s32 $0xFFFFFF80  }
0x101: {  	[tilespmem:s13], [sflag:$0x2] =	stream.indirect.gather [hbm4b:s31+s10], $0x80, s16, s10, $0xb8;
	[tilespmem:$0x1C800] =	vst v63  }
.Ltmp3:
0x102: {  	_ =	swait.ge [sflag:s14], $0x4000;
	(pc) =	sbr.rel @p0 .LBB2_6-.Ltmp3, $4  }
0x103: {  	[sflag:s14] =	ssyncset.done $0x0  }
0x104: {  	[sflag:s14] =	ssyncadd.s32 $0xFFFFC000  }
0x105: {  	[spmem:s28] =	stream.indirect.scatter.add.f32 [tilespmem:s7], [sflag:$0x3], $0x80, s1, s10, $0xb8;
	[tilespmem:$0x1C800] =	vst v63  }
0x106: {  	s23 =	simm.s32 $0x14380;
	s1 =	simm.s32 $0x14700  }
0x107: {  	_ =	swait.ge [sflag:s15], $0x4000  }
0x108: {  	s8 =	simm.s32 $0x0;
	[sflag:s15] =	ssyncset.done $0x0;
	s6 =	rddreg [dreg:$0x13]  }
0x109: {  	s11 =	rddreg [dreg:$0x14];
	[sflag:s15] =	ssyncadd.s32 $0xFFFFC000;
	s6 =	sadd.s32 s5, s6  }
0x10a: {  	[tilespmem:s12], [sflag:$0xB] =	stream.linear.gather [hbm4b:s6+s8], $0x80, $0x38;
	[tilespmem:$0x1C800] =	vst v63  }
0x10b: {  	s16 =	simm.s32 $0x5;
	s6 =	sadd.s32 s5, s11  }
0x10c: {  	[tilespmem:s1], [sflag:$0x13] =	stream.linear.gather [hbm4b:s6+s8], $0x80, $0x38;
	[tilespmem:$0x1C800] =	vst v63  }
0x10d: {  	_ =	swait.ge [sflag:s16], $0x80  }
0x10e: {  	[sflag:s16] =	ssyncset.done $0x0  }
0x10f: {  	s6 =	simm.s32 $0xD;
	[sflag:s16] =	ssyncadd.s32 $0xFFFFFF80  }
0x110: {  	_ =	swait.ge [sflag:s6], $0x80  }
0x111: {  	[sflag:s6] =	ssyncset.done $0x0  }
0x112: {  	s9 =	simm.s32 $0x14000;
	[sflag:s6] =	ssyncadd.s32 $0xFFFFFF80  }
0x113: {  	[tilespmem:s7], [sflag:$0x1] =	stream.indirect.gather [hbm4b:s31+s10], $0x80, s9, s10, $0xb8;
	[tilespmem:$0x1C800] =	vst v63  }
0x114: {  	_ =	swait.ge [sflag:s0], $0x4000  }
0x115: {  	[sflag:s0] =	ssyncset.done $0x0  }
0x116: {  	s11 =	simm.s32 $0x14780;
	[sflag:s0] =	ssyncadd.s32 $0xFFFFC000  }
0x117: {  	[spmem:s28] =	stream.indirect.scatter.add.f32 [tilespmem:s13], [sflag:$0x4], $0x80, s11, s10, $0xb8;
	[tilespmem:$0x1C800] =	vst v63  }
0x118: {  	_ =	swait.ge [sflag:s2], $0x4000  }
0x119: {  	s16 =	sadd.s32 s5, s25;
	[sflag:s2] =	ssyncset.done $0x0  }
0x11a: {  	s6 =	sadd.s32 $0xF0, s16;
	s9 =	sadd.s32 s5, s26;
	[sflag:s2] =	ssyncadd.s32 $0xFFFFC000  }
0x11b: {  	[tilespmem:s23], [sflag:$0xC] =	stream.linear.gather [hbm4b:s6+s8], $0x80, $0x38;
	[tilespmem:$0x1C800] =	vst v63  }
0x11c: {  	s6 =	sadd.s32 $0xF0, s9  }
0x11d: {  	[tilespmem:s11], [sflag:$0x14] =	stream.linear.gather [hbm4b:s6+s8], $0x80, $0x38;
	[tilespmem:$0x1C800] =	vst v63  }
0x11e: {  	s11 =	simm.s32 $0x6  }
0x11f: {  	_ =	swait.ge [sflag:s11], $0x80  }
0x120: {  	[sflag:s11] =	ssyncset.done $0x0  }
.Ltmp4:
0x121: {  	s16 =	simm.s32 $0xE;
	[sflag:s11] =	ssyncadd.s32 $0xFFFFFF80;
	(pc) =	sbr.rel .LBB2_4-.Ltmp4, $4  }
0x122: {  	_ =	swait.ge [sflag:s16], $0x80  }
0x123: {  	s1 =	simm.s32 $0x14700;
	s5 =	sadd.s32 $0x80, s5;
	[sflag:s16] =	ssyncset.done $0x0  }
0x124: {  	s23 =	simm.s32 $0x14080;
	[sflag:s16] =	ssyncadd.s32 $0xFFFFFF80;
	s16 =	simm.s32 $0x14380  }
0x125: {  	[tilespmem:s13], [sflag:$0x2] =	stream.indirect.gather [hbm4b:s31+s10], $0x80, s23, s10, $0xb8;
	[tilespmem:$0x1C800] =	vst v63  }
.LBB2_7:
0x126: {  	_ =	sfence.sel $0x180000  }
0x127: {  	[bflag:$0x0] =	sbarrier.arrive $0xFFFF  }
0x128: {  	_ =	strace $0x9000004A  }
0x129: {  	s0 =	stileid.u32;
	[bflag:$0x2] =	sbarrier.arrive $0xFFFF  }
0x12a: {  	p0 =	sne.s32 s0, $0x0;
	s0 =	rddreg [dreg:$0x2]  }
0x12b: {  	s0 =	sadd.s32 @!p0 $0x100000, s0  }
0x12c: {  	[sflag:s0] =	ssyncadd.tile.s32 @!p0 $0x1;
	_ =	shalt  }
.Lfunc_end2:
_tile_overlayer_lowered:
.L_overlay_start_2:
0x12d: {  	(tag) =	ssettag $0x2  }
0x12e: {  	s0 =	rddreg [dreg:$0x0];
	s2 =	stileid.u32  }
0x12f: {  	s1 =	rddreg [dreg:$0x1];
	p0 =	sne.s32 s2, $0x0  }
0x130: {  	s3 =	rddreg [dreg:$0x2];
	[bflag:$0x3] =	sbarrier.arrive $0xFFFF;
	s2 =	simm.s32 @!p0 $0x1C15  }
0x131: {  	[timem:s3], [sflag:s2] =	dma.local @!p0 [hbm:s0], s1  }
0x132: {  	s0 =	simm.s32 @!p0 $0x15  }
0x133: {  	_ =	swait.ge @!p0 [sflag:s0], s1  }
0x134: {  	s1 =	ssub.s32 @!p0 $0x0, s1;
	[sflag:s0] =	ssyncset.done @!p0 $0x0  }
0x135: {  	[sflag:s0] =	ssyncadd.s32 @!p0 s1  }
0x136: {  	[bflag:$0x3] =	sbarrier.arrive $0xFFFF  }
0x137: {  	_ =	shalt  }

// kernel: kernel.16.cloned.1.call-start
scs
__scs_entry_jumppad:
0x0: {  	(pc) =	sbr.rel $0x88, $3  }
0x1: {  	(tag) =	ssettag $0x0;
	lr =	simm.s32 $0x1  }
0x2: {  	[smem:$0x3F92] =	sst lr;
	_ =	strace $0xD0000000  }
0x3: {  	_ = 	snop  }
0x4: {  	_ = 	snop  }
0x5: {  	_ = 	snop  }
0x6: {  	_ = 	snop  }
0x7: {  	_ = 	snop  }
__scs_overlays_trampoline_lowered:
0x8: {  	[smem:$0x3FA1] =	sst s0  }
0x9: {  	[smem:$0x3FA2] =	sst s1  }
0xa: {  	[smem:$0x3FA3] =	sst s2  }
0xb: {  	[smem:$0x3FA4] =	sst s3  }
0xc: {  	[smem:$0x3FA5] =	sst s4  }
0xd: {  	[smem:$0x3FA6] =	sst s5  }
0xe: {  	[smem:$0x3FA7] =	sst s6  }
0xf: {  	[smem:$0x3FA8] =	sst s7  }
0x10: {  	[smem:$0x3FA9] =	sst s8  }
0x11: {  	[smem:$0x3FAA] =	sst s9;
	s0 =	simm.s32 @!p0 $0x0  }
0x12: {  	s1 =	sld [smem:$0x3F90];
	s0 =	simm.s32 @p0 $0x1  }
0x13: {  	[smem:$0x3FAB] =	sst s0;
	s0 =	simm.s32 @!p1 $0x0  }
0x14: {  	s2 =	sld [smem:$0x3F8F];
	s0 =	simm.s32 @p1 $0x1  }
0x15: {  	[smem:$0x3FAC] =	sst s0;
	s0 =	simm.s32 @!p2 $0x0  }
0x16: {  	s3 =	sld [smem:$0x3FDB];
	s0 =	simm.s32 @p2 $0x1  }
0x17: {  	s4 =	simm.s32 $0x1BF5;
	[smem:$0x3FAE] =	sst s0  }
0x18: {  	s0 =	sld [smem:$0x3F91];
	_ =	swait.ge [sflag:s4], $0x0  }
0x19: {  	s7 =	sld [smem:$0x3F92]  }
0x1a: {  	s8 =	sadd.s32 $0xFFFFE003, lr  }
0x1b: {  	s9 =	sadd.s32 $0xFFFFFEF7, lr;
	s5 =	simm.s32 $0xFFFFFFFF;
	p2 =	slt.u32 s8, $0xFFFFF086  }
0x1c: {  	p1 =	slt.u32 s9, $0xF7A;
	s5 =	simm.s32 @!p2 $0x0  }
0x1d: {  	s5 =	simm.s32 @p1 $0x1;
	p0 =	seq.s32 s7, s2  }
0x1e: {  	s7 =	smul.u32 @!p0 $0xF7A, s2;
	p2 =	seq.s32 @!p0 s5, $0x0  }
0x1f: {  	s9 =	smul.u32 $0xF7A, s1;
	s8 =	simm.s32 @!p0 $0x1BF5;
	p2 =	por !p2, p0  }
0x20: {  	[sflag:s8] =	ssyncset.s32 @!p0 $0xFFFFF086;
	s6 =	sadd.s32 @!p0 s3, s7;
	s7 =	simm.s32 @!p0 $0x108  }
0x21: {  	s3 =	sadd.s32 s3, s9;
	s6 =	sadd.s32 @!p0 $0x88, s6;
	s7 =	simm.s32 @p2 $0x1082  }
0x22: {  	[simem:s7], [sflag:s8] =	dma.local @!p0 [hbm:s6], $0xF7A  }
0x23: {  	s9 =	sor.u32 $0xD0000000, s2;
	s6 =	simm.s32 $0x108;
	_ =	swait.ge @!p0 [sflag:s8], $0x0  }
0x24: {  	s3 =	sadd.s32 $0x88, s3;
	s6 =	simm.s32 @!p1 $0x1082;
	[sflag:s4] =	ssyncset.s32 $0xFFFFF086  }
0x25: {  	[simem:s6], [sflag:s4] =	dma.local [hbm:s3], $0xF7A  }
0x26: {  	[smem:$0x3F92] =	sst s1;
	(tag) =	ssettag s2;
	_ =	strace s9  }
0x27: {  	s1 =	sld [smem:$0x3FA2]  }
0x28: {  	s2 =	sld [smem:$0x3FA3]  }
0x29: {  	s4 =	sld [smem:$0x3FA5]  }
0x2a: {  	p0 =	seq.s32 s5, $0x0;
	s5 =	sld [smem:$0x3FA6]  }
0x2b: {  	s6 =	sld [smem:$0x3FA7]  }
0x2c: {  	s7 =	sld [smem:$0x3FA8]  }
0x2d: {  	s3 =	simm.s32 $0x108;
	s8 =	sld [smem:$0x3FA9]  }
0x2e: {  	s3 =	simm.s32 @!p0 $0x1082;
	s9 =	sld [smem:$0x3FAA]  }
0x2f: {  	lr =	sadd.s32 s0, s3;
	s0 =	sld [smem:$0x3FA1]  }
0x30: {  	s3 =	sld [smem:$0x3FA4]  }
0x31: {  	[smem:$0x3FAD] =	sst s10  }
0x32: {  	s10 =	sld [smem:$0x3FAB];
	_ =	sdelay $0x3  }
0x33: {  	p0 =	seq.s32 s10, $0x1;
	s10 =	sld [smem:$0x3FAD];
	_ =	sdelay $0x3  }
0x34: {  	[smem:$0x3FAD] =	sst s10  }
0x35: {  	s10 =	sld [smem:$0x3FAC];
	_ =	sdelay $0x3  }
0x36: {  	p1 =	seq.s32 s10, $0x1;
	s10 =	sld [smem:$0x3FAD];
	_ =	sdelay $0x3  }
0x37: {  	[smem:$0x3FAD] =	sst s10  }
0x38: {  	s10 =	sld [smem:$0x3FAE]  }
0x39: {  	_ = 	snop;
	(pc) =	sbr.ind lr, $3  }
0x3a: {  	_ = 	snop  }
0x3b: {  	_ = 	snop  }
0x3c: {  	p2 =	seq.s32 s10, $0x1;
	s10 =	sld [smem:$0x3FAD]  }
0x3d: {  	_ =	shalt  }
0x3e: {  	_ =	shalt  }
0x3f: {  	_ =	shalt  }
0x40: {  	_ =	shalt  }
0x41: {  	_ =	shalt  }
0x42: {  	_ =	shalt  }
0x43: {  	_ =	shalt  }
0x44: {  	_ =	shalt  }
0x45: {  	_ =	shalt  }
0x46: {  	_ =	shalt  }
0x47: {  	_ =	shalt  }
0x48: {  	_ =	shalt  }
0x49: {  	_ =	shalt  }
0x4a: {  	_ =	shalt  }
0x4b: {  	_ =	shalt  }
0x4c: {  	_ =	shalt  }
0x4d: {  	_ =	shalt  }
0x4e: {  	_ =	shalt  }
0x4f: {  	_ =	shalt  }
0x50: {  	_ =	shalt  }
0x51: {  	_ =	shalt  }
0x52: {  	_ =	shalt  }
0x53: {  	_ =	shalt  }
0x54: {  	_ =	shalt  }
0x55: {  	_ =	shalt  }
0x56: {  	_ =	shalt  }
0x57: {  	_ =	shalt  }
0x58: {  	_ =	shalt  }
0x59: {  	_ =	shalt  }
0x5a: {  	_ =	shalt  }
0x5b: {  	_ =	shalt  }
0x5c: {  	_ =	shalt  }
0x5d: {  	_ =	shalt  }
0x5e: {  	_ =	shalt  }
0x5f: {  	_ =	shalt  }
0x60: {  	_ =	shalt  }
0x61: {  	_ =	shalt  }
0x62: {  	_ =	shalt  }
0x63: {  	_ =	shalt  }
0x64: {  	_ =	shalt  }
0x65: {  	_ =	shalt  }
0x66: {  	_ =	shalt  }
0x67: {  	_ =	shalt  }
0x68: {  	_ =	shalt  }
0x69: {  	_ =	shalt  }
0x6a: {  	_ =	shalt  }
0x6b: {  	_ =	shalt  }
0x6c: {  	_ =	shalt  }
0x6d: {  	_ =	shalt  }
0x6e: {  	_ =	shalt  }
0x6f: {  	_ =	shalt  }
0x70: {  	_ =	shalt  }
0x71: {  	_ =	shalt  }
0x72: {  	_ =	shalt  }
0x73: {  	_ =	shalt  }
0x74: {  	_ =	shalt  }
0x75: {  	_ =	shalt  }
0x76: {  	_ =	shalt  }
0x77: {  	_ =	shalt  }
0x78: {  	_ =	shalt  }
0x79: {  	_ =	shalt  }
0x7a: {  	_ =	shalt  }
0x7b: {  	_ =	shalt  }
0x7c: {  	_ =	shalt  }
0x7d: {  	_ =	shalt  }
0x7e: {  	_ =	shalt  }
0x7f: {  	_ =	shalt  }
0x80: {  	_ =	shalt  }
0x81: {  	_ =	shalt  }
0x82: {  	_ =	shalt  }
0x83: {  	_ =	shalt  }
0x84: {  	_ =	shalt  }
0x85: {  	_ =	shalt  }
0x86: {  	_ =	shalt  }
0x87: {  	_ =	shalt  }
.Lfunc_end0:
.L_simem_size_0:
called_computation.2_lowered:
.L_overlay_start_0:
0x88: {  	s2 =	sld [smem:$0x3FD9]  }
0x89: {  	s3 =	sld [smem:$0x3FFE];
	_ =	sdelay $0x1  }
0x8a: {  	s1 =	srdreg.scid  }
0x8b: {  	s0 =	sand.u32 $0x1, s1  }
0x8c: {  	s16 =	sshll.u32 s0, $0xA;
	s2 =	sadd.s32 s3, s2  }
0x8d: {  	s2 =	sadd.s32 s2, s16  }
0x8e: {  	[smem:$0x3FB9] =	sst s2  }
0x8f: {  	_ = 	snop  }
0x90: {  	(tm) =	ssettm $0x1  }
0x91: {  	s17 =	sld [smem:$0x3FFB];
	_ =	sdelay $0x3  }
0x92: {  	_ =	strace s17  }
0x93: {  	s2 =	sld [smem:$0x3FFC];
	_ =	sdelay $0x3  }
0x94: {  	_ =	strace s2  }
0x95: {  	s2 =	sld [smem:$0x3FFD];
	_ =	sdelay $0x3  }
0x96: {  	_ =	strace s2  }
0x97: {  	_ =	strace $0x8FFFFFFF  }
0x98: {  	s18 =	sld [smem:$0x3FDB];
	_ =	sdelay $0x1  }
0x99: {  	s19 =	simm.s32 $_scs_section_size  }
0x9a: {  	s4 =	simm.s32 $_size__tile_overlayer_lowered;
	s5 =	simm.s32 $_tile_overlayer_lowered  }
0x9b: {  	s22 =	simm.s32 $0x1BFF;
	s21 =	sshll.u32 s5, $0x1;
	s2 =	sadd.s32 s19, s18  }
0x9c: {  	s6 =	simm.s32 $0x0;
	s20 =	sshll.u32 s4, $0x1;
	s4 =	sadd.s32 s21, s2  }
0x9d: {  	[timem:s6], [sflag:s22] =	dma.local [hbm:s4], s20  }
0x9e: {  	_ =	swait.ge [sflag:s22], s20  }
0x9f: {  	s3 =	ssub.s32 $0x0, s20;
	[sflag:s22] =	ssyncset.done $0x0  }
0xa0: {  	[sflag:s22] =	ssyncadd.s32 s3;
	_ =	sdelay $0x1  }
0xa1: {  	s23 =	simm.s32 $0x1B8B  }
0xa2: {  	_ =	swait.ge [sflag:s23], $0x1  }
0xa3: {  	[sflag:s23] =	ssyncset.done $0x0  }
0xa4: {  	s25 =	simm.s32 $0x1B8E;
	s24 =	sld [smem:$0x3FFE];
	[sflag:s23] =	ssyncadd.s32 $0xFFFFFFFF  }
0xa5: {  	s26 =	simm.s32 $execute0_lowered;
	[smem:$0x3FD2] =	sst s25  }
0xa6: {  	s4 =	sshll.u32 s26, $0x1;
	_ =	strace $0x8000004C;
	[dreg:$0x1] =	wrdreg $0xFFFFFFFF  }
0xa7: {  	s28 =	simm.s32 $_size_execute0_lowered;
	s2 =	sadd.s32 s2, s4;
	[dreg:$0x0] =	wrdreg $0x0  }
0xa8: {  	s4 =	sshll.u32 s28, $0x1;
	[dreg:$0x2] =	wrdreg s2  }
0xa9: {  	[dreg:$0x3] =	wrdreg s4  }
0xaa: {  	[dreg:$0x4] =	wrdreg $0xC0  }
0xab: {  	_ =	task [dreg:s6], $0x5FFFF  }
0xac: {  	[dreg:$0x1] =	wrdreg $0xFFFFFFFF  }
0xad: {  	[dreg:$0x0] =	wrdreg $0x60  }
0xae: {  	[dreg:$0x2] =	wrdreg s24  }
0xaf: {  	[dreg:$0x3] =	wrdreg $0x0  }
0xb0: {  	[dreg:$0x4] =	wrdreg $0x9  }
0xb1: {  	_ =	task.clear_ibuf [dreg:s6], $0x5FFFF;
	_ =	strace $0x9000004C  }
0xb2: {  	s29 =	simm.s32 $0x9;
	_ =	strace $0x8000004E  }
0xb3: {  	_ =	swait.ge [sflag:s29], $0x1  }
0xb4: {  	[sflag:s29] =	ssyncadd.s32 $0xFFFFFFFF  }
0xb5: {  	_ =	strace $0x9000004E  }
0xb6: {  	_ =	sfence  }
0xb7: {  	s30 =	sld [smem:$0x0];
	_ =	sdelay $0x2  }
0xb8: {  	s31 =	sshll.u32 s1, $0xD;
	s1 =	sshrl.u32 s1, $0x2  }
0xb9: {  	s3 =	sand.u32 $0x4000, s31;
	s1 =	sadd.s32 s1, s30  }
0xba: {  	s0 =	sor.u32 s3, s0;
	s1 =	sshll.u32 s1, $0x11  }
0xbb: {  	s0 =	sor.u32 s1, s0  }
0xbc: {  	s0 =	sadd.s32 $0x8F2B, s0  }
0xbd: {  	[sflag:s0] =	ssyncadd.remote.s32 $0x1  }
0xbe: {  	_ =	sfence.sel $0xFFFF  }
0xbf: {  	[dreg:$0x0] =	wrdreg $0xFFFFFFFF;
	(pc) =	sbr.abs _section_cstart, $3  }
0xc0: {  	[dreg:$0x1] =	wrdreg $0xFFFFFFFF  }
0xc1: {  	_ =	task.clear_ibuf [dreg:s6], $0x2FFFF;
	_ =	strace $0x9FFFFFFF  }
0xc2: {  	(tm) =	ssettm $0x7FFFFFFF  }
0xc3: {  	_ =	shalt  }
tec
execute0_lowered:
.L_overlay_start_1:
0x0: {  	(tag) =	ssettag $0x1  }
0x1: {  	s1 =	srdreg.scid  }
0x2: {  	s0 =	rddreg [dreg:$0x0];
	s11 =	stileid.u32;
	s9 =	simm.s32 $0x0  }
0x3: {  	s28 =	rddreg [dreg:$0x1];
	s29 =	simm.s32 $0x13;
	s5 =	smul.u32 $0x14000, s11  }
0x4: {  	s30 =	simm.s32 $0xC;
	s2 =	sand.u32 $0x1, s1;
	s22 =	smul.u32 $0x50, s11  }
0x5: {  	[smem:$0x7FF] =	sst s9;
	s3 =	smul.u32 $0x140000, s2;
	s4 =	sshll.u32 s2, $0x4  }
0x6: {  	s6 =	ssub.s32 $0x2, s2;
	s2 =	smul.u32 $0x500, s2;
	s4 =	sor.u32 s11, s4  }
0x7: {  	s7 =	sadd.s32 $0x2E00, s0;
	s8 =	sadd.s32 $0xCE00, s0;
	s4 =	smul.u32 $0x500, s4  }
0x8: {  	s31 =	sadd.s32 $0x66E00, s0;
	s9 =	sshrl.u32 s6, $0x1;
	s3 =	sadd.s32 s5, s3  }
0x9: {  	s5 =	ssub.s32 s6, s9;
	s2 =	sadd.s32 s22, s2;
	s12 =	sadd.s32 s7, s4  }
0xa: {  	s10 =	sor.u32 $0x10, s4;
	s13 =	sadd.s32 s8, s4;
	[dreg:$0x3] =	wrdreg s12  }
0xb: {  	s2 =	sshll.u32 s2, $0x4;
	[dreg:$0x4] =	wrdreg s13;
	s14 =	sadd.s32 s7, s10  }
0xc: {  	s15 =	sor.u32 $0x20, s4;
	s6 =	sadd.s32 s8, s10;
	[dreg:$0x5] =	wrdreg s14  }
0xd: {  	s16 =	sor.u32 $0x30, s4;
	s10 =	sadd.s32 s7, s15;
	[dreg:$0x6] =	wrdreg s6  }
0xe: {  	s19 =	sor.u32 $0x40, s4;
	s17 =	sadd.s32 s7, s16;
	[dreg:$0x7] =	wrdreg s10  }
0xf: {  	s21 =	sor.u32 $0x50, s4;
	s18 =	sadd.s32 s8, s16;
	[dreg:$0x9] =	wrdreg s17  }
0x10: {  	s24 =	sor.u32 $0x60, s4;
	s20 =	sadd.s32 s7, s19;
	[dreg:$0xa] =	wrdreg s18  }
0x11: {  	s4 =	sor.u32 $0x70, s4;
	s23 =	sadd.s32 s7, s21;
	[dreg:$0xb] =	wrdreg s20  }
0x12: {  	s1 =	sor.u32 $0xE0, s2;
	s9 =	sadd.s32 s8, s21;
	[dreg:$0xd] =	wrdreg s23  }
0x13: {  	s25 =	sadd.s32 s7, s24;
	s26 =	sadd.s32 s7, s4;
	[dreg:$0xe] =	wrdreg s9  }
0x14: {  	s4 =	sadd.s32 s8, s4;
	s13 =	sor.u32 $0xA0, s2;
	[dreg:$0xf] =	wrdreg s25  }
0x15: {  	s16 =	smul.u32 $0x50000, s11;
	s6 =	sadd.s32 s8, s15;
	[dreg:$0x11] =	wrdreg s26  }
0x16: {  	[dreg:$0x12] =	wrdreg s4;
	s9 =	sadd.s32 s1, s7;
	s4 =	sadd.s32 s1, s8  }
0x17: {  	s10 =	sor.u32 $0xC0, s2;
	s14 =	sadd.s32 s13, s7;
	s25 =	sadd.s32 s2, s7  }
0x18: {  	s26 =	sadd.s32 s2, s8;
	s2 =	sor.u32 $0x80, s2;
	[dreg:$0x8] =	wrdreg s6  }
0x19: {  	s17 =	sshrl.u32 s3, $0x3;
	s20 =	smax.u32 s5, $0x1;
	[dreg:$0x13] =	wrdreg s9  }
0x1a: {  	s1 =	simm.s32 $0x14700;
	s3 =	simm.s32 $0x8;
	[dreg:$0x14] =	wrdreg s4  }
0x1b: {  	s6 =	sadd.s32 s8, s19;
	s12 =	sadd.s32 s10, s7;
	[dreg:$0x17] =	wrdreg s14  }
0x1c: {  	s4 =	sadd.s32 s10, s8;
	s15 =	sadd.s32 s2, s7;
	[dreg:$0xc] =	wrdreg s6  }
0x1d: {  	s2 =	sadd.s32 s2, s8;
	s18 =	sshrl.u32 s16, $0x2;
	[dreg:$0x15] =	wrdreg s12  }
0x1e: {  	s7 =	simm.s32 $0x14800;
	s9 =	simm.s32 $0x15;
	[dreg:$0x16] =	wrdreg s4  }
0x1f: {  	s10 =	simm.s32 $0x80;
	s14 =	simm.s32 $0x1;
	[dreg:$0x19] =	wrdreg s15  }
0x20: {  	s6 =	sadd.s32 s8, s24;
	s4 =	sadd.s32 s13, s8;
	[dreg:$0x1a] =	wrdreg s2  }
0x21: {  	s2 =	sadd.s32 s17, s0;
	s8 =	sadd.s32 s18, s28;
	s12 =	simm.s32 $0x14300  }
0x22: {  	s13 =	simm.s32 $0x18800;
	s15 =	simm.s32 $0x3;
	[dreg:$0x10] =	wrdreg s6  }
0x23: {  	s17 =	simm.s32 $0xF;
	[dreg:$0x18] =	wrdreg s4;
	s19 =	sadd.s32 $0x8EE00, s2  }
0x24: {  	s0 =	simm.s32 $0x2;
	_ =	strace $0x8000004D;
	[dreg:$0x1c] =	wrdreg s19  }
0x25: {  	s18 =	simm.s32 $0x10;
	s21 =	sadd.s32 $0x4000, s8;
	[dreg:$0x1d] =	wrdreg s20  }
0x26: {  	s22 =	sadd.s32 $0x8000, s8;
	s23 =	sadd.s32 $0xC000, s8;
	[dreg:$0x1e] =	wrdreg s21  }
.Ltmp0:
0x27: {  	s24 =	sadd.s32 $0x10000, s8;
	[dreg:$0x1f] =	wrdreg s22;
	(pc) =	sbr.rel .LBB2_1-.Ltmp0, $4  }
0x28: {  	s2 =	simm.s32 $0x4;
	s4 =	simm.s32 $0x14;
	[smem:$0x7FC] =	sst s23  }
0x29: {  	s6 =	simm.s32 $0x0;
	[smem:$0x7FD] =	sst s24;
	s23 =	simm.s32 $0x14380  }
0x2a: {  	s19 =	simm.s32 $0x9;
	s20 =	simm.s32 $0x11;
	s21 =	simm.s32 $0xA  }
0x2b: {  	v0 =	vimm.f32 $0.0e+00;
	s22 =	simm.s32 $0x12;
	s24 =	simm.s32 $0xB;
	[dreg:$0x1b] =	wrdreg s8  }
.LBB2_6:
0x2c: {  	_ =	swait.ge [sflag:s0], $0x4000  }
0x2d: {  	[sflag:s0] =	ssyncset.done $0x0  }
0x2e: {  	s5 =	simm.s32 $0x14780;
	[sflag:s0] =	ssyncadd.s32 $0xFFFFC000  }
0x2f: {  	[spmem:s28] =	stream.indirect.scatter.add.f32 [tilespmem:s13], [sflag:$0x4], $0x80, s5, s10, $0xb8;
	[tilespmem:$0x1C800] =	vst v63  }
0x30: {  	_ =	swait.ge [sflag:s15], $0x4000  }
0x31: {  	[sflag:s15] =	ssyncset.done $0x0  }
0x32: {  	[sflag:s15] =	ssyncadd.s32 $0xFFFFC000  }
0x33: {  	_ =	swait.ge [sflag:s2], $0x4000  }
0x34: {  	[sflag:s2] =	ssyncset.done $0x0  }
0x35: {  	[sflag:s2] =	ssyncadd.s32 $0xFFFFC000  }
0x36: {  	s11 =	stileid.u32;
	[bflag:$0x0] =	sbarrier.arrive $0xFFFF  }
0x37: {  	s5 =	sshll.u32 s11, $0x6;
	s8 =	rddreg [dreg:$0x1b]  }
0x38: {  	s5 =	sor.u32 $0x1C15, s5;
	s9 =	rddreg [dreg:$0x1c];
	s6 =	sshrl.u32 s8, $0x3  }
0x39: {  	[hbm:s9], [sflag:s5] =	dma.local [spmem:s6], $0x2800  }
0x3a: {  	s9 =	simm.s32 $0x15  }
0x3b: {  	_ =	swait.ge [sflag:s9], $0x2800  }
0x3c: {  	s12 =	sld [smem:$0x7FB];
	_ =	sdelay $0x2  }
0x3d: {  	s16 =	rddreg [dreg:$0x1d];
	s6 =	sadd.s32 $0x1, s12  }
0x3e: {  	p0 =	sne.s32 s6, s16  }
.Ltmp1:
0x3f: {  	_ = 	snop;
	(pc) =	sbr.rel @!p0 .LBB2_7-.Ltmp1, $3  }
0x40: {  	_ =	sdelay $0x1  }
0x41: {  	[sflag:s9] =	ssyncset.done $0x0  }
0x42: {  	[sflag:s9] =	ssyncadd.s32 $0xFFFFD800;
	s12 =	simm.s32 $0x14300  }
.LBB2_1:
0x43: {  	[smem:$0x7FB] =	sst s6;
	s5 =	simm.s32 $0x0;
	s6 =	simm.s32 $0x200  }
.LBB2_2:
0x44: {  	p0 =	sne.s32 s6, $0xFE00;
	[tilespmem:s5+$0x14870] =	vst v0  }
0x45: {  	[tilespmem:s5+$0x14800] =	vst v0  }
0x46: {  	[tilespmem:s5+$0x14810] =	vst v0  }
.Ltmp2:
0x47: {  	[tilespmem:s5+$0x14820] =	vst v0;
	(pc) =	sbr.rel @p0 .LBB2_2-.Ltmp2, $4  }
0x48: {  	[tilespmem:s5+$0x14830] =	vst v0  }
0x49: {  	[tilespmem:s5+$0x14840] =	vst v0  }
0x4a: {  	[tilespmem:s5+$0x14850] =	vst v0  }
0x4b: {  	[tilespmem:s5+$0x14860] =	vst v0;
	s5 =	sshra.s32 s6, $0x2;
	s6 =	sadd.s32 $0x200, s6  }
0x4c: {  	[tilespmem:s5+$0x14870] =	vst v0  }
0x4d: {  	[tilespmem:s5+$0x14800] =	vst v0  }
0x4e: {  	[tilespmem:s5+$0x14810] =	vst v0  }
0x4f: {  	[tilespmem:s5+$0x14820] =	vst v0  }
0x50: {  	[tilespmem:s5+$0x14830] =	vst v0  }
0x51: {  	[tilespmem:s5+$0x14840] =	vst v0  }
0x52: {  	[tilespmem:s5+$0x14850] =	vst v0  }
0x53: {  	[tilespmem:s5+$0x14860] =	vst v0  }
0x54: {  	[spmem:s8] =	stream.linear.scatter [tilespmem:s7], [sflag:$0x15], $0x4000, $0x38;
	[tilespmem:$0x1C800] =	vst v63  }
0x55: {  	_ =	swait.ge [sflag:s9], $0x4000  }
0x56: {  	[sflag:s9] =	ssyncset.done $0x0  }
0x57: {  	s11 =	rddreg [dreg:$0x1e];
	[sflag:s9] =	ssyncadd.s32 $0xFFFFC000  }
0x58: {  	[spmem:s11] =	stream.linear.scatter [tilespmem:s7], [sflag:$0x15], $0x4000, $0x38;
	[tilespmem:$0x1C800] =	vst v63  }
0x59: {  	_ =	swait.ge [sflag:s9], $0x4000  }
0x5a: {  	[sflag:s9] =	ssyncset.done $0x0  }
0x5b: {  	s16 =	rddreg [dreg:$0x1f];
	[sflag:s9] =	ssyncadd.s32 $0xFFFFC000  }
0x5c: {  	[spmem:s16] =	stream.linear.scatter [tilespmem:s7], [sflag:$0x15], $0x4000, $0x38;
	[tilespmem:$0x1C800] =	vst v63  }
0x5d: {  	_ =	swait.ge [sflag:s9], $0x4000  }
0x5e: {  	s6 =	sld [smem:$0x7FC]  }
0x5f: {  	[sflag:s9] =	ssyncset.done $0x0  }
0x60: {  	[sflag:s9] =	ssyncadd.s32 $0xFFFFC000  }
0x61: {  	[spmem:s6] =	stream.linear.scatter [tilespmem:s7], [sflag:$0x15], $0x4000, $0x38;
	[tilespmem:$0x1C800] =	vst v63  }
0x62: {  	_ =	swait.ge [sflag:s9], $0x4000  }
0x63: {  	s8 =	sld [smem:$0x7FD]  }
0x64: {  	[sflag:s9] =	ssyncset.done $0x0  }
0x65: {  	[sflag:s9] =	ssyncadd.s32 $0xFFFFC000  }
0x66: {  	[spmem:s8] =	stream.linear.scatter [tilespmem:s7], [sflag:$0x15], $0x4000, $0x38;
	[tilespmem:$0x1C800] =	vst v63  }
0x67: {  	_ =	swait.ge [sflag:s9], $0x4000  }
0x68: {  	s5 =	simm.s32 $0x0;
	[sflag:s9] =	ssyncset.done $0x0  }
0x69: {  	s8 =	simm.s32 $0x14000;
	s6 =	rddreg [dreg:$0x3];
	[sflag:s9] =	ssyncadd.s32 $0xFFFFC000  }
0x6a: {  	[tilespmem:s8], [sflag:$0x5] =	stream.linear.gather [hbm4b:s6+s5], $0x80, $0x38;
	[tilespmem:$0x1C800] =	vst v63  }
0x6b: {  	s16 =	simm.s32 $0x14400;
	s11 =	rddreg [dreg:$0x4]  }
0x6c: {  	[tilespmem:s16], [sflag:$0xD] =	stream.linear.gather [hbm4b:s11+s5], $0x80, $0x38;
	[tilespmem:$0x1C800] =	vst v63  }
0x6d: {  	s9 =	simm.s32 $0x14080;
	s11 =	rddreg [dreg:$0x5]  }
0x6e: {  	[tilespmem:s9], [sflag:$0x6] =	stream.linear.gather [hbm4b:s11+s5], $0x80, $0x38;
	[tilespmem:$0x1C800] =	vst v63  }
0x6f: {  	s16 =	rddreg [dreg:$0x6];
	s11 =	simm.s32 $0x14480  }
0x70: {  	[tilespmem:s11], [sflag:$0xE] =	stream.linear.gather [hbm4b:s16+s5], $0x80, $0x38;
	[tilespmem:$0x1C800] =	vst v63  }
0x71: {  	s11 =	rddreg [dreg:$0x7];
	s16 =	simm.s32 $0x14100  }
0x72: {  	[tilespmem:s16], [sflag:$0x7] =	stream.linear.gather [hbm4b:s11+s5], $0x80, $0x38;
	[tilespmem:$0x1C800] =	vst v63  }
0x73: {  	s11 =	rddreg [dreg:$0x8];
	s16 =	simm.s32 $0x14500  }
0x74: {  	[tilespmem:s16], [sflag:$0xF] =	stream.linear.gather [hbm4b:s11+s5], $0x80, $0x38;
	[tilespmem:$0x1C800] =	vst v63  }
0x75: {  	s11 =	rddreg [dreg:$0x9];
	s16 =	simm.s32 $0x14180  }
0x76: {  	[tilespmem:s16], [sflag:$0x8] =	stream.linear.gather [hbm4b:s11+s5], $0x80, $0x38;
	[tilespmem:$0x1C800] =	vst v63  }
0x77: {  	s11 =	rddreg [dreg:$0xa];
	s16 =	simm.s32 $0x14580  }
0x78: {  	[tilespmem:s16], [sflag:$0x10] =	stream.linear.gather [hbm4b:s11+s5], $0x80, $0x38;
	[tilespmem:$0x1C800] =	vst v63  }
0x79: {  	s11 =	rddreg [dreg:$0xb];
	s16 =	simm.s32 $0x14200  }
0x7a: {  	[tilespmem:s16], [sflag:$0x9] =	stream.linear.gather [hbm4b:s11+s5], $0x80, $0x38;
	[tilespmem:$0x1C800] =	vst v63  }
0x7b: {  	s11 =	rddreg [dreg:$0xc];
	s16 =	simm.s32 $0x14600  }
0x7c: {  	[tilespmem:s16], [sflag:$0x11] =	stream.linear.gather [hbm4b:s11+s5], $0x80, $0x38;
	[tilespmem:$0x1C800] =	vst v63  }
0x7d: {  	s11 =	rddreg [dreg:$0xd];
	s16 =	simm.s32 $0x14280  }
0x7e: {  	[tilespmem:s16], [sflag:$0xA] =	stream.linear.gather [hbm4b:s11+s5], $0x80, $0x38;
	[tilespmem:$0x1C800] =	vst v63  }
0x7f: {  	s11 =	rddreg [dreg:$0xe];
	s16 =	simm.s32 $0x14680  }
0x80: {  	[tilespmem:s16], [sflag:$0x12] =	stream.linear.gather [hbm4b:s11+s5], $0x80, $0x38;
	[tilespmem:$0x1C800] =	vst v63  }
0x81: {  	s16 =	rddreg [dreg:$0xf]  }
0x82: {  	[tilespmem:s12], [sflag:$0xB] =	stream.linear.gather [hbm4b:s16+s5], $0x80, $0x38;
	[tilespmem:$0x1C800] =	vst v63  }
0x83: {  	s11 =	rddreg [dreg:$0x10]  }
0x84: {  	[tilespmem:s1], [sflag:$0x13] =	stream.linear.gather [hbm4b:s11+s5], $0x80, $0x38;
	[tilespmem:$0x1C800] =	vst v63  }
0x85: {  	s12 =	rddreg [dreg:$0x11]  }
0x86: {  	[tilespmem:s23], [sflag:$0xC] =	stream.linear.gather [hbm4b:s12+s5], $0x80, $0x38;
	[tilespmem:$0x1C800] =	vst v63  }
0x87: {  	s16 =	rddreg [dreg:$0x12];
	s23 =	simm.s32 $0x14780  }
0x88: {  	[tilespmem:s23], [sflag:$0x14] =	stream.linear.gather [hbm4b:s16+s5], $0x80, $0x38;
	[tilespmem:$0x1C800] =	vst v63  }
0x89: {  	s11 =	simm.s32 $0x5;
	[bflag:$0x0] =	sbarrier.arrive $0xFFFF  }
0x8a: {  	_ =	swait.ge [sflag:s11], $0x80  }
0x8b: {  	[sflag:s11] =	ssyncset.done $0x0  }
0x8c: {  	s12 =	simm.s32 $0xD;
	[sflag:s11] =	ssyncadd.s32 $0xFFFFFF80  }
0x8d: {  	_ =	swait.ge [sflag:s12], $0x80  }
0x8e: {  	[sflag:s12] =	ssyncset.done $0x0  }
0x8f: {  	s16 =	simm.s32 $0x6;
	[sflag:s12] =	ssyncadd.s32 $0xFFFFFF80  }
0x90: {  	[tilespmem:s7], [sflag:$0x1] =	stream.indirect.gather [hbm4b:s31+s10], $0x80, s8, s10, $0xb8;
	[tilespmem:$0x1C800] =	vst v63  }
0x91: {  	_ =	swait.ge [sflag:s16], $0x80  }
0x92: {  	[sflag:s16] =	ssyncset.done $0x0  }
0x93: {  	s23 =	simm.s32 $0xE;
	[sflag:s16] =	ssyncadd.s32 $0xFFFFFF80  }
0x94: {  	_ =	swait.ge [sflag:s23], $0x80  }
0x95: {  	s1 =	simm.s32 $0x14700;
	[sflag:s23] =	ssyncset.done $0x0  }
0x96: {  	s12 =	simm.s32 $0x14300;
	s16 =	simm.s32 $0x14380;
	[sflag:s23] =	ssyncadd.s32 $0xFFFFFF80  }
0x97: {  	[tilespmem:s13], [sflag:$0x2] =	stream.indirect.gather [hbm4b:s31+s10], $0x80, s9, s10, $0xb8;
	[tilespmem:$0x1C800] =	vst v63  }
.LBB2_4:
0x98: {  	_ =	swait.ge [sflag:s14], $0x4000  }
0x99: {  	[sflag:s14] =	ssyncset.done $0x0  }
0x9a: {  	s6 =	simm.s32 $0x14400;
	[sflag:s14] =	ssyncadd.s32 $0xFFFFC000  }
0x9b: {  	[spmem:s28] =	stream.indirect.scatter.add.f32 [tilespmem:s7], [sflag:$0x3], $0x80, s6, s10, $0xb8;
	[tilespmem:$0x1C800] =	vst v63  }
0x9c: {  	p0 =	seq.s32 s5, $0x480;
	_ =	swait.ge [sflag:s15], $0x4000  }
0x9d: {  	s23 =	simm.s32 @!p0 $0x14000;
	[sflag:s15] =	ssyncset.done $0x0;
	s6 =	rddreg [dreg:$0x19]  }
0x9e: {  	[sflag:s15] =	ssyncadd.s32 $0xFFFFC000;
	s8 =	sadd.s32 @!p0 s5, s6;
	s6 =	simm.s32 @!p0 $0x0  }
0x9f: {  	[tilespmem:s23], [sflag:$0x5] =	stream.linear.gather @!p0 [hbm4b:s8+s6], $0x80, $0x38;
	[tilespmem:$0x1C800] =	vst v63  }
0xa0: {  	s8 =	rddreg [dreg:$0x1a]  }
0xa1: {  	s11 =	simm.s32 $0x7;
	s23 =	simm.s32 @!p0 $0x14400;
	s8 =	sadd.s32 @!p0 s5, s8  }
0xa2: {  	[tilespmem:s23], [sflag:$0xD] =	stream.linear.gather @!p0 [hbm4b:s8+s6], $0x80, $0x38;
	[tilespmem:$0x1C800] =	vst v63  }
0xa3: {  	_ =	swait.ge [sflag:s11], $0x80  }
0xa4: {  	[sflag:s11] =	ssyncset.done $0x0  }
0xa5: {  	[sflag:s11] =	ssyncadd.s32 $0xFFFFFF80  }
0xa6: {  	_ =	swait.ge [sflag:s17], $0x80  }
0xa7: {  	[sflag:s17] =	ssyncset.done $0x0  }
0xa8: {  	s23 =	simm.s32 $0x14100;
	[sflag:s17] =	ssyncadd.s32 $0xFFFFFF80  }
0xa9: {  	[tilespmem:s7], [sflag:$0x1] =	stream.indirect.gather [hbm4b:s31+s10], $0x80, s23, s10, $0xb8;
	[tilespmem:$0x1C800] =	vst v63  }
0xaa: {  	_ =	swait.ge [sflag:s0], $0x4000  }
0xab: {  	[sflag:s0] =	ssyncset.done $0x0  }
0xac: {  	s9 =	simm.s32 $0x14480;
	[sflag:s0] =	ssyncadd.s32 $0xFFFFC000  }
0xad: {  	[spmem:s28] =	stream.indirect.scatter.add.f32 [tilespmem:s13], [sflag:$0x4], $0x80, s9, s10, $0xb8;
	[tilespmem:$0x1C800] =	vst v63  }
0xae: {  	_ =	swait.ge [sflag:s2], $0x4000  }
0xaf: {  	s23 =	sadd.s32 @!p0 s5, s25;
	[sflag:s2] =	ssyncset.done $0x0  }
0xb0: {  	s8 =	sadd.s32 @!p0 $0x90, s23;
	s9 =	simm.s32 @!p0 $0x14080;
	[sflag:s2] =	ssyncadd.s32 $0xFFFFC000  }
0xb1: {  	[tilespmem:s9], [sflag:$0x6] =	stream.linear.gather @!p0 [hbm4b:s8+s6], $0x80, $0x38;
	[tilespmem:$0x1C800] =	vst v63  }
0xb2: {  	s8 =	sadd.s32 @!p0 s5, s26  }
0xb3: {  	s11 =	simm.s32 @!p0 $0x14480;
	s9 =	sadd.s32 @!p0 $0x90, s8  }
0xb4: {  	[tilespmem:s11], [sflag:$0xE] =	stream.linear.gather @!p0 [hbm4b:s9+s6], $0x80, $0x38;
	[tilespmem:$0x1C800] =	vst v63  }
0xb5: {  	_ =	swait.ge [sflag:s3], $0x80  }
0xb6: {  	[sflag:s3] =	ssyncset.done $0x0  }
0xb7: {  	[sflag:s3] =	ssyncadd.s32 $0xFFFFFF80  }
0xb8: {  	_ =	swait.ge [sflag:s18], $0x80  }
0xb9: {  	[sflag:s18] =	ssyncset.done $0x0  }
0xba: {  	s11 =	simm.s32 $0x14180;
	[sflag:s18] =	ssyncadd.s32 $0xFFFFFF80  }
0xbb: {  	[tilespmem:s13], [sflag:$0x2] =	stream.indirect.gather [hbm4b:s31+s10], $0x80, s11, s10, $0xb8;
	[tilespmem:$0x1C800] =	vst v63  }
0xbc: {  	_ =	swait.ge [sflag:s14], $0x4000  }
0xbd: {  	[sflag:s14] =	ssyncset.done $0x0  }
0xbe: {  	s11 =	simm.s32 $0x14500;
	[sflag:s14] =	ssyncadd.s32 $0xFFFFC000  }
0xbf: {  	[spmem:s28] =	stream.indirect.scatter.add.f32 [tilespmem:s7], [sflag:$0x3], $0x80, s11, s10, $0xb8;
	[tilespmem:$0x1C800] =	vst v63  }
0xc0: {  	_ =	swait.ge [sflag:s15], $0x4000  }
0xc1: {  	[sflag:s15] =	ssyncset.done $0x0;
	s9 =	rddreg [dreg:$0x17]  }
0xc2: {  	s11 =	simm.s32 @!p0 $0x14100;
	[sflag:s15] =	ssyncadd.s32 $0xFFFFC000;
	s9 =	sadd.s32 @!p0 s5, s9  }
0xc3: {  	[tilespmem:s11], [sflag:$0x7] =	stream.linear.gather @!p0 [hbm4b:s9+s6], $0x80, $0x38;
	[tilespmem:$0x1C800] =	vst v63  }
0xc4: {  	s9 =	rddreg [dreg:$0x18]  }
0xc5: {  	s11 =	simm.s32 @!p0 $0x14500;
	s9 =	sadd.s32 @!p0 s5, s9  }
0xc6: {  	[tilespmem:s11], [sflag:$0xF] =	stream.linear.gather @!p0 [hbm4b:s9+s6], $0x80, $0x38;
	[tilespmem:$0x1C800] =	vst v63  }
0xc7: {  	_ =	swait.ge [sflag:s19], $0x80  }
0xc8: {  	[sflag:s19] =	ssyncset.done $0x0  }
0xc9: {  	[sflag:s19] =	ssyncadd.s32 $0xFFFFFF80  }
0xca: {  	_ =	swait.ge [sflag:s20], $0x80  }
0xcb: {  	[sflag:s20] =	ssyncset.done $0x0  }
0xcc: {  	s11 =	simm.s32 $0x14200;
	[sflag:s20] =	ssyncadd.s32 $0xFFFFFF80  }
0xcd: {  	[tilespmem:s7], [sflag:$0x1] =	stream.indirect.gather [hbm4b:s31+s10], $0x80, s11, s10, $0xb8;
	[tilespmem:$0x1C800] =	vst v63  }
0xce: {  	_ =	swait.ge [sflag:s0], $0x4000  }
0xcf: {  	[sflag:s0] =	ssyncset.done $0x0  }
0xd0: {  	s11 =	simm.s32 $0x14580;
	[sflag:s0] =	ssyncadd.s32 $0xFFFFC000  }
0xd1: {  	[spmem:s28] =	stream.indirect.scatter.add.f32 [tilespmem:s13], [sflag:$0x4], $0x80, s11, s10, $0xb8;
	[tilespmem:$0x1C800] =	vst v63  }
0xd2: {  	_ =	swait.ge [sflag:s2], $0x4000  }
0xd3: {  	[sflag:s2] =	ssyncset.done $0x0  }
0xd4: {  	s9 =	sadd.s32 @!p0 $0xB0, s23;
	s11 =	simm.s32 @!p0 $0x14180;
	[sflag:s2] =	ssyncadd.s32 $0xFFFFC000  }
0xd5: {  	[tilespmem:s11], [sflag:$0x8] =	stream.linear.gather @!p0 [hbm4b:s9+s6], $0x80, $0x38;
	[tilespmem:$0x1C800] =	vst v63  }
0xd6: {  	s9 =	sadd.s32 @!p0 $0xB0, s8;
	s11 =	simm.s32 @!p0 $0x14580  }
0xd7: {  	[tilespmem:s11], [sflag:$0x10] =	stream.linear.gather @!p0 [hbm4b:s9+s6], $0x80, $0x38;
	[tilespmem:$0x1C800] =	vst v63  }
0xd8: {  	_ =	swait.ge [sflag:s21], $0x80  }
0xd9: {  	[sflag:s21] =	ssyncset.done $0x0  }
0xda: {  	[sflag:s21] =	ssyncadd.s32 $0xFFFFFF80  }
0xdb: {  	_ =	swait.ge [sflag:s22], $0x80  }
0xdc: {  	[sflag:s22] =	ssyncset.done $0x0  }
0xdd: {  	s11 =	simm.s32 $0x14280;
	[sflag:s22] =	ssyncadd.s32 $0xFFFFFF80  }
0xde: {  	[tilespmem:s13], [sflag:$0x2] =	stream.indirect.gather [hbm4b:s31+s10], $0x80, s11, s10, $0xb8;
	[tilespmem:$0x1C800] =	vst v63  }
0xdf: {  	_ =	swait.ge [sflag:s14], $0x4000  }
0xe0: {  	[sflag:s14] =	ssyncset.done $0x0  }
0xe1: {  	s11 =	simm.s32 $0x14600;
	[sflag:s14] =	ssyncadd.s32 $0xFFFFC000  }
0xe2: {  	[spmem:s28] =	stream.indirect.scatter.add.f32 [tilespmem:s7], [sflag:$0x3], $0x80, s11, s10, $0xb8;
	[tilespmem:$0x1C800] =	vst v63  }
0xe3: {  	_ =	swait.ge [sflag:s15], $0x4000  }
0xe4: {  	[sflag:s15] =	ssyncset.done $0x0;
	s9 =	rddreg [dreg:$0x15]  }
0xe5: {  	s11 =	simm.s32 @!p0 $0x14200;
	[sflag:s15] =	ssyncadd.s32 $0xFFFFC000;
	s9 =	sadd.s32 @!p0 s5, s9  }
0xe6: {  	[tilespmem:s11], [sflag:$0x9] =	stream.linear.gather @!p0 [hbm4b:s9+s6], $0x80, $0x38;
	[tilespmem:$0x1C800] =	vst v63  }
0xe7: {  	s9 =	rddreg [dreg:$0x16]  }
0xe8: {  	s11 =	simm.s32 @!p0 $0x14600;
	s9 =	sadd.s32 @!p0 s5, s9  }
0xe9: {  	[tilespmem:s11], [sflag:$0x11] =	stream.linear.gather @!p0 [hbm4b:s9+s6], $0x80, $0x38;
	[tilespmem:$0x1C800] =	vst v63  }
0xea: {  	_ =	swait.ge [sflag:s24], $0x80  }
0xeb: {  	[sflag:s24] =	ssyncset.done $0x0  }
0xec: {  	[sflag:s24] =	ssyncadd.s32 $0xFFFFFF80  }
0xed: {  	_ =	swait.ge [sflag:s29], $0x80  }
0xee: {  	[sflag:s29] =	ssyncset.done $0x0  }
0xef: {  	[sflag:s29] =	ssyncadd.s32 $0xFFFFFF80  }
0xf0: {  	[tilespmem:s7], [sflag:$0x1] =	stream.indirect.gather [hbm4b:s31+s10], $0x80, s12, s10, $0xb8;
	[tilespmem:$0x1C800] =	vst v63  }
0xf1: {  	_ =	swait.ge [sflag:s0], $0x4000  }
0xf2: {  	[sflag:s0] =	ssyncset.done $0x0  }
0xf3: {  	s11 =	simm.s32 $0x14680;
	[sflag:s0] =	ssyncadd.s32 $0xFFFFC000  }
0xf4: {  	[spmem:s28] =	stream.indirect.scatter.add.f32 [tilespmem:s13], [sflag:$0x4], $0x80, s11, s10, $0xb8;
	[tilespmem:$0x1C800] =	vst v63  }
0xf5: {  	_ =	swait.ge [sflag:s2], $0x4000  }
0xf6: {  	[sflag:s2] =	ssyncset.done $0x0  }
0xf7: {  	s9 =	sadd.s32 @!p0 $0xD0, s23;
	s11 =	simm.s32 @!p0 $0x14280;
	[sflag:s2] =	ssyncadd.s32 $0xFFFFC000  }
0xf8: {  	[tilespmem:s11], [sflag:$0xA] =	stream.linear.gather @!p0 [hbm4b:s9+s6], $0x80, $0x38;
	[tilespmem:$0x1C800] =	vst v63  }
0xf9: {  	s8 =	sadd.s32 @!p0 $0xD0, s8;
	s9 =	simm.s32 @!p0 $0x14680  }
0xfa: {  	[tilespmem:s9], [sflag:$0x12] =	stream.linear.gather @!p0 [hbm4b:s8+s6], $0x80, $0x38;
	[tilespmem:$0x1C800] =	vst v63  }
0xfb: {  	_ =	swait.ge [sflag:s30], $0x80  }
0xfc: {  	[sflag:s30] =	ssyncset.done $0x0  }
0xfd: {  	[sflag:s30] =	ssyncadd.s32 $0xFFFFFF80  }
0xfe: {  	_ =	swait.ge [sflag:s4], $0x80  }
0xff: {  	[sflag:s4] =	ssyncset.done $0x0  }
0x100: {  	[sflag:s4] =	ssyncadd.s32 $0xFFFFFF80  }
0x101: {  	[tilespmem:s13], [sflag:$0x2] =	stream.indirect.gather [hbm4b:s31+s10], $0x80, s16, s10, $0xb8;
	[tilespmem:$0x1C800] =	vst v63  }
.Ltmp3:
0x102: {  	_ =	swait.ge [sflag:s14], $0x4000;
	(pc) =	sbr.rel @p0 .LBB2_6-.Ltmp3, $4  }
0x103: {  	[sflag:s14] =	ssyncset.done $0x0  }
0x104: {  	[sflag:s14] =	ssyncadd.s32 $0xFFFFC000  }
0x105: {  	[spmem:s28] =	stream.indirect.scatter.add.f32 [tilespmem:s7], [sflag:$0x3], $0x80, s1, s10, $0xb8;
	[tilespmem:$0x1C800] =	vst v63  }
0x106: {  	s23 =	simm.s32 $0x14380;
	s1 =	simm.s32 $0x14700  }
0x107: {  	_ =	swait.ge [sflag:s15], $0x4000  }
0x108: {  	s8 =	simm.s32 $0x0;
	[sflag:s15] =	ssyncset.done $0x0;
	s6 =	rddreg [dreg:$0x13]  }
0x109: {  	s11 =	rddreg [dreg:$0x14];
	[sflag:s15] =	ssyncadd.s32 $0xFFFFC000;
	s6 =	sadd.s32 s5, s6  }
0x10a: {  	[tilespmem:s12], [sflag:$0xB] =	stream.linear.gather [hbm4b:s6+s8], $0x80, $0x38;
	[tilespmem:$0x1C800] =	vst v63  }
0x10b: {  	s16 =	simm.s32 $0x5;
	s6 =	sadd.s32 s5, s11  }
0x10c: {  	[tilespmem:s1], [sflag:$0x13] =	stream.linear.gather [hbm4b:s6+s8], $0x80, $0x38;
	[tilespmem:$0x1C800] =	vst v63  }
0x10d: {  	_ =	swait.ge [sflag:s16], $0x80  }
0x10e: {  	[sflag:s16] =	ssyncset.done $0x0  }
0x10f: {  	s6 =	simm.s32 $0xD;
	[sflag:s16] =	ssyncadd.s32 $0xFFFFFF80  }
0x110: {  	_ =	swait.ge [sflag:s6], $0x80  }
0x111: {  	[sflag:s6] =	ssyncset.done $0x0  }
0x112: {  	s9 =	simm.s32 $0x14000;
	[sflag:s6] =	ssyncadd.s32 $0xFFFFFF80  }
0x113: {  	[tilespmem:s7], [sflag:$0x1] =	stream.indirect.gather [hbm4b:s31+s10], $0x80, s9, s10, $0xb8;
	[tilespmem:$0x1C800] =	vst v63  }
0x114: {  	_ =	swait.ge [sflag:s0], $0x4000  }
0x115: {  	[sflag:s0] =	ssyncset.done $0x0  }
0x116: {  	s11 =	simm.s32 $0x14780;
	[sflag:s0] =	ssyncadd.s32 $0xFFFFC000  }
0x117: {  	[spmem:s28] =	stream.indirect.scatter.add.f32 [tilespmem:s13], [sflag:$0x4], $0x80, s11, s10, $0xb8;
	[tilespmem:$0x1C800] =	vst v63  }
0x118: {  	_ =	swait.ge [sflag:s2], $0x4000  }
0x119: {  	s16 =	sadd.s32 s5, s25;
	[sflag:s2] =	ssyncset.done $0x0  }
0x11a: {  	s6 =	sadd.s32 $0xF0, s16;
	s9 =	sadd.s32 s5, s26;
	[sflag:s2] =	ssyncadd.s32 $0xFFFFC000  }
0x11b: {  	[tilespmem:s23], [sflag:$0xC] =	stream.linear.gather [hbm4b:s6+s8], $0x80, $0x38;
	[tilespmem:$0x1C800] =	vst v63  }
0x11c: {  	s6 =	sadd.s32 $0xF0, s9  }
0x11d: {  	[tilespmem:s11], [sflag:$0x14] =	stream.linear.gather [hbm4b:s6+s8], $0x80, $0x38;
	[tilespmem:$0x1C800] =	vst v63  }
0x11e: {  	s11 =	simm.s32 $0x6  }
0x11f: {  	_ =	swait.ge [sflag:s11], $0x80  }
0x120: {  	[sflag:s11] =	ssyncset.done $0x0  }
.Ltmp4:
0x121: {  	s16 =	simm.s32 $0xE;
	[sflag:s11] =	ssyncadd.s32 $0xFFFFFF80;
	(pc) =	sbr.rel .LBB2_4-.Ltmp4, $4  }
0x122: {  	_ =	swait.ge [sflag:s16], $0x80  }
0x123: {  	s1 =	simm.s32 $0x14700;
	s5 =	sadd.s32 $0x80, s5;
	[sflag:s16] =	ssyncset.done $0x0  }
0x124: {  	s23 =	simm.s32 $0x14080;
	[sflag:s16] =	ssyncadd.s32 $0xFFFFFF80;
	s16 =	simm.s32 $0x14380  }
0x125: {  	[tilespmem:s13], [sflag:$0x2] =	stream.indirect.gather [hbm4b:s31+s10], $0x80, s23, s10, $0xb8;
	[tilespmem:$0x1C800] =	vst v63  }
.LBB2_7:
0x126: {  	_ =	sfence.sel $0x180000  }
0x127: {  	[bflag:$0x0] =	sbarrier.arrive $0xFFFF  }
0x128: {  	_ =	strace $0x9000004D  }
0x129: {  	s0 =	stileid.u32;
	[bflag:$0x2] =	sbarrier.arrive $0xFFFF  }
0x12a: {  	p0 =	sne.s32 s0, $0x0;
	s0 =	rddreg [dreg:$0x2]  }
0x12b: {  	s0 =	sadd.s32 @!p0 $0x100000, s0  }
0x12c: {  	[sflag:s0] =	ssyncadd.tile.s32 @!p0 $0x1;
	_ =	shalt  }
.Lfunc_end2:
_tile_overlayer_lowered:
.L_overlay_start_2:
0x12d: {  	(tag) =	ssettag $0x2  }
0x12e: {  	s0 =	rddreg [dreg:$0x0];
	s2 =	stileid.u32  }
0x12f: {  	s1 =	rddreg [dreg:$0x1];
	p0 =	sne.s32 s2, $0x0  }
0x130: {  	s3 =	rddreg [dreg:$0x2];
	[bflag:$0x3] =	sbarrier.arrive $0xFFFF;
	s2 =	simm.s32 @!p0 $0x1C15  }
0x131: {  	[timem:s3], [sflag:s2] =	dma.local @!p0 [hbm:s0], s1  }
0x132: {  	s0 =	simm.s32 @!p0 $0x15  }
0x133: {  	_ =	swait.ge @!p0 [sflag:s0], s1  }
0x134: {  	s1 =	ssub.s32 @!p0 $0x0, s1;
	[sflag:s0] =	ssyncset.done @!p0 $0x0  }
0x135: {  	[sflag:s0] =	ssyncadd.s32 @!p0 s1  }
0x136: {  	[bflag:$0x3] =	sbarrier.arrive $0xFFFF  }
0x137: {  	_ =	shalt  }

</sc_bundles>
